<compile_context>
chip_gen: v7x
topology: tpu7x:2x2x1
jax: 0.10.2.dev20260603
libtpu: 0.0.44.dev20260713+nightly
codegen_flags: <defaults>
</compile_context>

<pallas_src>
import functools

import jax
import jax.numpy as jnp
from jax import lax
from jax.experimental import pallas as pl
from jax.experimental.pallas import tpu as pltpu
from jax.experimental.pallas import tpu_sc as plsc

TIME_DIM = 16
NC = 2
NS = 16
NW = NC * NS
LANE = 128
HALF = 8

INV_2PI = 0.15915494309189535
ROUND_MAGIC = 12582912.0
_COS_COEFFS = (
    -1.4531124,
    7.8001313,
    -26.404669,
    60.24213,
    -85.45666,
    64.93939,
    -19.739208,
    1.0,
)


def _cos_2pi(f):
    u = f * f
    p = jnp.float32(_COS_COEFFS[0])
    for c in _COS_COEFFS[1:]:
        p = p * u + jnp.float32(c)
    return p


def kernel(ts, entity, basis_freq, phase):
    B = ts.shape[0]
    V = basis_freq.shape[0]
    b_per_w = B // NW
    f_per_w = b_per_w * TIME_DIM
    n_pairs = b_per_w // (2 * HALF)
    tail_start = (V // LANE) * LANE
    tail_w = V - tail_start
    last_full = tail_start - LANE
    ent = entity.astype(jnp.int32)
    bf_t = basis_freq.T
    ph_t = phase.T
    bf_tail = lax.slice(basis_freq, (tail_start, 0), (V, TIME_DIM))
    ph_tail = lax.slice(phase, (tail_start, 0), (V, TIME_DIM))

    mesh = plsc.VectorSubcoreMesh(core_axis_name="c", subcore_axis_name="s")

    @functools.partial(
        pl.kernel,
        mesh=mesh,
        out_type=jax.ShapeDtypeStruct((B * TIME_DIM,), jnp.float32),
        compiler_params=pltpu.CompilerParams(needs_layout_passes=False),
        scratch_types=[
            pltpu.VMEM((b_per_w,), jnp.int32),
            pltpu.VMEM((b_per_w,), jnp.float32),
            pltpu.VMEM((2 * HALF, TIME_DIM, LANE), jnp.float32),
            pltpu.VMEM((2 * HALF, TIME_DIM, LANE), jnp.float32),
            pltpu.VMEM((tail_w, TIME_DIM), jnp.float32),
            pltpu.VMEM((tail_w, TIME_DIM), jnp.float32),
            pltpu.VMEM((f_per_w,), jnp.float32),
            pltpu.SemaphoreType.DMA,
            pltpu.SemaphoreType.DMA,
        ],
    )
    def sc_kernel(ts_hbm, ent_hbm, bf_hbm, ph_hbm, bft_hbm, pht_hbm, out_hbm,
                  ent_v, ts_v, bf_b, ph_b, bf_tl, ph_tl, out_v, semA, semB):
        wid = lax.axis_index("s") * NC + lax.axis_index("c")
        base = wid * b_per_w
        pltpu.sync_copy(ent_hbm.at[pl.ds(base, b_per_w)], ent_v)
        pltpu.sync_copy(ts_hbm.at[pl.ds(base, b_per_w)], ts_v)
        pltpu.sync_copy(bft_hbm, bf_tl)
        pltpu.sync_copy(pht_hbm, ph_tl)

        iota16 = lax.iota(jnp.int32, 16)
        zeros16 = jnp.zeros((16,), jnp.int32)

        def issue_half(ev, lo, slot_base, sem):
            cps = []
            for idx, j in enumerate(range(lo, lo + HALF)):
                e = ev[j]
                lane = e & jnp.int32(LANE - 1)
                s = jnp.minimum(e - lane, jnp.int32(last_full))
                s = pl.multiple_of(s, LANE)
                cps.append(pltpu.async_copy(
                    bf_hbm.at[:, pl.ds(s, LANE)], bf_b.at[slot_base + idx], sem))
                cps.append(pltpu.async_copy(
                    ph_hbm.at[:, pl.ds(s, LANE)], ph_b.at[slot_base + idx], sem))
            return cps

        def drain_half(slot_base, sem):
            for idx in range(HALF):
                pltpu.make_async_copy(
                    bf_hbm.at[:, pl.ds(0, LANE)], bf_b.at[slot_base + idx],
                    sem).wait()
                pltpu.make_async_copy(
                    ph_hbm.at[:, pl.ds(0, LANE)], ph_b.at[slot_base + idx],
                    sem).wait()

        def compute_half(k, ev, tsv, lo, slot_base):
            for idx, j in enumerate(range(lo, lo + HALF)):
                e = ev[j]
                lane = zeros16 + (e & jnp.int32(LANE - 1))
                slot = zeros16 + (slot_base + idx)
                bfr = plsc.load_gather(bf_b, [slot, iota16, lane])
                phr = plsc.load_gather(ph_b, [slot, iota16, lane])
                is_tail = e >= jnp.int32(tail_start)
                et = jnp.maximum(e - jnp.int32(tail_start), 0)
                bfr = jnp.where(is_tail, bf_tl[et], bfr)
                phr = jnp.where(is_tail, ph_tl[et], phr)
                t = tsv[j] * bfr + phr
                r = t * jnp.float32(INV_2PI)
                n = (r + jnp.float32(ROUND_MAGIC)) - jnp.float32(ROUND_MAGIC)
                i = k * 2 * HALF + j
                out_v[pl.ds(i * TIME_DIM, TIME_DIM)] = _cos_2pi(r - n)

        ev0 = ent_v[pl.ds(0, 16)]
        issue_half(ev0, 0, 0, semA)

        def pair_body(k, carry):
            ev = ent_v[pl.ds(k * 2 * HALF, 16)]
            tsv = ts_v[pl.ds(k * 2 * HALF, 16)]
            cps1 = issue_half(ev, HALF, HALF, semB)
            drain_half(0, semA)
            compute_half(k, ev, tsv, 0, 0)

            @pl.when(k < n_pairs - 1)
            def _():
                evn = ent_v[pl.ds((k + 1) * 2 * HALF, 16)]
                issue_half(evn, 0, 0, semA)

            for cp in cps1:
                cp.wait()
            compute_half(k, ev, tsv, HALF, HALF)
            return carry

        lax.fori_loop(0, n_pairs, pair_body, 0)
        pltpu.sync_copy(out_v, out_hbm.at[pl.ds(wid * f_per_w, f_per_w)])

    return sc_kernel(ts, ent, bf_t, ph_t, bf_tail, ph_tail).reshape(B, TIME_DIM)

# --- scband reference (transcript-rebuilt; emitter-appended) ---
"""Pipeline reference for scband-time-embed-entity-20993800142926 (READ-ONLY COPY).

The authoritative reference and input builder live on the scoring server;
editing this copy changes nothing except your own understanding.
"""

import jax, jax.numpy as jnp
import numpy as np

TIME_DIM = 16
NUM_ENTITY = 1000000
BATCH = 16384


def setup_inputs(seed: int = 0) -> dict:
    key = jax.random.key(seed)
    k_ts, k_ent = jax.random.split(key, 2)
    ts = jax.random.uniform(k_ts, (BATCH,), dtype=jnp.float32)
    entity = jax.random.randint(k_ent, (BATCH,), 0, NUM_ENTITY, dtype=jnp.int64)
    # learned parameters, initialized exactly like the torch module
    base = (1.0 / 10 ** np.linspace(0, 9, TIME_DIM)).astype(np.float32)
    basis_freq = jnp.asarray(np.tile(base[None, :], (NUM_ENTITY, 1)))
    phase = jnp.zeros((NUM_ENTITY, TIME_DIM), dtype=jnp.float32)
    return {"ts": ts, "entity": entity, "basis_freq": basis_freq, "phase": phase}


def reference(ts, entity, basis_freq, phase):
    ts = ts.reshape(-1, 1)
    bf = jnp.take(basis_freq, entity, axis=0)
    ph = jnp.take(phase, entity, axis=0)
    return jnp.cos(ts * bf + ph)

if __name__ == "__main__":
    import jax
    _d = setup_inputs()
    print(jax.jit(kernel)(*tuple(_d.values())))

</pallas_src>

<mosaic_0001>
#map = affine_map<(d0, d1) -> (0)>
#map1 = affine_map<(d0, d1) -> (0, 0)>
module attributes {stable_mosaic.version = 14 : i64} {
  func.func @sc_kernel(%arg0: i32, %arg1: i32, %arg2: memref<16384xf32, #tpu.memory_space<hbm>>, %arg3: memref<16384xi32, #tpu.memory_space<hbm>>, %arg4: memref<16x1000000xf32, #tpu.memory_space<hbm>>, %arg5: memref<16x1000000xf32, #tpu.memory_space<hbm>>, %arg6: memref<64x16xf32, #tpu.memory_space<hbm>>, %arg7: memref<64x16xf32, #tpu.memory_space<hbm>>, %arg8: memref<262144xf32, #tpu.memory_space<hbm>>, %arg9: memref<512xi32, #tpu.memory_space<vmem>>, %arg10: memref<512xf32, #tpu.memory_space<vmem>>, %arg11: memref<16x16x128xf32, #tpu.memory_space<vmem>>, %arg12: memref<16x16x128xf32, #tpu.memory_space<vmem>>, %arg13: memref<64x16xf32, #tpu.memory_space<vmem>>, %arg14: memref<64x16xf32, #tpu.memory_space<vmem>>, %arg15: memref<8192xf32, #tpu.memory_space<vmem>>, %arg16: memref<!tpu.dma_semaphore, #tpu.memory_space<semaphore_mem>>, %arg17: memref<!tpu.dma_semaphore, #tpu.memory_space<semaphore_mem>>) attributes {dimension_semantics = [#tpu.dimension_semantics<core_parallel>, #tpu.dimension_semantics<subcore_parallel>], iteration_bounds = array<i64: 2, 16>, scalar_prefetch = 0 : i64, scratch_operands = 9 : i64, tpu.core_type = #tpu.core_type<sc_vector_subcore>, window_params = [{transform_indices = #map}, {transform_indices = #map}, {transform_indices = #map1}, {transform_indices = #map1}, {transform_indices = #map1}, {transform_indices = #map1}, {transform_indices = #map}]} {
    %mul3A = arith.constant 2 : i32
    %mul3A_0 = arith.muli %arg1, %mul3A : i32
    %add3A = arith.addi %mul3A_0, %arg0 : i32
    %mul3A_1 = arith.constant 512 : i32
    %mul3A_2 = arith.muli %add3A, %mul3A_1 : i32
    "tpu.region"() ({
      %run_scoped3A = tpu.sem_alloc : memref<!tpu.dma_semaphore, #tpu.memory_space<semaphore_mem>>
      %dma_start3A_277 = tpu.memref_slice %arg3[%mul3A_2] : memref<16384xi32, #tpu.memory_space<hbm>> -> memref<512xi32, #tpu.memory_space<hbm>>
      %dma_start3A_278 = tpu.memref_slice %arg3[%mul3A_2] : memref<16384xi32, #tpu.memory_space<hbm>> -> memref<512xi32, #tpu.memory_space<hbm>>
      tpu.enqueue_dma source(%dma_start3A_278 : memref<512xi32, #tpu.memory_space<hbm>>) target(%arg9 : memref<512xi32, #tpu.memory_space<vmem>>) target_semaphore(%run_scoped3A : memref<!tpu.dma_semaphore, #tpu.memory_space<semaphore_mem>>)
      %dma_wait3A = tpu.memref_slice %arg3[%mul3A_2] : memref<16384xi32, #tpu.memory_space<hbm>> -> memref<512xi32, #tpu.memory_space<hbm>>
      %dma_wait3A_279 = tpu.memref_slice %arg3[%mul3A_2] : memref<16384xi32, #tpu.memory_space<hbm>> -> memref<512xi32, #tpu.memory_space<hbm>>
      tpu.wait_dma2 semaphore(%run_scoped3A : memref<!tpu.dma_semaphore, #tpu.memory_space<semaphore_mem>>) src(%dma_wait3A_279 : memref<512xi32, #tpu.memory_space<hbm>>) dst(%arg9 : memref<512xi32, #tpu.memory_space<vmem>>)
      tpu.yield
    }) : () -> ()
    "tpu.region"() ({
      %run_scoped3A = tpu.sem_alloc : memref<!tpu.dma_semaphore, #tpu.memory_space<semaphore_mem>>
      %dma_start3A_277 = tpu.memref_slice %arg2[%mul3A_2] : memref<16384xf32, #tpu.memory_space<hbm>> -> memref<512xf32, #tpu.memory_space<hbm>>
      %dma_start3A_278 = tpu.memref_slice %arg2[%mul3A_2] : memref<16384xf32, #tpu.memory_space<hbm>> -> memref<512xf32, #tpu.memory_space<hbm>>
      tpu.enqueue_dma source(%dma_start3A_278 : memref<512xf32, #tpu.memory_space<hbm>>) target(%arg10 : memref<512xf32, #tpu.memory_space<vmem>>) target_semaphore(%run_scoped3A : memref<!tpu.dma_semaphore, #tpu.memory_space<semaphore_mem>>)
      %dma_wait3A = tpu.memref_slice %arg2[%mul3A_2] : memref<16384xf32, #tpu.memory_space<hbm>> -> memref<512xf32, #tpu.memory_space<hbm>>
      %dma_wait3A_279 = tpu.memref_slice %arg2[%mul3A_2] : memref<16384xf32, #tpu.memory_space<hbm>> -> memref<512xf32, #tpu.memory_space<hbm>>
      tpu.wait_dma2 semaphore(%run_scoped3A : memref<!tpu.dma_semaphore, #tpu.memory_space<semaphore_mem>>) src(%dma_wait3A_279 : memref<512xf32, #tpu.memory_space<hbm>>) dst(%arg10 : memref<512xf32, #tpu.memory_space<vmem>>)
      tpu.yield
    }) : () -> ()
    "tpu.region"() ({
      %run_scoped3A = tpu.sem_alloc : memref<!tpu.dma_semaphore, #tpu.memory_space<semaphore_mem>>
      tpu.enqueue_dma source(%arg6 : memref<64x16xf32, #tpu.memory_space<hbm>>) target(%arg13 : memref<64x16xf32, #tpu.memory_space<vmem>>) target_semaphore(%run_scoped3A : memref<!tpu.dma_semaphore, #tpu.memory_space<semaphore_mem>>)
      tpu.wait_dma2 semaphore(%run_scoped3A : memref<!tpu.dma_semaphore, #tpu.memory_space<semaphore_mem>>) src(%arg6 : memref<64x16xf32, #tpu.memory_space<hbm>>) dst(%arg13 : memref<64x16xf32, #tpu.memory_space<vmem>>)
      tpu.yield
    }) : () -> ()
    "tpu.region"() ({
      %run_scoped3A = tpu.sem_alloc : memref<!tpu.dma_semaphore, #tpu.memory_space<semaphore_mem>>
      tpu.enqueue_dma source(%arg7 : memref<64x16xf32, #tpu.memory_space<hbm>>) target(%arg14 : memref<64x16xf32, #tpu.memory_space<vmem>>) target_semaphore(%run_scoped3A : memref<!tpu.dma_semaphore, #tpu.memory_space<semaphore_mem>>)
      tpu.wait_dma2 semaphore(%run_scoped3A : memref<!tpu.dma_semaphore, #tpu.memory_space<semaphore_mem>>) src(%arg7 : memref<64x16xf32, #tpu.memory_space<hbm>>) dst(%arg14 : memref<64x16xf32, #tpu.memory_space<vmem>>)
      tpu.yield
    }) : () -> ()
    %iota3A = tpu.iota {dimensions = array<i32: 0>} : vector<16xi32>
    %broadcast_in_dim3A = arith.constant 0 : i32
    %broadcast_in_dim3A_3 = vector.broadcast %broadcast_in_dim3A : i32 to vector<16xi32>
    %get3A = arith.constant 0 : index
    %get3A_4 = tpu.vector_load %arg9[%get3A] {strides = array<i32>} : memref<512xi32, #tpu.memory_space<vmem>>, vector<16xi32>,
    %slice3A = vector.extract_strided_slice %get3A_4 {offsets = [0], sizes = [1], strides = [1]} : vector<16xi32> to vector<1xi32>
    %squeeze3A = vector.extract %slice3A[0] : i32 from vector<1xi32>
    %and3A = arith.constant 127 : i32
    %and3A_5 = arith.andi %squeeze3A, %and3A : i32
    %sub3A = arith.subi %squeeze3A, %and3A_5 : i32
    %min3A = arith.constant 999808 : i32
    %min3A_6 = arith.minsi %sub3A, %min3A : i32
    %multiple_of3A = tpu.assume_multiple %min3A_6, 128 : i32
    %dma_start3A = arith.constant 0 : i32
    %dma_start3A_7 = arith.constant 0 : i32
    %dma_start3A_8 = arith.constant 0 : i32
    %dma_start3A_9 = tpu.memref_slice %arg11[%dma_start3A, %dma_start3A_7, %dma_start3A_8] : memref<16x16x128xf32, #tpu.memory_space<vmem>> -> memref<1x16x128xf32, #tpu.memory_space<vmem>>
    %dma_start3A_10 = tpu.memref_squeeze %dma_start3A_9 : memref<1x16x128xf32, #tpu.memory_space<vmem>> -> memref<16x128xf32, #tpu.memory_space<vmem>>
    %dma_start3A_11 = arith.constant 0 : i32
    %dma_start3A_12 = tpu.memref_slice %arg4[%dma_start3A_11, %multiple_of3A] : memref<16x1000000xf32, #tpu.memory_space<hbm>> -> memref<16x128xf32, #tpu.memory_space<hbm>>
    %dma_start3A_13 = arith.constant 0 : i32
    %dma_start3A_14 = arith.constant 0 : i32
    %dma_start3A_15 = tpu.memref_slice %arg11[%dma_start3A, %dma_start3A_13, %dma_start3A_14] : memref<16x16x128xf32, #tpu.memory_space<vmem>> -> memref<1x16x128xf32, #tpu.memory_space<vmem>>
    %dma_start3A_16 = tpu.memref_squeeze %dma_start3A_15 : memref<1x16x128xf32, #tpu.memory_space<vmem>> -> memref<16x128xf32, #tpu.memory_space<vmem>>
    %dma_start3A_17 = arith.constant 0 : i32
    %dma_start3A_18 = tpu.memref_slice %arg4[%dma_start3A_17, %multiple_of3A] : memref<16x1000000xf32, #tpu.memory_space<hbm>> -> memref<16x128xf32, #tpu.memory_space<hbm>>
    tpu.enqueue_dma source(%dma_start3A_18 : memref<16x128xf32, #tpu.memory_space<hbm>>) target(%dma_start3A_16 : memref<16x128xf32, #tpu.memory_space<vmem>>) target_semaphore(%arg16 : memref<!tpu.dma_semaphore, #tpu.memory_space<semaphore_mem>>)
    %dma_start3A_19 = arith.constant 0 : i32
    %dma_start3A_20 = arith.constant 0 : i32
    %dma_start3A_21 = arith.constant 0 : i32
    %dma_start3A_22 = tpu.memref_slice %arg12[%dma_start3A_19, %dma_start3A_20, %dma_start3A_21] : memref<16x16x128xf32, #tpu.memory_space<vmem>> -> memref<1x16x128xf32, #tpu.memory_space<vmem>>
    %dma_start3A_23 = tpu.memref_squeeze %dma_start3A_22 : memref<1x16x128xf32, #tpu.memory_space<vmem>> -> memref<16x128xf32, #tpu.memory_space<vmem>>
    %dma_start3A_24 = arith.constant 0 : i32
    %dma_start3A_25 = tpu.memref_slice %arg5[%dma_start3A_24, %multiple_of3A] : memref<16x1000000xf32, #tpu.memory_space<hbm>> -> memref<16x128xf32, #tpu.memory_space<hbm>>
    %dma_start3A_26 = arith.constant 0 : i32
    %dma_start3A_27 = arith.constant 0 : i32
    %dma_start3A_28 = tpu.memref_slice %arg12[%dma_start3A_19, %dma_start3A_26, %dma_start3A_27] : memref<16x16x128xf32, #tpu.memory_space<vmem>> -> memref<1x16x128xf32, #tpu.memory_space<vmem>>
    %dma_start3A_29 = tpu.memref_squeeze %dma_start3A_28 : memref<1x16x128xf32, #tpu.memory_space<vmem>> -> memref<16x128xf32, #tpu.memory_space<vmem>>
    %dma_start3A_30 = arith.constant 0 : i32
    %dma_start3A_31 = tpu.memref_slice %arg5[%dma_start3A_30, %multiple_of3A] : memref<16x1000000xf32, #tpu.memory_space<hbm>> -> memref<16x128xf32, #tpu.memory_space<hbm>>
    tpu.enqueue_dma source(%dma_start3A_31 : memref<16x128xf32, #tpu.memory_space<hbm>>) target(%dma_start3A_29 : memref<16x128xf32, #tpu.memory_space<vmem>>) target_semaphore(%arg16 : memref<!tpu.dma_semaphore, #tpu.memory_space<semaphore_mem>>)
    %slice3A_32 = vector.extract_strided_slice %get3A_4 {offsets = [1], sizes = [1], strides = [1]} : vector<16xi32> to vector<1xi32>
    %squeeze3A_33 = vector.extract %slice3A_32[0] : i32 from vector<1xi32>
    %and3A_34 = arith.constant 127 : i32
    %and3A_35 = arith.andi %squeeze3A_33, %and3A_34 : i32
    %sub3A_36 = arith.subi %squeeze3A_33, %and3A_35 : i32
    %min3A_37 = arith.constant 999808 : i32
    %min3A_38 = arith.minsi %sub3A_36, %min3A_37 : i32
    %multiple_of3A_39 = tpu.assume_multiple %min3A_38, 128 : i32
    %dma_start3A_40 = arith.constant 1 : i32
    %dma_start3A_41 = arith.constant 0 : i32
    %dma_start3A_42 = arith.constant 0 : i32
    %dma_start3A_43 = tpu.memref_slice %arg11[%dma_start3A_40, %dma_start3A_41, %dma_start3A_42] : memref<16x16x128xf32, #tpu.memory_space<vmem>> -> memref<1x16x128xf32, #tpu.memory_space<vmem>>
    %dma_start3A_44 = tpu.memref_squeeze %dma_start3A_43 : memref<1x16x128xf32, #tpu.memory_space<vmem>> -> memref<16x128xf32, #tpu.memory_space<vmem>>
    %dma_start3A_45 = arith.constant 0 : i32
    %dma_start3A_46 = tpu.memref_slice %arg4[%dma_start3A_45, %multiple_of3A_39] : memref<16x1000000xf32, #tpu.memory_space<hbm>> -> memref<16x128xf32, #tpu.memory_space<hbm>>
    %dma_start3A_47 = arith.constant 0 : i32
    %dma_start3A_48 = arith.constant 0 : i32
    %dma_start3A_49 = tpu.memref_slice %arg11[%dma_start3A_40, %dma_start3A_47, %dma_start3A_48] : memref<16x16x128xf32, #tpu.memory_space<vmem>> -> memref<1x16x128xf32, #tpu.memory_space<vmem>>
    %dma_start3A_50 = tpu.memref_squeeze %dma_start3A_49 : memref<1x16x128xf32, #tpu.memory_space<vmem>> -> memref<16x128xf32, #tpu.memory_space<vmem>>
    %dma_start3A_51 = arith.constant 0 : i32
    %dma_start3A_52 = tpu.memref_slice %arg4[%dma_start3A_51, %multiple_of3A_39] : memref<16x1000000xf32, #tpu.memory_space<hbm>> -> memref<16x128xf32, #tpu.memory_space<hbm>>
    tpu.enqueue_dma source(%dma_start3A_52 : memref<16x128xf32, #tpu.memory_space<hbm>>) target(%dma_start3A_50 : memref<16x128xf32, #tpu.memory_space<vmem>>) target_semaphore(%arg16 : memref<!tpu.dma_semaphore, #tpu.memory_space<semaphore_mem>>)
    %dma_start3A_53 = arith.constant 1 : i32
    %dma_start3A_54 = arith.constant 0 : i32
    %dma_start3A_55 = arith.constant 0 : i32
    %dma_start3A_56 = tpu.memref_slice %arg12[%dma_start3A_53, %dma_start3A_54, %dma_start3A_55] : memref<16x16x128xf32, #tpu.memory_space<vmem>> -> memref<1x16x128xf32, #tpu.memory_space<vmem>>
    %dma_start3A_57 = tpu.memref_squeeze %dma_start3A_56 : memref<1x16x128xf32, #tpu.memory_space<vmem>> -> memref<16x128xf32, #tpu.memory_space<vmem>>
    %dma_start3A_58 = arith.constant 0 : i32
    %dma_start3A_59 = tpu.memref_slice %arg5[%dma_start3A_58, %multiple_of3A_39] : memref<16x1000000xf32, #tpu.memory_space<hbm>> -> memref<16x128xf32, #tpu.memory_space<hbm>>
    %dma_start3A_60 = arith.constant 0 : i32
    %dma_start3A_61 = arith.constant 0 : i32
    %dma_start3A_62 = tpu.memref_slice %arg12[%dma_start3A_53, %dma_start3A_60, %dma_start3A_61] : memref<16x16x128xf32, #tpu.memory_space<vmem>> -> memref<1x16x128xf32, #tpu.memory_space<vmem>>
    %dma_start3A_63 = tpu.memref_squeeze %dma_start3A_62 : memref<1x16x128xf32, #tpu.memory_space<vmem>> -> memref<16x128xf32, #tpu.memory_space<vmem>>
    %dma_start3A_64 = arith.constant 0 : i32
    %dma_start3A_65 = tpu.memref_slice %arg5[%dma_start3A_64, %multiple_of3A_39] : memref<16x1000000xf32, #tpu.memory_space<hbm>> -> memref<16x128xf32, #tpu.memory_space<hbm>>
    tpu.enqueue_dma source(%dma_start3A_65 : memref<16x128xf32, #tpu.memory_space<hbm>>) target(%dma_start3A_63 : memref<16x128xf32, #tpu.memory_space<vmem>>) target_semaphore(%arg16 : memref<!tpu.dma_semaphore, #tpu.memory_space<semaphore_mem>>)
    %slice3A_66 = vector.extract_strided_slice %get3A_4 {offsets = [2], sizes = [1], strides = [1]} : vector<16xi32> to vector<1xi32>
    %squeeze3A_67 = vector.extract %slice3A_66[0] : i32 from vector<1xi32>
    %and3A_68 = arith.constant 127 : i32
    %and3A_69 = arith.andi %squeeze3A_67, %and3A_68 : i32
    %sub3A_70 = arith.subi %squeeze3A_67, %and3A_69 : i32
    %min3A_71 = arith.constant 999808 : i32
    %min3A_72 = arith.minsi %sub3A_70, %min3A_71 : i32
    %multiple_of3A_73 = tpu.assume_multiple %min3A_72, 128 : i32
    %dma_start3A_74 = arith.constant 2 : i32
    %dma_start3A_75 = arith.constant 0 : i32
    %dma_start3A_76 = arith.constant 0 : i32
    %dma_start3A_77 = tpu.memref_slice %arg11[%dma_start3A_74, %dma_start3A_75, %dma_start3A_76] : memref<16x16x128xf32, #tpu.memory_space<vmem>> -> memref<1x16x128xf32, #tpu.memory_space<vmem>>
    %dma_start3A_78 = tpu.memref_squeeze %dma_start3A_77 : memref<1x16x128xf32, #tpu.memory_space<vmem>> -> memref<16x128xf32, #tpu.memory_space<vmem>>
    %dma_start3A_79 = arith.constant 0 : i32
    %dma_start3A_80 = tpu.memref_slice %arg4[%dma_start3A_79, %multiple_of3A_73] : memref<16x1000000xf32, #tpu.memory_space<hbm>> -> memref<16x128xf32, #tpu.memory_space<hbm>>
    %dma_start3A_81 = arith.constant 0 : i32
    %dma_start3A_82 = arith.constant 0 : i32
    %dma_start3A_83 = tpu.memref_slice %arg11[%dma_start3A_74, %dma_start3A_81, %dma_start3A_82] : memref<16x16x128xf32, #tpu.memory_space<vmem>> -> memref<1x16x128xf32, #tpu.memory_space<vmem>>
    %dma_start3A_84 = tpu.memref_squeeze %dma_start3A_83 : memref<1x16x128xf32, #tpu.memory_space<vmem>> -> memref<16x128xf32, #tpu.memory_space<vmem>>
    %dma_start3A_85 = arith.constant 0 : i32
    %dma_start3A_86 = tpu.memref_slice %arg4[%dma_start3A_85, %multiple_of3A_73] : memref<16x1000000xf32, #tpu.memory_space<hbm>> -> memref<16x128xf32, #tpu.memory_space<hbm>>
    tpu.enqueue_dma source(%dma_start3A_86 : memref<16x128xf32, #tpu.memory_space<hbm>>) target(%dma_start3A_84 : memref<16x128xf32, #tpu.memory_space<vmem>>) target_semaphore(%arg16 : memref<!tpu.dma_semaphore, #tpu.memory_space<semaphore_mem>>)
    %dma_start3A_87 = arith.constant 2 : i32
    %dma_start3A_88 = arith.constant 0 : i32
    %dma_start3A_89 = arith.constant 0 : i32
    %dma_start3A_90 = tpu.memref_slice %arg12[%dma_start3A_87, %dma_start3A_88, %dma_start3A_89] : memref<16x16x128xf32, #tpu.memory_space<vmem>> -> memref<1x16x128xf32, #tpu.memory_space<vmem>>
    %dma_start3A_91 = tpu.memref_squeeze %dma_start3A_90 : memref<1x16x128xf32, #tpu.memory_space<vmem>> -> memref<16x128xf32, #tpu.memory_space<vmem>>
    %dma_start3A_92 = arith.constant 0 : i32
    %dma_start3A_93 = tpu.memref_slice %arg5[%dma_start3A_92, %multiple_of3A_73] : memref<16x1000000xf32, #tpu.memory_space<hbm>> -> memref<16x128xf32, #tpu.memory_space<hbm>>
    %dma_start3A_94 = arith.constant 0 : i32
    %dma_start3A_95 = arith.constant 0 : i32
    %dma_start3A_96 = tpu.memref_slice %arg12[%dma_start3A_87, %dma_start3A_94, %dma_start3A_95] : memref<16x16x128xf32, #tpu.memory_space<vmem>> -> memref<1x16x128xf32, #tpu.memory_space<vmem>>
    %dma_start3A_97 = tpu.memref_squeeze %dma_start3A_96 : memref<1x16x128xf32, #tpu.memory_space<vmem>> -> memref<16x128xf32, #tpu.memory_space<vmem>>
    %dma_start3A_98 = arith.constant 0 : i32
    %dma_start3A_99 = tpu.memref_slice %arg5[%dma_start3A_98, %multiple_of3A_73] : memref<16x1000000xf32, #tpu.memory_space<hbm>> -> memref<16x128xf32, #tpu.memory_space<hbm>>
    tpu.enqueue_dma source(%dma_start3A_99 : memref<16x128xf32, #tpu.memory_space<hbm>>) target(%dma_start3A_97 : memref<16x128xf32, #tpu.memory_space<vmem>>) target_semaphore(%arg16 : memref<!tpu.dma_semaphore, #tpu.memory_space<semaphore_mem>>)
    %slice3A_100 = vector.extract_strided_slice %get3A_4 {offsets = [3], sizes = [1], strides = [1]} : vector<16xi32> to vector<1xi32>
    %squeeze3A_101 = vector.extract %slice3A_100[0] : i32 from vector<1xi32>
    %and3A_102 = arith.constant 127 : i32
    %and3A_103 = arith.andi %squeeze3A_101, %and3A_102 : i32
    %sub3A_104 = arith.subi %squeeze3A_101, %and3A_103 : i32
    %min3A_105 = arith.constant 999808 : i32
    %min3A_106 = arith.minsi %sub3A_104, %min3A_105 : i32
    %multiple_of3A_107 = tpu.assume_multiple %min3A_106, 128 : i32
    %dma_start3A_108 = arith.constant 3 : i32
    %dma_start3A_109 = arith.constant 0 : i32
    %dma_start3A_110 = arith.constant 0 : i32
    %dma_start3A_111 = tpu.memref_slice %arg11[%dma_start3A_108, %dma_start3A_109, %dma_start3A_110] : memref<16x16x128xf32, #tpu.memory_space<vmem>> -> memref<1x16x128xf32, #tpu.memory_space<vmem>>
    %dma_start3A_112 = tpu.memref_squeeze %dma_start3A_111 : memref<1x16x128xf32, #tpu.memory_space<vmem>> -> memref<16x128xf32, #tpu.memory_space<vmem>>
    %dma_start3A_113 = arith.constant 0 : i32
    %dma_start3A_114 = tpu.memref_slice %arg4[%dma_start3A_113, %multiple_of3A_107] : memref<16x1000000xf32, #tpu.memory_space<hbm>> -> memref<16x128xf32, #tpu.memory_space<hbm>>
    %dma_start3A_115 = arith.constant 0 : i32
    %dma_start3A_116 = arith.constant 0 : i32
    %dma_start3A_117 = tpu.memref_slice %arg11[%dma_start3A_108, %dma_start3A_115, %dma_start3A_116] : memref<16x16x128xf32, #tpu.memory_space<vmem>> -> memref<1x16x128xf32, #tpu.memory_space<vmem>>
    %dma_start3A_118 = tpu.memref_squeeze %dma_start3A_117 : memref<1x16x128xf32, #tpu.memory_space<vmem>> -> memref<16x128xf32, #tpu.memory_space<vmem>>
    %dma_start3A_119 = arith.constant 0 : i32
    %dma_start3A_120 = tpu.memref_slice %arg4[%dma_start3A_119, %multiple_of3A_107] : memref<16x1000000xf32, #tpu.memory_space<hbm>> -> memref<16x128xf32, #tpu.memory_space<hbm>>
    tpu.enqueue_dma source(%dma_start3A_120 : memref<16x128xf32, #tpu.memory_space<hbm>>) target(%dma_start3A_118 : memref<16x128xf32, #tpu.memory_space<vmem>>) target_semaphore(%arg16 : memref<!tpu.dma_semaphore, #tpu.memory_space<semaphore_mem>>)
    %dma_start3A_121 = arith.constant 3 : i32
    %dma_start3A_122 = arith.constant 0 : i32
    %dma_start3A_123 = arith.constant 0 : i32
    %dma_start3A_124 = tpu.memref_slice %arg12[%dma_start3A_121, %dma_start3A_122, %dma_start3A_123] : memref<16x16x128xf32, #tpu.memory_space<vmem>> -> memref<1x16x128xf32, #tpu.memory_space<vmem>>
    %dma_start3A_125 = tpu.memref_squeeze %dma_start3A_124 : memref<1x16x128xf32, #tpu.memory_space<vmem>> -> memref<16x128xf32, #tpu.memory_space<vmem>>
    %dma_start3A_126 = arith.constant 0 : i32
    %dma_start3A_127 = tpu.memref_slice %arg5[%dma_start3A_126, %multiple_of3A_107] : memref<16x1000000xf32, #tpu.memory_space<hbm>> -> memref<16x128xf32, #tpu.memory_space<hbm>>
    %dma_start3A_128 = arith.constant 0 : i32
    %dma_start3A_129 = arith.constant 0 : i32
    %dma_start3A_130 = tpu.memref_slice %arg12[%dma_start3A_121, %dma_start3A_128, %dma_start3A_129] : memref<16x16x128xf32, #tpu.memory_space<vmem>> -> memref<1x16x128xf32, #tpu.memory_space<vmem>>
    %dma_start3A_131 = tpu.memref_squeeze %dma_start3A_130 : memref<1x16x128xf32, #tpu.memory_space<vmem>> -> memref<16x128xf32, #tpu.memory_space<vmem>>
    %dma_start3A_132 = arith.constant 0 : i32
    %dma_start3A_133 = tpu.memref_slice %arg5[%dma_start3A_132, %multiple_of3A_107] : memref<16x1000000xf32, #tpu.memory_space<hbm>> -> memref<16x128xf32, #tpu.memory_space<hbm>>
    tpu.enqueue_dma source(%dma_start3A_133 : memref<16x128xf32, #tpu.memory_space<hbm>>) target(%dma_start3A_131 : memref<16x128xf32, #tpu.memory_space<vmem>>) target_semaphore(%arg16 : memref<!tpu.dma_semaphore, #tpu.memory_space<semaphore_mem>>)
    %slice3A_134 = vector.extract_strided_slice %get3A_4 {offsets = [4], sizes = [1], strides = [1]} : vector<16xi32> to vector<1xi32>
    %squeeze3A_135 = vector.extract %slice3A_134[0] : i32 from vector<1xi32>
    %and3A_136 = arith.constant 127 : i32
    %and3A_137 = arith.andi %squeeze3A_135, %and3A_136 : i32
    %sub3A_138 = arith.subi %squeeze3A_135, %and3A_137 : i32
    %min3A_139 = arith.constant 999808 : i32
    %min3A_140 = arith.minsi %sub3A_138, %min3A_139 : i32
    %multiple_of3A_141 = tpu.assume_multiple %min3A_140, 128 : i32
    %dma_start3A_142 = arith.constant 4 : i32
    %dma_start3A_143 = arith.constant 0 : i32
    %dma_start3A_144 = arith.constant 0 : i32
    %dma_start3A_145 = tpu.memref_slice %arg11[%dma_start3A_142, %dma_start3A_143, %dma_start3A_144] : memref<16x16x128xf32, #tpu.memory_space<vmem>> -> memref<1x16x128xf32, #tpu.memory_space<vmem>>
    %dma_start3A_146 = tpu.memref_squeeze %dma_start3A_145 : memref<1x16x128xf32, #tpu.memory_space<vmem>> -> memref<16x128xf32, #tpu.memory_space<vmem>>
    %dma_start3A_147 = arith.constant 0 : i32
    %dma_start3A_148 = tpu.memref_slice %arg4[%dma_start3A_147, %multiple_of3A_141] : memref<16x1000000xf32, #tpu.memory_space<hbm>> -> memref<16x128xf32, #tpu.memory_space<hbm>>
    %dma_start3A_149 = arith.constant 0 : i32
    %dma_start3A_150 = arith.constant 0 : i32
    %dma_start3A_151 = tpu.memref_slice %arg11[%dma_start3A_142, %dma_start3A_149, %dma_start3A_150] : memref<16x16x128xf32, #tpu.memory_space<vmem>> -> memref<1x16x128xf32, #tpu.memory_space<vmem>>
    %dma_start3A_152 = tpu.memref_squeeze %dma_start3A_151 : memref<1x16x128xf32, #tpu.memory_space<vmem>> -> memref<16x128xf32, #tpu.memory_space<vmem>>
    %dma_start3A_153 = arith.constant 0 : i32
    %dma_start3A_154 = tpu.memref_slice %arg4[%dma_start3A_153, %multiple_of3A_141] : memref<16x1000000xf32, #tpu.memory_space<hbm>> -> memref<16x128xf32, #tpu.memory_space<hbm>>
    tpu.enqueue_dma source(%dma_start3A_154 : memref<16x128xf32, #tpu.memory_space<hbm>>) target(%dma_start3A_152 : memref<16x128xf32, #tpu.memory_space<vmem>>) target_semaphore(%arg16 : memref<!tpu.dma_semaphore, #tpu.memory_space<semaphore_mem>>)
    %dma_start3A_155 = arith.constant 4 : i32
    %dma_start3A_156 = arith.constant 0 : i32
    %dma_start3A_157 = arith.constant 0 : i32
    %dma_start3A_158 = tpu.memref_slice %arg12[%dma_start3A_155, %dma_start3A_156, %dma_start3A_157] : memref<16x16x128xf32, #tpu.memory_space<vmem>> -> memref<1x16x128xf32, #tpu.memory_space<vmem>>
    %dma_start3A_159 = tpu.memref_squeeze %dma_start3A_158 : memref<1x16x128xf32, #tpu.memory_space<vmem>> -> memref<16x128xf32, #tpu.memory_space<vmem>>
    %dma_start3A_160 = arith.constant 0 : i32
    %dma_start3A_161 = tpu.memref_slice %arg5[%dma_start3A_160, %multiple_of3A_141] : memref<16x1000000xf32, #tpu.memory_space<hbm>> -> memref<16x128xf32, #tpu.memory_space<hbm>>
    %dma_start3A_162 = arith.constant 0 : i32
    %dma_start3A_163 = arith.constant 0 : i32
    %dma_start3A_164 = tpu.memref_slice %arg12[%dma_start3A_155, %dma_start3A_162, %dma_start3A_163] : memref<16x16x128xf32, #tpu.memory_space<vmem>> -> memref<1x16x128xf32, #tpu.memory_space<vmem>>
    %dma_start3A_165 = tpu.memref_squeeze %dma_start3A_164 : memref<1x16x128xf32, #tpu.memory_space<vmem>> -> memref<16x128xf32, #tpu.memory_space<vmem>>
    %dma_start3A_166 = arith.constant 0 : i32
    %dma_start3A_167 = tpu.memref_slice %arg5[%dma_start3A_166, %multiple_of3A_141] : memref<16x1000000xf32, #tpu.memory_space<hbm>> -> memref<16x128xf32, #tpu.memory_space<hbm>>
    tpu.enqueue_dma source(%dma_start3A_167 : memref<16x128xf32, #tpu.memory_space<hbm>>) target(%dma_start3A_165 : memref<16x128xf32, #tpu.memory_space<vmem>>) target_semaphore(%arg16 : memref<!tpu.dma_semaphore, #tpu.memory_space<semaphore_mem>>)
    %slice3A_168 = vector.extract_strided_slice %get3A_4 {offsets = [5], sizes = [1], strides = [1]} : vector<16xi32> to vector<1xi32>
    %squeeze3A_169 = vector.extract %slice3A_168[0] : i32 from vector<1xi32>
    %and3A_170 = arith.constant 127 : i32
    %and3A_171 = arith.andi %squeeze3A_169, %and3A_170 : i32
    %sub3A_172 = arith.subi %squeeze3A_169, %and3A_171 : i32
    %min3A_173 = arith.constant 999808 : i32
    %min3A_174 = arith.minsi %sub3A_172, %min3A_173 : i32
    %multiple_of3A_175 = tpu.assume_multiple %min3A_174, 128 : i32
    %dma_start3A_176 = arith.constant 5 : i32
    %dma_start3A_177 = arith.constant 0 : i32
    %dma_start3A_178 = arith.constant 0 : i32
    %dma_start3A_179 = tpu.memref_slice %arg11[%dma_start3A_176, %dma_start3A_177, %dma_start3A_178] : memref<16x16x128xf32, #tpu.memory_space<vmem>> -> memref<1x16x128xf32, #tpu.memory_space<vmem>>
    %dma_start3A_180 = tpu.memref_squeeze %dma_start3A_179 : memref<1x16x128xf32, #tpu.memory_space<vmem>> -> memref<16x128xf32, #tpu.memory_space<vmem>>
    %dma_start3A_181 = arith.constant 0 : i32
    %dma_start3A_182 = tpu.memref_slice %arg4[%dma_start3A_181, %multiple_of3A_175] : memref<16x1000000xf32, #tpu.memory_space<hbm>> -> memref<16x128xf32, #tpu.memory_space<hbm>>
    %dma_start3A_183 = arith.constant 0 : i32
    %dma_start3A_184 = arith.constant 0 : i32
    %dma_start3A_185 = tpu.memref_slice %arg11[%dma_start3A_176, %dma_start3A_183, %dma_start3A_184] : memref<16x16x128xf32, #tpu.memory_space<vmem>> -> memref<1x16x128xf32, #tpu.memory_space<vmem>>
    %dma_start3A_186 = tpu.memref_squeeze %dma_start3A_185 : memref<1x16x128xf32, #tpu.memory_space<vmem>> -> memref<16x128xf32, #tpu.memory_space<vmem>>
    %dma_start3A_187 = arith.constant 0 : i32
    %dma_start3A_188 = tpu.memref_slice %arg4[%dma_start3A_187, %multiple_of3A_175] : memref<16x1000000xf32, #tpu.memory_space<hbm>> -> memref<16x128xf32, #tpu.memory_space<hbm>>
    tpu.enqueue_dma source(%dma_start3A_188 : memref<16x128xf32, #tpu.memory_space<hbm>>) target(%dma_start3A_186 : memref<16x128xf32, #tpu.memory_space<vmem>>) target_semaphore(%arg16 : memref<!tpu.dma_semaphore, #tpu.memory_space<semaphore_mem>>)
    %dma_start3A_189 = arith.constant 5 : i32
    %dma_start3A_190 = arith.constant 0 : i32
    %dma_start3A_191 = arith.constant 0 : i32
    %dma_start3A_192 = tpu.memref_slice %arg12[%dma_start3A_189, %dma_start3A_190, %dma_start3A_191] : memref<16x16x128xf32, #tpu.memory_space<vmem>> -> memref<1x16x128xf32, #tpu.memory_space<vmem>>
    %dma_start3A_193 = tpu.memref_squeeze %dma_start3A_192 : memref<1x16x128xf32, #tpu.memory_space<vmem>> -> memref<16x128xf32, #tpu.memory_space<vmem>>
    %dma_start3A_194 = arith.constant 0 : i32
    %dma_start3A_195 = tpu.memref_slice %arg5[%dma_start3A_194, %multiple_of3A_175] : memref<16x1000000xf32, #tpu.memory_space<hbm>> -> memref<16x128xf32, #tpu.memory_space<hbm>>
    %dma_start3A_196 = arith.constant 0 : i32
    %dma_start3A_197 = arith.constant 0 : i32
    %dma_start3A_198 = tpu.memref_slice %arg12[%dma_start3A_189, %dma_start3A_196, %dma_start3A_197] : memref<16x16x128xf32, #tpu.memory_space<vmem>> -> memref<1x16x128xf32, #tpu.memory_space<vmem>>
    %dma_start3A_199 = tpu.memref_squeeze %dma_start3A_198 : memref<1x16x128xf32, #tpu.memory_space<vmem>> -> memref<16x128xf32, #tpu.memory_space<vmem>>
    %dma_start3A_200 = arith.constant 0 : i32
    %dma_start3A_201 = tpu.memref_slice %arg5[%dma_start3A_200, %multiple_of3A_175] : memref<16x1000000xf32, #tpu.memory_space<hbm>> -> memref<16x128xf32, #tpu.memory_space<hbm>>
    tpu.enqueue_dma source(%dma_start3A_201 : memref<16x128xf32, #tpu.memory_space<hbm>>) target(%dma_start3A_199 : memref<16x128xf32, #tpu.memory_space<vmem>>) target_semaphore(%arg16 : memref<!tpu.dma_semaphore, #tpu.memory_space<semaphore_mem>>)
    %slice3A_202 = vector.extract_strided_slice %get3A_4 {offsets = [6], sizes = [1], strides = [1]} : vector<16xi32> to vector<1xi32>
    %squeeze3A_203 = vector.extract %slice3A_202[0] : i32 from vector<1xi32>
    %and3A_204 = arith.constant 127 : i32
    %and3A_205 = arith.andi %squeeze3A_203, %and3A_204 : i32
    %sub3A_206 = arith.subi %squeeze3A_203, %and3A_205 : i32
    %min3A_207 = arith.constant 999808 : i32
    %min3A_208 = arith.minsi %sub3A_206, %min3A_207 : i32
    %multiple_of3A_209 = tpu.assume_multiple %min3A_208, 128 : i32
    %dma_start3A_210 = arith.constant 6 : i32
    %dma_start3A_211 = arith.constant 0 : i32
    %dma_start3A_212 = arith.constant 0 : i32
    %dma_start3A_213 = tpu.memref_slice %arg11[%dma_start3A_210, %dma_start3A_211, %dma_start3A_212] : memref<16x16x128xf32, #tpu.memory_space<vmem>> -> memref<1x16x128xf32, #tpu.memory_space<vmem>>
    %dma_start3A_214 = tpu.memref_squeeze %dma_start3A_213 : memref<1x16x128xf32, #tpu.memory_space<vmem>> -> memref<16x128xf32, #tpu.memory_space<vmem>>
    %dma_start3A_215 = arith.constant 0 : i32
    %dma_start3A_216 = tpu.memref_slice %arg4[%dma_start3A_215, %multiple_of3A_209] : memref<16x1000000xf32, #tpu.memory_space<hbm>> -> memref<16x128xf32, #tpu.memory_space<hbm>>
    %dma_start3A_217 = arith.constant 0 : i32
    %dma_start3A_218 = arith.constant 0 : i32
    %dma_start3A_219 = tpu.memref_slice %arg11[%dma_start3A_210, %dma_start3A_217, %dma_start3A_218] : memref<16x16x128xf32, #tpu.memory_space<vmem>> -> memref<1x16x128xf32, #tpu.memory_space<vmem>>
    %dma_start3A_220 = tpu.memref_squeeze %dma_start3A_219 : memref<1x16x128xf32, #tpu.memory_space<vmem>> -> memref<16x128xf32, #tpu.memory_space<vmem>>
    %dma_start3A_221 = arith.constant 0 : i32
    %dma_start3A_222 = tpu.memref_slice %arg4[%dma_start3A_221, %multiple_of3A_209] : memref<16x1000000xf32, #tpu.memory_space<hbm>> -> memref<16x128xf32, #tpu.memory_space<hbm>>
    tpu.enqueue_dma source(%dma_start3A_222 : memref<16x128xf32, #tpu.memory_space<hbm>>) target(%dma_start3A_220 : memref<16x128xf32, #tpu.memory_space<vmem>>) target_semaphore(%arg16 : memref<!tpu.dma_semaphore, #tpu.memory_space<semaphore_mem>>)
    %dma_start3A_223 = arith.constant 6 : i32
    %dma_start3A_224 = arith.constant 0 : i32
    %dma_start3A_225 = arith.constant 0 : i32
    %dma_start3A_226 = tpu.memref_slice %arg12[%dma_start3A_223, %dma_start3A_224, %dma_start3A_225] : memref<16x16x128xf32, #tpu.memory_space<vmem>> -> memref<1x16x128xf32, #tpu.memory_space<vmem>>
    %dma_start3A_227 = tpu.memref_squeeze %dma_start3A_226 : memref<1x16x128xf32, #tpu.memory_space<vmem>> -> memref<16x128xf32, #tpu.memory_space<vmem>>
    %dma_start3A_228 = arith.constant 0 : i32
    %dma_start3A_229 = tpu.memref_slice %arg5[%dma_start3A_228, %multiple_of3A_209] : memref<16x1000000xf32, #tpu.memory_space<hbm>> -> memref<16x128xf32, #tpu.memory_space<hbm>>
    %dma_start3A_230 = arith.constant 0 : i32
    %dma_start3A_231 = arith.constant 0 : i32
    %dma_start3A_232 = tpu.memref_slice %arg12[%dma_start3A_223, %dma_start3A_230, %dma_start3A_231] : memref<16x16x128xf32, #tpu.memory_space<vmem>> -> memref<1x16x128xf32, #tpu.memory_space<vmem>>
    %dma_start3A_233 = tpu.memref_squeeze %dma_start3A_232 : memref<1x16x128xf32, #tpu.memory_space<vmem>> -> memref<16x128xf32, #tpu.memory_space<vmem>>
    %dma_start3A_234 = arith.constant 0 : i32
    %dma_start3A_235 = tpu.memref_slice %arg5[%dma_start3A_234, %multiple_of3A_209] : memref<16x1000000xf32, #tpu.memory_space<hbm>> -> memref<16x128xf32, #tpu.memory_space<hbm>>
    tpu.enqueue_dma source(%dma_start3A_235 : memref<16x128xf32, #tpu.memory_space<hbm>>) target(%dma_start3A_233 : memref<16x128xf32, #tpu.memory_space<vmem>>) target_semaphore(%arg16 : memref<!tpu.dma_semaphore, #tpu.memory_space<semaphore_mem>>)
    %slice3A_236 = vector.extract_strided_slice %get3A_4 {offsets = [7], sizes = [1], strides = [1]} : vector<16xi32> to vector<1xi32>
    %squeeze3A_237 = vector.extract %slice3A_236[0] : i32 from vector<1xi32>
    %and3A_238 = arith.constant 127 : i32
    %and3A_239 = arith.andi %squeeze3A_237, %and3A_238 : i32
    %sub3A_240 = arith.subi %squeeze3A_237, %and3A_239 : i32
    %min3A_241 = arith.constant 999808 : i32
    %min3A_242 = arith.minsi %sub3A_240, %min3A_241 : i32
    %multiple_of3A_243 = tpu.assume_multiple %min3A_242, 128 : i32
    %dma_start3A_244 = arith.constant 7 : i32
    %dma_start3A_245 = arith.constant 0 : i32
    %dma_start3A_246 = arith.constant 0 : i32
    %dma_start3A_247 = tpu.memref_slice %arg11[%dma_start3A_244, %dma_start3A_245, %dma_start3A_246] : memref<16x16x128xf32, #tpu.memory_space<vmem>> -> memref<1x16x128xf32, #tpu.memory_space<vmem>>
    %dma_start3A_248 = tpu.memref_squeeze %dma_start3A_247 : memref<1x16x128xf32, #tpu.memory_space<vmem>> -> memref<16x128xf32, #tpu.memory_space<vmem>>
    %dma_start3A_249 = arith.constant 0 : i32
    %dma_start3A_250 = tpu.memref_slice %arg4[%dma_start3A_249, %multiple_of3A_243] : memref<16x1000000xf32, #tpu.memory_space<hbm>> -> memref<16x128xf32, #tpu.memory_space<hbm>>
    %dma_start3A_251 = arith.constant 0 : i32
    %dma_start3A_252 = arith.constant 0 : i32
    %dma_start3A_253 = tpu.memref_slice %arg11[%dma_start3A_244, %dma_start3A_251, %dma_start3A_252] : memref<16x16x128xf32, #tpu.memory_space<vmem>> -> memref<1x16x128xf32, #tpu.memory_space<vmem>>
    %dma_start3A_254 = tpu.memref_squeeze %dma_start3A_253 : memref<1x16x128xf32, #tpu.memory_space<vmem>> -> memref<16x128xf32, #tpu.memory_space<vmem>>
    %dma_start3A_255 = arith.constant 0 : i32
    %dma_start3A_256 = tpu.memref_slice %arg4[%dma_start3A_255, %multiple_of3A_243] : memref<16x1000000xf32, #tpu.memory_space<hbm>> -> memref<16x128xf32, #tpu.memory_space<hbm>>
    tpu.enqueue_dma source(%dma_start3A_256 : memref<16x128xf32, #tpu.memory_space<hbm>>) target(%dma_start3A_254 : memref<16x128xf32, #tpu.memory_space<vmem>>) target_semaphore(%arg16 : memref<!tpu.dma_semaphore, #tpu.memory_space<semaphore_mem>>)
    %dma_start3A_257 = arith.constant 7 : i32
    %dma_start3A_258 = arith.constant 0 : i32
    %dma_start3A_259 = arith.constant 0 : i32
    %dma_start3A_260 = tpu.memref_slice %arg12[%dma_start3A_257, %dma_start3A_258, %dma_start3A_259] : memref<16x16x128xf32, #tpu.memory_space<vmem>> -> memref<1x16x128xf32, #tpu.memory_space<vmem>>
    %dma_start3A_261 = tpu.memref_squeeze %dma_start3A_260 : memref<1x16x128xf32, #tpu.memory_space<vmem>> -> memref<16x128xf32, #tpu.memory_space<vmem>>
    %dma_start3A_262 = arith.constant 0 : i32
    %dma_start3A_263 = tpu.memref_slice %arg5[%dma_start3A_262, %multiple_of3A_243] : memref<16x1000000xf32, #tpu.memory_space<hbm>> -> memref<16x128xf32, #tpu.memory_space<hbm>>
    %dma_start3A_264 = arith.constant 0 : i32
    %dma_start3A_265 = arith.constant 0 : i32
    %dma_start3A_266 = tpu.memref_slice %arg12[%dma_start3A_257, %dma_start3A_264, %dma_start3A_265] : memref<16x16x128xf32, #tpu.memory_space<vmem>> -> memref<1x16x128xf32, #tpu.memory_space<vmem>>
    %dma_start3A_267 = tpu.memref_squeeze %dma_start3A_266 : memref<1x16x128xf32, #tpu.memory_space<vmem>> -> memref<16x128xf32, #tpu.memory_space<vmem>>
    %dma_start3A_268 = arith.constant 0 : i32
    %dma_start3A_269 = tpu.memref_slice %arg5[%dma_start3A_268, %multiple_of3A_243] : memref<16x1000000xf32, #tpu.memory_space<hbm>> -> memref<16x128xf32, #tpu.memory_space<hbm>>
    tpu.enqueue_dma source(%dma_start3A_269 : memref<16x128xf32, #tpu.memory_space<hbm>>) target(%dma_start3A_267 : memref<16x128xf32, #tpu.memory_space<vmem>>) target_semaphore(%arg16 : memref<!tpu.dma_semaphore, #tpu.memory_space<semaphore_mem>>)
    %scan3A = arith.constant 0 : i32
    %scan3A_270 = arith.constant 0 : i32
    %scan3A_271 = arith.constant 32 : i32
    %scan3A_272 = arith.addi %scan3A_270, %scan3A_271 : i32
    %scan3A_273 = arith.constant 1 : i32
    scf.for %scan3A_277 = %scan3A_270 to %scan3A_272 step %scan3A_273  : i32 {
      %mul3A_278 = arith.constant 2 : i32
      %mul3A_279 = arith.muli %scan3A_277, %mul3A_278 : i32
      %mul3A_280 = arith.constant 8 : i32
      %mul3A_281 = arith.muli %mul3A_279, %mul3A_280 : i32
      %get3A_282 = arith.index_cast %mul3A_281 : i32 to index
      %get3A_283 = tpu.vector_load %arg9[%get3A_282] {strides = array<i32>} : memref<512xi32, #tpu.memory_space<vmem>>, vector<16xi32>,
      %mul3A_284 = arith.constant 2 : i32
      %mul3A_285 = arith.muli %scan3A_277, %mul3A_284 : i32
      %mul3A_286 = arith.constant 8 : i32
      %mul3A_287 = arith.muli %mul3A_285, %mul3A_286 : i32
      %get3A_288 = arith.index_cast %mul3A_287 : i32 to index
      %get3A_289 = tpu.vector_load %arg10[%get3A_288] {strides = array<i32>} : memref<512xf32, #tpu.memory_space<vmem>>, vector<16xf32>,
      %slice3A_290 = vector.extract_strided_slice %get3A_283 {offsets = [8], sizes = [1], strides = [1]} : vector<16xi32> to vector<1xi32>
      %squeeze3A_291 = vector.extract %slice3A_290[0] : i32 from vector<1xi32>
      %and3A_292 = arith.constant 127 : i32
      %and3A_293 = arith.andi %squeeze3A_291, %and3A_292 : i32
      %sub3A_294 = arith.subi %squeeze3A_291, %and3A_293 : i32
      %min3A_295 = arith.constant 999808 : i32
      %min3A_296 = arith.minsi %sub3A_294, %min3A_295 : i32
      %multiple_of3A_297 = tpu.assume_multiple %min3A_296, 128 : i32
      %dma_start3A_298 = arith.constant 8 : i32
      %dma_start3A_299 = arith.constant 0 : i32
      %dma_start3A_300 = arith.constant 0 : i32
      %dma_start3A_301 = tpu.memref_slice %arg11[%dma_start3A_298, %dma_start3A_299, %dma_start3A_300] : memref<16x16x128xf32, #tpu.memory_space<vmem>> -> memref<1x16x128xf32, #tpu.memory_space<vmem>>
      %dma_start3A_302 = tpu.memref_squeeze %dma_start3A_301 : memref<1x16x128xf32, #tpu.memory_space<vmem>> -> memref<16x128xf32, #tpu.memory_space<vmem>>
      %dma_start3A_303 = arith.constant 0 : i32
      %dma_start3A_304 = tpu.memref_slice %arg4[%dma_start3A_303, %multiple_of3A_297] : memref<16x1000000xf32, #tpu.memory_space<hbm>> -> memref<16x128xf32, #tpu.memory_space<hbm>>
      %dma_start3A_305 = arith.constant 0 : i32
      %dma_start3A_306 = arith.constant 0 : i32
      %dma_start3A_307 = tpu.memref_slice %arg11[%dma_start3A_298, %dma_start3A_305, %dma_start3A_306] : memref<16x16x128xf32, #tpu.memory_space<vmem>> -> memref<1x16x128xf32, #tpu.memory_space<vmem>>
      %dma_start3A_308 = tpu.memref_squeeze %dma_start3A_307 : memref<1x16x128xf32, #tpu.memory_space<vmem>> -> memref<16x128xf32, #tpu.memory_space<vmem>>
      %dma_start3A_309 = arith.constant 0 : i32
      %dma_start3A_310 = tpu.memref_slice %arg4[%dma_start3A_309, %multiple_of3A_297] : memref<16x1000000xf32, #tpu.memory_space<hbm>> -> memref<16x128xf32, #tpu.memory_space<hbm>>
      tpu.enqueue_dma source(%dma_start3A_310 : memref<16x128xf32, #tpu.memory_space<hbm>>) target(%dma_start3A_308 : memref<16x128xf32, #tpu.memory_space<vmem>>) target_semaphore(%arg17 : memref<!tpu.dma_semaphore, #tpu.memory_space<semaphore_mem>>)
      %dma_start3A_311 = arith.constant 8 : i32
      %dma_start3A_312 = arith.constant 0 : i32
      %dma_start3A_313 = arith.constant 0 : i32
      %dma_start3A_314 = tpu.memref_slice %arg12[%dma_start3A_311, %dma_start3A_312, %dma_start3A_313] : memref<16x16x128xf32, #tpu.memory_space<vmem>> -> memref<1x16x128xf32, #tpu.memory_space<vmem>>
      %dma_start3A_315 = tpu.memref_squeeze %dma_start3A_314 : memref<1x16x128xf32, #tpu.memory_space<vmem>> -> memref<16x128xf32, #tpu.memory_space<vmem>>
      %dma_start3A_316 = arith.constant 0 : i32
      %dma_start3A_317 = tpu.memref_slice %arg5[%dma_start3A_316, %multiple_of3A_297] : memref<16x1000000xf32, #tpu.memory_space<hbm>> -> memref<16x128xf32, #tpu.memory_space<hbm>>
      %dma_start3A_318 = arith.constant 0 : i32
      %dma_start3A_319 = arith.constant 0 : i32
      %dma_start3A_320 = tpu.memref_slice %arg12[%dma_start3A_311, %dma_start3A_318, %dma_start3A_319] : memref<16x16x128xf32, #tpu.memory_space<vmem>> -> memref<1x16x128xf32, #tpu.memory_space<vmem>>
      %dma_start3A_321 = tpu.memref_squeeze %dma_start3A_320 : memref<1x16x128xf32, #tpu.memory_space<vmem>> -> memref<16x128xf32, #tpu.memory_space<vmem>>
      %dma_start3A_322 = arith.constant 0 : i32
      %dma_start3A_323 = tpu.memref_slice %arg5[%dma_start3A_322, %multiple_of3A_297] : memref<16x1000000xf32, #tpu.memory_space<hbm>> -> memref<16x128xf32, #tpu.memory_space<hbm>>
      tpu.enqueue_dma source(%dma_start3A_323 : memref<16x128xf32, #tpu.memory_space<hbm>>) target(%dma_start3A_321 : memref<16x128xf32, #tpu.memory_space<vmem>>) target_semaphore(%arg17 : memref<!tpu.dma_semaphore, #tpu.memory_space<semaphore_mem>>)
      %slice3A_324 = vector.extract_strided_slice %get3A_283 {offsets = [9], sizes = [1], strides = [1]} : vector<16xi32> to vector<1xi32>
      %squeeze3A_325 = vector.extract %slice3A_324[0] : i32 from vector<1xi32>
      %and3A_326 = arith.constant 127 : i32
      %and3A_327 = arith.andi %squeeze3A_325, %and3A_326 : i32
      %sub3A_328 = arith.subi %squeeze3A_325, %and3A_327 : i32
      %min3A_329 = arith.constant 999808 : i32
      %min3A_330 = arith.minsi %sub3A_328, %min3A_329 : i32
      %multiple_of3A_331 = tpu.assume_multiple %min3A_330, 128 : i32
      %dma_start3A_332 = arith.constant 9 : i32
      %dma_start3A_333 = arith.constant 0 : i32
      %dma_start3A_334 = arith.constant 0 : i32
      %dma_start3A_335 = tpu.memref_slice %arg11[%dma_start3A_332, %dma_start3A_333, %dma_start3A_334] : memref<16x16x128xf32, #tpu.memory_space<vmem>> -> memref<1x16x128xf32, #tpu.memory_space<vmem>>
      %dma_start3A_336 = tpu.memref_squeeze %dma_start3A_335 : memref<1x16x128xf32, #tpu.memory_space<vmem>> -> memref<16x128xf32, #tpu.memory_space<vmem>>
      %dma_start3A_337 = arith.constant 0 : i32
      %dma_start3A_338 = tpu.memref_slice %arg4[%dma_start3A_337, %multiple_of3A_331] : memref<16x1000000xf32, #tpu.memory_space<hbm>> -> memref<16x128xf32, #tpu.memory_space<hbm>>
      %dma_start3A_339 = arith.constant 0 : i32
      %dma_start3A_340 = arith.constant 0 : i32
      %dma_start3A_341 = tpu.memref_slice %arg11[%dma_start3A_332, %dma_start3A_339, %dma_start3A_340] : memref<16x16x128xf32, #tpu.memory_space<vmem>> -> memref<1x16x128xf32, #tpu.memory_space<vmem>>
      %dma_start3A_342 = tpu.memref_squeeze %dma_start3A_341 : memref<1x16x128xf32, #tpu.memory_space<vmem>> -> memref<16x128xf32, #tpu.memory_space<vmem>>
      %dma_start3A_343 = arith.constant 0 : i32
      %dma_start3A_344 = tpu.memref_slice %arg4[%dma_start3A_343, %multiple_of3A_331] : memref<16x1000000xf32, #tpu.memory_space<hbm>> -> memref<16x128xf32, #tpu.memory_space<hbm>>
      tpu.enqueue_dma source(%dma_start3A_344 : memref<16x128xf32, #tpu.memory_space<hbm>>) target(%dma_start3A_342 : memref<16x128xf32, #tpu.memory_space<vmem>>) target_semaphore(%arg17 : memref<!tpu.dma_semaphore, #tpu.memory_space<semaphore_mem>>)
      %dma_start3A_345 = arith.constant 9 : i32
      %dma_start3A_346 = arith.constant 0 : i32
      %dma_start3A_347 = arith.constant 0 : i32
      %dma_start3A_348 = tpu.memref_slice %arg12[%dma_start3A_345, %dma_start3A_346, %dma_start3A_347] : memref<16x16x128xf32, #tpu.memory_space<vmem>> -> memref<1x16x128xf32, #tpu.memory_space<vmem>>
      %dma_start3A_349 = tpu.memref_squeeze %dma_start3A_348 : memref<1x16x128xf32, #tpu.memory_space<vmem>> -> memref<16x128xf32, #tpu.memory_space<vmem>>
      %dma_start3A_350 = arith.constant 0 : i32
      %dma_start3A_351 = tpu.memref_slice %arg5[%dma_start3A_350, %multiple_of3A_331] : memref<16x1000000xf32, #tpu.memory_space<hbm>> -> memref<16x128xf32, #tpu.memory_space<hbm>>
      %dma_start3A_352 = arith.constant 0 : i32
      %dma_start3A_353 = arith.constant 0 : i32
      %dma_start3A_354 = tpu.memref_slice %arg12[%dma_start3A_345, %dma_start3A_352, %dma_start3A_353] : memref<16x16x128xf32, #tpu.memory_space<vmem>> -> memref<1x16x128xf32, #tpu.memory_space<vmem>>
      %dma_start3A_355 = tpu.memref_squeeze %dma_start3A_354 : memref<1x16x128xf32, #tpu.memory_space<vmem>> -> memref<16x128xf32, #tpu.memory_space<vmem>>
      %dma_start3A_356 = arith.constant 0 : i32
      %dma_start3A_357 = tpu.memref_slice %arg5[%dma_start3A_356, %multiple_of3A_331] : memref<16x1000000xf32, #tpu.memory_space<hbm>> -> memref<16x128xf32, #tpu.memory_space<hbm>>
      tpu.enqueue_dma source(%dma_start3A_357 : memref<16x128xf32, #tpu.memory_space<hbm>>) target(%dma_start3A_355 : memref<16x128xf32, #tpu.memory_space<vmem>>) target_semaphore(%arg17 : memref<!tpu.dma_semaphore, #tpu.memory_space<semaphore_mem>>)
      %slice3A_358 = vector.extract_strided_slice %get3A_283 {offsets = [10], sizes = [1], strides = [1]} : vector<16xi32> to vector<1xi32>
      %squeeze3A_359 = vector.extract %slice3A_358[0] : i32 from vector<1xi32>
      %and3A_360 = arith.constant 127 : i32
      %and3A_361 = arith.andi %squeeze3A_359, %and3A_360 : i32
      %sub3A_362 = arith.subi %squeeze3A_359, %and3A_361 : i32
      %min3A_363 = arith.constant 999808 : i32
      %min3A_364 = arith.minsi %sub3A_362, %min3A_363 : i32
      %multiple_of3A_365 = tpu.assume_multiple %min3A_364, 128 : i32
      %dma_start3A_366 = arith.constant 10 : i32
      %dma_start3A_367 = arith.constant 0 : i32
      %dma_start3A_368 = arith.constant 0 : i32
      %dma_start3A_369 = tpu.memref_slice %arg11[%dma_start3A_366, %dma_start3A_367, %dma_start3A_368] : memref<16x16x128xf32, #tpu.memory_space<vmem>> -> memref<1x16x128xf32, #tpu.memory_space<vmem>>
      %dma_start3A_370 = tpu.memref_squeeze %dma_start3A_369 : memref<1x16x128xf32, #tpu.memory_space<vmem>> -> memref<16x128xf32, #tpu.memory_space<vmem>>
      %dma_start3A_371 = arith.constant 0 : i32
      %dma_start3A_372 = tpu.memref_slice %arg4[%dma_start3A_371, %multiple_of3A_365] : memref<16x1000000xf32, #tpu.memory_space<hbm>> -> memref<16x128xf32, #tpu.memory_space<hbm>>
      %dma_start3A_373 = arith.constant 0 : i32
      %dma_start3A_374 = arith.constant 0 : i32
      %dma_start3A_375 = tpu.memref_slice %arg11[%dma_start3A_366, %dma_start3A_373, %dma_start3A_374] : memref<16x16x128xf32, #tpu.memory_space<vmem>> -> memref<1x16x128xf32, #tpu.memory_space<vmem>>
      %dma_start3A_376 = tpu.memref_squeeze %dma_start3A_375 : memref<1x16x128xf32, #tpu.memory_space<vmem>> -> memref<16x128xf32, #tpu.memory_space<vmem>>
      %dma_start3A_377 = arith.constant 0 : i32
      %dma_start3A_378 = tpu.memref_slice %arg4[%dma_start3A_377, %multiple_of3A_365] : memref<16x1000000xf32, #tpu.memory_space<hbm>> -> memref<16x128xf32, #tpu.memory_space<hbm>>
      tpu.enqueue_dma source(%dma_start3A_378 : memref<16x128xf32, #tpu.memory_space<hbm>>) target(%dma_start3A_376 : memref<16x128xf32, #tpu.memory_space<vmem>>) target_semaphore(%arg17 : memref<!tpu.dma_semaphore, #tpu.memory_space<semaphore_mem>>)
      %dma_start3A_379 = arith.constant 10 : i32
      %dma_start3A_380 = arith.constant 0 : i32
      %dma_start3A_381 = arith.constant 0 : i32
      %dma_start3A_382 = tpu.memref_slice %arg12[%dma_start3A_379, %dma_start3A_380, %dma_start3A_381] : memref<16x16x128xf32, #tpu.memory_space<vmem>> -> memref<1x16x128xf32, #tpu.memory_space<vmem>>
      %dma_start3A_383 = tpu.memref_squeeze %dma_start3A_382 : memref<1x16x128xf32, #tpu.memory_space<vmem>> -> memref<16x128xf32, #tpu.memory_space<vmem>>
      %dma_start3A_384 = arith.constant 0 : i32
      %dma_start3A_385 = tpu.memref_slice %arg5[%dma_start3A_384, %multiple_of3A_365] : memref<16x1000000xf32, #tpu.memory_space<hbm>> -> memref<16x128xf32, #tpu.memory_space<hbm>>
      %dma_start3A_386 = arith.constant 0 : i32
      %dma_start3A_387 = arith.constant 0 : i32
      %dma_start3A_388 = tpu.memref_slice %arg12[%dma_start3A_379, %dma_start3A_386, %dma_start3A_387] : memref<16x16x128xf32, #tpu.memory_space<vmem>> -> memref<1x16x128xf32, #tpu.memory_space<vmem>>
      %dma_start3A_389 = tpu.memref_squeeze %dma_start3A_388 : memref<1x16x128xf32, #tpu.memory_space<vmem>> -> memref<16x128xf32, #tpu.memory_space<vmem>>
      %dma_start3A_390 = arith.constant 0 : i32
      %dma_start3A_391 = tpu.memref_slice %arg5[%dma_start3A_390, %multiple_of3A_365] : memref<16x1000000xf32, #tpu.memory_space<hbm>> -> memref<16x128xf32, #tpu.memory_space<hbm>>
      tpu.enqueue_dma source(%dma_start3A_391 : memref<16x128xf32, #tpu.memory_space<hbm>>) target(%dma_start3A_389 : memref<16x128xf32, #tpu.memory_space<vmem>>) target_semaphore(%arg17 : memref<!tpu.dma_semaphore, #tpu.memory_space<semaphore_mem>>)
      %slice3A_392 = vector.extract_strided_slice %get3A_283 {offsets = [11], sizes = [1], strides = [1]} : vector<16xi32> to vector<1xi32>
      %squeeze3A_393 = vector.extract %slice3A_392[0] : i32 from vector<1xi32>
      %and3A_394 = arith.constant 127 : i32
      %and3A_395 = arith.andi %squeeze3A_393, %and3A_394 : i32
      %sub3A_396 = arith.subi %squeeze3A_393, %and3A_395 : i32
      %min3A_397 = arith.constant 999808 : i32
      %min3A_398 = arith.minsi %sub3A_396, %min3A_397 : i32
      %multiple_of3A_399 = tpu.assume_multiple %min3A_398, 128 : i32
      %dma_start3A_400 = arith.constant 11 : i32
      %dma_start3A_401 = arith.constant 0 : i32
      %dma_start3A_402 = arith.constant 0 : i32
      %dma_start3A_403 = tpu.memref_slice %arg11[%dma_start3A_400, %dma_start3A_401, %dma_start3A_402] : memref<16x16x128xf32, #tpu.memory_space<vmem>> -> memref<1x16x128xf32, #tpu.memory_space<vmem>>
      %dma_start3A_404 = tpu.memref_squeeze %dma_start3A_403 : memref<1x16x128xf32, #tpu.memory_space<vmem>> -> memref<16x128xf32, #tpu.memory_space<vmem>>
      %dma_start3A_405 = arith.constant 0 : i32
      %dma_start3A_406 = tpu.memref_slice %arg4[%dma_start3A_405, %multiple_of3A_399] : memref<16x1000000xf32, #tpu.memory_space<hbm>> -> memref<16x128xf32, #tpu.memory_space<hbm>>
      %dma_start3A_407 = arith.constant 0 : i32
      %dma_start3A_408 = arith.constant 0 : i32
      %dma_start3A_409 = tpu.memref_slice %arg11[%dma_start3A_400, %dma_start3A_407, %dma_start3A_408] : memref<16x16x128xf32, #tpu.memory_space<vmem>> -> memref<1x16x128xf32, #tpu.memory_space<vmem>>
      %dma_start3A_410 = tpu.memref_squeeze %dma_start3A_409 : memref<1x16x128xf32, #tpu.memory_space<vmem>> -> memref<16x128xf32, #tpu.memory_space<vmem>>
      %dma_start3A_411 = arith.constant 0 : i32
      %dma_start3A_412 = tpu.memref_slice %arg4[%dma_start3A_411, %multiple_of3A_399] : memref<16x1000000xf32, #tpu.memory_space<hbm>> -> memref<16x128xf32, #tpu.memory_space<hbm>>
      tpu.enqueue_dma source(%dma_start3A_412 : memref<16x128xf32, #tpu.memory_space<hbm>>) target(%dma_start3A_410 : memref<16x128xf32, #tpu.memory_space<vmem>>) target_semaphore(%arg17 : memref<!tpu.dma_semaphore, #tpu.memory_space<semaphore_mem>>)
      %dma_start3A_413 = arith.constant 11 : i32
      %dma_start3A_414 = arith.constant 0 : i32
      %dma_start3A_415 = arith.constant 0 : i32
      %dma_start3A_416 = tpu.memref_slice %arg12[%dma_start3A_413, %dma_start3A_414, %dma_start3A_415] : memref<16x16x128xf32, #tpu.memory_space<vmem>> -> memref<1x16x128xf32, #tpu.memory_space<vmem>>
      %dma_start3A_417 = tpu.memref_squeeze %dma_start3A_416 : memref<1x16x128xf32, #tpu.memory_space<vmem>> -> memref<16x128xf32, #tpu.memory_space<vmem>>
      %dma_start3A_418 = arith.constant 0 : i32
      %dma_start3A_419 = tpu.memref_slice %arg5[%dma_start3A_418, %multiple_of3A_399] : memref<16x1000000xf32, #tpu.memory_space<hbm>> -> memref<16x128xf32, #tpu.memory_space<hbm>>
      %dma_start3A_420 = arith.constant 0 : i32
      %dma_start3A_421 = arith.constant 0 : i32
      %dma_start3A_422 = tpu.memref_slice %arg12[%dma_start3A_413, %dma_start3A_420, %dma_start3A_421] : memref<16x16x128xf32, #tpu.memory_space<vmem>> -> memref<1x16x128xf32, #tpu.memory_space<vmem>>
      %dma_start3A_423 = tpu.memref_squeeze %dma_start3A_422 : memref<1x16x128xf32, #tpu.memory_space<vmem>> -> memref<16x128xf32, #tpu.memory_space<vmem>>
      %dma_start3A_424 = arith.constant 0 : i32
      %dma_start3A_425 = tpu.memref_slice %arg5[%dma_start3A_424, %multiple_of3A_399] : memref<16x1000000xf32, #tpu.memory_space<hbm>> -> memref<16x128xf32, #tpu.memory_space<hbm>>
      tpu.enqueue_dma source(%dma_start3A_425 : memref<16x128xf32, #tpu.memory_space<hbm>>) target(%dma_start3A_423 : memref<16x128xf32, #tpu.memory_space<vmem>>) target_semaphore(%arg17 : memref<!tpu.dma_semaphore, #tpu.memory_space<semaphore_mem>>)
      %slice3A_426 = vector.extract_strided_slice %get3A_283 {offsets = [12], sizes = [1], strides = [1]} : vector<16xi32> to vector<1xi32>
      %squeeze3A_427 = vector.extract %slice3A_426[0] : i32 from vector<1xi32>
      %and3A_428 = arith.constant 127 : i32
      %and3A_429 = arith.andi %squeeze3A_427, %and3A_428 : i32
      %sub3A_430 = arith.subi %squeeze3A_427, %and3A_429 : i32
      %min3A_431 = arith.constant 999808 : i32
      %min3A_432 = arith.minsi %sub3A_430, %min3A_431 : i32
      %multiple_of3A_433 = tpu.assume_multiple %min3A_432, 128 : i32
      %dma_start3A_434 = arith.constant 12 : i32
      %dma_start3A_435 = arith.constant 0 : i32
      %dma_start3A_436 = arith.constant 0 : i32
      %dma_start3A_437 = tpu.memref_slice %arg11[%dma_start3A_434, %dma_start3A_435, %dma_start3A_436] : memref<16x16x128xf32, #tpu.memory_space<vmem>> -> memref<1x16x128xf32, #tpu.memory_space<vmem>>
      %dma_start3A_438 = tpu.memref_squeeze %dma_start3A_437 : memref<1x16x128xf32, #tpu.memory_space<vmem>> -> memref<16x128xf32, #tpu.memory_space<vmem>>
      %dma_start3A_439 = arith.constant 0 : i32
      %dma_start3A_440 = tpu.memref_slice %arg4[%dma_start3A_439, %multiple_of3A_433] : memref<16x1000000xf32, #tpu.memory_space<hbm>> -> memref<16x128xf32, #tpu.memory_space<hbm>>
      %dma_start3A_441 = arith.constant 0 : i32
      %dma_start3A_442 = arith.constant 0 : i32
      %dma_start3A_443 = tpu.memref_slice %arg11[%dma_start3A_434, %dma_start3A_441, %dma_start3A_442] : memref<16x16x128xf32, #tpu.memory_space<vmem>> -> memref<1x16x128xf32, #tpu.memory_space<vmem>>
      %dma_start3A_444 = tpu.memref_squeeze %dma_start3A_443 : memref<1x16x128xf32, #tpu.memory_space<vmem>> -> memref<16x128xf32, #tpu.memory_space<vmem>>
      %dma_start3A_445 = arith.constant 0 : i32
      %dma_start3A_446 = tpu.memref_slice %arg4[%dma_start3A_445, %multiple_of3A_433] : memref<16x1000000xf32, #tpu.memory_space<hbm>> -> memref<16x128xf32, #tpu.memory_space<hbm>>
      tpu.enqueue_dma source(%dma_start3A_446 : memref<16x128xf32, #tpu.memory_space<hbm>>) target(%dma_start3A_444 : memref<16x128xf32, #tpu.memory_space<vmem>>) target_semaphore(%arg17 : memref<!tpu.dma_semaphore, #tpu.memory_space<semaphore_mem>>)
      %dma_start3A_447 = arith.constant 12 : i32
      %dma_start3A_448 = arith.constant 0 : i32
      %dma_start3A_449 = arith.constant 0 : i32
      %dma_start3A_450 = tpu.memref_slice %arg12[%dma_start3A_447, %dma_start3A_448, %dma_start3A_449] : memref<16x16x128xf32, #tpu.memory_space<vmem>> -> memref<1x16x128xf32, #tpu.memory_space<vmem>>
      %dma_start3A_451 = tpu.memref_squeeze %dma_start3A_450 : memref<1x16x128xf32, #tpu.memory_space<vmem>> -> memref<16x128xf32, #tpu.memory_space<vmem>>
      %dma_start3A_452 = arith.constant 0 : i32
      %dma_start3A_453 = tpu.memref_slice %arg5[%dma_start3A_452, %multiple_of3A_433] : memref<16x1000000xf32, #tpu.memory_space<hbm>> -> memref<16x128xf32, #tpu.memory_space<hbm>>
      %dma_start3A_454 = arith.constant 0 : i32
      %dma_start3A_455 = arith.constant 0 : i32
      %dma_start3A_456 = tpu.memref_slice %arg12[%dma_start3A_447, %dma_start3A_454, %dma_start3A_455] : memref<16x16x128xf32, #tpu.memory_space<vmem>> -> memref<1x16x128xf32, #tpu.memory_space<vmem>>
      %dma_start3A_457 = tpu.memref_squeeze %dma_start3A_456 : memref<1x16x128xf32, #tpu.memory_space<vmem>> -> memref<16x128xf32, #tpu.memory_space<vmem>>
      %dma_start3A_458 = arith.constant 0 : i32
      %dma_start3A_459 = tpu.memref_slice %arg5[%dma_start3A_458, %multiple_of3A_433] : memref<16x1000000xf32, #tpu.memory_space<hbm>> -> memref<16x128xf32, #tpu.memory_space<hbm>>
      tpu.enqueue_dma source(%dma_start3A_459 : memref<16x128xf32, #tpu.memory_space<hbm>>) target(%dma_start3A_457 : memref<16x128xf32, #tpu.memory_space<vmem>>) target_semaphore(%arg17 : memref<!tpu.dma_semaphore, #tpu.memory_space<semaphore_mem>>)
      %slice3A_460 = vector.extract_strided_slice %get3A_283 {offsets = [13], sizes = [1], strides = [1]} : vector<16xi32> to vector<1xi32>
      %squeeze3A_461 = vector.extract %slice3A_460[0] : i32 from vector<1xi32>
      %and3A_462 = arith.constant 127 : i32
      %and3A_463 = arith.andi %squeeze3A_461, %and3A_462 : i32
      %sub3A_464 = arith.subi %squeeze3A_461, %and3A_463 : i32
      %min3A_465 = arith.constant 999808 : i32
      %min3A_466 = arith.minsi %sub3A_464, %min3A_465 : i32
      %multiple_of3A_467 = tpu.assume_multiple %min3A_466, 128 : i32
      %dma_start3A_468 = arith.constant 13 : i32
      %dma_start3A_469 = arith.constant 0 : i32
      %dma_start3A_470 = arith.constant 0 : i32
      %dma_start3A_471 = tpu.memref_slice %arg11[%dma_start3A_468, %dma_start3A_469, %dma_start3A_470] : memref<16x16x128xf32, #tpu.memory_space<vmem>> -> memref<1x16x128xf32, #tpu.memory_space<vmem>>
      %dma_start3A_472 = tpu.memref_squeeze %dma_start3A_471 : memref<1x16x128xf32, #tpu.memory_space<vmem>> -> memref<16x128xf32, #tpu.memory_space<vmem>>
      %dma_start3A_473 = arith.constant 0 : i32
      %dma_start3A_474 = tpu.memref_slice %arg4[%dma_start3A_473, %multiple_of3A_467] : memref<16x1000000xf32, #tpu.memory_space<hbm>> -> memref<16x128xf32, #tpu.memory_space<hbm>>
      %dma_start3A_475 = arith.constant 0 : i32
      %dma_start3A_476 = arith.constant 0 : i32
      %dma_start3A_477 = tpu.memref_slice %arg11[%dma_start3A_468, %dma_start3A_475, %dma_start3A_476] : memref<16x16x128xf32, #tpu.memory_space<vmem>> -> memref<1x16x128xf32, #tpu.memory_space<vmem>>
      %dma_start3A_478 = tpu.memref_squeeze %dma_start3A_477 : memref<1x16x128xf32, #tpu.memory_space<vmem>> -> memref<16x128xf32, #tpu.memory_space<vmem>>
      %dma_start3A_479 = arith.constant 0 : i32
      %dma_start3A_480 = tpu.memref_slice %arg4[%dma_start3A_479, %multiple_of3A_467] : memref<16x1000000xf32, #tpu.memory_space<hbm>> -> memref<16x128xf32, #tpu.memory_space<hbm>>
      tpu.enqueue_dma source(%dma_start3A_480 : memref<16x128xf32, #tpu.memory_space<hbm>>) target(%dma_start3A_478 : memref<16x128xf32, #tpu.memory_space<vmem>>) target_semaphore(%arg17 : memref<!tpu.dma_semaphore, #tpu.memory_space<semaphore_mem>>)
      %dma_start3A_481 = arith.constant 13 : i32
      %dma_start3A_482 = arith.constant 0 : i32
      %dma_start3A_483 = arith.constant 0 : i32
      %dma_start3A_484 = tpu.memref_slice %arg12[%dma_start3A_481, %dma_start3A_482, %dma_start3A_483] : memref<16x16x128xf32, #tpu.memory_space<vmem>> -> memref<1x16x128xf32, #tpu.memory_space<vmem>>
      %dma_start3A_485 = tpu.memref_squeeze %dma_start3A_484 : memref<1x16x128xf32, #tpu.memory_space<vmem>> -> memref<16x128xf32, #tpu.memory_space<vmem>>
      %dma_start3A_486 = arith.constant 0 : i32
      %dma_start3A_487 = tpu.memref_slice %arg5[%dma_start3A_486, %multiple_of3A_467] : memref<16x1000000xf32, #tpu.memory_space<hbm>> -> memref<16x128xf32, #tpu.memory_space<hbm>>
      %dma_start3A_488 = arith.constant 0 : i32
      %dma_start3A_489 = arith.constant 0 : i32
      %dma_start3A_490 = tpu.memref_slice %arg12[%dma_start3A_481, %dma_start3A_488, %dma_start3A_489] : memref<16x16x128xf32, #tpu.memory_space<vmem>> -> memref<1x16x128xf32, #tpu.memory_space<vmem>>
      %dma_start3A_491 = tpu.memref_squeeze %dma_start3A_490 : memref<1x16x128xf32, #tpu.memory_space<vmem>> -> memref<16x128xf32, #tpu.memory_space<vmem>>
      %dma_start3A_492 = arith.constant 0 : i32
      %dma_start3A_493 = tpu.memref_slice %arg5[%dma_start3A_492, %multiple_of3A_467] : memref<16x1000000xf32, #tpu.memory_space<hbm>> -> memref<16x128xf32, #tpu.memory_space<hbm>>
      tpu.enqueue_dma source(%dma_start3A_493 : memref<16x128xf32, #tpu.memory_space<hbm>>) target(%dma_start3A_491 : memref<16x128xf32, #tpu.memory_space<vmem>>) target_semaphore(%arg17 : memref<!tpu.dma_semaphore, #tpu.memory_space<semaphore_mem>>)
      %slice3A_494 = vector.extract_strided_slice %get3A_283 {offsets = [14], sizes = [1], strides = [1]} : vector<16xi32> to vector<1xi32>
      %squeeze3A_495 = vector.extract %slice3A_494[0] : i32 from vector<1xi32>
      %and3A_496 = arith.constant 127 : i32
      %and3A_497 = arith.andi %squeeze3A_495, %and3A_496 : i32
      %sub3A_498 = arith.subi %squeeze3A_495, %and3A_497 : i32
      %min3A_499 = arith.constant 999808 : i32
      %min3A_500 = arith.minsi %sub3A_498, %min3A_499 : i32
      %multiple_of3A_501 = tpu.assume_multiple %min3A_500, 128 : i32
      %dma_start3A_502 = arith.constant 14 : i32
      %dma_start3A_503 = arith.constant 0 : i32
      %dma_start3A_504 = arith.constant 0 : i32
      %dma_start3A_505 = tpu.memref_slice %arg11[%dma_start3A_502, %dma_start3A_503, %dma_start3A_504] : memref<16x16x128xf32, #tpu.memory_space<vmem>> -> memref<1x16x128xf32, #tpu.memory_space<vmem>>
      %dma_start3A_506 = tpu.memref_squeeze %dma_start3A_505 : memref<1x16x128xf32, #tpu.memory_space<vmem>> -> memref<16x128xf32, #tpu.memory_space<vmem>>
      %dma_start3A_507 = arith.constant 0 : i32
      %dma_start3A_508 = tpu.memref_slice %arg4[%dma_start3A_507, %multiple_of3A_501] : memref<16x1000000xf32, #tpu.memory_space<hbm>> -> memref<16x128xf32, #tpu.memory_space<hbm>>
      %dma_start3A_509 = arith.constant 0 : i32
      %dma_start3A_510 = arith.constant 0 : i32
      %dma_start3A_511 = tpu.memref_slice %arg11[%dma_start3A_502, %dma_start3A_509, %dma_start3A_510] : memref<16x16x128xf32, #tpu.memory_space<vmem>> -> memref<1x16x128xf32, #tpu.memory_space<vmem>>
      %dma_start3A_512 = tpu.memref_squeeze %dma_start3A_511 : memref<1x16x128xf32, #tpu.memory_space<vmem>> -> memref<16x128xf32, #tpu.memory_space<vmem>>
      %dma_start3A_513 = arith.constant 0 : i32
      %dma_start3A_514 = tpu.memref_slice %arg4[%dma_start3A_513, %multiple_of3A_501] : memref<16x1000000xf32, #tpu.memory_space<hbm>> -> memref<16x128xf32, #tpu.memory_space<hbm>>
      tpu.enqueue_dma source(%dma_start3A_514 : memref<16x128xf32, #tpu.memory_space<hbm>>) target(%dma_start3A_512 : memref<16x128xf32, #tpu.memory_space<vmem>>) target_semaphore(%arg17 : memref<!tpu.dma_semaphore, #tpu.memory_space<semaphore_mem>>)
      %dma_start3A_515 = arith.constant 14 : i32
      %dma_start3A_516 = arith.constant 0 : i32
      %dma_start3A_517 = arith.constant 0 : i32
      %dma_start3A_518 = tpu.memref_slice %arg12[%dma_start3A_515, %dma_start3A_516, %dma_start3A_517] : memref<16x16x128xf32, #tpu.memory_space<vmem>> -> memref<1x16x128xf32, #tpu.memory_space<vmem>>
      %dma_start3A_519 = tpu.memref_squeeze %dma_start3A_518 : memref<1x16x128xf32, #tpu.memory_space<vmem>> -> memref<16x128xf32, #tpu.memory_space<vmem>>
      %dma_start3A_520 = arith.constant 0 : i32
      %dma_start3A_521 = tpu.memref_slice %arg5[%dma_start3A_520, %multiple_of3A_501] : memref<16x1000000xf32, #tpu.memory_space<hbm>> -> memref<16x128xf32, #tpu.memory_space<hbm>>
      %dma_start3A_522 = arith.constant 0 : i32
      %dma_start3A_523 = arith.constant 0 : i32
      %dma_start3A_524 = tpu.memref_slice %arg12[%dma_start3A_515, %dma_start3A_522, %dma_start3A_523] : memref<16x16x128xf32, #tpu.memory_space<vmem>> -> memref<1x16x128xf32, #tpu.memory_space<vmem>>
      %dma_start3A_525 = tpu.memref_squeeze %dma_start3A_524 : memref<1x16x128xf32, #tpu.memory_space<vmem>> -> memref<16x128xf32, #tpu.memory_space<vmem>>
      %dma_start3A_526 = arith.constant 0 : i32
      %dma_start3A_527 = tpu.memref_slice %arg5[%dma_start3A_526, %multiple_of3A_501] : memref<16x1000000xf32, #tpu.memory_space<hbm>> -> memref<16x128xf32, #tpu.memory_space<hbm>>
      tpu.enqueue_dma source(%dma_start3A_527 : memref<16x128xf32, #tpu.memory_space<hbm>>) target(%dma_start3A_525 : memref<16x128xf32, #tpu.memory_space<vmem>>) target_semaphore(%arg17 : memref<!tpu.dma_semaphore, #tpu.memory_space<semaphore_mem>>)
      %slice3A_528 = vector.extract_strided_slice %get3A_283 {offsets = [15], sizes = [1], strides = [1]} : vector<16xi32> to vector<1xi32>
      %squeeze3A_529 = vector.extract %slice3A_528[0] : i32 from vector<1xi32>
      %and3A_530 = arith.constant 127 : i32
      %and3A_531 = arith.andi %squeeze3A_529, %and3A_530 : i32
      %sub3A_532 = arith.subi %squeeze3A_529, %and3A_531 : i32
      %min3A_533 = arith.constant 999808 : i32
      %min3A_534 = arith.minsi %sub3A_532, %min3A_533 : i32
      %multiple_of3A_535 = tpu.assume_multiple %min3A_534, 128 : i32
      %dma_start3A_536 = arith.constant 15 : i32
      %dma_start3A_537 = arith.constant 0 : i32
      %dma_start3A_538 = arith.constant 0 : i32
      %dma_start3A_539 = tpu.memref_slice %arg11[%dma_start3A_536, %dma_start3A_537, %dma_start3A_538] : memref<16x16x128xf32, #tpu.memory_space<vmem>> -> memref<1x16x128xf32, #tpu.memory_space<vmem>>
      %dma_start3A_540 = tpu.memref_squeeze %dma_start3A_539 : memref<1x16x128xf32, #tpu.memory_space<vmem>> -> memref<16x128xf32, #tpu.memory_space<vmem>>
      %dma_start3A_541 = arith.constant 0 : i32
      %dma_start3A_542 = tpu.memref_slice %arg4[%dma_start3A_541, %multiple_of3A_535] : memref<16x1000000xf32, #tpu.memory_space<hbm>> -> memref<16x128xf32, #tpu.memory_space<hbm>>
      %dma_start3A_543 = arith.constant 0 : i32
      %dma_start3A_544 = arith.constant 0 : i32
      %dma_start3A_545 = tpu.memref_slice %arg11[%dma_start3A_536, %dma_start3A_543, %dma_start3A_544] : memref<16x16x128xf32, #tpu.memory_space<vmem>> -> memref<1x16x128xf32, #tpu.memory_space<vmem>>
      %dma_start3A_546 = tpu.memref_squeeze %dma_start3A_545 : memref<1x16x128xf32, #tpu.memory_space<vmem>> -> memref<16x128xf32, #tpu.memory_space<vmem>>
      %dma_start3A_547 = arith.constant 0 : i32
      %dma_start3A_548 = tpu.memref_slice %arg4[%dma_start3A_547, %multiple_of3A_535] : memref<16x1000000xf32, #tpu.memory_space<hbm>> -> memref<16x128xf32, #tpu.memory_space<hbm>>
      tpu.enqueue_dma source(%dma_start3A_548 : memref<16x128xf32, #tpu.memory_space<hbm>>) target(%dma_start3A_546 : memref<16x128xf32, #tpu.memory_space<vmem>>) target_semaphore(%arg17 : memref<!tpu.dma_semaphore, #tpu.memory_space<semaphore_mem>>)
      %dma_start3A_549 = arith.constant 15 : i32
      %dma_start3A_550 = arith.constant 0 : i32
      %dma_start3A_551 = arith.constant 0 : i32
      %dma_start3A_552 = tpu.memref_slice %arg12[%dma_start3A_549, %dma_start3A_550, %dma_start3A_551] : memref<16x16x128xf32, #tpu.memory_space<vmem>> -> memref<1x16x128xf32, #tpu.memory_space<vmem>>
      %dma_start3A_553 = tpu.memref_squeeze %dma_start3A_552 : memref<1x16x128xf32, #tpu.memory_space<vmem>> -> memref<16x128xf32, #tpu.memory_space<vmem>>
      %dma_start3A_554 = arith.constant 0 : i32
      %dma_start3A_555 = tpu.memref_slice %arg5[%dma_start3A_554, %multiple_of3A_535] : memref<16x1000000xf32, #tpu.memory_space<hbm>> -> memref<16x128xf32, #tpu.memory_space<hbm>>
      %dma_start3A_556 = arith.constant 0 : i32
      %dma_start3A_557 = arith.constant 0 : i32
      %dma_start3A_558 = tpu.memref_slice %arg12[%dma_start3A_549, %dma_start3A_556, %dma_start3A_557] : memref<16x16x128xf32, #tpu.memory_space<vmem>> -> memref<1x16x128xf32, #tpu.memory_space<vmem>>
      %dma_start3A_559 = tpu.memref_squeeze %dma_start3A_558 : memref<1x16x128xf32, #tpu.memory_space<vmem>> -> memref<16x128xf32, #tpu.memory_space<vmem>>
      %dma_start3A_560 = arith.constant 0 : i32
      %dma_start3A_561 = tpu.memref_slice %arg5[%dma_start3A_560, %multiple_of3A_535] : memref<16x1000000xf32, #tpu.memory_space<hbm>> -> memref<16x128xf32, #tpu.memory_space<hbm>>
      tpu.enqueue_dma source(%dma_start3A_561 : memref<16x128xf32, #tpu.memory_space<hbm>>) target(%dma_start3A_559 : memref<16x128xf32, #tpu.memory_space<vmem>>) target_semaphore(%arg17 : memref<!tpu.dma_semaphore, #tpu.memory_space<semaphore_mem>>)
      %dma_wait3A = arith.constant 0 : i32
      %dma_wait3A_562 = arith.constant 0 : i32
      %dma_wait3A_563 = arith.constant 0 : i32
      %dma_wait3A_564 = tpu.memref_slice %arg11[%dma_wait3A, %dma_wait3A_562, %dma_wait3A_563] : memref<16x16x128xf32, #tpu.memory_space<vmem>> -> memref<1x16x128xf32, #tpu.memory_space<vmem>>
      %dma_wait3A_565 = tpu.memref_squeeze %dma_wait3A_564 : memref<1x16x128xf32, #tpu.memory_space<vmem>> -> memref<16x128xf32, #tpu.memory_space<vmem>>
      %dma_wait3A_566 = arith.constant 0 : i32
      %dma_wait3A_567 = arith.constant 0 : i32
      %dma_wait3A_568 = tpu.memref_slice %arg4[%dma_wait3A_566, %dma_wait3A_567] : memref<16x1000000xf32, #tpu.memory_space<hbm>> -> memref<16x128xf32, #tpu.memory_space<hbm>>
      %dma_wait3A_569 = arith.constant 0 : i32
      %dma_wait3A_570 = arith.constant 0 : i32
      %dma_wait3A_571 = tpu.memref_slice %arg11[%dma_wait3A, %dma_wait3A_569, %dma_wait3A_570] : memref<16x16x128xf32, #tpu.memory_space<vmem>> -> memref<1x16x128xf32, #tpu.memory_space<vmem>>
      %dma_wait3A_572 = tpu.memref_squeeze %dma_wait3A_571 : memref<1x16x128xf32, #tpu.memory_space<vmem>> -> memref<16x128xf32, #tpu.memory_space<vmem>>
      %dma_wait3A_573 = arith.constant 0 : i32
      %dma_wait3A_574 = arith.constant 0 : i32
      %dma_wait3A_575 = tpu.memref_slice %arg4[%dma_wait3A_573, %dma_wait3A_574] : memref<16x1000000xf32, #tpu.memory_space<hbm>> -> memref<16x128xf32, #tpu.memory_space<hbm>>
      tpu.wait_dma2 semaphore(%arg16 : memref<!tpu.dma_semaphore, #tpu.memory_space<semaphore_mem>>) src(%dma_wait3A_575 : memref<16x128xf32, #tpu.memory_space<hbm>>) dst(%dma_wait3A_572 : memref<16x128xf32, #tpu.memory_space<vmem>>)
      %dma_wait3A_576 = arith.constant 0 : i32
      %dma_wait3A_577 = arith.constant 0 : i32
      %dma_wait3A_578 = arith.constant 0 : i32
      %dma_wait3A_579 = tpu.memref_slice %arg12[%dma_wait3A_576, %dma_wait3A_577, %dma_wait3A_578] : memref<16x16x128xf32, #tpu.memory_space<vmem>> -> memref<1x16x128xf32, #tpu.memory_space<vmem>>
      %dma_wait3A_580 = tpu.memref_squeeze %dma_wait3A_579 : memref<1x16x128xf32, #tpu.memory_space<vmem>> -> memref<16x128xf32, #tpu.memory_space<vmem>>
      %dma_wait3A_581 = arith.constant 0 : i32
      %dma_wait3A_582 = arith.constant 0 : i32
      %dma_wait3A_583 = tpu.memref_slice %arg5[%dma_wait3A_581, %dma_wait3A_582] : memref<16x1000000xf32, #tpu.memory_space<hbm>> -> memref<16x128xf32, #tpu.memory_space<hbm>>
      %dma_wait3A_584 = arith.constant 0 : i32
      %dma_wait3A_585 = arith.constant 0 : i32
      %dma_wait3A_586 = tpu.memref_slice %arg12[%dma_wait3A_576, %dma_wait3A_584, %dma_wait3A_585] : memref<16x16x128xf32, #tpu.memory_space<vmem>> -> memref<1x16x128xf32, #tpu.memory_space<vmem>>
      %dma_wait3A_587 = tpu.memref_squeeze %dma_wait3A_586 : memref<1x16x128xf32, #tpu.memory_space<vmem>> -> memref<16x128xf32, #tpu.memory_space<vmem>>
      %dma_wait3A_588 = arith.constant 0 : i32
      %dma_wait3A_589 = arith.constant 0 : i32
      %dma_wait3A_590 = tpu.memref_slice %arg5[%dma_wait3A_588, %dma_wait3A_589] : memref<16x1000000xf32, #tpu.memory_space<hbm>> -> memref<16x128xf32, #tpu.memory_space<hbm>>
      tpu.wait_dma2 semaphore(%arg16 : memref<!tpu.dma_semaphore, #tpu.memory_space<semaphore_mem>>) src(%dma_wait3A_590 : memref<16x128xf32, #tpu.memory_space<hbm>>) dst(%dma_wait3A_587 : memref<16x128xf32, #tpu.memory_space<vmem>>)
      %dma_wait3A_591 = arith.constant 1 : i32
      %dma_wait3A_592 = arith.constant 0 : i32
      %dma_wait3A_593 = arith.constant 0 : i32
      %dma_wait3A_594 = tpu.memref_slice %arg11[%dma_wait3A_591, %dma_wait3A_592, %dma_wait3A_593] : memref<16x16x128xf32, #tpu.memory_space<vmem>> -> memref<1x16x128xf32, #tpu.memory_space<vmem>>
      %dma_wait3A_595 = tpu.memref_squeeze %dma_wait3A_594 : memref<1x16x128xf32, #tpu.memory_space<vmem>> -> memref<16x128xf32, #tpu.memory_space<vmem>>
      %dma_wait3A_596 = arith.constant 0 : i32
      %dma_wait3A_597 = arith.constant 0 : i32
      %dma_wait3A_598 = tpu.memref_slice %arg4[%dma_wait3A_596, %dma_wait3A_597] : memref<16x1000000xf32, #tpu.memory_space<hbm>> -> memref<16x128xf32, #tpu.memory_space<hbm>>
      %dma_wait3A_599 = arith.constant 0 : i32
      %dma_wait3A_600 = arith.constant 0 : i32
      %dma_wait3A_601 = tpu.memref_slice %arg11[%dma_wait3A_591, %dma_wait3A_599, %dma_wait3A_600] : memref<16x16x128xf32, #tpu.memory_space<vmem>> -> memref<1x16x128xf32, #tpu.memory_space<vmem>>
      %dma_wait3A_602 = tpu.memref_squeeze %dma_wait3A_601 : memref<1x16x128xf32, #tpu.memory_space<vmem>> -> memref<16x128xf32, #tpu.memory_space<vmem>>
      %dma_wait3A_603 = arith.constant 0 : i32
      %dma_wait3A_604 = arith.constant 0 : i32
      %dma_wait3A_605 = tpu.memref_slice %arg4[%dma_wait3A_603, %dma_wait3A_604] : memref<16x1000000xf32, #tpu.memory_space<hbm>> -> memref<16x128xf32, #tpu.memory_space<hbm>>
      tpu.wait_dma2 semaphore(%arg16 : memref<!tpu.dma_semaphore, #tpu.memory_space<semaphore_mem>>) src(%dma_wait3A_605 : memref<16x128xf32, #tpu.memory_space<hbm>>) dst(%dma_wait3A_602 : memref<16x128xf32, #tpu.memory_space<vmem>>)
      %dma_wait3A_606 = arith.constant 1 : i32
      %dma_wait3A_607 = arith.constant 0 : i32
      %dma_wait3A_608 = arith.constant 0 : i32
      %dma_wait3A_609 = tpu.memref_slice %arg12[%dma_wait3A_606, %dma_wait3A_607, %dma_wait3A_608] : memref<16x16x128xf32, #tpu.memory_space<vmem>> -> memref<1x16x128xf32, #tpu.memory_space<vmem>>
      %dma_wait3A_610 = tpu.memref_squeeze %dma_wait3A_609 : memref<1x16x128xf32, #tpu.memory_space<vmem>> -> memref<16x128xf32, #tpu.memory_space<vmem>>
      %dma_wait3A_611 = arith.constant 0 : i32
      %dma_wait3A_612 = arith.constant 0 : i32
      %dma_wait3A_613 = tpu.memref_slice %arg5[%dma_wait3A_611, %dma_wait3A_612] : memref<16x1000000xf32, #tpu.memory_space<hbm>> -> memref<16x128xf32, #tpu.memory_space<hbm>>
      %dma_wait3A_614 = arith.constant 0 : i32
      %dma_wait3A_615 = arith.constant 0 : i32
      %dma_wait3A_616 = tpu.memref_slice %arg12[%dma_wait3A_606, %dma_wait3A_614, %dma_wait3A_615] : memref<16x16x128xf32, #tpu.memory_space<vmem>> -> memref<1x16x128xf32, #tpu.memory_space<vmem>>
      %dma_wait3A_617 = tpu.memref_squeeze %dma_wait3A_616 : memref<1x16x128xf32, #tpu.memory_space<vmem>> -> memref<16x128xf32, #tpu.memory_space<vmem>>
      %dma_wait3A_618 = arith.constant 0 : i32
      %dma_wait3A_619 = arith.constant 0 : i32
      %dma_wait3A_620 = tpu.memref_slice %arg5[%dma_wait3A_618, %dma_wait3A_619] : memref<16x1000000xf32, #tpu.memory_space<hbm>> -> memref<16x128xf32, #tpu.memory_space<hbm>>
      tpu.wait_dma2 semaphore(%arg16 : memref<!tpu.dma_semaphore, #tpu.memory_space<semaphore_mem>>) src(%dma_wait3A_620 : memref<16x128xf32, #tpu.memory_space<hbm>>) dst(%dma_wait3A_617 : memref<16x128xf32, #tpu.memory_space<vmem>>)
      %dma_wait3A_621 = arith.constant 2 : i32
      %dma_wait3A_622 = arith.constant 0 : i32
      %dma_wait3A_623 = arith.constant 0 : i32
      %dma_wait3A_624 = tpu.memref_slice %arg11[%dma_wait3A_621, %dma_wait3A_622, %dma_wait3A_623] : memref<16x16x128xf32, #tpu.memory_space<vmem>> -> memref<1x16x128xf32, #tpu.memory_space<vmem>>
      %dma_wait3A_625 = tpu.memref_squeeze %dma_wait3A_624 : memref<1x16x128xf32, #tpu.memory_space<vmem>> -> memref<16x128xf32, #tpu.memory_space<vmem>>
      %dma_wait3A_626 = arith.constant 0 : i32
      %dma_wait3A_627 = arith.constant 0 : i32
      %dma_wait3A_628 = tpu.memref_slice %arg4[%dma_wait3A_626, %dma_wait3A_627] : memref<16x1000000xf32, #tpu.memory_space<hbm>> -> memref<16x128xf32, #tpu.memory_space<hbm>>
      %dma_wait3A_629 = arith.constant 0 : i32
      %dma_wait3A_630 = arith.constant 0 : i32
      %dma_wait3A_631 = tpu.memref_slice %arg11[%dma_wait3A_621, %dma_wait3A_629, %dma_wait3A_630] : memref<16x16x128xf32, #tpu.memory_space<vmem>> -> memref<1x16x128xf32, #tpu.memory_space<vmem>>
      %dma_wait3A_632 = tpu.memref_squeeze %dma_wait3A_631 : memref<1x16x128xf32, #tpu.memory_space<vmem>> -> memref<16x128xf32, #tpu.memory_space<vmem>>
      %dma_wait3A_633 = arith.constant 0 : i32
      %dma_wait3A_634 = arith.constant 0 : i32
      %dma_wait3A_635 = tpu.memref_slice %arg4[%dma_wait3A_633, %dma_wait3A_634] : memref<16x1000000xf32, #tpu.memory_space<hbm>> -> memref<16x128xf32, #tpu.memory_space<hbm>>
      tpu.wait_dma2 semaphore(%arg16 : memref<!tpu.dma_semaphore, #tpu.memory_space<semaphore_mem>>) src(%dma_wait3A_635 : memref<16x128xf32, #tpu.memory_space<hbm>>) dst(%dma_wait3A_632 : memref<16x128xf32, #tpu.memory_space<vmem>>)
      %dma_wait3A_636 = arith.constant 2 : i32
      %dma_wait3A_637 = arith.constant 0 : i32
      %dma_wait3A_638 = arith.constant 0 : i32
      %dma_wait3A_639 = tpu.memref_slice %arg12[%dma_wait3A_636, %dma_wait3A_637, %dma_wait3A_638] : memref<16x16x128xf32, #tpu.memory_space<vmem>> -> memref<1x16x128xf32, #tpu.memory_space<vmem>>
      %dma_wait3A_640 = tpu.memref_squeeze %dma_wait3A_639 : memref<1x16x128xf32, #tpu.memory_space<vmem>> -> memref<16x128xf32, #tpu.memory_space<vmem>>
      %dma_wait3A_641 = arith.constant 0 : i32
      %dma_wait3A_642 = arith.constant 0 : i32
      %dma_wait3A_643 = tpu.memref_slice %arg5[%dma_wait3A_641, %dma_wait3A_642] : memref<16x1000000xf32, #tpu.memory_space<hbm>> -> memref<16x128xf32, #tpu.memory_space<hbm>>
      %dma_wait3A_644 = arith.constant 0 : i32
      %dma_wait3A_645 = arith.constant 0 : i32
      %dma_wait3A_646 = tpu.memref_slice %arg12[%dma_wait3A_636, %dma_wait3A_644, %dma_wait3A_645] : memref<16x16x128xf32, #tpu.memory_space<vmem>> -> memref<1x16x128xf32, #tpu.memory_space<vmem>>
      %dma_wait3A_647 = tpu.memref_squeeze %dma_wait3A_646 : memref<1x16x128xf32, #tpu.memory_space<vmem>> -> memref<16x128xf32, #tpu.memory_space<vmem>>
      %dma_wait3A_648 = arith.constant 0 : i32
      %dma_wait3A_649 = arith.constant 0 : i32
      %dma_wait3A_650 = tpu.memref_slice %arg5[%dma_wait3A_648, %dma_wait3A_649] : memref<16x1000000xf32, #tpu.memory_space<hbm>> -> memref<16x128xf32, #tpu.memory_space<hbm>>
      tpu.wait_dma2 semaphore(%arg16 : memref<!tpu.dma_semaphore, #tpu.memory_space<semaphore_mem>>) src(%dma_wait3A_650 : memref<16x128xf32, #tpu.memory_space<hbm>>) dst(%dma_wait3A_647 : memref<16x128xf32, #tpu.memory_space<vmem>>)
      %dma_wait3A_651 = arith.constant 3 : i32
      %dma_wait3A_652 = arith.constant 0 : i32
      %dma_wait3A_653 = arith.constant 0 : i32
      %dma_wait3A_654 = tpu.memref_slice %arg11[%dma_wait3A_651, %dma_wait3A_652, %dma_wait3A_653] : memref<16x16x128xf32, #tpu.memory_space<vmem>> -> memref<1x16x128xf32, #tpu.memory_space<vmem>>
      %dma_wait3A_655 = tpu.memref_squeeze %dma_wait3A_654 : memref<1x16x128xf32, #tpu.memory_space<vmem>> -> memref<16x128xf32, #tpu.memory_space<vmem>>
      %dma_wait3A_656 = arith.constant 0 : i32
      %dma_wait3A_657 = arith.constant 0 : i32
      %dma_wait3A_658 = tpu.memref_slice %arg4[%dma_wait3A_656, %dma_wait3A_657] : memref<16x1000000xf32, #tpu.memory_space<hbm>> -> memref<16x128xf32, #tpu.memory_space<hbm>>
      %dma_wait3A_659 = arith.constant 0 : i32
      %dma_wait3A_660 = arith.constant 0 : i32
      %dma_wait3A_661 = tpu.memref_slice %arg11[%dma_wait3A_651, %dma_wait3A_659, %dma_wait3A_660] : memref<16x16x128xf32, #tpu.memory_space<vmem>> -> memref<1x16x128xf32, #tpu.memory_space<vmem>>
      %dma_wait3A_662 = tpu.memref_squeeze %dma_wait3A_661 : memref<1x16x128xf32, #tpu.memory_space<vmem>> -> memref<16x128xf32, #tpu.memory_space<vmem>>
      %dma_wait3A_663 = arith.constant 0 : i32
      %dma_wait3A_664 = arith.constant 0 : i32
      %dma_wait3A_665 = tpu.memref_slice %arg4[%dma_wait3A_663, %dma_wait3A_664] : memref<16x1000000xf32, #tpu.memory_space<hbm>> -> memref<16x128xf32, #tpu.memory_space<hbm>>
      tpu.wait_dma2 semaphore(%arg16 : memref<!tpu.dma_semaphore, #tpu.memory_space<semaphore_mem>>) src(%dma_wait3A_665 : memref<16x128xf32, #tpu.memory_space<hbm>>) dst(%dma_wait3A_662 : memref<16x128xf32, #tpu.memory_space<vmem>>)
      %dma_wait3A_666 = arith.constant 3 : i32
      %dma_wait3A_667 = arith.constant 0 : i32
      %dma_wait3A_668 = arith.constant 0 : i32
      %dma_wait3A_669 = tpu.memref_slice %arg12[%dma_wait3A_666, %dma_wait3A_667, %dma_wait3A_668] : memref<16x16x128xf32, #tpu.memory_space<vmem>> -> memref<1x16x128xf32, #tpu.memory_space<vmem>>
      %dma_wait3A_670 = tpu.memref_squeeze %dma_wait3A_669 : memref<1x16x128xf32, #tpu.memory_space<vmem>> -> memref<16x128xf32, #tpu.memory_space<vmem>>
      %dma_wait3A_671 = arith.constant 0 : i32
      %dma_wait3A_672 = arith.constant 0 : i32
      %dma_wait3A_673 = tpu.memref_slice %arg5[%dma_wait3A_671, %dma_wait3A_672] : memref<16x1000000xf32, #tpu.memory_space<hbm>> -> memref<16x128xf32, #tpu.memory_space<hbm>>
      %dma_wait3A_674 = arith.constant 0 : i32
      %dma_wait3A_675 = arith.constant 0 : i32
      %dma_wait3A_676 = tpu.memref_slice %arg12[%dma_wait3A_666, %dma_wait3A_674, %dma_wait3A_675] : memref<16x16x128xf32, #tpu.memory_space<vmem>> -> memref<1x16x128xf32, #tpu.memory_space<vmem>>
      %dma_wait3A_677 = tpu.memref_squeeze %dma_wait3A_676 : memref<1x16x128xf32, #tpu.memory_space<vmem>> -> memref<16x128xf32, #tpu.memory_space<vmem>>
      %dma_wait3A_678 = arith.constant 0 : i32
      %dma_wait3A_679 = arith.constant 0 : i32
      %dma_wait3A_680 = tpu.memref_slice %arg5[%dma_wait3A_678, %dma_wait3A_679] : memref<16x1000000xf32, #tpu.memory_space<hbm>> -> memref<16x128xf32, #tpu.memory_space<hbm>>
      tpu.wait_dma2 semaphore(%arg16 : memref<!tpu.dma_semaphore, #tpu.memory_space<semaphore_mem>>) src(%dma_wait3A_680 : memref<16x128xf32, #tpu.memory_space<hbm>>) dst(%dma_wait3A_677 : memref<16x128xf32, #tpu.memory_space<vmem>>)
      %dma_wait3A_681 = arith.constant 4 : i32
      %dma_wait3A_682 = arith.constant 0 : i32
      %dma_wait3A_683 = arith.constant 0 : i32
      %dma_wait3A_684 = tpu.memref_slice %arg11[%dma_wait3A_681, %dma_wait3A_682, %dma_wait3A_683] : memref<16x16x128xf32, #tpu.memory_space<vmem>> -> memref<1x16x128xf32, #tpu.memory_space<vmem>>
      %dma_wait3A_685 = tpu.memref_squeeze %dma_wait3A_684 : memref<1x16x128xf32, #tpu.memory_space<vmem>> -> memref<16x128xf32, #tpu.memory_space<vmem>>
      %dma_wait3A_686 = arith.constant 0 : i32
      %dma_wait3A_687 = arith.constant 0 : i32
      %dma_wait3A_688 = tpu.memref_slice %arg4[%dma_wait3A_686, %dma_wait3A_687] : memref<16x1000000xf32, #tpu.memory_space<hbm>> -> memref<16x128xf32, #tpu.memory_space<hbm>>
      %dma_wait3A_689 = arith.constant 0 : i32
      %dma_wait3A_690 = arith.constant 0 : i32
      %dma_wait3A_691 = tpu.memref_slice %arg11[%dma_wait3A_681, %dma_wait3A_689, %dma_wait3A_690] : memref<16x16x128xf32, #tpu.memory_space<vmem>> -> memref<1x16x128xf32, #tpu.memory_space<vmem>>
      %dma_wait3A_692 = tpu.memref_squeeze %dma_wait3A_691 : memref<1x16x128xf32, #tpu.memory_space<vmem>> -> memref<16x128xf32, #tpu.memory_space<vmem>>
      %dma_wait3A_693 = arith.constant 0 : i32
      %dma_wait3A_694 = arith.constant 0 : i32
      %dma_wait3A_695 = tpu.memref_slice %arg4[%dma_wait3A_693, %dma_wait3A_694] : memref<16x1000000xf32, #tpu.memory_space<hbm>> -> memref<16x128xf32, #tpu.memory_space<hbm>>
      tpu.wait_dma2 semaphore(%arg16 : memref<!tpu.dma_semaphore, #tpu.memory_space<semaphore_mem>>) src(%dma_wait3A_695 : memref<16x128xf32, #tpu.memory_space<hbm>>) dst(%dma_wait3A_692 : memref<16x128xf32, #tpu.memory_space<vmem>>)
      %dma_wait3A_696 = arith.constant 4 : i32
      %dma_wait3A_697 = arith.constant 0 : i32
      %dma_wait3A_698 = arith.constant 0 : i32
      %dma_wait3A_699 = tpu.memref_slice %arg12[%dma_wait3A_696, %dma_wait3A_697, %dma_wait3A_698] : memref<16x16x128xf32, #tpu.memory_space<vmem>> -> memref<1x16x128xf32, #tpu.memory_space<vmem>>
      %dma_wait3A_700 = tpu.memref_squeeze %dma_wait3A_699 : memref<1x16x128xf32, #tpu.memory_space<vmem>> -> memref<16x128xf32, #tpu.memory_space<vmem>>
      %dma_wait3A_701 = arith.constant 0 : i32
      %dma_wait3A_702 = arith.constant 0 : i32
      %dma_wait3A_703 = tpu.memref_slice %arg5[%dma_wait3A_701, %dma_wait3A_702] : memref<16x1000000xf32, #tpu.memory_space<hbm>> -> memref<16x128xf32, #tpu.memory_space<hbm>>
      %dma_wait3A_704 = arith.constant 0 : i32
      %dma_wait3A_705 = arith.constant 0 : i32
      %dma_wait3A_706 = tpu.memref_slice %arg12[%dma_wait3A_696, %dma_wait3A_704, %dma_wait3A_705] : memref<16x16x128xf32, #tpu.memory_space<vmem>> -> memref<1x16x128xf32, #tpu.memory_space<vmem>>
      %dma_wait3A_707 = tpu.memref_squeeze %dma_wait3A_706 : memref<1x16x128xf32, #tpu.memory_space<vmem>> -> memref<16x128xf32, #tpu.memory_space<vmem>>
      %dma_wait3A_708 = arith.constant 0 : i32
      %dma_wait3A_709 = arith.constant 0 : i32
      %dma_wait3A_710 = tpu.memref_slice %arg5[%dma_wait3A_708, %dma_wait3A_709] : memref<16x1000000xf32, #tpu.memory_space<hbm>> -> memref<16x128xf32, #tpu.memory_space<hbm>>
      tpu.wait_dma2 semaphore(%arg16 : memref<!tpu.dma_semaphore, #tpu.memory_space<semaphore_mem>>) src(%dma_wait3A_710 : memref<16x128xf32, #tpu.memory_space<hbm>>) dst(%dma_wait3A_707 : memref<16x128xf32, #tpu.memory_space<vmem>>)
      %dma_wait3A_711 = arith.constant 5 : i32
      %dma_wait3A_712 = arith.constant 0 : i32
      %dma_wait3A_713 = arith.constant 0 : i32
      %dma_wait3A_714 = tpu.memref_slice %arg11[%dma_wait3A_711, %dma_wait3A_712, %dma_wait3A_713] : memref<16x16x128xf32, #tpu.memory_space<vmem>> -> memref<1x16x128xf32, #tpu.memory_space<vmem>>
      %dma_wait3A_715 = tpu.memref_squeeze %dma_wait3A_714 : memref<1x16x128xf32, #tpu.memory_space<vmem>> -> memref<16x128xf32, #tpu.memory_space<vmem>>
      %dma_wait3A_716 = arith.constant 0 : i32
      %dma_wait3A_717 = arith.constant 0 : i32
      %dma_wait3A_718 = tpu.memref_slice %arg4[%dma_wait3A_716, %dma_wait3A_717] : memref<16x1000000xf32, #tpu.memory_space<hbm>> -> memref<16x128xf32, #tpu.memory_space<hbm>>
      %dma_wait3A_719 = arith.constant 0 : i32
      %dma_wait3A_720 = arith.constant 0 : i32
      %dma_wait3A_721 = tpu.memref_slice %arg11[%dma_wait3A_711, %dma_wait3A_719, %dma_wait3A_720] : memref<16x16x128xf32, #tpu.memory_space<vmem>> -> memref<1x16x128xf32, #tpu.memory_space<vmem>>
      %dma_wait3A_722 = tpu.memref_squeeze %dma_wait3A_721 : memref<1x16x128xf32, #tpu.memory_space<vmem>> -> memref<16x128xf32, #tpu.memory_space<vmem>>
      %dma_wait3A_723 = arith.constant 0 : i32
      %dma_wait3A_724 = arith.constant 0 : i32
      %dma_wait3A_725 = tpu.memref_slice %arg4[%dma_wait3A_723, %dma_wait3A_724] : memref<16x1000000xf32, #tpu.memory_space<hbm>> -> memref<16x128xf32, #tpu.memory_space<hbm>>
      tpu.wait_dma2 semaphore(%arg16 : memref<!tpu.dma_semaphore, #tpu.memory_space<semaphore_mem>>) src(%dma_wait3A_725 : memref<16x128xf32, #tpu.memory_space<hbm>>) dst(%dma_wait3A_722 : memref<16x128xf32, #tpu.memory_space<vmem>>)
      %dma_wait3A_726 = arith.constant 5 : i32
      %dma_wait3A_727 = arith.constant 0 : i32
      %dma_wait3A_728 = arith.constant 0 : i32
      %dma_wait3A_729 = tpu.memref_slice %arg12[%dma_wait3A_726, %dma_wait3A_727, %dma_wait3A_728] : memref<16x16x128xf32, #tpu.memory_space<vmem>> -> memref<1x16x128xf32, #tpu.memory_space<vmem>>
      %dma_wait3A_730 = tpu.memref_squeeze %dma_wait3A_729 : memref<1x16x128xf32, #tpu.memory_space<vmem>> -> memref<16x128xf32, #tpu.memory_space<vmem>>
      %dma_wait3A_731 = arith.constant 0 : i32
      %dma_wait3A_732 = arith.constant 0 : i32
      %dma_wait3A_733 = tpu.memref_slice %arg5[%dma_wait3A_731, %dma_wait3A_732] : memref<16x1000000xf32, #tpu.memory_space<hbm>> -> memref<16x128xf32, #tpu.memory_space<hbm>>
      %dma_wait3A_734 = arith.constant 0 : i32
      %dma_wait3A_735 = arith.constant 0 : i32
      %dma_wait3A_736 = tpu.memref_slice %arg12[%dma_wait3A_726, %dma_wait3A_734, %dma_wait3A_735] : memref<16x16x128xf32, #tpu.memory_space<vmem>> -> memref<1x16x128xf32, #tpu.memory_space<vmem>>
      %dma_wait3A_737 = tpu.memref_squeeze %dma_wait3A_736 : memref<1x16x128xf32, #tpu.memory_space<vmem>> -> memref<16x128xf32, #tpu.memory_space<vmem>>
      %dma_wait3A_738 = arith.constant 0 : i32
      %dma_wait3A_739 = arith.constant 0 : i32
      %dma_wait3A_740 = tpu.memref_slice %arg5[%dma_wait3A_738, %dma_wait3A_739] : memref<16x1000000xf32, #tpu.memory_space<hbm>> -> memref<16x128xf32, #tpu.memory_space<hbm>>
      tpu.wait_dma2 semaphore(%arg16 : memref<!tpu.dma_semaphore, #tpu.memory_space<semaphore_mem>>) src(%dma_wait3A_740 : memref<16x128xf32, #tpu.memory_space<hbm>>) dst(%dma_wait3A_737 : memref<16x128xf32, #tpu.memory_space<vmem>>)
      %dma_wait3A_741 = arith.constant 6 : i32
      %dma_wait3A_742 = arith.constant 0 : i32
      %dma_wait3A_743 = arith.constant 0 : i32
      %dma_wait3A_744 = tpu.memref_slice %arg11[%dma_wait3A_741, %dma_wait3A_742, %dma_wait3A_743] : memref<16x16x128xf32, #tpu.memory_space<vmem>> -> memref<1x16x128xf32, #tpu.memory_space<vmem>>
      %dma_wait3A_745 = tpu.memref_squeeze %dma_wait3A_744 : memref<1x16x128xf32, #tpu.memory_space<vmem>> -> memref<16x128xf32, #tpu.memory_space<vmem>>
      %dma_wait3A_746 = arith.constant 0 : i32
      %dma_wait3A_747 = arith.constant 0 : i32
      %dma_wait3A_748 = tpu.memref_slice %arg4[%dma_wait3A_746, %dma_wait3A_747] : memref<16x1000000xf32, #tpu.memory_space<hbm>> -> memref<16x128xf32, #tpu.memory_space<hbm>>
      %dma_wait3A_749 = arith.constant 0 : i32
      %dma_wait3A_750 = arith.constant 0 : i32
      %dma_wait3A_751 = tpu.memref_slice %arg11[%dma_wait3A_741, %dma_wait3A_749, %dma_wait3A_750] : memref<16x16x128xf32, #tpu.memory_space<vmem>> -> memref<1x16x128xf32, #tpu.memory_space<vmem>>
      %dma_wait3A_752 = tpu.memref_squeeze %dma_wait3A_751 : memref<1x16x128xf32, #tpu.memory_space<vmem>> -> memref<16x128xf32, #tpu.memory_space<vmem>>
      %dma_wait3A_753 = arith.constant 0 : i32
      %dma_wait3A_754 = arith.constant 0 : i32
      %dma_wait3A_755 = tpu.memref_slice %arg4[%dma_wait3A_753, %dma_wait3A_754] : memref<16x1000000xf32, #tpu.memory_space<hbm>> -> memref<16x128xf32, #tpu.memory_space<hbm>>
      tpu.wait_dma2 semaphore(%arg16 : memref<!tpu.dma_semaphore, #tpu.memory_space<semaphore_mem>>) src(%dma_wait3A_755 : memref<16x128xf32, #tpu.memory_space<hbm>>) dst(%dma_wait3A_752 : memref<16x128xf32, #tpu.memory_space<vmem>>)
      %dma_wait3A_756 = arith.constant 6 : i32
      %dma_wait3A_757 = arith.constant 0 : i32
      %dma_wait3A_758 = arith.constant 0 : i32
      %dma_wait3A_759 = tpu.memref_slice %arg12[%dma_wait3A_756, %dma_wait3A_757, %dma_wait3A_758] : memref<16x16x128xf32, #tpu.memory_space<vmem>> -> memref<1x16x128xf32, #tpu.memory_space<vmem>>
      %dma_wait3A_760 = tpu.memref_squeeze %dma_wait3A_759 : memref<1x16x128xf32, #tpu.memory_space<vmem>> -> memref<16x128xf32, #tpu.memory_space<vmem>>
      %dma_wait3A_761 = arith.constant 0 : i32
      %dma_wait3A_762 = arith.constant 0 : i32
      %dma_wait3A_763 = tpu.memref_slice %arg5[%dma_wait3A_761, %dma_wait3A_762] : memref<16x1000000xf32, #tpu.memory_space<hbm>> -> memref<16x128xf32, #tpu.memory_space<hbm>>
      %dma_wait3A_764 = arith.constant 0 : i32
      %dma_wait3A_765 = arith.constant 0 : i32
      %dma_wait3A_766 = tpu.memref_slice %arg12[%dma_wait3A_756, %dma_wait3A_764, %dma_wait3A_765] : memref<16x16x128xf32, #tpu.memory_space<vmem>> -> memref<1x16x128xf32, #tpu.memory_space<vmem>>
      %dma_wait3A_767 = tpu.memref_squeeze %dma_wait3A_766 : memref<1x16x128xf32, #tpu.memory_space<vmem>> -> memref<16x128xf32, #tpu.memory_space<vmem>>
      %dma_wait3A_768 = arith.constant 0 : i32
      %dma_wait3A_769 = arith.constant 0 : i32
      %dma_wait3A_770 = tpu.memref_slice %arg5[%dma_wait3A_768, %dma_wait3A_769] : memref<16x1000000xf32, #tpu.memory_space<hbm>> -> memref<16x128xf32, #tpu.memory_space<hbm>>
      tpu.wait_dma2 semaphore(%arg16 : memref<!tpu.dma_semaphore, #tpu.memory_space<semaphore_mem>>) src(%dma_wait3A_770 : memref<16x128xf32, #tpu.memory_space<hbm>>) dst(%dma_wait3A_767 : memref<16x128xf32, #tpu.memory_space<vmem>>)
      %dma_wait3A_771 = arith.constant 7 : i32
      %dma_wait3A_772 = arith.constant 0 : i32
      %dma_wait3A_773 = arith.constant 0 : i32
      %dma_wait3A_774 = tpu.memref_slice %arg11[%dma_wait3A_771, %dma_wait3A_772, %dma_wait3A_773] : memref<16x16x128xf32, #tpu.memory_space<vmem>> -> memref<1x16x128xf32, #tpu.memory_space<vmem>>
      %dma_wait3A_775 = tpu.memref_squeeze %dma_wait3A_774 : memref<1x16x128xf32, #tpu.memory_space<vmem>> -> memref<16x128xf32, #tpu.memory_space<vmem>>
      %dma_wait3A_776 = arith.constant 0 : i32
      %dma_wait3A_777 = arith.constant 0 : i32
      %dma_wait3A_778 = tpu.memref_slice %arg4[%dma_wait3A_776, %dma_wait3A_777] : memref<16x1000000xf32, #tpu.memory_space<hbm>> -> memref<16x128xf32, #tpu.memory_space<hbm>>
      %dma_wait3A_779 = arith.constant 0 : i32
      %dma_wait3A_780 = arith.constant 0 : i32
      %dma_wait3A_781 = tpu.memref_slice %arg11[%dma_wait3A_771, %dma_wait3A_779, %dma_wait3A_780] : memref<16x16x128xf32, #tpu.memory_space<vmem>> -> memref<1x16x128xf32, #tpu.memory_space<vmem>>
      %dma_wait3A_782 = tpu.memref_squeeze %dma_wait3A_781 : memref<1x16x128xf32, #tpu.memory_space<vmem>> -> memref<16x128xf32, #tpu.memory_space<vmem>>
      %dma_wait3A_783 = arith.constant 0 : i32
      %dma_wait3A_784 = arith.constant 0 : i32
      %dma_wait3A_785 = tpu.memref_slice %arg4[%dma_wait3A_783, %dma_wait3A_784] : memref<16x1000000xf32, #tpu.memory_space<hbm>> -> memref<16x128xf32, #tpu.memory_space<hbm>>
      tpu.wait_dma2 semaphore(%arg16 : memref<!tpu.dma_semaphore, #tpu.memory_space<semaphore_mem>>) src(%dma_wait3A_785 : memref<16x128xf32, #tpu.memory_space<hbm>>) dst(%dma_wait3A_782 : memref<16x128xf32, #tpu.memory_space<vmem>>)
      %dma_wait3A_786 = arith.constant 7 : i32
      %dma_wait3A_787 = arith.constant 0 : i32
      %dma_wait3A_788 = arith.constant 0 : i32
      %dma_wait3A_789 = tpu.memref_slice %arg12[%dma_wait3A_786, %dma_wait3A_787, %dma_wait3A_788] : memref<16x16x128xf32, #tpu.memory_space<vmem>> -> memref<1x16x128xf32, #tpu.memory_space<vmem>>
      %dma_wait3A_790 = tpu.memref_squeeze %dma_wait3A_789 : memref<1x16x128xf32, #tpu.memory_space<vmem>> -> memref<16x128xf32, #tpu.memory_space<vmem>>
      %dma_wait3A_791 = arith.constant 0 : i32
      %dma_wait3A_792 = arith.constant 0 : i32
      %dma_wait3A_793 = tpu.memref_slice %arg5[%dma_wait3A_791, %dma_wait3A_792] : memref<16x1000000xf32, #tpu.memory_space<hbm>> -> memref<16x128xf32, #tpu.memory_space<hbm>>
      %dma_wait3A_794 = arith.constant 0 : i32
      %dma_wait3A_795 = arith.constant 0 : i32
      %dma_wait3A_796 = tpu.memref_slice %arg12[%dma_wait3A_786, %dma_wait3A_794, %dma_wait3A_795] : memref<16x16x128xf32, #tpu.memory_space<vmem>> -> memref<1x16x128xf32, #tpu.memory_space<vmem>>
      %dma_wait3A_797 = tpu.memref_squeeze %dma_wait3A_796 : memref<1x16x128xf32, #tpu.memory_space<vmem>> -> memref<16x128xf32, #tpu.memory_space<vmem>>
      %dma_wait3A_798 = arith.constant 0 : i32
      %dma_wait3A_799 = arith.constant 0 : i32
      %dma_wait3A_800 = tpu.memref_slice %arg5[%dma_wait3A_798, %dma_wait3A_799] : memref<16x1000000xf32, #tpu.memory_space<hbm>> -> memref<16x128xf32, #tpu.memory_space<hbm>>
      tpu.wait_dma2 semaphore(%arg16 : memref<!tpu.dma_semaphore, #tpu.memory_space<semaphore_mem>>) src(%dma_wait3A_800 : memref<16x128xf32, #tpu.memory_space<hbm>>) dst(%dma_wait3A_797 : memref<16x128xf32, #tpu.memory_space<vmem>>)
      %slice3A_801 = vector.extract_strided_slice %get3A_283 {offsets = [0], sizes = [1], strides = [1]} : vector<16xi32> to vector<1xi32>
      %squeeze3A_802 = vector.extract %slice3A_801[0] : i32 from vector<1xi32>
      %and3A_803 = arith.constant 127 : i32
      %and3A_804 = arith.andi %squeeze3A_802, %and3A_803 : i32
      %add3A_805 = vector.broadcast %and3A_804 : i32 to vector<16xi32>
      %add3A_806 = arith.addi %broadcast_in_dim3A_3, %add3A_805 : vector<16xi32>
      %add3A_807 = arith.constant 0 : i32
      %add3A_808 = vector.broadcast %add3A_807 : i32 to vector<16xi32>
      %add3A_809 = arith.addi %broadcast_in_dim3A_3, %add3A_808 : vector<16xi32>
      %gather3A = tpu.vector_load_idx %arg11[%add3A_809, %iota3A, %add3A_806] : memref<16x16x128xf32, #tpu.memory_space<vmem>>[vector<16xi32>, vector<16xi32>, vector<16xi32>], vector<16xf32>,
      %gather3A_810 = tpu.vector_load_idx %arg12[%add3A_809, %iota3A, %add3A_806] : memref<16x16x128xf32, #tpu.memory_space<vmem>>[vector<16xi32>, vector<16xi32>, vector<16xi32>], vector<16xf32>,
      %ge3A = arith.constant 999936 : i32
      %ge3A_811 = arith.cmpi sge, %squeeze3A_802, %ge3A : i32
      %sub3A_812 = arith.constant 999936 : i32
      %sub3A_813 = arith.subi %squeeze3A_802, %sub3A_812 : i32
      %max3A = arith.constant 0 : i32
      %max3A_814 = arith.maxsi %sub3A_813, %max3A : i32
      %get3A_815 = arith.index_cast %max3A_814 : i32 to index
      %get3A_816 = arith.constant 0 : index
      %get3A_817 = tpu.vector_load %arg13[%get3A_815, %get3A_816] {strides = array<i32>} : memref<64x16xf32, #tpu.memory_space<vmem>>, vector<16xf32>,
      %select_n3A = arith.select %ge3A_811, %get3A_817, %gather3A : vector<16xf32>
      %get3A_818 = arith.index_cast %max3A_814 : i32 to index
      %get3A_819 = arith.constant 0 : index
      %get3A_820 = tpu.vector_load %arg14[%get3A_818, %get3A_819] {strides = array<i32>} : memref<64x16xf32, #tpu.memory_space<vmem>>, vector<16xf32>,
      %select_n3A_821 = arith.select %ge3A_811, %get3A_820, %gather3A_810 : vector<16xf32>
      %slice3A_822 = vector.extract_strided_slice %get3A_289 {offsets = [0], sizes = [1], strides = [1]} : vector<16xf32> to vector<1xf32>
      %squeeze3A_823 = vector.extract %slice3A_822[0] : f32 from vector<1xf32>
      %mul3A_824 = vector.broadcast %squeeze3A_823 : f32 to vector<16xf32>
      %mul3A_825 = arith.mulf %mul3A_824, %select_n3A : vector<16xf32>
      %add3A_826 = arith.addf %mul3A_825, %select_n3A_821 : vector<16xf32>
      %mul3A_827 = arith.constant 0.159154937 : f32
      %mul3A_828 = vector.broadcast %mul3A_827 : f32 to vector<16xf32>
      %mul3A_829 = arith.mulf %add3A_826, %mul3A_828 : vector<16xf32>
      %add3A_830 = arith.constant 0x4B400000 : f32
      %add3A_831 = vector.broadcast %add3A_830 : f32 to vector<16xf32>
      %add3A_832 = arith.addf %mul3A_829, %add3A_831 : vector<16xf32>
      %sub3A_833 = arith.constant 0x4B400000 : f32
      %sub3A_834 = vector.broadcast %sub3A_833 : f32 to vector<16xf32>
      %sub3A_835 = arith.subf %add3A_832, %sub3A_834 : vector<16xf32>
      %mul3A_836 = arith.constant 2 : i32
      %mul3A_837 = arith.muli %scan3A_277, %mul3A_836 : i32
      %mul3A_838 = arith.constant 8 : i32
      %mul3A_839 = arith.muli %mul3A_837, %mul3A_838 : i32
      %add3A_840 = arith.constant 0 : i32
      %add3A_841 = arith.addi %mul3A_839, %add3A_840 : i32
      %sub3A_842 = arith.subf %mul3A_829, %sub3A_835 : vector<16xf32>
      %mul3A_843 = arith.mulf %sub3A_842, %sub3A_842 : vector<16xf32>
      %mul3A_844 = arith.constant -1.45311236 : f32
      %mul3A_845 = vector.broadcast %mul3A_844 : f32 to vector<16xf32>
      %mul3A_846 = arith.mulf %mul3A_845, %mul3A_843 : vector<16xf32>
      %add3A_847 = arith.constant 7.80013132 : f32
      %add3A_848 = vector.broadcast %add3A_847 : f32 to vector<16xf32>
      %add3A_849 = arith.addf %mul3A_846, %add3A_848 : vector<16xf32>
      %mul3A_850 = arith.mulf %add3A_849, %mul3A_843 : vector<16xf32>
      %add3A_851 = arith.constant -26.4046688 : f32
      %add3A_852 = vector.broadcast %add3A_851 : f32 to vector<16xf32>
      %add3A_853 = arith.addf %mul3A_850, %add3A_852 : vector<16xf32>
      %mul3A_854 = arith.mulf %add3A_853, %mul3A_843 : vector<16xf32>
      %add3A_855 = arith.constant 60.2421303 : f32
      %add3A_856 = vector.broadcast %add3A_855 : f32 to vector<16xf32>
      %add3A_857 = arith.addf %mul3A_854, %add3A_856 : vector<16xf32>
      %mul3A_858 = arith.mulf %add3A_857, %mul3A_843 : vector<16xf32>
      %add3A_859 = arith.constant -85.4566574 : f32
      %add3A_860 = vector.broadcast %add3A_859 : f32 to vector<16xf32>
      %add3A_861 = arith.addf %mul3A_858, %add3A_860 : vector<16xf32>
      %mul3A_862 = arith.mulf %add3A_861, %mul3A_843 : vector<16xf32>
      %add3A_863 = arith.constant 64.9393921 : f32
      %add3A_864 = vector.broadcast %add3A_863 : f32 to vector<16xf32>
      %add3A_865 = arith.addf %mul3A_862, %add3A_864 : vector<16xf32>
      %mul3A_866 = arith.mulf %add3A_865, %mul3A_843 : vector<16xf32>
      %add3A_867 = arith.constant -19.7392082 : f32
      %add3A_868 = vector.broadcast %add3A_867 : f32 to vector<16xf32>
      %add3A_869 = arith.addf %mul3A_866, %add3A_868 : vector<16xf32>
      %mul3A_870 = arith.mulf %add3A_869, %mul3A_843 : vector<16xf32>
      %add3A_871 = arith.constant 1.000000e+00 : f32
      %add3A_872 = vector.broadcast %add3A_871 : f32 to vector<16xf32>
      %add3A_873 = arith.addf %mul3A_870, %add3A_872 : vector<16xf32>
      %mul3A_874 = arith.constant 16 : i32
      %mul3A_875 = arith.muli %add3A_841, %mul3A_874 : i32
      %swap3A = arith.index_cast %mul3A_875 : i32 to index
      %swap3A_876 = tpu.vector_load %arg15[%swap3A] {strides = array<i32>} : memref<8192xf32, #tpu.memory_space<vmem>>, vector<16xf32>,
      tpu.vector_store %arg15[%swap3A], %add3A_873 {strides = array<i32>} : memref<8192xf32, #tpu.memory_space<vmem>>, vector<16xf32>,
      %slice3A_877 = vector.extract_strided_slice %get3A_283 {offsets = [1], sizes = [1], strides = [1]} : vector<16xi32> to vector<1xi32>
      %squeeze3A_878 = vector.extract %slice3A_877[0] : i32 from vector<1xi32>
      %and3A_879 = arith.constant 127 : i32
      %and3A_880 = arith.andi %squeeze3A_878, %and3A_879 : i32
      %add3A_881 = vector.broadcast %and3A_880 : i32 to vector<16xi32>
      %add3A_882 = arith.addi %broadcast_in_dim3A_3, %add3A_881 : vector<16xi32>
      %add3A_883 = arith.constant 1 : i32
      %add3A_884 = vector.broadcast %add3A_883 : i32 to vector<16xi32>
      %add3A_885 = arith.addi %broadcast_in_dim3A_3, %add3A_884 : vector<16xi32>
      %gather3A_886 = tpu.vector_load_idx %arg11[%add3A_885, %iota3A, %add3A_882] : memref<16x16x128xf32, #tpu.memory_space<vmem>>[vector<16xi32>, vector<16xi32>, vector<16xi32>], vector<16xf32>,
      %gather3A_887 = tpu.vector_load_idx %arg12[%add3A_885, %iota3A, %add3A_882] : memref<16x16x128xf32, #tpu.memory_space<vmem>>[vector<16xi32>, vector<16xi32>, vector<16xi32>], vector<16xf32>,
      %ge3A_888 = arith.constant 999936 : i32
      %ge3A_889 = arith.cmpi sge, %squeeze3A_878, %ge3A_888 : i32
      %sub3A_890 = arith.constant 999936 : i32
      %sub3A_891 = arith.subi %squeeze3A_878, %sub3A_890 : i32
      %max3A_892 = arith.constant 0 : i32
      %max3A_893 = arith.maxsi %sub3A_891, %max3A_892 : i32
      %get3A_894 = arith.index_cast %max3A_893 : i32 to index
      %get3A_895 = arith.constant 0 : index
      %get3A_896 = tpu.vector_load %arg13[%get3A_894, %get3A_895] {strides = array<i32>} : memref<64x16xf32, #tpu.memory_space<vmem>>, vector<16xf32>,
      %select_n3A_897 = arith.select %ge3A_889, %get3A_896, %gather3A_886 : vector<16xf32>
      %get3A_898 = arith.index_cast %max3A_893 : i32 to index
      %get3A_899 = arith.constant 0 : index
      %get3A_900 = tpu.vector_load %arg14[%get3A_898, %get3A_899] {strides = array<i32>} : memref<64x16xf32, #tpu.memory_space<vmem>>, vector<16xf32>,
      %select_n3A_901 = arith.select %ge3A_889, %get3A_900, %gather3A_887 : vector<16xf32>
      %slice3A_902 = vector.extract_strided_slice %get3A_289 {offsets = [1], sizes = [1], strides = [1]} : vector<16xf32> to vector<1xf32>
      %squeeze3A_903 = vector.extract %slice3A_902[0] : f32 from vector<1xf32>
      %mul3A_904 = vector.broadcast %squeeze3A_903 : f32 to vector<16xf32>
      %mul3A_905 = arith.mulf %mul3A_904, %select_n3A_897 : vector<16xf32>
      %add3A_906 = arith.addf %mul3A_905, %select_n3A_901 : vector<16xf32>
      %mul3A_907 = arith.constant 0.159154937 : f32
      %mul3A_908 = vector.broadcast %mul3A_907 : f32 to vector<16xf32>
      %mul3A_909 = arith.mulf %add3A_906, %mul3A_908 : vector<16xf32>
      %add3A_910 = arith.constant 0x4B400000 : f32
      %add3A_911 = vector.broadcast %add3A_910 : f32 to vector<16xf32>
      %add3A_912 = arith.addf %mul3A_909, %add3A_911 : vector<16xf32>
      %sub3A_913 = arith.constant 0x4B400000 : f32
      %sub3A_914 = vector.broadcast %sub3A_913 : f32 to vector<16xf32>
      %sub3A_915 = arith.subf %add3A_912, %sub3A_914 : vector<16xf32>
      %mul3A_916 = arith.constant 2 : i32
      %mul3A_917 = arith.muli %scan3A_277, %mul3A_916 : i32
      %mul3A_918 = arith.constant 8 : i32
      %mul3A_919 = arith.muli %mul3A_917, %mul3A_918 : i32
      %add3A_920 = arith.constant 1 : i32
      %add3A_921 = arith.addi %mul3A_919, %add3A_920 : i32
      %sub3A_922 = arith.subf %mul3A_909, %sub3A_915 : vector<16xf32>
      %mul3A_923 = arith.mulf %sub3A_922, %sub3A_922 : vector<16xf32>
      %mul3A_924 = arith.constant -1.45311236 : f32
      %mul3A_925 = vector.broadcast %mul3A_924 : f32 to vector<16xf32>
      %mul3A_926 = arith.mulf %mul3A_925, %mul3A_923 : vector<16xf32>
      %add3A_927 = arith.constant 7.80013132 : f32
      %add3A_928 = vector.broadcast %add3A_927 : f32 to vector<16xf32>
      %add3A_929 = arith.addf %mul3A_926, %add3A_928 : vector<16xf32>
      %mul3A_930 = arith.mulf %add3A_929, %mul3A_923 : vector<16xf32>
      %add3A_931 = arith.constant -26.4046688 : f32
      %add3A_932 = vector.broadcast %add3A_931 : f32 to vector<16xf32>
      %add3A_933 = arith.addf %mul3A_930, %add3A_932 : vector<16xf32>
      %mul3A_934 = arith.mulf %add3A_933, %mul3A_923 : vector<16xf32>
      %add3A_935 = arith.constant 60.2421303 : f32
      %add3A_936 = vector.broadcast %add3A_935 : f32 to vector<16xf32>
      %add3A_937 = arith.addf %mul3A_934, %add3A_936 : vector<16xf32>
      %mul3A_938 = arith.mulf %add3A_937, %mul3A_923 : vector<16xf32>
      %add3A_939 = arith.constant -85.4566574 : f32
      %add3A_940 = vector.broadcast %add3A_939 : f32 to vector<16xf32>
      %add3A_941 = arith.addf %mul3A_938, %add3A_940 : vector<16xf32>
      %mul3A_942 = arith.mulf %add3A_941, %mul3A_923 : vector<16xf32>
      %add3A_943 = arith.constant 64.9393921 : f32
      %add3A_944 = vector.broadcast %add3A_943 : f32 to vector<16xf32>
      %add3A_945 = arith.addf %mul3A_942, %add3A_944 : vector<16xf32>
      %mul3A_946 = arith.mulf %add3A_945, %mul3A_923 : vector<16xf32>
      %add3A_947 = arith.constant -19.7392082 : f32
      %add3A_948 = vector.broadcast %add3A_947 : f32 to vector<16xf32>
      %add3A_949 = arith.addf %mul3A_946, %add3A_948 : vector<16xf32>
      %mul3A_950 = arith.mulf %add3A_949, %mul3A_923 : vector<16xf32>
      %add3A_951 = arith.constant 1.000000e+00 : f32
      %add3A_952 = vector.broadcast %add3A_951 : f32 to vector<16xf32>
      %add3A_953 = arith.addf %mul3A_950, %add3A_952 : vector<16xf32>
      %mul3A_954 = arith.constant 16 : i32
      %mul3A_955 = arith.muli %add3A_921, %mul3A_954 : i32
      %swap3A_956 = arith.index_cast %mul3A_955 : i32 to index
      %swap3A_957 = tpu.vector_load %arg15[%swap3A_956] {strides = array<i32>} : memref<8192xf32, #tpu.memory_space<vmem>>, vector<16xf32>,
      tpu.vector_store %arg15[%swap3A_956], %add3A_953 {strides = array<i32>} : memref<8192xf32, #tpu.memory_space<vmem>>, vector<16xf32>,
      %slice3A_958 = vector.extract_strided_slice %get3A_283 {offsets = [2], sizes = [1], strides = [1]} : vector<16xi32> to vector<1xi32>
      %squeeze3A_959 = vector.extract %slice3A_958[0] : i32 from vector<1xi32>
      %and3A_960 = arith.constant 127 : i32
      %and3A_961 = arith.andi %squeeze3A_959, %and3A_960 : i32
      %add3A_962 = vector.broadcast %and3A_961 : i32 to vector<16xi32>
      %add3A_963 = arith.addi %broadcast_in_dim3A_3, %add3A_962 : vector<16xi32>
      %add3A_964 = arith.constant 2 : i32
      %add3A_965 = vector.broadcast %add3A_964 : i32 to vector<16xi32>
      %add3A_966 = arith.addi %broadcast_in_dim3A_3, %add3A_965 : vector<16xi32>
      %gather3A_967 = tpu.vector_load_idx %arg11[%add3A_966, %iota3A, %add3A_963] : memref<16x16x128xf32, #tpu.memory_space<vmem>>[vector<16xi32>, vector<16xi32>, vector<16xi32>], vector<16xf32>,
      %gather3A_968 = tpu.vector_load_idx %arg12[%add3A_966, %iota3A, %add3A_963] : memref<16x16x128xf32, #tpu.memory_space<vmem>>[vector<16xi32>, vector<16xi32>, vector<16xi32>], vector<16xf32>,
      %ge3A_969 = arith.constant 999936 : i32
      %ge3A_970 = arith.cmpi sge, %squeeze3A_959, %ge3A_969 : i32
      %sub3A_971 = arith.constant 999936 : i32
      %sub3A_972 = arith.subi %squeeze3A_959, %sub3A_971 : i32
      %max3A_973 = arith.constant 0 : i32
      %max3A_974 = arith.maxsi %sub3A_972, %max3A_973 : i32
      %get3A_975 = arith.index_cast %max3A_974 : i32 to index
      %get3A_976 = arith.constant 0 : index
      %get3A_977 = tpu.vector_load %arg13[%get3A_975, %get3A_976] {strides = array<i32>} : memref<64x16xf32, #tpu.memory_space<vmem>>, vector<16xf32>,
      %select_n3A_978 = arith.select %ge3A_970, %get3A_977, %gather3A_967 : vector<16xf32>
      %get3A_979 = arith.index_cast %max3A_974 : i32 to index
      %get3A_980 = arith.constant 0 : index
      %get3A_981 = tpu.vector_load %arg14[%get3A_979, %get3A_980] {strides = array<i32>} : memref<64x16xf32, #tpu.memory_space<vmem>>, vector<16xf32>,
      %select_n3A_982 = arith.select %ge3A_970, %get3A_981, %gather3A_968 : vector<16xf32>
      %slice3A_983 = vector.extract_strided_slice %get3A_289 {offsets = [2], sizes = [1], strides = [1]} : vector<16xf32> to vector<1xf32>
      %squeeze3A_984 = vector.extract %slice3A_983[0] : f32 from vector<1xf32>
      %mul3A_985 = vector.broadcast %squeeze3A_984 : f32 to vector<16xf32>
      %mul3A_986 = arith.mulf %mul3A_985, %select_n3A_978 : vector<16xf32>
      %add3A_987 = arith.addf %mul3A_986, %select_n3A_982 : vector<16xf32>
      %mul3A_988 = arith.constant 0.159154937 : f32
      %mul3A_989 = vector.broadcast %mul3A_988 : f32 to vector<16xf32>
      %mul3A_990 = arith.mulf %add3A_987, %mul3A_989 : vector<16xf32>
      %add3A_991 = arith.constant 0x4B400000 : f32
      %add3A_992 = vector.broadcast %add3A_991 : f32 to vector<16xf32>
      %add3A_993 = arith.addf %mul3A_990, %add3A_992 : vector<16xf32>
      %sub3A_994 = arith.constant 0x4B400000 : f32
      %sub3A_995 = vector.broadcast %sub3A_994 : f32 to vector<16xf32>
      %sub3A_996 = arith.subf %add3A_993, %sub3A_995 : vector<16xf32>
      %mul3A_997 = arith.constant 2 : i32
      %mul3A_998 = arith.muli %scan3A_277, %mul3A_997 : i32
      %mul3A_999 = arith.constant 8 : i32
      %mul3A_1000 = arith.muli %mul3A_998, %mul3A_999 : i32
      %add3A_1001 = arith.constant 2 : i32
      %add3A_1002 = arith.addi %mul3A_1000, %add3A_1001 : i32
      %sub3A_1003 = arith.subf %mul3A_990, %sub3A_996 : vector<16xf32>
      %mul3A_1004 = arith.mulf %sub3A_1003, %sub3A_1003 : vector<16xf32>
      %mul3A_1005 = arith.constant -1.45311236 : f32
      %mul3A_1006 = vector.broadcast %mul3A_1005 : f32 to vector<16xf32>
      %mul3A_1007 = arith.mulf %mul3A_1006, %mul3A_1004 : vector<16xf32>
      %add3A_1008 = arith.constant 7.80013132 : f32
      %add3A_1009 = vector.broadcast %add3A_1008 : f32 to vector<16xf32>
      %add3A_1010 = arith.addf %mul3A_1007, %add3A_1009 : vector<16xf32>
      %mul3A_1011 = arith.mulf %add3A_1010, %mul3A_1004 : vector<16xf32>
      %add3A_1012 = arith.constant -26.4046688 : f32
      %add3A_1013 = vector.broadcast %add3A_1012 : f32 to vector<16xf32>
      %add3A_1014 = arith.addf %mul3A_1011, %add3A_1013 : vector<16xf32>
      %mul3A_1015 = arith.mulf %add3A_1014, %mul3A_1004 : vector<16xf32>
      %add3A_1016 = arith.constant 60.2421303 : f32
      %add3A_1017 = vector.broadcast %add3A_1016 : f32 to vector<16xf32>
      %add3A_1018 = arith.addf %mul3A_1015, %add3A_1017 : vector<16xf32>
      %mul3A_1019 = arith.mulf %add3A_1018, %mul3A_1004 : vector<16xf32>
      %add3A_1020 = arith.constant -85.4566574 : f32
      %add3A_1021 = vector.broadcast %add3A_1020 : f32 to vector<16xf32>
      %add3A_1022 = arith.addf %mul3A_1019, %add3A_1021 : vector<16xf32>
      %mul3A_1023 = arith.mulf %add3A_1022, %mul3A_1004 : vector<16xf32>
      %add3A_1024 = arith.constant 64.9393921 : f32
      %add3A_1025 = vector.broadcast %add3A_1024 : f32 to vector<16xf32>
      %add3A_1026 = arith.addf %mul3A_1023, %add3A_1025 : vector<16xf32>
      %mul3A_1027 = arith.mulf %add3A_1026, %mul3A_1004 : vector<16xf32>
      %add3A_1028 = arith.constant -19.7392082 : f32
      %add3A_1029 = vector.broadcast %add3A_1028 : f32 to vector<16xf32>
      %add3A_1030 = arith.addf %mul3A_1027, %add3A_1029 : vector<16xf32>
      %mul3A_1031 = arith.mulf %add3A_1030, %mul3A_1004 : vector<16xf32>
      %add3A_1032 = arith.constant 1.000000e+00 : f32
      %add3A_1033 = vector.broadcast %add3A_1032 : f32 to vector<16xf32>
      %add3A_1034 = arith.addf %mul3A_1031, %add3A_1033 : vector<16xf32>
      %mul3A_1035 = arith.constant 16 : i32
      %mul3A_1036 = arith.muli %add3A_1002, %mul3A_1035 : i32
      %swap3A_1037 = arith.index_cast %mul3A_1036 : i32 to index
      %swap3A_1038 = tpu.vector_load %arg15[%swap3A_1037] {strides = array<i32>} : memref<8192xf32, #tpu.memory_space<vmem>>, vector<16xf32>,
      tpu.vector_store %arg15[%swap3A_1037], %add3A_1034 {strides = array<i32>} : memref<8192xf32, #tpu.memory_space<vmem>>, vector<16xf32>,
      %slice3A_1039 = vector.extract_strided_slice %get3A_283 {offsets = [3], sizes = [1], strides = [1]} : vector<16xi32> to vector<1xi32>
      %squeeze3A_1040 = vector.extract %slice3A_1039[0] : i32 from vector<1xi32>
      %and3A_1041 = arith.constant 127 : i32
      %and3A_1042 = arith.andi %squeeze3A_1040, %and3A_1041 : i32
      %add3A_1043 = vector.broadcast %and3A_1042 : i32 to vector<16xi32>
      %add3A_1044 = arith.addi %broadcast_in_dim3A_3, %add3A_1043 : vector<16xi32>
      %add3A_1045 = arith.constant 3 : i32
      %add3A_1046 = vector.broadcast %add3A_1045 : i32 to vector<16xi32>
      %add3A_1047 = arith.addi %broadcast_in_dim3A_3, %add3A_1046 : vector<16xi32>
      %gather3A_1048 = tpu.vector_load_idx %arg11[%add3A_1047, %iota3A, %add3A_1044] : memref<16x16x128xf32, #tpu.memory_space<vmem>>[vector<16xi32>, vector<16xi32>, vector<16xi32>], vector<16xf32>,
      %gather3A_1049 = tpu.vector_load_idx %arg12[%add3A_1047, %iota3A, %add3A_1044] : memref<16x16x128xf32, #tpu.memory_space<vmem>>[vector<16xi32>, vector<16xi32>, vector<16xi32>], vector<16xf32>,
      %ge3A_1050 = arith.constant 999936 : i32
      %ge3A_1051 = arith.cmpi sge, %squeeze3A_1040, %ge3A_1050 : i32
      %sub3A_1052 = arith.constant 999936 : i32
      %sub3A_1053 = arith.subi %squeeze3A_1040, %sub3A_1052 : i32
      %max3A_1054 = arith.constant 0 : i32
      %max3A_1055 = arith.maxsi %sub3A_1053, %max3A_1054 : i32
      %get3A_1056 = arith.index_cast %max3A_1055 : i32 to index
      %get3A_1057 = arith.constant 0 : index
      %get3A_1058 = tpu.vector_load %arg13[%get3A_1056, %get3A_1057] {strides = array<i32>} : memref<64x16xf32, #tpu.memory_space<vmem>>, vector<16xf32>,
      %select_n3A_1059 = arith.select %ge3A_1051, %get3A_1058, %gather3A_1048 : vector<16xf32>
      %get3A_1060 = arith.index_cast %max3A_1055 : i32 to index
      %get3A_1061 = arith.constant 0 : index
      %get3A_1062 = tpu.vector_load %arg14[%get3A_1060, %get3A_1061] {strides = array<i32>} : memref<64x16xf32, #tpu.memory_space<vmem>>, vector<16xf32>,
      %select_n3A_1063 = arith.select %ge3A_1051, %get3A_1062, %gather3A_1049 : vector<16xf32>
      %slice3A_1064 = vector.extract_strided_slice %get3A_289 {offsets = [3], sizes = [1], strides = [1]} : vector<16xf32> to vector<1xf32>
      %squeeze3A_1065 = vector.extract %slice3A_1064[0] : f32 from vector<1xf32>
      %mul3A_1066 = vector.broadcast %squeeze3A_1065 : f32 to vector<16xf32>
      %mul3A_1067 = arith.mulf %mul3A_1066, %select_n3A_1059 : vector<16xf32>
      %add3A_1068 = arith.addf %mul3A_1067, %select_n3A_1063 : vector<16xf32>
      %mul3A_1069 = arith.constant 0.159154937 : f32
      %mul3A_1070 = vector.broadcast %mul3A_1069 : f32 to vector<16xf32>
      %mul3A_1071 = arith.mulf %add3A_1068, %mul3A_1070 : vector<16xf32>
      %add3A_1072 = arith.constant 0x4B400000 : f32
      %add3A_1073 = vector.broadcast %add3A_1072 : f32 to vector<16xf32>
      %add3A_1074 = arith.addf %mul3A_1071, %add3A_1073 : vector<16xf32>
      %sub3A_1075 = arith.constant 0x4B400000 : f32
      %sub3A_1076 = vector.broadcast %sub3A_1075 : f32 to vector<16xf32>
      %sub3A_1077 = arith.subf %add3A_1074, %sub3A_1076 : vector<16xf32>
      %mul3A_1078 = arith.constant 2 : i32
      %mul3A_1079 = arith.muli %scan3A_277, %mul3A_1078 : i32
      %mul3A_1080 = arith.constant 8 : i32
      %mul3A_1081 = arith.muli %mul3A_1079, %mul3A_1080 : i32
      %add3A_1082 = arith.constant 3 : i32
      %add3A_1083 = arith.addi %mul3A_1081, %add3A_1082 : i32
      %sub3A_1084 = arith.subf %mul3A_1071, %sub3A_1077 : vector<16xf32>
      %mul3A_1085 = arith.mulf %sub3A_1084, %sub3A_1084 : vector<16xf32>
      %mul3A_1086 = arith.constant -1.45311236 : f32
      %mul3A_1087 = vector.broadcast %mul3A_1086 : f32 to vector<16xf32>
      %mul3A_1088 = arith.mulf %mul3A_1087, %mul3A_1085 : vector<16xf32>
      %add3A_1089 = arith.constant 7.80013132 : f32
      %add3A_1090 = vector.broadcast %add3A_1089 : f32 to vector<16xf32>
      %add3A_1091 = arith.addf %mul3A_1088, %add3A_1090 : vector<16xf32>
      %mul3A_1092 = arith.mulf %add3A_1091, %mul3A_1085 : vector<16xf32>
      %add3A_1093 = arith.constant -26.4046688 : f32
      %add3A_1094 = vector.broadcast %add3A_1093 : f32 to vector<16xf32>
      %add3A_1095 = arith.addf %mul3A_1092, %add3A_1094 : vector<16xf32>
      %mul3A_1096 = arith.mulf %add3A_1095, %mul3A_1085 : vector<16xf32>
      %add3A_1097 = arith.constant 60.2421303 : f32
      %add3A_1098 = vector.broadcast %add3A_1097 : f32 to vector<16xf32>
      %add3A_1099 = arith.addf %mul3A_1096, %add3A_1098 : vector<16xf32>
      %mul3A_1100 = arith.mulf %add3A_1099, %mul3A_1085 : vector<16xf32>
      %add3A_1101 = arith.constant -85.4566574 : f32
      %add3A_1102 = vector.broadcast %add3A_1101 : f32 to vector<16xf32>
      %add3A_1103 = arith.addf %mul3A_1100, %add3A_1102 : vector<16xf32>
      %mul3A_1104 = arith.mulf %add3A_1103, %mul3A_1085 : vector<16xf32>
      %add3A_1105 = arith.constant 64.9393921 : f32
      %add3A_1106 = vector.broadcast %add3A_1105 : f32 to vector<16xf32>
      %add3A_1107 = arith.addf %mul3A_1104, %add3A_1106 : vector<16xf32>
      %mul3A_1108 = arith.mulf %add3A_1107, %mul3A_1085 : vector<16xf32>
      %add3A_1109 = arith.constant -19.7392082 : f32
      %add3A_1110 = vector.broadcast %add3A_1109 : f32 to vector<16xf32>
      %add3A_1111 = arith.addf %mul3A_1108, %add3A_1110 : vector<16xf32>
      %mul3A_1112 = arith.mulf %add3A_1111, %mul3A_1085 : vector<16xf32>
      %add3A_1113 = arith.constant 1.000000e+00 : f32
      %add3A_1114 = vector.broadcast %add3A_1113 : f32 to vector<16xf32>
      %add3A_1115 = arith.addf %mul3A_1112, %add3A_1114 : vector<16xf32>
      %mul3A_1116 = arith.constant 16 : i32
      %mul3A_1117 = arith.muli %add3A_1083, %mul3A_1116 : i32
      %swap3A_1118 = arith.index_cast %mul3A_1117 : i32 to index
      %swap3A_1119 = tpu.vector_load %arg15[%swap3A_1118] {strides = array<i32>} : memref<8192xf32, #tpu.memory_space<vmem>>, vector<16xf32>,
      tpu.vector_store %arg15[%swap3A_1118], %add3A_1115 {strides = array<i32>} : memref<8192xf32, #tpu.memory_space<vmem>>, vector<16xf32>,
      %slice3A_1120 = vector.extract_strided_slice %get3A_283 {offsets = [4], sizes = [1], strides = [1]} : vector<16xi32> to vector<1xi32>
      %squeeze3A_1121 = vector.extract %slice3A_1120[0] : i32 from vector<1xi32>
      %and3A_1122 = arith.constant 127 : i32
      %and3A_1123 = arith.andi %squeeze3A_1121, %and3A_1122 : i32
      %add3A_1124 = vector.broadcast %and3A_1123 : i32 to vector<16xi32>
      %add3A_1125 = arith.addi %broadcast_in_dim3A_3, %add3A_1124 : vector<16xi32>
      %add3A_1126 = arith.constant 4 : i32
      %add3A_1127 = vector.broadcast %add3A_1126 : i32 to vector<16xi32>
      %add3A_1128 = arith.addi %broadcast_in_dim3A_3, %add3A_1127 : vector<16xi32>
      %gather3A_1129 = tpu.vector_load_idx %arg11[%add3A_1128, %iota3A, %add3A_1125] : memref<16x16x128xf32, #tpu.memory_space<vmem>>[vector<16xi32>, vector<16xi32>, vector<16xi32>], vector<16xf32>,
      %gather3A_1130 = tpu.vector_load_idx %arg12[%add3A_1128, %iota3A, %add3A_1125] : memref<16x16x128xf32, #tpu.memory_space<vmem>>[vector<16xi32>, vector<16xi32>, vector<16xi32>], vector<16xf32>,
      %ge3A_1131 = arith.constant 999936 : i32
      %ge3A_1132 = arith.cmpi sge, %squeeze3A_1121, %ge3A_1131 : i32
      %sub3A_1133 = arith.constant 999936 : i32
      %sub3A_1134 = arith.subi %squeeze3A_1121, %sub3A_1133 : i32
      %max3A_1135 = arith.constant 0 : i32
      %max3A_1136 = arith.maxsi %sub3A_1134, %max3A_1135 : i32
      %get3A_1137 = arith.index_cast %max3A_1136 : i32 to index
      %get3A_1138 = arith.constant 0 : index
      %get3A_1139 = tpu.vector_load %arg13[%get3A_1137, %get3A_1138] {strides = array<i32>} : memref<64x16xf32, #tpu.memory_space<vmem>>, vector<16xf32>,
      %select_n3A_1140 = arith.select %ge3A_1132, %get3A_1139, %gather3A_1129 : vector<16xf32>
      %get3A_1141 = arith.index_cast %max3A_1136 : i32 to index
      %get3A_1142 = arith.constant 0 : index
      %get3A_1143 = tpu.vector_load %arg14[%get3A_1141, %get3A_1142] {strides = array<i32>} : memref<64x16xf32, #tpu.memory_space<vmem>>, vector<16xf32>,
      %select_n3A_1144 = arith.select %ge3A_1132, %get3A_1143, %gather3A_1130 : vector<16xf32>
      %slice3A_1145 = vector.extract_strided_slice %get3A_289 {offsets = [4], sizes = [1], strides = [1]} : vector<16xf32> to vector<1xf32>
      %squeeze3A_1146 = vector.extract %slice3A_1145[0] : f32 from vector<1xf32>
      %mul3A_1147 = vector.broadcast %squeeze3A_1146 : f32 to vector<16xf32>
      %mul3A_1148 = arith.mulf %mul3A_1147, %select_n3A_1140 : vector<16xf32>
      %add3A_1149 = arith.addf %mul3A_1148, %select_n3A_1144 : vector<16xf32>
      %mul3A_1150 = arith.constant 0.159154937 : f32
      %mul3A_1151 = vector.broadcast %mul3A_1150 : f32 to vector<16xf32>
      %mul3A_1152 = arith.mulf %add3A_1149, %mul3A_1151 : vector<16xf32>
      %add3A_1153 = arith.constant 0x4B400000 : f32
      %add3A_1154 = vector.broadcast %add3A_1153 : f32 to vector<16xf32>
      %add3A_1155 = arith.addf %mul3A_1152, %add3A_1154 : vector<16xf32>
      %sub3A_1156 = arith.constant 0x4B400000 : f32
      %sub3A_1157 = vector.broadcast %sub3A_1156 : f32 to vector<16xf32>
      %sub3A_1158 = arith.subf %add3A_1155, %sub3A_1157 : vector<16xf32>
      %mul3A_1159 = arith.constant 2 : i32
      %mul3A_1160 = arith.muli %scan3A_277, %mul3A_1159 : i32
      %mul3A_1161 = arith.constant 8 : i32
      %mul3A_1162 = arith.muli %mul3A_1160, %mul3A_1161 : i32
      %add3A_1163 = arith.constant 4 : i32
      %add3A_1164 = arith.addi %mul3A_1162, %add3A_1163 : i32
      %sub3A_1165 = arith.subf %mul3A_1152, %sub3A_1158 : vector<16xf32>
      %mul3A_1166 = arith.mulf %sub3A_1165, %sub3A_1165 : vector<16xf32>
      %mul3A_1167 = arith.constant -1.45311236 : f32
      %mul3A_1168 = vector.broadcast %mul3A_1167 : f32 to vector<16xf32>
      %mul3A_1169 = arith.mulf %mul3A_1168, %mul3A_1166 : vector<16xf32>
      %add3A_1170 = arith.constant 7.80013132 : f32
      %add3A_1171 = vector.broadcast %add3A_1170 : f32 to vector<16xf32>
      %add3A_1172 = arith.addf %mul3A_1169, %add3A_1171 : vector<16xf32>
      %mul3A_1173 = arith.mulf %add3A_1172, %mul3A_1166 : vector<16xf32>
      %add3A_1174 = arith.constant -26.4046688 : f32
      %add3A_1175 = vector.broadcast %add3A_1174 : f32 to vector<16xf32>
      %add3A_1176 = arith.addf %mul3A_1173, %add3A_1175 : vector<16xf32>
      %mul3A_1177 = arith.mulf %add3A_1176, %mul3A_1166 : vector<16xf32>
      %add3A_1178 = arith.constant 60.2421303 : f32
      %add3A_1179 = vector.broadcast %add3A_1178 : f32 to vector<16xf32>
      %add3A_1180 = arith.addf %mul3A_1177, %add3A_1179 : vector<16xf32>
      %mul3A_1181 = arith.mulf %add3A_1180, %mul3A_1166 : vector<16xf32>
      %add3A_1182 = arith.constant -85.4566574 : f32
      %add3A_1183 = vector.broadcast %add3A_1182 : f32 to vector<16xf32>
      %add3A_1184 = arith.addf %mul3A_1181, %add3A_1183 : vector<16xf32>
      %mul3A_1185 = arith.mulf %add3A_1184, %mul3A_1166 : vector<16xf32>
      %add3A_1186 = arith.constant 64.9393921 : f32
      %add3A_1187 = vector.broadcast %add3A_1186 : f32 to vector<16xf32>
      %add3A_1188 = arith.addf %mul3A_1185, %add3A_1187 : vector<16xf32>
      %mul3A_1189 = arith.mulf %add3A_1188, %mul3A_1166 : vector<16xf32>
      %add3A_1190 = arith.constant -19.7392082 : f32
      %add3A_1191 = vector.broadcast %add3A_1190 : f32 to vector<16xf32>
      %add3A_1192 = arith.addf %mul3A_1189, %add3A_1191 : vector<16xf32>
      %mul3A_1193 = arith.mulf %add3A_1192, %mul3A_1166 : vector<16xf32>
      %add3A_1194 = arith.constant 1.000000e+00 : f32
      %add3A_1195 = vector.broadcast %add3A_1194 : f32 to vector<16xf32>
      %add3A_1196 = arith.addf %mul3A_1193, %add3A_1195 : vector<16xf32>
      %mul3A_1197 = arith.constant 16 : i32
      %mul3A_1198 = arith.muli %add3A_1164, %mul3A_1197 : i32
      %swap3A_1199 = arith.index_cast %mul3A_1198 : i32 to index
      %swap3A_1200 = tpu.vector_load %arg15[%swap3A_1199] {strides = array<i32>} : memref<8192xf32, #tpu.memory_space<vmem>>, vector<16xf32>,
      tpu.vector_store %arg15[%swap3A_1199], %add3A_1196 {strides = array<i32>} : memref<8192xf32, #tpu.memory_space<vmem>>, vector<16xf32>,
      %slice3A_1201 = vector.extract_strided_slice %get3A_283 {offsets = [5], sizes = [1], strides = [1]} : vector<16xi32> to vector<1xi32>
      %squeeze3A_1202 = vector.extract %slice3A_1201[0] : i32 from vector<1xi32>
      %and3A_1203 = arith.constant 127 : i32
      %and3A_1204 = arith.andi %squeeze3A_1202, %and3A_1203 : i32
      %add3A_1205 = vector.broadcast %and3A_1204 : i32 to vector<16xi32>
      %add3A_1206 = arith.addi %broadcast_in_dim3A_3, %add3A_1205 : vector<16xi32>
      %add3A_1207 = arith.constant 5 : i32
      %add3A_1208 = vector.broadcast %add3A_1207 : i32 to vector<16xi32>
      %add3A_1209 = arith.addi %broadcast_in_dim3A_3, %add3A_1208 : vector<16xi32>
      %gather3A_1210 = tpu.vector_load_idx %arg11[%add3A_1209, %iota3A, %add3A_1206] : memref<16x16x128xf32, #tpu.memory_space<vmem>>[vector<16xi32>, vector<16xi32>, vector<16xi32>], vector<16xf32>,
      %gather3A_1211 = tpu.vector_load_idx %arg12[%add3A_1209, %iota3A, %add3A_1206] : memref<16x16x128xf32, #tpu.memory_space<vmem>>[vector<16xi32>, vector<16xi32>, vector<16xi32>], vector<16xf32>,
      %ge3A_1212 = arith.constant 999936 : i32
      %ge3A_1213 = arith.cmpi sge, %squeeze3A_1202, %ge3A_1212 : i32
      %sub3A_1214 = arith.constant 999936 : i32
      %sub3A_1215 = arith.subi %squeeze3A_1202, %sub3A_1214 : i32
      %max3A_1216 = arith.constant 0 : i32
      %max3A_1217 = arith.maxsi %sub3A_1215, %max3A_1216 : i32
      %get3A_1218 = arith.index_cast %max3A_1217 : i32 to index
      %get3A_1219 = arith.constant 0 : index
      %get3A_1220 = tpu.vector_load %arg13[%get3A_1218, %get3A_1219] {strides = array<i32>} : memref<64x16xf32, #tpu.memory_space<vmem>>, vector<16xf32>,
      %select_n3A_1221 = arith.select %ge3A_1213, %get3A_1220, %gather3A_1210 : vector<16xf32>
      %get3A_1222 = arith.index_cast %max3A_1217 : i32 to index
      %get3A_1223 = arith.constant 0 : index
      %get3A_1224 = tpu.vector_load %arg14[%get3A_1222, %get3A_1223] {strides = array<i32>} : memref<64x16xf32, #tpu.memory_space<vmem>>, vector<16xf32>,
      %select_n3A_1225 = arith.select %ge3A_1213, %get3A_1224, %gather3A_1211 : vector<16xf32>
      %slice3A_1226 = vector.extract_strided_slice %get3A_289 {offsets = [5], sizes = [1], strides = [1]} : vector<16xf32> to vector<1xf32>
      %squeeze3A_1227 = vector.extract %slice3A_1226[0] : f32 from vector<1xf32>
      %mul3A_1228 = vector.broadcast %squeeze3A_1227 : f32 to vector<16xf32>
      %mul3A_1229 = arith.mulf %mul3A_1228, %select_n3A_1221 : vector<16xf32>
      %add3A_1230 = arith.addf %mul3A_1229, %select_n3A_1225 : vector<16xf32>
      %mul3A_1231 = arith.constant 0.159154937 : f32
      %mul3A_1232 = vector.broadcast %mul3A_1231 : f32 to vector<16xf32>
      %mul3A_1233 = arith.mulf %add3A_1230, %mul3A_1232 : vector<16xf32>
      %add3A_1234 = arith.constant 0x4B400000 : f32
      %add3A_1235 = vector.broadcast %add3A_1234 : f32 to vector<16xf32>
      %add3A_1236 = arith.addf %mul3A_1233, %add3A_1235 : vector<16xf32>
      %sub3A_1237 = arith.constant 0x4B400000 : f32
      %sub3A_1238 = vector.broadcast %sub3A_1237 : f32 to vector<16xf32>
      %sub3A_1239 = arith.subf %add3A_1236, %sub3A_1238 : vector<16xf32>
      %mul3A_1240 = arith.constant 2 : i32
      %mul3A_1241 = arith.muli %scan3A_277, %mul3A_1240 : i32
      %mul3A_1242 = arith.constant 8 : i32
      %mul3A_1243 = arith.muli %mul3A_1241, %mul3A_1242 : i32
      %add3A_1244 = arith.constant 5 : i32
      %add3A_1245 = arith.addi %mul3A_1243, %add3A_1244 : i32
      %sub3A_1246 = arith.subf %mul3A_1233, %sub3A_1239 : vector<16xf32>
      %mul3A_1247 = arith.mulf %sub3A_1246, %sub3A_1246 : vector<16xf32>
      %mul3A_1248 = arith.constant -1.45311236 : f32
      %mul3A_1249 = vector.broadcast %mul3A_1248 : f32 to vector<16xf32>
      %mul3A_1250 = arith.mulf %mul3A_1249, %mul3A_1247 : vector<16xf32>
      %add3A_1251 = arith.constant 7.80013132 : f32
      %add3A_1252 = vector.broadcast %add3A_1251 : f32 to vector<16xf32>
      %add3A_1253 = arith.addf %mul3A_1250, %add3A_1252 : vector<16xf32>
      %mul3A_1254 = arith.mulf %add3A_1253, %mul3A_1247 : vector<16xf32>
      %add3A_1255 = arith.constant -26.4046688 : f32
      %add3A_1256 = vector.broadcast %add3A_1255 : f32 to vector<16xf32>
      %add3A_1257 = arith.addf %mul3A_1254, %add3A_1256 : vector<16xf32>
      %mul3A_1258 = arith.mulf %add3A_1257, %mul3A_1247 : vector<16xf32>
      %add3A_1259 = arith.constant 60.2421303 : f32
      %add3A_1260 = vector.broadcast %add3A_1259 : f32 to vector<16xf32>
      %add3A_1261 = arith.addf %mul3A_1258, %add3A_1260 : vector<16xf32>
      %mul3A_1262 = arith.mulf %add3A_1261, %mul3A_1247 : vector<16xf32>
      %add3A_1263 = arith.constant -85.4566574 : f32
      %add3A_1264 = vector.broadcast %add3A_1263 : f32 to vector<16xf32>
      %add3A_1265 = arith.addf %mul3A_1262, %add3A_1264 : vector<16xf32>
      %mul3A_1266 = arith.mulf %add3A_1265, %mul3A_1247 : vector<16xf32>
      %add3A_1267 = arith.constant 64.9393921 : f32
      %add3A_1268 = vector.broadcast %add3A_1267 : f32 to vector<16xf32>
      %add3A_1269 = arith.addf %mul3A_1266, %add3A_1268 : vector<16xf32>
      %mul3A_1270 = arith.mulf %add3A_1269, %mul3A_1247 : vector<16xf32>
      %add3A_1271 = arith.constant -19.7392082 : f32
      %add3A_1272 = vector.broadcast %add3A_1271 : f32 to vector<16xf32>
      %add3A_1273 = arith.addf %mul3A_1270, %add3A_1272 : vector<16xf32>
      %mul3A_1274 = arith.mulf %add3A_1273, %mul3A_1247 : vector<16xf32>
      %add3A_1275 = arith.constant 1.000000e+00 : f32
      %add3A_1276 = vector.broadcast %add3A_1275 : f32 to vector<16xf32>
      %add3A_1277 = arith.addf %mul3A_1274, %add3A_1276 : vector<16xf32>
      %mul3A_1278 = arith.constant 16 : i32
      %mul3A_1279 = arith.muli %add3A_1245, %mul3A_1278 : i32
      %swap3A_1280 = arith.index_cast %mul3A_1279 : i32 to index
      %swap3A_1281 = tpu.vector_load %arg15[%swap3A_1280] {strides = array<i32>} : memref<8192xf32, #tpu.memory_space<vmem>>, vector<16xf32>,
      tpu.vector_store %arg15[%swap3A_1280], %add3A_1277 {strides = array<i32>} : memref<8192xf32, #tpu.memory_space<vmem>>, vector<16xf32>,
      %slice3A_1282 = vector.extract_strided_slice %get3A_283 {offsets = [6], sizes = [1], strides = [1]} : vector<16xi32> to vector<1xi32>
      %squeeze3A_1283 = vector.extract %slice3A_1282[0] : i32 from vector<1xi32>
      %and3A_1284 = arith.constant 127 : i32
      %and3A_1285 = arith.andi %squeeze3A_1283, %and3A_1284 : i32
      %add3A_1286 = vector.broadcast %and3A_1285 : i32 to vector<16xi32>
      %add3A_1287 = arith.addi %broadcast_in_dim3A_3, %add3A_1286 : vector<16xi32>
      %add3A_1288 = arith.constant 6 : i32
      %add3A_1289 = vector.broadcast %add3A_1288 : i32 to vector<16xi32>
      %add3A_1290 = arith.addi %broadcast_in_dim3A_3, %add3A_1289 : vector<16xi32>
      %gather3A_1291 = tpu.vector_load_idx %arg11[%add3A_1290, %iota3A, %add3A_1287] : memref<16x16x128xf32, #tpu.memory_space<vmem>>[vector<16xi32>, vector<16xi32>, vector<16xi32>], vector<16xf32>,
      %gather3A_1292 = tpu.vector_load_idx %arg12[%add3A_1290, %iota3A, %add3A_1287] : memref<16x16x128xf32, #tpu.memory_space<vmem>>[vector<16xi32>, vector<16xi32>, vector<16xi32>], vector<16xf32>,
      %ge3A_1293 = arith.constant 999936 : i32
      %ge3A_1294 = arith.cmpi sge, %squeeze3A_1283, %ge3A_1293 : i32
      %sub3A_1295 = arith.constant 999936 : i32
      %sub3A_1296 = arith.subi %squeeze3A_1283, %sub3A_1295 : i32
      %max3A_1297 = arith.constant 0 : i32
      %max3A_1298 = arith.maxsi %sub3A_1296, %max3A_1297 : i32
      %get3A_1299 = arith.index_cast %max3A_1298 : i32 to index
      %get3A_1300 = arith.constant 0 : index
      %get3A_1301 = tpu.vector_load %arg13[%get3A_1299, %get3A_1300] {strides = array<i32>} : memref<64x16xf32, #tpu.memory_space<vmem>>, vector<16xf32>,
      %select_n3A_1302 = arith.select %ge3A_1294, %get3A_1301, %gather3A_1291 : vector<16xf32>
      %get3A_1303 = arith.index_cast %max3A_1298 : i32 to index
      %get3A_1304 = arith.constant 0 : index
      %get3A_1305 = tpu.vector_load %arg14[%get3A_1303, %get3A_1304] {strides = array<i32>} : memref<64x16xf32, #tpu.memory_space<vmem>>, vector<16xf32>,
      %select_n3A_1306 = arith.select %ge3A_1294, %get3A_1305, %gather3A_1292 : vector<16xf32>
      %slice3A_1307 = vector.extract_strided_slice %get3A_289 {offsets = [6], sizes = [1], strides = [1]} : vector<16xf32> to vector<1xf32>
      %squeeze3A_1308 = vector.extract %slice3A_1307[0] : f32 from vector<1xf32>
      %mul3A_1309 = vector.broadcast %squeeze3A_1308 : f32 to vector<16xf32>
      %mul3A_1310 = arith.mulf %mul3A_1309, %select_n3A_1302 : vector<16xf32>
      %add3A_1311 = arith.addf %mul3A_1310, %select_n3A_1306 : vector<16xf32>
      %mul3A_1312 = arith.constant 0.159154937 : f32
      %mul3A_1313 = vector.broadcast %mul3A_1312 : f32 to vector<16xf32>
      %mul3A_1314 = arith.mulf %add3A_1311, %mul3A_1313 : vector<16xf32>
      %add3A_1315 = arith.constant 0x4B400000 : f32
      %add3A_1316 = vector.broadcast %add3A_1315 : f32 to vector<16xf32>
      %add3A_1317 = arith.addf %mul3A_1314, %add3A_1316 : vector<16xf32>
      %sub3A_1318 = arith.constant 0x4B400000 : f32
      %sub3A_1319 = vector.broadcast %sub3A_1318 : f32 to vector<16xf32>
      %sub3A_1320 = arith.subf %add3A_1317, %sub3A_1319 : vector<16xf32>
      %mul3A_1321 = arith.constant 2 : i32
      %mul3A_1322 = arith.muli %scan3A_277, %mul3A_1321 : i32
      %mul3A_1323 = arith.constant 8 : i32
      %mul3A_1324 = arith.muli %mul3A_1322, %mul3A_1323 : i32
      %add3A_1325 = arith.constant 6 : i32
      %add3A_1326 = arith.addi %mul3A_1324, %add3A_1325 : i32
      %sub3A_1327 = arith.subf %mul3A_1314, %sub3A_1320 : vector<16xf32>
      %mul3A_1328 = arith.mulf %sub3A_1327, %sub3A_1327 : vector<16xf32>
      %mul3A_1329 = arith.constant -1.45311236 : f32
      %mul3A_1330 = vector.broadcast %mul3A_1329 : f32 to vector<16xf32>
      %mul3A_1331 = arith.mulf %mul3A_1330, %mul3A_1328 : vector<16xf32>
      %add3A_1332 = arith.constant 7.80013132 : f32
      %add3A_1333 = vector.broadcast %add3A_1332 : f32 to vector<16xf32>
      %add3A_1334 = arith.addf %mul3A_1331, %add3A_1333 : vector<16xf32>
      %mul3A_1335 = arith.mulf %add3A_1334, %mul3A_1328 : vector<16xf32>
      %add3A_1336 = arith.constant -26.4046688 : f32
      %add3A_1337 = vector.broadcast %add3A_1336 : f32 to vector<16xf32>
      %add3A_1338 = arith.addf %mul3A_1335, %add3A_1337 : vector<16xf32>
      %mul3A_1339 = arith.mulf %add3A_1338, %mul3A_1328 : vector<16xf32>
      %add3A_1340 = arith.constant 60.2421303 : f32
      %add3A_1341 = vector.broadcast %add3A_1340 : f32 to vector<16xf32>
      %add3A_1342 = arith.addf %mul3A_1339, %add3A_1341 : vector<16xf32>
      %mul3A_1343 = arith.mulf %add3A_1342, %mul3A_1328 : vector<16xf32>
      %add3A_1344 = arith.constant -85.4566574 : f32
      %add3A_1345 = vector.broadcast %add3A_1344 : f32 to vector<16xf32>
      %add3A_1346 = arith.addf %mul3A_1343, %add3A_1345 : vector<16xf32>
      %mul3A_1347 = arith.mulf %add3A_1346, %mul3A_1328 : vector<16xf32>
      %add3A_1348 = arith.constant 64.9393921 : f32
      %add3A_1349 = vector.broadcast %add3A_1348 : f32 to vector<16xf32>
      %add3A_1350 = arith.addf %mul3A_1347, %add3A_1349 : vector<16xf32>
      %mul3A_1351 = arith.mulf %add3A_1350, %mul3A_1328 : vector<16xf32>
      %add3A_1352 = arith.constant -19.7392082 : f32
      %add3A_1353 = vector.broadcast %add3A_1352 : f32 to vector<16xf32>
      %add3A_1354 = arith.addf %mul3A_1351, %add3A_1353 : vector<16xf32>
      %mul3A_1355 = arith.mulf %add3A_1354, %mul3A_1328 : vector<16xf32>
      %add3A_1356 = arith.constant 1.000000e+00 : f32
      %add3A_1357 = vector.broadcast %add3A_1356 : f32 to vector<16xf32>
      %add3A_1358 = arith.addf %mul3A_1355, %add3A_1357 : vector<16xf32>
      %mul3A_1359 = arith.constant 16 : i32
      %mul3A_1360 = arith.muli %add3A_1326, %mul3A_1359 : i32
      %swap3A_1361 = arith.index_cast %mul3A_1360 : i32 to index
      %swap3A_1362 = tpu.vector_load %arg15[%swap3A_1361] {strides = array<i32>} : memref<8192xf32, #tpu.memory_space<vmem>>, vector<16xf32>,
      tpu.vector_store %arg15[%swap3A_1361], %add3A_1358 {strides = array<i32>} : memref<8192xf32, #tpu.memory_space<vmem>>, vector<16xf32>,
      %slice3A_1363 = vector.extract_strided_slice %get3A_283 {offsets = [7], sizes = [1], strides = [1]} : vector<16xi32> to vector<1xi32>
      %squeeze3A_1364 = vector.extract %slice3A_1363[0] : i32 from vector<1xi32>
      %and3A_1365 = arith.constant 127 : i32
      %and3A_1366 = arith.andi %squeeze3A_1364, %and3A_1365 : i32
      %add3A_1367 = vector.broadcast %and3A_1366 : i32 to vector<16xi32>
      %add3A_1368 = arith.addi %broadcast_in_dim3A_3, %add3A_1367 : vector<16xi32>
      %add3A_1369 = arith.constant 7 : i32
      %add3A_1370 = vector.broadcast %add3A_1369 : i32 to vector<16xi32>
      %add3A_1371 = arith.addi %broadcast_in_dim3A_3, %add3A_1370 : vector<16xi32>
      %gather3A_1372 = tpu.vector_load_idx %arg11[%add3A_1371, %iota3A, %add3A_1368] : memref<16x16x128xf32, #tpu.memory_space<vmem>>[vector<16xi32>, vector<16xi32>, vector<16xi32>], vector<16xf32>,
      %gather3A_1373 = tpu.vector_load_idx %arg12[%add3A_1371, %iota3A, %add3A_1368] : memref<16x16x128xf32, #tpu.memory_space<vmem>>[vector<16xi32>, vector<16xi32>, vector<16xi32>], vector<16xf32>,
      %ge3A_1374 = arith.constant 999936 : i32
      %ge3A_1375 = arith.cmpi sge, %squeeze3A_1364, %ge3A_1374 : i32
      %sub3A_1376 = arith.constant 999936 : i32
      %sub3A_1377 = arith.subi %squeeze3A_1364, %sub3A_1376 : i32
      %max3A_1378 = arith.constant 0 : i32
      %max3A_1379 = arith.maxsi %sub3A_1377, %max3A_1378 : i32
      %get3A_1380 = arith.index_cast %max3A_1379 : i32 to index
      %get3A_1381 = arith.constant 0 : index
      %get3A_1382 = tpu.vector_load %arg13[%get3A_1380, %get3A_1381] {strides = array<i32>} : memref<64x16xf32, #tpu.memory_space<vmem>>, vector<16xf32>,
      %select_n3A_1383 = arith.select %ge3A_1375, %get3A_1382, %gather3A_1372 : vector<16xf32>
      %get3A_1384 = arith.index_cast %max3A_1379 : i32 to index
      %get3A_1385 = arith.constant 0 : index
      %get3A_1386 = tpu.vector_load %arg14[%get3A_1384, %get3A_1385] {strides = array<i32>} : memref<64x16xf32, #tpu.memory_space<vmem>>, vector<16xf32>,
      %select_n3A_1387 = arith.select %ge3A_1375, %get3A_1386, %gather3A_1373 : vector<16xf32>
      %slice3A_1388 = vector.extract_strided_slice %get3A_289 {offsets = [7], sizes = [1], strides = [1]} : vector<16xf32> to vector<1xf32>
      %squeeze3A_1389 = vector.extract %slice3A_1388[0] : f32 from vector<1xf32>
      %mul3A_1390 = vector.broadcast %squeeze3A_1389 : f32 to vector<16xf32>
      %mul3A_1391 = arith.mulf %mul3A_1390, %select_n3A_1383 : vector<16xf32>
      %add3A_1392 = arith.addf %mul3A_1391, %select_n3A_1387 : vector<16xf32>
      %mul3A_1393 = arith.constant 0.159154937 : f32
      %mul3A_1394 = vector.broadcast %mul3A_1393 : f32 to vector<16xf32>
      %mul3A_1395 = arith.mulf %add3A_1392, %mul3A_1394 : vector<16xf32>
      %add3A_1396 = arith.constant 0x4B400000 : f32
      %add3A_1397 = vector.broadcast %add3A_1396 : f32 to vector<16xf32>
      %add3A_1398 = arith.addf %mul3A_1395, %add3A_1397 : vector<16xf32>
      %sub3A_1399 = arith.constant 0x4B400000 : f32
      %sub3A_1400 = vector.broadcast %sub3A_1399 : f32 to vector<16xf32>
      %sub3A_1401 = arith.subf %add3A_1398, %sub3A_1400 : vector<16xf32>
      %mul3A_1402 = arith.constant 2 : i32
      %mul3A_1403 = arith.muli %scan3A_277, %mul3A_1402 : i32
      %mul3A_1404 = arith.constant 8 : i32
      %mul3A_1405 = arith.muli %mul3A_1403, %mul3A_1404 : i32
      %add3A_1406 = arith.constant 7 : i32
      %add3A_1407 = arith.addi %mul3A_1405, %add3A_1406 : i32
      %sub3A_1408 = arith.subf %mul3A_1395, %sub3A_1401 : vector<16xf32>
      %mul3A_1409 = arith.mulf %sub3A_1408, %sub3A_1408 : vector<16xf32>
      %mul3A_1410 = arith.constant -1.45311236 : f32
      %mul3A_1411 = vector.broadcast %mul3A_1410 : f32 to vector<16xf32>
      %mul3A_1412 = arith.mulf %mul3A_1411, %mul3A_1409 : vector<16xf32>
      %add3A_1413 = arith.constant 7.80013132 : f32
      %add3A_1414 = vector.broadcast %add3A_1413 : f32 to vector<16xf32>
      %add3A_1415 = arith.addf %mul3A_1412, %add3A_1414 : vector<16xf32>
      %mul3A_1416 = arith.mulf %add3A_1415, %mul3A_1409 : vector<16xf32>
      %add3A_1417 = arith.constant -26.4046688 : f32
      %add3A_1418 = vector.broadcast %add3A_1417 : f32 to vector<16xf32>
      %add3A_1419 = arith.addf %mul3A_1416, %add3A_1418 : vector<16xf32>
      %mul3A_1420 = arith.mulf %add3A_1419, %mul3A_1409 : vector<16xf32>
      %add3A_1421 = arith.constant 60.2421303 : f32
      %add3A_1422 = vector.broadcast %add3A_1421 : f32 to vector<16xf32>
      %add3A_1423 = arith.addf %mul3A_1420, %add3A_1422 : vector<16xf32>
      %mul3A_1424 = arith.mulf %add3A_1423, %mul3A_1409 : vector<16xf32>
      %add3A_1425 = arith.constant -85.4566574 : f32
      %add3A_1426 = vector.broadcast %add3A_1425 : f32 to vector<16xf32>
      %add3A_1427 = arith.addf %mul3A_1424, %add3A_1426 : vector<16xf32>
      %mul3A_1428 = arith.mulf %add3A_1427, %mul3A_1409 : vector<16xf32>
      %add3A_1429 = arith.constant 64.9393921 : f32
      %add3A_1430 = vector.broadcast %add3A_1429 : f32 to vector<16xf32>
      %add3A_1431 = arith.addf %mul3A_1428, %add3A_1430 : vector<16xf32>
      %mul3A_1432 = arith.mulf %add3A_1431, %mul3A_1409 : vector<16xf32>
      %add3A_1433 = arith.constant -19.7392082 : f32
      %add3A_1434 = vector.broadcast %add3A_1433 : f32 to vector<16xf32>
      %add3A_1435 = arith.addf %mul3A_1432, %add3A_1434 : vector<16xf32>
      %mul3A_1436 = arith.mulf %add3A_1435, %mul3A_1409 : vector<16xf32>
      %add3A_1437 = arith.constant 1.000000e+00 : f32
      %add3A_1438 = vector.broadcast %add3A_1437 : f32 to vector<16xf32>
      %add3A_1439 = arith.addf %mul3A_1436, %add3A_1438 : vector<16xf32>
      %mul3A_1440 = arith.constant 16 : i32
      %mul3A_1441 = arith.muli %add3A_1407, %mul3A_1440 : i32
      %swap3A_1442 = arith.index_cast %mul3A_1441 : i32 to index
      %swap3A_1443 = tpu.vector_load %arg15[%swap3A_1442] {strides = array<i32>} : memref<8192xf32, #tpu.memory_space<vmem>>, vector<16xf32>,
      tpu.vector_store %arg15[%swap3A_1442], %add3A_1439 {strides = array<i32>} : memref<8192xf32, #tpu.memory_space<vmem>>, vector<16xf32>,
      %lt3A = arith.constant 31 : i32
      %lt3A_1444 = arith.cmpi slt, %scan3A_277, %lt3A : i32
      %convert_element_type3A = arith.extui %lt3A_1444 : i1 to i32
      %cond3A = arith.constant 0 : i32
      %cond3A_1445 = arith.cmpi ne, %convert_element_type3A, %cond3A : i32
      scf.if %cond3A_1445 {
        %add3A_2302 = arith.constant 1 : i32
        %add3A_2303 = arith.addi %scan3A_277, %add3A_2302 : i32
        %mul3A_2304 = arith.constant 2 : i32
        %mul3A_2305 = arith.muli %add3A_2303, %mul3A_2304 : i32
        %mul3A_2306 = arith.constant 8 : i32
        %mul3A_2307 = arith.muli %mul3A_2305, %mul3A_2306 : i32
        %get3A_2308 = arith.index_cast %mul3A_2307 : i32 to index
        %get3A_2309 = tpu.vector_load %arg9[%get3A_2308] {strides = array<i32>} : memref<512xi32, #tpu.memory_space<vmem>>, vector<16xi32>,
        %slice3A_2310 = vector.extract_strided_slice %get3A_2309 {offsets = [0], sizes = [1], strides = [1]} : vector<16xi32> to vector<1xi32>
        %squeeze3A_2311 = vector.extract %slice3A_2310[0] : i32 from vector<1xi32>
        %and3A_2312 = arith.constant 127 : i32
        %and3A_2313 = arith.andi %squeeze3A_2311, %and3A_2312 : i32
        %sub3A_2314 = arith.subi %squeeze3A_2311, %and3A_2313 : i32
        %min3A_2315 = arith.constant 999808 : i32
        %min3A_2316 = arith.minsi %sub3A_2314, %min3A_2315 : i32
        %multiple_of3A_2317 = tpu.assume_multiple %min3A_2316, 128 : i32
        %dma_start3A_2318 = arith.constant 0 : i32
        %dma_start3A_2319 = arith.constant 0 : i32
        %dma_start3A_2320 = arith.constant 0 : i32
        %dma_start3A_2321 = tpu.memref_slice %arg11[%dma_start3A_2318, %dma_start3A_2319, %dma_start3A_2320] : memref<16x16x128xf32, #tpu.memory_space<vmem>> -> memref<1x16x128xf32, #tpu.memory_space<vmem>>
        %dma_start3A_2322 = tpu.memref_squeeze %dma_start3A_2321 : memref<1x16x128xf32, #tpu.memory_space<vmem>> -> memref<16x128xf32, #tpu.memory_space<vmem>>
        %dma_start3A_2323 = arith.constant 0 : i32
        %dma_start3A_2324 = tpu.memref_slice %arg4[%dma_start3A_2323, %multiple_of3A_2317] : memref<16x1000000xf32, #tpu.memory_space<hbm>> -> memref<16x128xf32, #tpu.memory_space<hbm>>
        %dma_start3A_2325 = arith.constant 0 : i32
        %dma_start3A_2326 = arith.constant 0 : i32
        %dma_start3A_2327 = tpu.memref_slice %arg11[%dma_start3A_2318, %dma_start3A_2325, %dma_start3A_2326] : memref<16x16x128xf32, #tpu.memory_space<vmem>> -> memref<1x16x128xf32, #tpu.memory_space<vmem>>
        %dma_start3A_2328 = tpu.memref_squeeze %dma_start3A_2327 : memref<1x16x128xf32, #tpu.memory_space<vmem>> -> memref<16x128xf32, #tpu.memory_space<vmem>>
        %dma_start3A_2329 = arith.constant 0 : i32
        %dma_start3A_2330 = tpu.memref_slice %arg4[%dma_start3A_2329, %multiple_of3A_2317] : memref<16x1000000xf32, #tpu.memory_space<hbm>> -> memref<16x128xf32, #tpu.memory_space<hbm>>
        tpu.enqueue_dma source(%dma_start3A_2330 : memref<16x128xf32, #tpu.memory_space<hbm>>) target(%dma_start3A_2328 : memref<16x128xf32, #tpu.memory_space<vmem>>) target_semaphore(%arg16 : memref<!tpu.dma_semaphore, #tpu.memory_space<semaphore_mem>>)
        %dma_start3A_2331 = arith.constant 0 : i32
        %dma_start3A_2332 = arith.constant 0 : i32
        %dma_start3A_2333 = arith.constant 0 : i32
        %dma_start3A_2334 = tpu.memref_slice %arg12[%dma_start3A_2331, %dma_start3A_2332, %dma_start3A_2333] : memref<16x16x128xf32, #tpu.memory_space<vmem>> -> memref<1x16x128xf32, #tpu.memory_space<vmem>>
        %dma_start3A_2335 = tpu.memref_squeeze %dma_start3A_2334 : memref<1x16x128xf32, #tpu.memory_space<vmem>> -> memref<16x128xf32, #tpu.memory_space<vmem>>
        %dma_start3A_2336 = arith.constant 0 : i32
        %dma_start3A_2337 = tpu.memref_slice %arg5[%dma_start3A_2336, %multiple_of3A_2317] : memref<16x1000000xf32, #tpu.memory_space<hbm>> -> memref<16x128xf32, #tpu.memory_space<hbm>>
        %dma_start3A_2338 = arith.constant 0 : i32
        %dma_start3A_2339 = arith.constant 0 : i32
        %dma_start3A_2340 = tpu.memref_slice %arg12[%dma_start3A_2331, %dma_start3A_2338, %dma_start3A_2339] : memref<16x16x128xf32, #tpu.memory_space<vmem>> -> memref<1x16x128xf32, #tpu.memory_space<vmem>>
        %dma_start3A_2341 = tpu.memref_squeeze %dma_start3A_2340 : memref<1x16x128xf32, #tpu.memory_space<vmem>> -> memref<16x128xf32, #tpu.memory_space<vmem>>
        %dma_start3A_2342 = arith.constant 0 : i32
        %dma_start3A_2343 = tpu.memref_slice %arg5[%dma_start3A_2342, %multiple_of3A_2317] : memref<16x1000000xf32, #tpu.memory_space<hbm>> -> memref<16x128xf32, #tpu.memory_space<hbm>>
        tpu.enqueue_dma source(%dma_start3A_2343 : memref<16x128xf32, #tpu.memory_space<hbm>>) target(%dma_start3A_2341 : memref<16x128xf32, #tpu.memory_space<vmem>>) target_semaphore(%arg16 : memref<!tpu.dma_semaphore, #tpu.memory_space<semaphore_mem>>)
        %slice3A_2344 = vector.extract_strided_slice %get3A_2309 {offsets = [1], sizes = [1], strides = [1]} : vector<16xi32> to vector<1xi32>
        %squeeze3A_2345 = vector.extract %slice3A_2344[0] : i32 from vector<1xi32>
        %and3A_2346 = arith.constant 127 : i32
        %and3A_2347 = arith.andi %squeeze3A_2345, %and3A_2346 : i32
        %sub3A_2348 = arith.subi %squeeze3A_2345, %and3A_2347 : i32
        %min3A_2349 = arith.constant 999808 : i32
        %min3A_2350 = arith.minsi %sub3A_2348, %min3A_2349 : i32
        %multiple_of3A_2351 = tpu.assume_multiple %min3A_2350, 128 : i32
        %dma_start3A_2352 = arith.constant 1 : i32
        %dma_start3A_2353 = arith.constant 0 : i32
        %dma_start3A_2354 = arith.constant 0 : i32
        %dma_start3A_2355 = tpu.memref_slice %arg11[%dma_start3A_2352, %dma_start3A_2353, %dma_start3A_2354] : memref<16x16x128xf32, #tpu.memory_space<vmem>> -> memref<1x16x128xf32, #tpu.memory_space<vmem>>
        %dma_start3A_2356 = tpu.memref_squeeze %dma_start3A_2355 : memref<1x16x128xf32, #tpu.memory_space<vmem>> -> memref<16x128xf32, #tpu.memory_space<vmem>>
        %dma_start3A_2357 = arith.constant 0 : i32
        %dma_start3A_2358 = tpu.memref_slice %arg4[%dma_start3A_2357, %multiple_of3A_2351] : memref<16x1000000xf32, #tpu.memory_space<hbm>> -> memref<16x128xf32, #tpu.memory_space<hbm>>
        %dma_start3A_2359 = arith.constant 0 : i32
        %dma_start3A_2360 = arith.constant 0 : i32
        %dma_start3A_2361 = tpu.memref_slice %arg11[%dma_start3A_2352, %dma_start3A_2359, %dma_start3A_2360] : memref<16x16x128xf32, #tpu.memory_space<vmem>> -> memref<1x16x128xf32, #tpu.memory_space<vmem>>
        %dma_start3A_2362 = tpu.memref_squeeze %dma_start3A_2361 : memref<1x16x128xf32, #tpu.memory_space<vmem>> -> memref<16x128xf32, #tpu.memory_space<vmem>>
        %dma_start3A_2363 = arith.constant 0 : i32
        %dma_start3A_2364 = tpu.memref_slice %arg4[%dma_start3A_2363, %multiple_of3A_2351] : memref<16x1000000xf32, #tpu.memory_space<hbm>> -> memref<16x128xf32, #tpu.memory_space<hbm>>
        tpu.enqueue_dma source(%dma_start3A_2364 : memref<16x128xf32, #tpu.memory_space<hbm>>) target(%dma_start3A_2362 : memref<16x128xf32, #tpu.memory_space<vmem>>) target_semaphore(%arg16 : memref<!tpu.dma_semaphore, #tpu.memory_space<semaphore_mem>>)
        %dma_start3A_2365 = arith.constant 1 : i32
        %dma_start3A_2366 = arith.constant 0 : i32
        %dma_start3A_2367 = arith.constant 0 : i32
        %dma_start3A_2368 = tpu.memref_slice %arg12[%dma_start3A_2365, %dma_start3A_2366, %dma_start3A_2367] : memref<16x16x128xf32, #tpu.memory_space<vmem>> -> memref<1x16x128xf32, #tpu.memory_space<vmem>>
        %dma_start3A_2369 = tpu.memref_squeeze %dma_start3A_2368 : memref<1x16x128xf32, #tpu.memory_space<vmem>> -> memref<16x128xf32, #tpu.memory_space<vmem>>
        %dma_start3A_2370 = arith.constant 0 : i32
        %dma_start3A_2371 = tpu.memref_slice %arg5[%dma_start3A_2370, %multiple_of3A_2351] : memref<16x1000000xf32, #tpu.memory_space<hbm>> -> memref<16x128xf32, #tpu.memory_space<hbm>>
        %dma_start3A_2372 = arith.constant 0 : i32
        %dma_start3A_2373 = arith.constant 0 : i32
        %dma_start3A_2374 = tpu.memref_slice %arg12[%dma_start3A_2365, %dma_start3A_2372, %dma_start3A_2373] : memref<16x16x128xf32, #tpu.memory_space<vmem>> -> memref<1x16x128xf32, #tpu.memory_space<vmem>>
        %dma_start3A_2375 = tpu.memref_squeeze %dma_start3A_2374 : memref<1x16x128xf32, #tpu.memory_space<vmem>> -> memref<16x128xf32, #tpu.memory_space<vmem>>
        %dma_start3A_2376 = arith.constant 0 : i32
        %dma_start3A_2377 = tpu.memref_slice %arg5[%dma_start3A_2376, %multiple_of3A_2351] : memref<16x1000000xf32, #tpu.memory_space<hbm>> -> memref<16x128xf32, #tpu.memory_space<hbm>>
        tpu.enqueue_dma source(%dma_start3A_2377 : memref<16x128xf32, #tpu.memory_space<hbm>>) target(%dma_start3A_2375 : memref<16x128xf32, #tpu.memory_space<vmem>>) target_semaphore(%arg16 : memref<!tpu.dma_semaphore, #tpu.memory_space<semaphore_mem>>)
        %slice3A_2378 = vector.extract_strided_slice %get3A_2309 {offsets = [2], sizes = [1], strides = [1]} : vector<16xi32> to vector<1xi32>
        %squeeze3A_2379 = vector.extract %slice3A_2378[0] : i32 from vector<1xi32>
        %and3A_2380 = arith.constant 127 : i32
        %and3A_2381 = arith.andi %squeeze3A_2379, %and3A_2380 : i32
        %sub3A_2382 = arith.subi %squeeze3A_2379, %and3A_2381 : i32
        %min3A_2383 = arith.constant 999808 : i32
        %min3A_2384 = arith.minsi %sub3A_2382, %min3A_2383 : i32
        %multiple_of3A_2385 = tpu.assume_multiple %min3A_2384, 128 : i32
        %dma_start3A_2386 = arith.constant 2 : i32
        %dma_start3A_2387 = arith.constant 0 : i32
        %dma_start3A_2388 = arith.constant 0 : i32
        %dma_start3A_2389 = tpu.memref_slice %arg11[%dma_start3A_2386, %dma_start3A_2387, %dma_start3A_2388] : memref<16x16x128xf32, #tpu.memory_space<vmem>> -> memref<1x16x128xf32, #tpu.memory_space<vmem>>
        %dma_start3A_2390 = tpu.memref_squeeze %dma_start3A_2389 : memref<1x16x128xf32, #tpu.memory_space<vmem>> -> memref<16x128xf32, #tpu.memory_space<vmem>>
        %dma_start3A_2391 = arith.constant 0 : i32
        %dma_start3A_2392 = tpu.memref_slice %arg4[%dma_start3A_2391, %multiple_of3A_2385] : memref<16x1000000xf32, #tpu.memory_space<hbm>> -> memref<16x128xf32, #tpu.memory_space<hbm>>
        %dma_start3A_2393 = arith.constant 0 : i32
        %dma_start3A_2394 = arith.constant 0 : i32
        %dma_start3A_2395 = tpu.memref_slice %arg11[%dma_start3A_2386, %dma_start3A_2393, %dma_start3A_2394] : memref<16x16x128xf32, #tpu.memory_space<vmem>> -> memref<1x16x128xf32, #tpu.memory_space<vmem>>
        %dma_start3A_2396 = tpu.memref_squeeze %dma_start3A_2395 : memref<1x16x128xf32, #tpu.memory_space<vmem>> -> memref<16x128xf32, #tpu.memory_space<vmem>>
        %dma_start3A_2397 = arith.constant 0 : i32
        %dma_start3A_2398 = tpu.memref_slice %arg4[%dma_start3A_2397, %multiple_of3A_2385] : memref<16x1000000xf32, #tpu.memory_space<hbm>> -> memref<16x128xf32, #tpu.memory_space<hbm>>
        tpu.enqueue_dma source(%dma_start3A_2398 : memref<16x128xf32, #tpu.memory_space<hbm>>) target(%dma_start3A_2396 : memref<16x128xf32, #tpu.memory_space<vmem>>) target_semaphore(%arg16 : memref<!tpu.dma_semaphore, #tpu.memory_space<semaphore_mem>>)
        %dma_start3A_2399 = arith.constant 2 : i32
        %dma_start3A_2400 = arith.constant 0 : i32
        %dma_start3A_2401 = arith.constant 0 : i32
        %dma_start3A_2402 = tpu.memref_slice %arg12[%dma_start3A_2399, %dma_start3A_2400, %dma_start3A_2401] : memref<16x16x128xf32, #tpu.memory_space<vmem>> -> memref<1x16x128xf32, #tpu.memory_space<vmem>>
        %dma_start3A_2403 = tpu.memref_squeeze %dma_start3A_2402 : memref<1x16x128xf32, #tpu.memory_space<vmem>> -> memref<16x128xf32, #tpu.memory_space<vmem>>
        %dma_start3A_2404 = arith.constant 0 : i32
        %dma_start3A_2405 = tpu.memref_slice %arg5[%dma_start3A_2404, %multiple_of3A_2385] : memref<16x1000000xf32, #tpu.memory_space<hbm>> -> memref<16x128xf32, #tpu.memory_space<hbm>>
        %dma_start3A_2406 = arith.constant 0 : i32
        %dma_start3A_2407 = arith.constant 0 : i32
        %dma_start3A_2408 = tpu.memref_slice %arg12[%dma_start3A_2399, %dma_start3A_2406, %dma_start3A_2407] : memref<16x16x128xf32, #tpu.memory_space<vmem>> -> memref<1x16x128xf32, #tpu.memory_space<vmem>>
        %dma_start3A_2409 = tpu.memref_squeeze %dma_start3A_2408 : memref<1x16x128xf32, #tpu.memory_space<vmem>> -> memref<16x128xf32, #tpu.memory_space<vmem>>
        %dma_start3A_2410 = arith.constant 0 : i32
        %dma_start3A_2411 = tpu.memref_slice %arg5[%dma_start3A_2410, %multiple_of3A_2385] : memref<16x1000000xf32, #tpu.memory_space<hbm>> -> memref<16x128xf32, #tpu.memory_space<hbm>>
        tpu.enqueue_dma source(%dma_start3A_2411 : memref<16x128xf32, #tpu.memory_space<hbm>>) target(%dma_start3A_2409 : memref<16x128xf32, #tpu.memory_space<vmem>>) target_semaphore(%arg16 : memref<!tpu.dma_semaphore, #tpu.memory_space<semaphore_mem>>)
        %slice3A_2412 = vector.extract_strided_slice %get3A_2309 {offsets = [3], sizes = [1], strides = [1]} : vector<16xi32> to vector<1xi32>
        %squeeze3A_2413 = vector.extract %slice3A_2412[0] : i32 from vector<1xi32>
        %and3A_2414 = arith.constant 127 : i32
        %and3A_2415 = arith.andi %squeeze3A_2413, %and3A_2414 : i32
        %sub3A_2416 = arith.subi %squeeze3A_2413, %and3A_2415 : i32
        %min3A_2417 = arith.constant 999808 : i32
        %min3A_2418 = arith.minsi %sub3A_2416, %min3A_2417 : i32
        %multiple_of3A_2419 = tpu.assume_multiple %min3A_2418, 128 : i32
        %dma_start3A_2420 = arith.constant 3 : i32
        %dma_start3A_2421 = arith.constant 0 : i32
        %dma_start3A_2422 = arith.constant 0 : i32
        %dma_start3A_2423 = tpu.memref_slice %arg11[%dma_start3A_2420, %dma_start3A_2421, %dma_start3A_2422] : memref<16x16x128xf32, #tpu.memory_space<vmem>> -> memref<1x16x128xf32, #tpu.memory_space<vmem>>
        %dma_start3A_2424 = tpu.memref_squeeze %dma_start3A_2423 : memref<1x16x128xf32, #tpu.memory_space<vmem>> -> memref<16x128xf32, #tpu.memory_space<vmem>>
        %dma_start3A_2425 = arith.constant 0 : i32
        %dma_start3A_2426 = tpu.memref_slice %arg4[%dma_start3A_2425, %multiple_of3A_2419] : memref<16x1000000xf32, #tpu.memory_space<hbm>> -> memref<16x128xf32, #tpu.memory_space<hbm>>
        %dma_start3A_2427 = arith.constant 0 : i32
        %dma_start3A_2428 = arith.constant 0 : i32
        %dma_start3A_2429 = tpu.memref_slice %arg11[%dma_start3A_2420, %dma_start3A_2427, %dma_start3A_2428] : memref<16x16x128xf32, #tpu.memory_space<vmem>> -> memref<1x16x128xf32, #tpu.memory_space<vmem>>
        %dma_start3A_2430 = tpu.memref_squeeze %dma_start3A_2429 : memref<1x16x128xf32, #tpu.memory_space<vmem>> -> memref<16x128xf32, #tpu.memory_space<vmem>>
        %dma_start3A_2431 = arith.constant 0 : i32
        %dma_start3A_2432 = tpu.memref_slice %arg4[%dma_start3A_2431, %multiple_of3A_2419] : memref<16x1000000xf32, #tpu.memory_space<hbm>> -> memref<16x128xf32, #tpu.memory_space<hbm>>
        tpu.enqueue_dma source(%dma_start3A_2432 : memref<16x128xf32, #tpu.memory_space<hbm>>) target(%dma_start3A_2430 : memref<16x128xf32, #tpu.memory_space<vmem>>) target_semaphore(%arg16 : memref<!tpu.dma_semaphore, #tpu.memory_space<semaphore_mem>>)
        %dma_start3A_2433 = arith.constant 3 : i32
        %dma_start3A_2434 = arith.constant 0 : i32
        %dma_start3A_2435 = arith.constant 0 : i32
        %dma_start3A_2436 = tpu.memref_slice %arg12[%dma_start3A_2433, %dma_start3A_2434, %dma_start3A_2435] : memref<16x16x128xf32, #tpu.memory_space<vmem>> -> memref<1x16x128xf32, #tpu.memory_space<vmem>>
        %dma_start3A_2437 = tpu.memref_squeeze %dma_start3A_2436 : memref<1x16x128xf32, #tpu.memory_space<vmem>> -> memref<16x128xf32, #tpu.memory_space<vmem>>
        %dma_start3A_2438 = arith.constant 0 : i32
        %dma_start3A_2439 = tpu.memref_slice %arg5[%dma_start3A_2438, %multiple_of3A_2419] : memref<16x1000000xf32, #tpu.memory_space<hbm>> -> memref<16x128xf32, #tpu.memory_space<hbm>>
        %dma_start3A_2440 = arith.constant 0 : i32
        %dma_start3A_2441 = arith.constant 0 : i32
        %dma_start3A_2442 = tpu.memref_slice %arg12[%dma_start3A_2433, %dma_start3A_2440, %dma_start3A_2441] : memref<16x16x128xf32, #tpu.memory_space<vmem>> -> memref<1x16x128xf32, #tpu.memory_space<vmem>>
        %dma_start3A_2443 = tpu.memref_squeeze %dma_start3A_2442 : memref<1x16x128xf32, #tpu.memory_space<vmem>> -> memref<16x128xf32, #tpu.memory_space<vmem>>
        %dma_start3A_2444 = arith.constant 0 : i32
        %dma_start3A_2445 = tpu.memref_slice %arg5[%dma_start3A_2444, %multiple_of3A_2419] : memref<16x1000000xf32, #tpu.memory_space<hbm>> -> memref<16x128xf32, #tpu.memory_space<hbm>>
        tpu.enqueue_dma source(%dma_start3A_2445 : memref<16x128xf32, #tpu.memory_space<hbm>>) target(%dma_start3A_2443 : memref<16x128xf32, #tpu.memory_space<vmem>>) target_semaphore(%arg16 : memref<!tpu.dma_semaphore, #tpu.memory_space<semaphore_mem>>)
        %slice3A_2446 = vector.extract_strided_slice %get3A_2309 {offsets = [4], sizes = [1], strides = [1]} : vector<16xi32> to vector<1xi32>
        %squeeze3A_2447 = vector.extract %slice3A_2446[0] : i32 from vector<1xi32>
        %and3A_2448 = arith.constant 127 : i32
        %and3A_2449 = arith.andi %squeeze3A_2447, %and3A_2448 : i32
        %sub3A_2450 = arith.subi %squeeze3A_2447, %and3A_2449 : i32
        %min3A_2451 = arith.constant 999808 : i32
        %min3A_2452 = arith.minsi %sub3A_2450, %min3A_2451 : i32
        %multiple_of3A_2453 = tpu.assume_multiple %min3A_2452, 128 : i32
        %dma_start3A_2454 = arith.constant 4 : i32
        %dma_start3A_2455 = arith.constant 0 : i32
        %dma_start3A_2456 = arith.constant 0 : i32
        %dma_start3A_2457 = tpu.memref_slice %arg11[%dma_start3A_2454, %dma_start3A_2455, %dma_start3A_2456] : memref<16x16x128xf32, #tpu.memory_space<vmem>> -> memref<1x16x128xf32, #tpu.memory_space<vmem>>
        %dma_start3A_2458 = tpu.memref_squeeze %dma_start3A_2457 : memref<1x16x128xf32, #tpu.memory_space<vmem>> -> memref<16x128xf32, #tpu.memory_space<vmem>>
        %dma_start3A_2459 = arith.constant 0 : i32
        %dma_start3A_2460 = tpu.memref_slice %arg4[%dma_start3A_2459, %multiple_of3A_2453] : memref<16x1000000xf32, #tpu.memory_space<hbm>> -> memref<16x128xf32, #tpu.memory_space<hbm>>
        %dma_start3A_2461 = arith.constant 0 : i32
        %dma_start3A_2462 = arith.constant 0 : i32
        %dma_start3A_2463 = tpu.memref_slice %arg11[%dma_start3A_2454, %dma_start3A_2461, %dma_start3A_2462] : memref<16x16x128xf32, #tpu.memory_space<vmem>> -> memref<1x16x128xf32, #tpu.memory_space<vmem>>
        %dma_start3A_2464 = tpu.memref_squeeze %dma_start3A_2463 : memref<1x16x128xf32, #tpu.memory_space<vmem>> -> memref<16x128xf32, #tpu.memory_space<vmem>>
        %dma_start3A_2465 = arith.constant 0 : i32
        %dma_start3A_2466 = tpu.memref_slice %arg4[%dma_start3A_2465, %multiple_of3A_2453] : memref<16x1000000xf32, #tpu.memory_space<hbm>> -> memref<16x128xf32, #tpu.memory_space<hbm>>
        tpu.enqueue_dma source(%dma_start3A_2466 : memref<16x128xf32, #tpu.memory_space<hbm>>) target(%dma_start3A_2464 : memref<16x128xf32, #tpu.memory_space<vmem>>) target_semaphore(%arg16 : memref<!tpu.dma_semaphore, #tpu.memory_space<semaphore_mem>>)
        %dma_start3A_2467 = arith.constant 4 : i32
        %dma_start3A_2468 = arith.constant 0 : i32
        %dma_start3A_2469 = arith.constant 0 : i32
        %dma_start3A_2470 = tpu.memref_slice %arg12[%dma_start3A_2467, %dma_start3A_2468, %dma_start3A_2469] : memref<16x16x128xf32, #tpu.memory_space<vmem>> -> memref<1x16x128xf32, #tpu.memory_space<vmem>>
        %dma_start3A_2471 = tpu.memref_squeeze %dma_start3A_2470 : memref<1x16x128xf32, #tpu.memory_space<vmem>> -> memref<16x128xf32, #tpu.memory_space<vmem>>
        %dma_start3A_2472 = arith.constant 0 : i32
        %dma_start3A_2473 = tpu.memref_slice %arg5[%dma_start3A_2472, %multiple_of3A_2453] : memref<16x1000000xf32, #tpu.memory_space<hbm>> -> memref<16x128xf32, #tpu.memory_space<hbm>>
        %dma_start3A_2474 = arith.constant 0 : i32
        %dma_start3A_2475 = arith.constant 0 : i32
        %dma_start3A_2476 = tpu.memref_slice %arg12[%dma_start3A_2467, %dma_start3A_2474, %dma_start3A_2475] : memref<16x16x128xf32, #tpu.memory_space<vmem>> -> memref<1x16x128xf32, #tpu.memory_space<vmem>>
        %dma_start3A_2477 = tpu.memref_squeeze %dma_start3A_2476 : memref<1x16x128xf32, #tpu.memory_space<vmem>> -> memref<16x128xf32, #tpu.memory_space<vmem>>
        %dma_start3A_2478 = arith.constant 0 : i32
        %dma_start3A_2479 = tpu.memref_slice %arg5[%dma_start3A_2478, %multiple_of3A_2453] : memref<16x1000000xf32, #tpu.memory_space<hbm>> -> memref<16x128xf32, #tpu.memory_space<hbm>>
        tpu.enqueue_dma source(%dma_start3A_2479 : memref<16x128xf32, #tpu.memory_space<hbm>>) target(%dma_start3A_2477 : memref<16x128xf32, #tpu.memory_space<vmem>>) target_semaphore(%arg16 : memref<!tpu.dma_semaphore, #tpu.memory_space<semaphore_mem>>)
        %slice3A_2480 = vector.extract_strided_slice %get3A_2309 {offsets = [5], sizes = [1], strides = [1]} : vector<16xi32> to vector<1xi32>
        %squeeze3A_2481 = vector.extract %slice3A_2480[0] : i32 from vector<1xi32>
        %and3A_2482 = arith.constant 127 : i32
        %and3A_2483 = arith.andi %squeeze3A_2481, %and3A_2482 : i32
        %sub3A_2484 = arith.subi %squeeze3A_2481, %and3A_2483 : i32
        %min3A_2485 = arith.constant 999808 : i32
        %min3A_2486 = arith.minsi %sub3A_2484, %min3A_2485 : i32
        %multiple_of3A_2487 = tpu.assume_multiple %min3A_2486, 128 : i32
        %dma_start3A_2488 = arith.constant 5 : i32
        %dma_start3A_2489 = arith.constant 0 : i32
        %dma_start3A_2490 = arith.constant 0 : i32
        %dma_start3A_2491 = tpu.memref_slice %arg11[%dma_start3A_2488, %dma_start3A_2489, %dma_start3A_2490] : memref<16x16x128xf32, #tpu.memory_space<vmem>> -> memref<1x16x128xf32, #tpu.memory_space<vmem>>
        %dma_start3A_2492 = tpu.memref_squeeze %dma_start3A_2491 : memref<1x16x128xf32, #tpu.memory_space<vmem>> -> memref<16x128xf32, #tpu.memory_space<vmem>>
        %dma_start3A_2493 = arith.constant 0 : i32
        %dma_start3A_2494 = tpu.memref_slice %arg4[%dma_start3A_2493, %multiple_of3A_2487] : memref<16x1000000xf32, #tpu.memory_space<hbm>> -> memref<16x128xf32, #tpu.memory_space<hbm>>
        %dma_start3A_2495 = arith.constant 0 : i32
        %dma_start3A_2496 = arith.constant 0 : i32
        %dma_start3A_2497 = tpu.memref_slice %arg11[%dma_start3A_2488, %dma_start3A_2495, %dma_start3A_2496] : memref<16x16x128xf32, #tpu.memory_space<vmem>> -> memref<1x16x128xf32, #tpu.memory_space<vmem>>
        %dma_start3A_2498 = tpu.memref_squeeze %dma_start3A_2497 : memref<1x16x128xf32, #tpu.memory_space<vmem>> -> memref<16x128xf32, #tpu.memory_space<vmem>>
        %dma_start3A_2499 = arith.constant 0 : i32
        %dma_start3A_2500 = tpu.memref_slice %arg4[%dma_start3A_2499, %multiple_of3A_2487] : memref<16x1000000xf32, #tpu.memory_space<hbm>> -> memref<16x128xf32, #tpu.memory_space<hbm>>
        tpu.enqueue_dma source(%dma_start3A_2500 : memref<16x128xf32, #tpu.memory_space<hbm>>) target(%dma_start3A_2498 : memref<16x128xf32, #tpu.memory_space<vmem>>) target_semaphore(%arg16 : memref<!tpu.dma_semaphore, #tpu.memory_space<semaphore_mem>>)
        %dma_start3A_2501 = arith.constant 5 : i32
        %dma_start3A_2502 = arith.constant 0 : i32
        %dma_start3A_2503 = arith.constant 0 : i32
        %dma_start3A_2504 = tpu.memref_slice %arg12[%dma_start3A_2501, %dma_start3A_2502, %dma_start3A_2503] : memref<16x16x128xf32, #tpu.memory_space<vmem>> -> memref<1x16x128xf32, #tpu.memory_space<vmem>>
        %dma_start3A_2505 = tpu.memref_squeeze %dma_start3A_2504 : memref<1x16x128xf32, #tpu.memory_space<vmem>> -> memref<16x128xf32, #tpu.memory_space<vmem>>
        %dma_start3A_2506 = arith.constant 0 : i32
        %dma_start3A_2507 = tpu.memref_slice %arg5[%dma_start3A_2506, %multiple_of3A_2487] : memref<16x1000000xf32, #tpu.memory_space<hbm>> -> memref<16x128xf32, #tpu.memory_space<hbm>>
        %dma_start3A_2508 = arith.constant 0 : i32
        %dma_start3A_2509 = arith.constant 0 : i32
        %dma_start3A_2510 = tpu.memref_slice %arg12[%dma_start3A_2501, %dma_start3A_2508, %dma_start3A_2509] : memref<16x16x128xf32, #tpu.memory_space<vmem>> -> memref<1x16x128xf32, #tpu.memory_space<vmem>>
        %dma_start3A_2511 = tpu.memref_squeeze %dma_start3A_2510 : memref<1x16x128xf32, #tpu.memory_space<vmem>> -> memref<16x128xf32, #tpu.memory_space<vmem>>
        %dma_start3A_2512 = arith.constant 0 : i32
        %dma_start3A_2513 = tpu.memref_slice %arg5[%dma_start3A_2512, %multiple_of3A_2487] : memref<16x1000000xf32, #tpu.memory_space<hbm>> -> memref<16x128xf32, #tpu.memory_space<hbm>>
        tpu.enqueue_dma source(%dma_start3A_2513 : memref<16x128xf32, #tpu.memory_space<hbm>>) target(%dma_start3A_2511 : memref<16x128xf32, #tpu.memory_space<vmem>>) target_semaphore(%arg16 : memref<!tpu.dma_semaphore, #tpu.memory_space<semaphore_mem>>)
        %slice3A_2514 = vector.extract_strided_slice %get3A_2309 {offsets = [6], sizes = [1], strides = [1]} : vector<16xi32> to vector<1xi32>
        %squeeze3A_2515 = vector.extract %slice3A_2514[0] : i32 from vector<1xi32>
        %and3A_2516 = arith.constant 127 : i32
        %and3A_2517 = arith.andi %squeeze3A_2515, %and3A_2516 : i32
        %sub3A_2518 = arith.subi %squeeze3A_2515, %and3A_2517 : i32
        %min3A_2519 = arith.constant 999808 : i32
        %min3A_2520 = arith.minsi %sub3A_2518, %min3A_2519 : i32
        %multiple_of3A_2521 = tpu.assume_multiple %min3A_2520, 128 : i32
        %dma_start3A_2522 = arith.constant 6 : i32
        %dma_start3A_2523 = arith.constant 0 : i32
        %dma_start3A_2524 = arith.constant 0 : i32
        %dma_start3A_2525 = tpu.memref_slice %arg11[%dma_start3A_2522, %dma_start3A_2523, %dma_start3A_2524] : memref<16x16x128xf32, #tpu.memory_space<vmem>> -> memref<1x16x128xf32, #tpu.memory_space<vmem>>
        %dma_start3A_2526 = tpu.memref_squeeze %dma_start3A_2525 : memref<1x16x128xf32, #tpu.memory_space<vmem>> -> memref<16x128xf32, #tpu.memory_space<vmem>>
        %dma_start3A_2527 = arith.constant 0 : i32
        %dma_start3A_2528 = tpu.memref_slice %arg4[%dma_start3A_2527, %multiple_of3A_2521] : memref<16x1000000xf32, #tpu.memory_space<hbm>> -> memref<16x128xf32, #tpu.memory_space<hbm>>
        %dma_start3A_2529 = arith.constant 0 : i32
        %dma_start3A_2530 = arith.constant 0 : i32
        %dma_start3A_2531 = tpu.memref_slice %arg11[%dma_start3A_2522, %dma_start3A_2529, %dma_start3A_2530] : memref<16x16x128xf32, #tpu.memory_space<vmem>> -> memref<1x16x128xf32, #tpu.memory_space<vmem>>
        %dma_start3A_2532 = tpu.memref_squeeze %dma_start3A_2531 : memref<1x16x128xf32, #tpu.memory_space<vmem>> -> memref<16x128xf32, #tpu.memory_space<vmem>>
        %dma_start3A_2533 = arith.constant 0 : i32
        %dma_start3A_2534 = tpu.memref_slice %arg4[%dma_start3A_2533, %multiple_of3A_2521] : memref<16x1000000xf32, #tpu.memory_space<hbm>> -> memref<16x128xf32, #tpu.memory_space<hbm>>
        tpu.enqueue_dma source(%dma_start3A_2534 : memref<16x128xf32, #tpu.memory_space<hbm>>) target(%dma_start3A_2532 : memref<16x128xf32, #tpu.memory_space<vmem>>) target_semaphore(%arg16 : memref<!tpu.dma_semaphore, #tpu.memory_space<semaphore_mem>>)
        %dma_start3A_2535 = arith.constant 6 : i32
        %dma_start3A_2536 = arith.constant 0 : i32
        %dma_start3A_2537 = arith.constant 0 : i32
        %dma_start3A_2538 = tpu.memref_slice %arg12[%dma_start3A_2535, %dma_start3A_2536, %dma_start3A_2537] : memref<16x16x128xf32, #tpu.memory_space<vmem>> -> memref<1x16x128xf32, #tpu.memory_space<vmem>>
        %dma_start3A_2539 = tpu.memref_squeeze %dma_start3A_2538 : memref<1x16x128xf32, #tpu.memory_space<vmem>> -> memref<16x128xf32, #tpu.memory_space<vmem>>
        %dma_start3A_2540 = arith.constant 0 : i32
        %dma_start3A_2541 = tpu.memref_slice %arg5[%dma_start3A_2540, %multiple_of3A_2521] : memref<16x1000000xf32, #tpu.memory_space<hbm>> -> memref<16x128xf32, #tpu.memory_space<hbm>>
        %dma_start3A_2542 = arith.constant 0 : i32
        %dma_start3A_2543 = arith.constant 0 : i32
        %dma_start3A_2544 = tpu.memref_slice %arg12[%dma_start3A_2535, %dma_start3A_2542, %dma_start3A_2543] : memref<16x16x128xf32, #tpu.memory_space<vmem>> -> memref<1x16x128xf32, #tpu.memory_space<vmem>>
        %dma_start3A_2545 = tpu.memref_squeeze %dma_start3A_2544 : memref<1x16x128xf32, #tpu.memory_space<vmem>> -> memref<16x128xf32, #tpu.memory_space<vmem>>
        %dma_start3A_2546 = arith.constant 0 : i32
        %dma_start3A_2547 = tpu.memref_slice %arg5[%dma_start3A_2546, %multiple_of3A_2521] : memref<16x1000000xf32, #tpu.memory_space<hbm>> -> memref<16x128xf32, #tpu.memory_space<hbm>>
        tpu.enqueue_dma source(%dma_start3A_2547 : memref<16x128xf32, #tpu.memory_space<hbm>>) target(%dma_start3A_2545 : memref<16x128xf32, #tpu.memory_space<vmem>>) target_semaphore(%arg16 : memref<!tpu.dma_semaphore, #tpu.memory_space<semaphore_mem>>)
        %slice3A_2548 = vector.extract_strided_slice %get3A_2309 {offsets = [7], sizes = [1], strides = [1]} : vector<16xi32> to vector<1xi32>
        %squeeze3A_2549 = vector.extract %slice3A_2548[0] : i32 from vector<1xi32>
        %and3A_2550 = arith.constant 127 : i32
        %and3A_2551 = arith.andi %squeeze3A_2549, %and3A_2550 : i32
        %sub3A_2552 = arith.subi %squeeze3A_2549, %and3A_2551 : i32
        %min3A_2553 = arith.constant 999808 : i32
        %min3A_2554 = arith.minsi %sub3A_2552, %min3A_2553 : i32
        %multiple_of3A_2555 = tpu.assume_multiple %min3A_2554, 128 : i32
        %dma_start3A_2556 = arith.constant 7 : i32
        %dma_start3A_2557 = arith.constant 0 : i32
        %dma_start3A_2558 = arith.constant 0 : i32
        %dma_start3A_2559 = tpu.memref_slice %arg11[%dma_start3A_2556, %dma_start3A_2557, %dma_start3A_2558] : memref<16x16x128xf32, #tpu.memory_space<vmem>> -> memref<1x16x128xf32, #tpu.memory_space<vmem>>
        %dma_start3A_2560 = tpu.memref_squeeze %dma_start3A_2559 : memref<1x16x128xf32, #tpu.memory_space<vmem>> -> memref<16x128xf32, #tpu.memory_space<vmem>>
        %dma_start3A_2561 = arith.constant 0 : i32
        %dma_start3A_2562 = tpu.memref_slice %arg4[%dma_start3A_2561, %multiple_of3A_2555] : memref<16x1000000xf32, #tpu.memory_space<hbm>> -> memref<16x128xf32, #tpu.memory_space<hbm>>
        %dma_start3A_2563 = arith.constant 0 : i32
        %dma_start3A_2564 = arith.constant 0 : i32
        %dma_start3A_2565 = tpu.memref_slice %arg11[%dma_start3A_2556, %dma_start3A_2563, %dma_start3A_2564] : memref<16x16x128xf32, #tpu.memory_space<vmem>> -> memref<1x16x128xf32, #tpu.memory_space<vmem>>
        %dma_start3A_2566 = tpu.memref_squeeze %dma_start3A_2565 : memref<1x16x128xf32, #tpu.memory_space<vmem>> -> memref<16x128xf32, #tpu.memory_space<vmem>>
        %dma_start3A_2567 = arith.constant 0 : i32
        %dma_start3A_2568 = tpu.memref_slice %arg4[%dma_start3A_2567, %multiple_of3A_2555] : memref<16x1000000xf32, #tpu.memory_space<hbm>> -> memref<16x128xf32, #tpu.memory_space<hbm>>
        tpu.enqueue_dma source(%dma_start3A_2568 : memref<16x128xf32, #tpu.memory_space<hbm>>) target(%dma_start3A_2566 : memref<16x128xf32, #tpu.memory_space<vmem>>) target_semaphore(%arg16 : memref<!tpu.dma_semaphore, #tpu.memory_space<semaphore_mem>>)
        %dma_start3A_2569 = arith.constant 7 : i32
        %dma_start3A_2570 = arith.constant 0 : i32
        %dma_start3A_2571 = arith.constant 0 : i32
        %dma_start3A_2572 = tpu.memref_slice %arg12[%dma_start3A_2569, %dma_start3A_2570, %dma_start3A_2571] : memref<16x16x128xf32, #tpu.memory_space<vmem>> -> memref<1x16x128xf32, #tpu.memory_space<vmem>>
        %dma_start3A_2573 = tpu.memref_squeeze %dma_start3A_2572 : memref<1x16x128xf32, #tpu.memory_space<vmem>> -> memref<16x128xf32, #tpu.memory_space<vmem>>
        %dma_start3A_2574 = arith.constant 0 : i32
        %dma_start3A_2575 = tpu.memref_slice %arg5[%dma_start3A_2574, %multiple_of3A_2555] : memref<16x1000000xf32, #tpu.memory_space<hbm>> -> memref<16x128xf32, #tpu.memory_space<hbm>>
        %dma_start3A_2576 = arith.constant 0 : i32
        %dma_start3A_2577 = arith.constant 0 : i32
        %dma_start3A_2578 = tpu.memref_slice %arg12[%dma_start3A_2569, %dma_start3A_2576, %dma_start3A_2577] : memref<16x16x128xf32, #tpu.memory_space<vmem>> -> memref<1x16x128xf32, #tpu.memory_space<vmem>>
        %dma_start3A_2579 = tpu.memref_squeeze %dma_start3A_2578 : memref<1x16x128xf32, #tpu.memory_space<vmem>> -> memref<16x128xf32, #tpu.memory_space<vmem>>
        %dma_start3A_2580 = arith.constant 0 : i32
        %dma_start3A_2581 = tpu.memref_slice %arg5[%dma_start3A_2580, %multiple_of3A_2555] : memref<16x1000000xf32, #tpu.memory_space<hbm>> -> memref<16x128xf32, #tpu.memory_space<hbm>>
        tpu.enqueue_dma source(%dma_start3A_2581 : memref<16x128xf32, #tpu.memory_space<hbm>>) target(%dma_start3A_2579 : memref<16x128xf32, #tpu.memory_space<vmem>>) target_semaphore(%arg16 : memref<!tpu.dma_semaphore, #tpu.memory_space<semaphore_mem>>)
      } else {
      }
      %dma_wait3A_1446 = arith.constant 8 : i32
      %dma_wait3A_1447 = arith.constant 0 : i32
      %dma_wait3A_1448 = arith.constant 0 : i32
      %dma_wait3A_1449 = tpu.memref_slice %arg11[%dma_wait3A_1446, %dma_wait3A_1447, %dma_wait3A_1448] : memref<16x16x128xf32, #tpu.memory_space<vmem>> -> memref<1x16x128xf32, #tpu.memory_space<vmem>>
      %dma_wait3A_1450 = tpu.memref_squeeze %dma_wait3A_1449 : memref<1x16x128xf32, #tpu.memory_space<vmem>> -> memref<16x128xf32, #tpu.memory_space<vmem>>
      %dma_wait3A_1451 = arith.constant 0 : i32
      %dma_wait3A_1452 = tpu.memref_slice %arg4[%dma_wait3A_1451, %multiple_of3A_297] : memref<16x1000000xf32, #tpu.memory_space<hbm>> -> memref<16x128xf32, #tpu.memory_space<hbm>>
      %dma_wait3A_1453 = arith.constant 0 : i32
      %dma_wait3A_1454 = arith.constant 0 : i32
      %dma_wait3A_1455 = tpu.memref_slice %arg11[%dma_wait3A_1446, %dma_wait3A_1453, %dma_wait3A_1454] : memref<16x16x128xf32, #tpu.memory_space<vmem>> -> memref<1x16x128xf32, #tpu.memory_space<vmem>>
      %dma_wait3A_1456 = tpu.memref_squeeze %dma_wait3A_1455 : memref<1x16x128xf32, #tpu.memory_space<vmem>> -> memref<16x128xf32, #tpu.memory_space<vmem>>
      %dma_wait3A_1457 = arith.constant 0 : i32
      %dma_wait3A_1458 = tpu.memref_slice %arg4[%dma_wait3A_1457, %multiple_of3A_297] : memref<16x1000000xf32, #tpu.memory_space<hbm>> -> memref<16x128xf32, #tpu.memory_space<hbm>>
      tpu.wait_dma2 semaphore(%arg17 : memref<!tpu.dma_semaphore, #tpu.memory_space<semaphore_mem>>) src(%dma_wait3A_1458 : memref<16x128xf32, #tpu.memory_space<hbm>>) dst(%dma_wait3A_1456 : memref<16x128xf32, #tpu.memory_space<vmem>>)
      %dma_wait3A_1459 = arith.constant 8 : i32
      %dma_wait3A_1460 = arith.constant 0 : i32
      %dma_wait3A_1461 = arith.constant 0 : i32
      %dma_wait3A_1462 = tpu.memref_slice %arg12[%dma_wait3A_1459, %dma_wait3A_1460, %dma_wait3A_1461] : memref<16x16x128xf32, #tpu.memory_space<vmem>> -> memref<1x16x128xf32, #tpu.memory_space<vmem>>
      %dma_wait3A_1463 = tpu.memref_squeeze %dma_wait3A_1462 : memref<1x16x128xf32, #tpu.memory_space<vmem>> -> memref<16x128xf32, #tpu.memory_space<vmem>>
      %dma_wait3A_1464 = arith.constant 0 : i32
      %dma_wait3A_1465 = tpu.memref_slice %arg5[%dma_wait3A_1464, %multiple_of3A_297] : memref<16x1000000xf32, #tpu.memory_space<hbm>> -> memref<16x128xf32, #tpu.memory_space<hbm>>
      %dma_wait3A_1466 = arith.constant 0 : i32
      %dma_wait3A_1467 = arith.constant 0 : i32
      %dma_wait3A_1468 = tpu.memref_slice %arg12[%dma_wait3A_1459, %dma_wait3A_1466, %dma_wait3A_1467] : memref<16x16x128xf32, #tpu.memory_space<vmem>> -> memref<1x16x128xf32, #tpu.memory_space<vmem>>
      %dma_wait3A_1469 = tpu.memref_squeeze %dma_wait3A_1468 : memref<1x16x128xf32, #tpu.memory_space<vmem>> -> memref<16x128xf32, #tpu.memory_space<vmem>>
      %dma_wait3A_1470 = arith.constant 0 : i32
      %dma_wait3A_1471 = tpu.memref_slice %arg5[%dma_wait3A_1470, %multiple_of3A_297] : memref<16x1000000xf32, #tpu.memory_space<hbm>> -> memref<16x128xf32, #tpu.memory_space<hbm>>
      tpu.wait_dma2 semaphore(%arg17 : memref<!tpu.dma_semaphore, #tpu.memory_space<semaphore_mem>>) src(%dma_wait3A_1471 : memref<16x128xf32, #tpu.memory_space<hbm>>) dst(%dma_wait3A_1469 : memref<16x128xf32, #tpu.memory_space<vmem>>)
      %dma_wait3A_1472 = arith.constant 9 : i32
      %dma_wait3A_1473 = arith.constant 0 : i32
      %dma_wait3A_1474 = arith.constant 0 : i32
      %dma_wait3A_1475 = tpu.memref_slice %arg11[%dma_wait3A_1472, %dma_wait3A_1473, %dma_wait3A_1474] : memref<16x16x128xf32, #tpu.memory_space<vmem>> -> memref<1x16x128xf32, #tpu.memory_space<vmem>>
      %dma_wait3A_1476 = tpu.memref_squeeze %dma_wait3A_1475 : memref<1x16x128xf32, #tpu.memory_space<vmem>> -> memref<16x128xf32, #tpu.memory_space<vmem>>
      %dma_wait3A_1477 = arith.constant 0 : i32
      %dma_wait3A_1478 = tpu.memref_slice %arg4[%dma_wait3A_1477, %multiple_of3A_331] : memref<16x1000000xf32, #tpu.memory_space<hbm>> -> memref<16x128xf32, #tpu.memory_space<hbm>>
      %dma_wait3A_1479 = arith.constant 0 : i32
      %dma_wait3A_1480 = arith.constant 0 : i32
      %dma_wait3A_1481 = tpu.memref_slice %arg11[%dma_wait3A_1472, %dma_wait3A_1479, %dma_wait3A_1480] : memref<16x16x128xf32, #tpu.memory_space<vmem>> -> memref<1x16x128xf32, #tpu.memory_space<vmem>>
      %dma_wait3A_1482 = tpu.memref_squeeze %dma_wait3A_1481 : memref<1x16x128xf32, #tpu.memory_space<vmem>> -> memref<16x128xf32, #tpu.memory_space<vmem>>
      %dma_wait3A_1483 = arith.constant 0 : i32
      %dma_wait3A_1484 = tpu.memref_slice %arg4[%dma_wait3A_1483, %multiple_of3A_331] : memref<16x1000000xf32, #tpu.memory_space<hbm>> -> memref<16x128xf32, #tpu.memory_space<hbm>>
      tpu.wait_dma2 semaphore(%arg17 : memref<!tpu.dma_semaphore, #tpu.memory_space<semaphore_mem>>) src(%dma_wait3A_1484 : memref<16x128xf32, #tpu.memory_space<hbm>>) dst(%dma_wait3A_1482 : memref<16x128xf32, #tpu.memory_space<vmem>>)
      %dma_wait3A_1485 = arith.constant 9 : i32
      %dma_wait3A_1486 = arith.constant 0 : i32
      %dma_wait3A_1487 = arith.constant 0 : i32
      %dma_wait3A_1488 = tpu.memref_slice %arg12[%dma_wait3A_1485, %dma_wait3A_1486, %dma_wait3A_1487] : memref<16x16x128xf32, #tpu.memory_space<vmem>> -> memref<1x16x128xf32, #tpu.memory_space<vmem>>
      %dma_wait3A_1489 = tpu.memref_squeeze %dma_wait3A_1488 : memref<1x16x128xf32, #tpu.memory_space<vmem>> -> memref<16x128xf32, #tpu.memory_space<vmem>>
      %dma_wait3A_1490 = arith.constant 0 : i32
      %dma_wait3A_1491 = tpu.memref_slice %arg5[%dma_wait3A_1490, %multiple_of3A_331] : memref<16x1000000xf32, #tpu.memory_space<hbm>> -> memref<16x128xf32, #tpu.memory_space<hbm>>
      %dma_wait3A_1492 = arith.constant 0 : i32
      %dma_wait3A_1493 = arith.constant 0 : i32
      %dma_wait3A_1494 = tpu.memref_slice %arg12[%dma_wait3A_1485, %dma_wait3A_1492, %dma_wait3A_1493] : memref<16x16x128xf32, #tpu.memory_space<vmem>> -> memref<1x16x128xf32, #tpu.memory_space<vmem>>
      %dma_wait3A_1495 = tpu.memref_squeeze %dma_wait3A_1494 : memref<1x16x128xf32, #tpu.memory_space<vmem>> -> memref<16x128xf32, #tpu.memory_space<vmem>>
      %dma_wait3A_1496 = arith.constant 0 : i32
      %dma_wait3A_1497 = tpu.memref_slice %arg5[%dma_wait3A_1496, %multiple_of3A_331] : memref<16x1000000xf32, #tpu.memory_space<hbm>> -> memref<16x128xf32, #tpu.memory_space<hbm>>
      tpu.wait_dma2 semaphore(%arg17 : memref<!tpu.dma_semaphore, #tpu.memory_space<semaphore_mem>>) src(%dma_wait3A_1497 : memref<16x128xf32, #tpu.memory_space<hbm>>) dst(%dma_wait3A_1495 : memref<16x128xf32, #tpu.memory_space<vmem>>)
      %dma_wait3A_1498 = arith.constant 10 : i32
      %dma_wait3A_1499 = arith.constant 0 : i32
      %dma_wait3A_1500 = arith.constant 0 : i32
      %dma_wait3A_1501 = tpu.memref_slice %arg11[%dma_wait3A_1498, %dma_wait3A_1499, %dma_wait3A_1500] : memref<16x16x128xf32, #tpu.memory_space<vmem>> -> memref<1x16x128xf32, #tpu.memory_space<vmem>>
      %dma_wait3A_1502 = tpu.memref_squeeze %dma_wait3A_1501 : memref<1x16x128xf32, #tpu.memory_space<vmem>> -> memref<16x128xf32, #tpu.memory_space<vmem>>
      %dma_wait3A_1503 = arith.constant 0 : i32
      %dma_wait3A_1504 = tpu.memref_slice %arg4[%dma_wait3A_1503, %multiple_of3A_365] : memref<16x1000000xf32, #tpu.memory_space<hbm>> -> memref<16x128xf32, #tpu.memory_space<hbm>>
      %dma_wait3A_1505 = arith.constant 0 : i32
      %dma_wait3A_1506 = arith.constant 0 : i32
      %dma_wait3A_1507 = tpu.memref_slice %arg11[%dma_wait3A_1498, %dma_wait3A_1505, %dma_wait3A_1506] : memref<16x16x128xf32, #tpu.memory_space<vmem>> -> memref<1x16x128xf32, #tpu.memory_space<vmem>>
      %dma_wait3A_1508 = tpu.memref_squeeze %dma_wait3A_1507 : memref<1x16x128xf32, #tpu.memory_space<vmem>> -> memref<16x128xf32, #tpu.memory_space<vmem>>
      %dma_wait3A_1509 = arith.constant 0 : i32
      %dma_wait3A_1510 = tpu.memref_slice %arg4[%dma_wait3A_1509, %multiple_of3A_365] : memref<16x1000000xf32, #tpu.memory_space<hbm>> -> memref<16x128xf32, #tpu.memory_space<hbm>>
      tpu.wait_dma2 semaphore(%arg17 : memref<!tpu.dma_semaphore, #tpu.memory_space<semaphore_mem>>) src(%dma_wait3A_1510 : memref<16x128xf32, #tpu.memory_space<hbm>>) dst(%dma_wait3A_1508 : memref<16x128xf32, #tpu.memory_space<vmem>>)
      %dma_wait3A_1511 = arith.constant 10 : i32
      %dma_wait3A_1512 = arith.constant 0 : i32
      %dma_wait3A_1513 = arith.constant 0 : i32
      %dma_wait3A_1514 = tpu.memref_slice %arg12[%dma_wait3A_1511, %dma_wait3A_1512, %dma_wait3A_1513] : memref<16x16x128xf32, #tpu.memory_space<vmem>> -> memref<1x16x128xf32, #tpu.memory_space<vmem>>
      %dma_wait3A_1515 = tpu.memref_squeeze %dma_wait3A_1514 : memref<1x16x128xf32, #tpu.memory_space<vmem>> -> memref<16x128xf32, #tpu.memory_space<vmem>>
      %dma_wait3A_1516 = arith.constant 0 : i32
      %dma_wait3A_1517 = tpu.memref_slice %arg5[%dma_wait3A_1516, %multiple_of3A_365] : memref<16x1000000xf32, #tpu.memory_space<hbm>> -> memref<16x128xf32, #tpu.memory_space<hbm>>
      %dma_wait3A_1518 = arith.constant 0 : i32
      %dma_wait3A_1519 = arith.constant 0 : i32
      %dma_wait3A_1520 = tpu.memref_slice %arg12[%dma_wait3A_1511, %dma_wait3A_1518, %dma_wait3A_1519] : memref<16x16x128xf32, #tpu.memory_space<vmem>> -> memref<1x16x128xf32, #tpu.memory_space<vmem>>
      %dma_wait3A_1521 = tpu.memref_squeeze %dma_wait3A_1520 : memref<1x16x128xf32, #tpu.memory_space<vmem>> -> memref<16x128xf32, #tpu.memory_space<vmem>>
      %dma_wait3A_1522 = arith.constant 0 : i32
      %dma_wait3A_1523 = tpu.memref_slice %arg5[%dma_wait3A_1522, %multiple_of3A_365] : memref<16x1000000xf32, #tpu.memory_space<hbm>> -> memref<16x128xf32, #tpu.memory_space<hbm>>
      tpu.wait_dma2 semaphore(%arg17 : memref<!tpu.dma_semaphore, #tpu.memory_space<semaphore_mem>>) src(%dma_wait3A_1523 : memref<16x128xf32, #tpu.memory_space<hbm>>) dst(%dma_wait3A_1521 : memref<16x128xf32, #tpu.memory_space<vmem>>)
      %dma_wait3A_1524 = arith.constant 11 : i32
      %dma_wait3A_1525 = arith.constant 0 : i32
      %dma_wait3A_1526 = arith.constant 0 : i32
      %dma_wait3A_1527 = tpu.memref_slice %arg11[%dma_wait3A_1524, %dma_wait3A_1525, %dma_wait3A_1526] : memref<16x16x128xf32, #tpu.memory_space<vmem>> -> memref<1x16x128xf32, #tpu.memory_space<vmem>>
      %dma_wait3A_1528 = tpu.memref_squeeze %dma_wait3A_1527 : memref<1x16x128xf32, #tpu.memory_space<vmem>> -> memref<16x128xf32, #tpu.memory_space<vmem>>
      %dma_wait3A_1529 = arith.constant 0 : i32
      %dma_wait3A_1530 = tpu.memref_slice %arg4[%dma_wait3A_1529, %multiple_of3A_399] : memref<16x1000000xf32, #tpu.memory_space<hbm>> -> memref<16x128xf32, #tpu.memory_space<hbm>>
      %dma_wait3A_1531 = arith.constant 0 : i32
      %dma_wait3A_1532 = arith.constant 0 : i32
      %dma_wait3A_1533 = tpu.memref_slice %arg11[%dma_wait3A_1524, %dma_wait3A_1531, %dma_wait3A_1532] : memref<16x16x128xf32, #tpu.memory_space<vmem>> -> memref<1x16x128xf32, #tpu.memory_space<vmem>>
      %dma_wait3A_1534 = tpu.memref_squeeze %dma_wait3A_1533 : memref<1x16x128xf32, #tpu.memory_space<vmem>> -> memref<16x128xf32, #tpu.memory_space<vmem>>
      %dma_wait3A_1535 = arith.constant 0 : i32
      %dma_wait3A_1536 = tpu.memref_slice %arg4[%dma_wait3A_1535, %multiple_of3A_399] : memref<16x1000000xf32, #tpu.memory_space<hbm>> -> memref<16x128xf32, #tpu.memory_space<hbm>>
      tpu.wait_dma2 semaphore(%arg17 : memref<!tpu.dma_semaphore, #tpu.memory_space<semaphore_mem>>) src(%dma_wait3A_1536 : memref<16x128xf32, #tpu.memory_space<hbm>>) dst(%dma_wait3A_1534 : memref<16x128xf32, #tpu.memory_space<vmem>>)
      %dma_wait3A_1537 = arith.constant 11 : i32
      %dma_wait3A_1538 = arith.constant 0 : i32
      %dma_wait3A_1539 = arith.constant 0 : i32
      %dma_wait3A_1540 = tpu.memref_slice %arg12[%dma_wait3A_1537, %dma_wait3A_1538, %dma_wait3A_1539] : memref<16x16x128xf32, #tpu.memory_space<vmem>> -> memref<1x16x128xf32, #tpu.memory_space<vmem>>
      %dma_wait3A_1541 = tpu.memref_squeeze %dma_wait3A_1540 : memref<1x16x128xf32, #tpu.memory_space<vmem>> -> memref<16x128xf32, #tpu.memory_space<vmem>>
      %dma_wait3A_1542 = arith.constant 0 : i32
      %dma_wait3A_1543 = tpu.memref_slice %arg5[%dma_wait3A_1542, %multiple_of3A_399] : memref<16x1000000xf32, #tpu.memory_space<hbm>> -> memref<16x128xf32, #tpu.memory_space<hbm>>
      %dma_wait3A_1544 = arith.constant 0 : i32
      %dma_wait3A_1545 = arith.constant 0 : i32
      %dma_wait3A_1546 = tpu.memref_slice %arg12[%dma_wait3A_1537, %dma_wait3A_1544, %dma_wait3A_1545] : memref<16x16x128xf32, #tpu.memory_space<vmem>> -> memref<1x16x128xf32, #tpu.memory_space<vmem>>
      %dma_wait3A_1547 = tpu.memref_squeeze %dma_wait3A_1546 : memref<1x16x128xf32, #tpu.memory_space<vmem>> -> memref<16x128xf32, #tpu.memory_space<vmem>>
      %dma_wait3A_1548 = arith.constant 0 : i32
      %dma_wait3A_1549 = tpu.memref_slice %arg5[%dma_wait3A_1548, %multiple_of3A_399] : memref<16x1000000xf32, #tpu.memory_space<hbm>> -> memref<16x128xf32, #tpu.memory_space<hbm>>
      tpu.wait_dma2 semaphore(%arg17 : memref<!tpu.dma_semaphore, #tpu.memory_space<semaphore_mem>>) src(%dma_wait3A_1549 : memref<16x128xf32, #tpu.memory_space<hbm>>) dst(%dma_wait3A_1547 : memref<16x128xf32, #tpu.memory_space<vmem>>)
      %dma_wait3A_1550 = arith.constant 12 : i32
      %dma_wait3A_1551 = arith.constant 0 : i32
      %dma_wait3A_1552 = arith.constant 0 : i32
      %dma_wait3A_1553 = tpu.memref_slice %arg11[%dma_wait3A_1550, %dma_wait3A_1551, %dma_wait3A_1552] : memref<16x16x128xf32, #tpu.memory_space<vmem>> -> memref<1x16x128xf32, #tpu.memory_space<vmem>>
      %dma_wait3A_1554 = tpu.memref_squeeze %dma_wait3A_1553 : memref<1x16x128xf32, #tpu.memory_space<vmem>> -> memref<16x128xf32, #tpu.memory_space<vmem>>
      %dma_wait3A_1555 = arith.constant 0 : i32
      %dma_wait3A_1556 = tpu.memref_slice %arg4[%dma_wait3A_1555, %multiple_of3A_433] : memref<16x1000000xf32, #tpu.memory_space<hbm>> -> memref<16x128xf32, #tpu.memory_space<hbm>>
      %dma_wait3A_1557 = arith.constant 0 : i32
      %dma_wait3A_1558 = arith.constant 0 : i32
      %dma_wait3A_1559 = tpu.memref_slice %arg11[%dma_wait3A_1550, %dma_wait3A_1557, %dma_wait3A_1558] : memref<16x16x128xf32, #tpu.memory_space<vmem>> -> memref<1x16x128xf32, #tpu.memory_space<vmem>>
      %dma_wait3A_1560 = tpu.memref_squeeze %dma_wait3A_1559 : memref<1x16x128xf32, #tpu.memory_space<vmem>> -> memref<16x128xf32, #tpu.memory_space<vmem>>
      %dma_wait3A_1561 = arith.constant 0 : i32
      %dma_wait3A_1562 = tpu.memref_slice %arg4[%dma_wait3A_1561, %multiple_of3A_433] : memref<16x1000000xf32, #tpu.memory_space<hbm>> -> memref<16x128xf32, #tpu.memory_space<hbm>>
      tpu.wait_dma2 semaphore(%arg17 : memref<!tpu.dma_semaphore, #tpu.memory_space<semaphore_mem>>) src(%dma_wait3A_1562 : memref<16x128xf32, #tpu.memory_space<hbm>>) dst(%dma_wait3A_1560 : memref<16x128xf32, #tpu.memory_space<vmem>>)
      %dma_wait3A_1563 = arith.constant 12 : i32
      %dma_wait3A_1564 = arith.constant 0 : i32
      %dma_wait3A_1565 = arith.constant 0 : i32
      %dma_wait3A_1566 = tpu.memref_slice %arg12[%dma_wait3A_1563, %dma_wait3A_1564, %dma_wait3A_1565] : memref<16x16x128xf32, #tpu.memory_space<vmem>> -> memref<1x16x128xf32, #tpu.memory_space<vmem>>
      %dma_wait3A_1567 = tpu.memref_squeeze %dma_wait3A_1566 : memref<1x16x128xf32, #tpu.memory_space<vmem>> -> memref<16x128xf32, #tpu.memory_space<vmem>>
      %dma_wait3A_1568 = arith.constant 0 : i32
      %dma_wait3A_1569 = tpu.memref_slice %arg5[%dma_wait3A_1568, %multiple_of3A_433] : memref<16x1000000xf32, #tpu.memory_space<hbm>> -> memref<16x128xf32, #tpu.memory_space<hbm>>
      %dma_wait3A_1570 = arith.constant 0 : i32
      %dma_wait3A_1571 = arith.constant 0 : i32
      %dma_wait3A_1572 = tpu.memref_slice %arg12[%dma_wait3A_1563, %dma_wait3A_1570, %dma_wait3A_1571] : memref<16x16x128xf32, #tpu.memory_space<vmem>> -> memref<1x16x128xf32, #tpu.memory_space<vmem>>
      %dma_wait3A_1573 = tpu.memref_squeeze %dma_wait3A_1572 : memref<1x16x128xf32, #tpu.memory_space<vmem>> -> memref<16x128xf32, #tpu.memory_space<vmem>>
      %dma_wait3A_1574 = arith.constant 0 : i32
      %dma_wait3A_1575 = tpu.memref_slice %arg5[%dma_wait3A_1574, %multiple_of3A_433] : memref<16x1000000xf32, #tpu.memory_space<hbm>> -> memref<16x128xf32, #tpu.memory_space<hbm>>
      tpu.wait_dma2 semaphore(%arg17 : memref<!tpu.dma_semaphore, #tpu.memory_space<semaphore_mem>>) src(%dma_wait3A_1575 : memref<16x128xf32, #tpu.memory_space<hbm>>) dst(%dma_wait3A_1573 : memref<16x128xf32, #tpu.memory_space<vmem>>)
      %dma_wait3A_1576 = arith.constant 13 : i32
      %dma_wait3A_1577 = arith.constant 0 : i32
      %dma_wait3A_1578 = arith.constant 0 : i32
      %dma_wait3A_1579 = tpu.memref_slice %arg11[%dma_wait3A_1576, %dma_wait3A_1577, %dma_wait3A_1578] : memref<16x16x128xf32, #tpu.memory_space<vmem>> -> memref<1x16x128xf32, #tpu.memory_space<vmem>>
      %dma_wait3A_1580 = tpu.memref_squeeze %dma_wait3A_1579 : memref<1x16x128xf32, #tpu.memory_space<vmem>> -> memref<16x128xf32, #tpu.memory_space<vmem>>
      %dma_wait3A_1581 = arith.constant 0 : i32
      %dma_wait3A_1582 = tpu.memref_slice %arg4[%dma_wait3A_1581, %multiple_of3A_467] : memref<16x1000000xf32, #tpu.memory_space<hbm>> -> memref<16x128xf32, #tpu.memory_space<hbm>>
      %dma_wait3A_1583 = arith.constant 0 : i32
      %dma_wait3A_1584 = arith.constant 0 : i32
      %dma_wait3A_1585 = tpu.memref_slice %arg11[%dma_wait3A_1576, %dma_wait3A_1583, %dma_wait3A_1584] : memref<16x16x128xf32, #tpu.memory_space<vmem>> -> memref<1x16x128xf32, #tpu.memory_space<vmem>>
      %dma_wait3A_1586 = tpu.memref_squeeze %dma_wait3A_1585 : memref<1x16x128xf32, #tpu.memory_space<vmem>> -> memref<16x128xf32, #tpu.memory_space<vmem>>
      %dma_wait3A_1587 = arith.constant 0 : i32
      %dma_wait3A_1588 = tpu.memref_slice %arg4[%dma_wait3A_1587, %multiple_of3A_467] : memref<16x1000000xf32, #tpu.memory_space<hbm>> -> memref<16x128xf32, #tpu.memory_space<hbm>>
      tpu.wait_dma2 semaphore(%arg17 : memref<!tpu.dma_semaphore, #tpu.memory_space<semaphore_mem>>) src(%dma_wait3A_1588 : memref<16x128xf32, #tpu.memory_space<hbm>>) dst(%dma_wait3A_1586 : memref<16x128xf32, #tpu.memory_space<vmem>>)
      %dma_wait3A_1589 = arith.constant 13 : i32
      %dma_wait3A_1590 = arith.constant 0 : i32
      %dma_wait3A_1591 = arith.constant 0 : i32
      %dma_wait3A_1592 = tpu.memref_slice %arg12[%dma_wait3A_1589, %dma_wait3A_1590, %dma_wait3A_1591] : memref<16x16x128xf32, #tpu.memory_space<vmem>> -> memref<1x16x128xf32, #tpu.memory_space<vmem>>
      %dma_wait3A_1593 = tpu.memref_squeeze %dma_wait3A_1592 : memref<1x16x128xf32, #tpu.memory_space<vmem>> -> memref<16x128xf32, #tpu.memory_space<vmem>>
      %dma_wait3A_1594 = arith.constant 0 : i32
      %dma_wait3A_1595 = tpu.memref_slice %arg5[%dma_wait3A_1594, %multiple_of3A_467] : memref<16x1000000xf32, #tpu.memory_space<hbm>> -> memref<16x128xf32, #tpu.memory_space<hbm>>
      %dma_wait3A_1596 = arith.constant 0 : i32
      %dma_wait3A_1597 = arith.constant 0 : i32
      %dma_wait3A_1598 = tpu.memref_slice %arg12[%dma_wait3A_1589, %dma_wait3A_1596, %dma_wait3A_1597] : memref<16x16x128xf32, #tpu.memory_space<vmem>> -> memref<1x16x128xf32, #tpu.memory_space<vmem>>
      %dma_wait3A_1599 = tpu.memref_squeeze %dma_wait3A_1598 : memref<1x16x128xf32, #tpu.memory_space<vmem>> -> memref<16x128xf32, #tpu.memory_space<vmem>>
      %dma_wait3A_1600 = arith.constant 0 : i32
      %dma_wait3A_1601 = tpu.memref_slice %arg5[%dma_wait3A_1600, %multiple_of3A_467] : memref<16x1000000xf32, #tpu.memory_space<hbm>> -> memref<16x128xf32, #tpu.memory_space<hbm>>
      tpu.wait_dma2 semaphore(%arg17 : memref<!tpu.dma_semaphore, #tpu.memory_space<semaphore_mem>>) src(%dma_wait3A_1601 : memref<16x128xf32, #tpu.memory_space<hbm>>) dst(%dma_wait3A_1599 : memref<16x128xf32, #tpu.memory_space<vmem>>)
      %dma_wait3A_1602 = arith.constant 14 : i32
      %dma_wait3A_1603 = arith.constant 0 : i32
      %dma_wait3A_1604 = arith.constant 0 : i32
      %dma_wait3A_1605 = tpu.memref_slice %arg11[%dma_wait3A_1602, %dma_wait3A_1603, %dma_wait3A_1604] : memref<16x16x128xf32, #tpu.memory_space<vmem>> -> memref<1x16x128xf32, #tpu.memory_space<vmem>>
      %dma_wait3A_1606 = tpu.memref_squeeze %dma_wait3A_1605 : memref<1x16x128xf32, #tpu.memory_space<vmem>> -> memref<16x128xf32, #tpu.memory_space<vmem>>
      %dma_wait3A_1607 = arith.constant 0 : i32
      %dma_wait3A_1608 = tpu.memref_slice %arg4[%dma_wait3A_1607, %multiple_of3A_501] : memref<16x1000000xf32, #tpu.memory_space<hbm>> -> memref<16x128xf32, #tpu.memory_space<hbm>>
      %dma_wait3A_1609 = arith.constant 0 : i32
      %dma_wait3A_1610 = arith.constant 0 : i32
      %dma_wait3A_1611 = tpu.memref_slice %arg11[%dma_wait3A_1602, %dma_wait3A_1609, %dma_wait3A_1610] : memref<16x16x128xf32, #tpu.memory_space<vmem>> -> memref<1x16x128xf32, #tpu.memory_space<vmem>>
      %dma_wait3A_1612 = tpu.memref_squeeze %dma_wait3A_1611 : memref<1x16x128xf32, #tpu.memory_space<vmem>> -> memref<16x128xf32, #tpu.memory_space<vmem>>
      %dma_wait3A_1613 = arith.constant 0 : i32
      %dma_wait3A_1614 = tpu.memref_slice %arg4[%dma_wait3A_1613, %multiple_of3A_501] : memref<16x1000000xf32, #tpu.memory_space<hbm>> -> memref<16x128xf32, #tpu.memory_space<hbm>>
      tpu.wait_dma2 semaphore(%arg17 : memref<!tpu.dma_semaphore, #tpu.memory_space<semaphore_mem>>) src(%dma_wait3A_1614 : memref<16x128xf32, #tpu.memory_space<hbm>>) dst(%dma_wait3A_1612 : memref<16x128xf32, #tpu.memory_space<vmem>>)
      %dma_wait3A_1615 = arith.constant 14 : i32
      %dma_wait3A_1616 = arith.constant 0 : i32
      %dma_wait3A_1617 = arith.constant 0 : i32
      %dma_wait3A_1618 = tpu.memref_slice %arg12[%dma_wait3A_1615, %dma_wait3A_1616, %dma_wait3A_1617] : memref<16x16x128xf32, #tpu.memory_space<vmem>> -> memref<1x16x128xf32, #tpu.memory_space<vmem>>
      %dma_wait3A_1619 = tpu.memref_squeeze %dma_wait3A_1618 : memref<1x16x128xf32, #tpu.memory_space<vmem>> -> memref<16x128xf32, #tpu.memory_space<vmem>>
      %dma_wait3A_1620 = arith.constant 0 : i32
      %dma_wait3A_1621 = tpu.memref_slice %arg5[%dma_wait3A_1620, %multiple_of3A_501] : memref<16x1000000xf32, #tpu.memory_space<hbm>> -> memref<16x128xf32, #tpu.memory_space<hbm>>
      %dma_wait3A_1622 = arith.constant 0 : i32
      %dma_wait3A_1623 = arith.constant 0 : i32
      %dma_wait3A_1624 = tpu.memref_slice %arg12[%dma_wait3A_1615, %dma_wait3A_1622, %dma_wait3A_1623] : memref<16x16x128xf32, #tpu.memory_space<vmem>> -> memref<1x16x128xf32, #tpu.memory_space<vmem>>
      %dma_wait3A_1625 = tpu.memref_squeeze %dma_wait3A_1624 : memref<1x16x128xf32, #tpu.memory_space<vmem>> -> memref<16x128xf32, #tpu.memory_space<vmem>>
      %dma_wait3A_1626 = arith.constant 0 : i32
      %dma_wait3A_1627 = tpu.memref_slice %arg5[%dma_wait3A_1626, %multiple_of3A_501] : memref<16x1000000xf32, #tpu.memory_space<hbm>> -> memref<16x128xf32, #tpu.memory_space<hbm>>
      tpu.wait_dma2 semaphore(%arg17 : memref<!tpu.dma_semaphore, #tpu.memory_space<semaphore_mem>>) src(%dma_wait3A_1627 : memref<16x128xf32, #tpu.memory_space<hbm>>) dst(%dma_wait3A_1625 : memref<16x128xf32, #tpu.memory_space<vmem>>)
      %dma_wait3A_1628 = arith.constant 15 : i32
      %dma_wait3A_1629 = arith.constant 0 : i32
      %dma_wait3A_1630 = arith.constant 0 : i32
      %dma_wait3A_1631 = tpu.memref_slice %arg11[%dma_wait3A_1628, %dma_wait3A_1629, %dma_wait3A_1630] : memref<16x16x128xf32, #tpu.memory_space<vmem>> -> memref<1x16x128xf32, #tpu.memory_space<vmem>>
      %dma_wait3A_1632 = tpu.memref_squeeze %dma_wait3A_1631 : memref<1x16x128xf32, #tpu.memory_space<vmem>> -> memref<16x128xf32, #tpu.memory_space<vmem>>
      %dma_wait3A_1633 = arith.constant 0 : i32
      %dma_wait3A_1634 = tpu.memref_slice %arg4[%dma_wait3A_1633, %multiple_of3A_535] : memref<16x1000000xf32, #tpu.memory_space<hbm>> -> memref<16x128xf32, #tpu.memory_space<hbm>>
      %dma_wait3A_1635 = arith.constant 0 : i32
      %dma_wait3A_1636 = arith.constant 0 : i32
      %dma_wait3A_1637 = tpu.memref_slice %arg11[%dma_wait3A_1628, %dma_wait3A_1635, %dma_wait3A_1636] : memref<16x16x128xf32, #tpu.memory_space<vmem>> -> memref<1x16x128xf32, #tpu.memory_space<vmem>>
      %dma_wait3A_1638 = tpu.memref_squeeze %dma_wait3A_1637 : memref<1x16x128xf32, #tpu.memory_space<vmem>> -> memref<16x128xf32, #tpu.memory_space<vmem>>
      %dma_wait3A_1639 = arith.constant 0 : i32
      %dma_wait3A_1640 = tpu.memref_slice %arg4[%dma_wait3A_1639, %multiple_of3A_535] : memref<16x1000000xf32, #tpu.memory_space<hbm>> -> memref<16x128xf32, #tpu.memory_space<hbm>>
      tpu.wait_dma2 semaphore(%arg17 : memref<!tpu.dma_semaphore, #tpu.memory_space<semaphore_mem>>) src(%dma_wait3A_1640 : memref<16x128xf32, #tpu.memory_space<hbm>>) dst(%dma_wait3A_1638 : memref<16x128xf32, #tpu.memory_space<vmem>>)
      %dma_wait3A_1641 = arith.constant 15 : i32
      %dma_wait3A_1642 = arith.constant 0 : i32
      %dma_wait3A_1643 = arith.constant 0 : i32
      %dma_wait3A_1644 = tpu.memref_slice %arg12[%dma_wait3A_1641, %dma_wait3A_1642, %dma_wait3A_1643] : memref<16x16x128xf32, #tpu.memory_space<vmem>> -> memref<1x16x128xf32, #tpu.memory_space<vmem>>
      %dma_wait3A_1645 = tpu.memref_squeeze %dma_wait3A_1644 : memref<1x16x128xf32, #tpu.memory_space<vmem>> -> memref<16x128xf32, #tpu.memory_space<vmem>>
      %dma_wait3A_1646 = arith.constant 0 : i32
      %dma_wait3A_1647 = tpu.memref_slice %arg5[%dma_wait3A_1646, %multiple_of3A_535] : memref<16x1000000xf32, #tpu.memory_space<hbm>> -> memref<16x128xf32, #tpu.memory_space<hbm>>
      %dma_wait3A_1648 = arith.constant 0 : i32
      %dma_wait3A_1649 = arith.constant 0 : i32
      %dma_wait3A_1650 = tpu.memref_slice %arg12[%dma_wait3A_1641, %dma_wait3A_1648, %dma_wait3A_1649] : memref<16x16x128xf32, #tpu.memory_space<vmem>> -> memref<1x16x128xf32, #tpu.memory_space<vmem>>
      %dma_wait3A_1651 = tpu.memref_squeeze %dma_wait3A_1650 : memref<1x16x128xf32, #tpu.memory_space<vmem>> -> memref<16x128xf32, #tpu.memory_space<vmem>>
      %dma_wait3A_1652 = arith.constant 0 : i32
      %dma_wait3A_1653 = tpu.memref_slice %arg5[%dma_wait3A_1652, %multiple_of3A_535] : memref<16x1000000xf32, #tpu.memory_space<hbm>> -> memref<16x128xf32, #tpu.memory_space<hbm>>
      tpu.wait_dma2 semaphore(%arg17 : memref<!tpu.dma_semaphore, #tpu.memory_space<semaphore_mem>>) src(%dma_wait3A_1653 : memref<16x128xf32, #tpu.memory_space<hbm>>) dst(%dma_wait3A_1651 : memref<16x128xf32, #tpu.memory_space<vmem>>)
      %slice3A_1654 = vector.extract_strided_slice %get3A_283 {offsets = [8], sizes = [1], strides = [1]} : vector<16xi32> to vector<1xi32>
      %squeeze3A_1655 = vector.extract %slice3A_1654[0] : i32 from vector<1xi32>
      %and3A_1656 = arith.constant 127 : i32
      %and3A_1657 = arith.andi %squeeze3A_1655, %and3A_1656 : i32
      %add3A_1658 = vector.broadcast %and3A_1657 : i32 to vector<16xi32>
      %add3A_1659 = arith.addi %broadcast_in_dim3A_3, %add3A_1658 : vector<16xi32>
      %add3A_1660 = arith.constant 8 : i32
      %add3A_1661 = vector.broadcast %add3A_1660 : i32 to vector<16xi32>
      %add3A_1662 = arith.addi %broadcast_in_dim3A_3, %add3A_1661 : vector<16xi32>
      %gather3A_1663 = tpu.vector_load_idx %arg11[%add3A_1662, %iota3A, %add3A_1659] : memref<16x16x128xf32, #tpu.memory_space<vmem>>[vector<16xi32>, vector<16xi32>, vector<16xi32>], vector<16xf32>,
      %gather3A_1664 = tpu.vector_load_idx %arg12[%add3A_1662, %iota3A, %add3A_1659] : memref<16x16x128xf32, #tpu.memory_space<vmem>>[vector<16xi32>, vector<16xi32>, vector<16xi32>], vector<16xf32>,
      %ge3A_1665 = arith.constant 999936 : i32
      %ge3A_1666 = arith.cmpi sge, %squeeze3A_1655, %ge3A_1665 : i32
      %sub3A_1667 = arith.constant 999936 : i32
      %sub3A_1668 = arith.subi %squeeze3A_1655, %sub3A_1667 : i32
      %max3A_1669 = arith.constant 0 : i32
      %max3A_1670 = arith.maxsi %sub3A_1668, %max3A_1669 : i32
      %get3A_1671 = arith.index_cast %max3A_1670 : i32 to index
      %get3A_1672 = arith.constant 0 : index
      %get3A_1673 = tpu.vector_load %arg13[%get3A_1671, %get3A_1672] {strides = array<i32>} : memref<64x16xf32, #tpu.memory_space<vmem>>, vector<16xf32>,
      %select_n3A_1674 = arith.select %ge3A_1666, %get3A_1673, %gather3A_1663 : vector<16xf32>
      %get3A_1675 = arith.index_cast %max3A_1670 : i32 to index
      %get3A_1676 = arith.constant 0 : index
      %get3A_1677 = tpu.vector_load %arg14[%get3A_1675, %get3A_1676] {strides = array<i32>} : memref<64x16xf32, #tpu.memory_space<vmem>>, vector<16xf32>,
      %select_n3A_1678 = arith.select %ge3A_1666, %get3A_1677, %gather3A_1664 : vector<16xf32>
      %slice3A_1679 = vector.extract_strided_slice %get3A_289 {offsets = [8], sizes = [1], strides = [1]} : vector<16xf32> to vector<1xf32>
      %squeeze3A_1680 = vector.extract %slice3A_1679[0] : f32 from vector<1xf32>
      %mul3A_1681 = vector.broadcast %squeeze3A_1680 : f32 to vector<16xf32>
      %mul3A_1682 = arith.mulf %mul3A_1681, %select_n3A_1674 : vector<16xf32>
      %add3A_1683 = arith.addf %mul3A_1682, %select_n3A_1678 : vector<16xf32>
      %mul3A_1684 = arith.constant 0.159154937 : f32
      %mul3A_1685 = vector.broadcast %mul3A_1684 : f32 to vector<16xf32>
      %mul3A_1686 = arith.mulf %add3A_1683, %mul3A_1685 : vector<16xf32>
      %add3A_1687 = arith.constant 0x4B400000 : f32
      %add3A_1688 = vector.broadcast %add3A_1687 : f32 to vector<16xf32>
      %add3A_1689 = arith.addf %mul3A_1686, %add3A_1688 : vector<16xf32>
      %sub3A_1690 = arith.constant 0x4B400000 : f32
      %sub3A_1691 = vector.broadcast %sub3A_1690 : f32 to vector<16xf32>
      %sub3A_1692 = arith.subf %add3A_1689, %sub3A_1691 : vector<16xf32>
      %mul3A_1693 = arith.constant 2 : i32
      %mul3A_1694 = arith.muli %scan3A_277, %mul3A_1693 : i32
      %mul3A_1695 = arith.constant 8 : i32
      %mul3A_1696 = arith.muli %mul3A_1694, %mul3A_1695 : i32
      %add3A_1697 = arith.constant 8 : i32
      %add3A_1698 = arith.addi %mul3A_1696, %add3A_1697 : i32
      %sub3A_1699 = arith.subf %mul3A_1686, %sub3A_1692 : vector<16xf32>
      %mul3A_1700 = arith.mulf %sub3A_1699, %sub3A_1699 : vector<16xf32>
      %mul3A_1701 = arith.constant -1.45311236 : f32
      %mul3A_1702 = vector.broadcast %mul3A_1701 : f32 to vector<16xf32>
      %mul3A_1703 = arith.mulf %mul3A_1702, %mul3A_1700 : vector<16xf32>
      %add3A_1704 = arith.constant 7.80013132 : f32
      %add3A_1705 = vector.broadcast %add3A_1704 : f32 to vector<16xf32>
      %add3A_1706 = arith.addf %mul3A_1703, %add3A_1705 : vector<16xf32>
      %mul3A_1707 = arith.mulf %add3A_1706, %mul3A_1700 : vector<16xf32>
      %add3A_1708 = arith.constant -26.4046688 : f32
      %add3A_1709 = vector.broadcast %add3A_1708 : f32 to vector<16xf32>
      %add3A_1710 = arith.addf %mul3A_1707, %add3A_1709 : vector<16xf32>
      %mul3A_1711 = arith.mulf %add3A_1710, %mul3A_1700 : vector<16xf32>
      %add3A_1712 = arith.constant 60.2421303 : f32
      %add3A_1713 = vector.broadcast %add3A_1712 : f32 to vector<16xf32>
      %add3A_1714 = arith.addf %mul3A_1711, %add3A_1713 : vector<16xf32>
      %mul3A_1715 = arith.mulf %add3A_1714, %mul3A_1700 : vector<16xf32>
      %add3A_1716 = arith.constant -85.4566574 : f32
      %add3A_1717 = vector.broadcast %add3A_1716 : f32 to vector<16xf32>
      %add3A_1718 = arith.addf %mul3A_1715, %add3A_1717 : vector<16xf32>
      %mul3A_1719 = arith.mulf %add3A_1718, %mul3A_1700 : vector<16xf32>
      %add3A_1720 = arith.constant 64.9393921 : f32
      %add3A_1721 = vector.broadcast %add3A_1720 : f32 to vector<16xf32>
      %add3A_1722 = arith.addf %mul3A_1719, %add3A_1721 : vector<16xf32>
      %mul3A_1723 = arith.mulf %add3A_1722, %mul3A_1700 : vector<16xf32>
      %add3A_1724 = arith.constant -19.7392082 : f32
      %add3A_1725 = vector.broadcast %add3A_1724 : f32 to vector<16xf32>
      %add3A_1726 = arith.addf %mul3A_1723, %add3A_1725 : vector<16xf32>
      %mul3A_1727 = arith.mulf %add3A_1726, %mul3A_1700 : vector<16xf32>
      %add3A_1728 = arith.constant 1.000000e+00 : f32
      %add3A_1729 = vector.broadcast %add3A_1728 : f32 to vector<16xf32>
      %add3A_1730 = arith.addf %mul3A_1727, %add3A_1729 : vector<16xf32>
      %mul3A_1731 = arith.constant 16 : i32
      %mul3A_1732 = arith.muli %add3A_1698, %mul3A_1731 : i32
      %swap3A_1733 = arith.index_cast %mul3A_1732 : i32 to index
      %swap3A_1734 = tpu.vector_load %arg15[%swap3A_1733] {strides = array<i32>} : memref<8192xf32, #tpu.memory_space<vmem>>, vector<16xf32>,
      tpu.vector_store %arg15[%swap3A_1733], %add3A_1730 {strides = array<i32>} : memref<8192xf32, #tpu.memory_space<vmem>>, vector<16xf32>,
      %slice3A_1735 = vector.extract_strided_slice %get3A_283 {offsets = [9], sizes = [1], strides = [1]} : vector<16xi32> to vector<1xi32>
      %squeeze3A_1736 = vector.extract %slice3A_1735[0] : i32 from vector<1xi32>
      %and3A_1737 = arith.constant 127 : i32
      %and3A_1738 = arith.andi %squeeze3A_1736, %and3A_1737 : i32
      %add3A_1739 = vector.broadcast %and3A_1738 : i32 to vector<16xi32>
      %add3A_1740 = arith.addi %broadcast_in_dim3A_3, %add3A_1739 : vector<16xi32>
      %add3A_1741 = arith.constant 9 : i32
      %add3A_1742 = vector.broadcast %add3A_1741 : i32 to vector<16xi32>
      %add3A_1743 = arith.addi %broadcast_in_dim3A_3, %add3A_1742 : vector<16xi32>
      %gather3A_1744 = tpu.vector_load_idx %arg11[%add3A_1743, %iota3A, %add3A_1740] : memref<16x16x128xf32, #tpu.memory_space<vmem>>[vector<16xi32>, vector<16xi32>, vector<16xi32>], vector<16xf32>,
      %gather3A_1745 = tpu.vector_load_idx %arg12[%add3A_1743, %iota3A, %add3A_1740] : memref<16x16x128xf32, #tpu.memory_space<vmem>>[vector<16xi32>, vector<16xi32>, vector<16xi32>], vector<16xf32>,
      %ge3A_1746 = arith.constant 999936 : i32
      %ge3A_1747 = arith.cmpi sge, %squeeze3A_1736, %ge3A_1746 : i32
      %sub3A_1748 = arith.constant 999936 : i32
      %sub3A_1749 = arith.subi %squeeze3A_1736, %sub3A_1748 : i32
      %max3A_1750 = arith.constant 0 : i32
      %max3A_1751 = arith.maxsi %sub3A_1749, %max3A_1750 : i32
      %get3A_1752 = arith.index_cast %max3A_1751 : i32 to index
      %get3A_1753 = arith.constant 0 : index
      %get3A_1754 = tpu.vector_load %arg13[%get3A_1752, %get3A_1753] {strides = array<i32>} : memref<64x16xf32, #tpu.memory_space<vmem>>, vector<16xf32>,
      %select_n3A_1755 = arith.select %ge3A_1747, %get3A_1754, %gather3A_1744 : vector<16xf32>
      %get3A_1756 = arith.index_cast %max3A_1751 : i32 to index
      %get3A_1757 = arith.constant 0 : index
      %get3A_1758 = tpu.vector_load %arg14[%get3A_1756, %get3A_1757] {strides = array<i32>} : memref<64x16xf32, #tpu.memory_space<vmem>>, vector<16xf32>,
      %select_n3A_1759 = arith.select %ge3A_1747, %get3A_1758, %gather3A_1745 : vector<16xf32>
      %slice3A_1760 = vector.extract_strided_slice %get3A_289 {offsets = [9], sizes = [1], strides = [1]} : vector<16xf32> to vector<1xf32>
      %squeeze3A_1761 = vector.extract %slice3A_1760[0] : f32 from vector<1xf32>
      %mul3A_1762 = vector.broadcast %squeeze3A_1761 : f32 to vector<16xf32>
      %mul3A_1763 = arith.mulf %mul3A_1762, %select_n3A_1755 : vector<16xf32>
      %add3A_1764 = arith.addf %mul3A_1763, %select_n3A_1759 : vector<16xf32>
      %mul3A_1765 = arith.constant 0.159154937 : f32
      %mul3A_1766 = vector.broadcast %mul3A_1765 : f32 to vector<16xf32>
      %mul3A_1767 = arith.mulf %add3A_1764, %mul3A_1766 : vector<16xf32>
      %add3A_1768 = arith.constant 0x4B400000 : f32
      %add3A_1769 = vector.broadcast %add3A_1768 : f32 to vector<16xf32>
      %add3A_1770 = arith.addf %mul3A_1767, %add3A_1769 : vector<16xf32>
      %sub3A_1771 = arith.constant 0x4B400000 : f32
      %sub3A_1772 = vector.broadcast %sub3A_1771 : f32 to vector<16xf32>
      %sub3A_1773 = arith.subf %add3A_1770, %sub3A_1772 : vector<16xf32>
      %mul3A_1774 = arith.constant 2 : i32
      %mul3A_1775 = arith.muli %scan3A_277, %mul3A_1774 : i32
      %mul3A_1776 = arith.constant 8 : i32
      %mul3A_1777 = arith.muli %mul3A_1775, %mul3A_1776 : i32
      %add3A_1778 = arith.constant 9 : i32
      %add3A_1779 = arith.addi %mul3A_1777, %add3A_1778 : i32
      %sub3A_1780 = arith.subf %mul3A_1767, %sub3A_1773 : vector<16xf32>
      %mul3A_1781 = arith.mulf %sub3A_1780, %sub3A_1780 : vector<16xf32>
      %mul3A_1782 = arith.constant -1.45311236 : f32
      %mul3A_1783 = vector.broadcast %mul3A_1782 : f32 to vector<16xf32>
      %mul3A_1784 = arith.mulf %mul3A_1783, %mul3A_1781 : vector<16xf32>
      %add3A_1785 = arith.constant 7.80013132 : f32
      %add3A_1786 = vector.broadcast %add3A_1785 : f32 to vector<16xf32>
      %add3A_1787 = arith.addf %mul3A_1784, %add3A_1786 : vector<16xf32>
      %mul3A_1788 = arith.mulf %add3A_1787, %mul3A_1781 : vector<16xf32>
      %add3A_1789 = arith.constant -26.4046688 : f32
      %add3A_1790 = vector.broadcast %add3A_1789 : f32 to vector<16xf32>
      %add3A_1791 = arith.addf %mul3A_1788, %add3A_1790 : vector<16xf32>
      %mul3A_1792 = arith.mulf %add3A_1791, %mul3A_1781 : vector<16xf32>
      %add3A_1793 = arith.constant 60.2421303 : f32
      %add3A_1794 = vector.broadcast %add3A_1793 : f32 to vector<16xf32>
      %add3A_1795 = arith.addf %mul3A_1792, %add3A_1794 : vector<16xf32>
      %mul3A_1796 = arith.mulf %add3A_1795, %mul3A_1781 : vector<16xf32>
      %add3A_1797 = arith.constant -85.4566574 : f32
      %add3A_1798 = vector.broadcast %add3A_1797 : f32 to vector<16xf32>
      %add3A_1799 = arith.addf %mul3A_1796, %add3A_1798 : vector<16xf32>
      %mul3A_1800 = arith.mulf %add3A_1799, %mul3A_1781 : vector<16xf32>
      %add3A_1801 = arith.constant 64.9393921 : f32
      %add3A_1802 = vector.broadcast %add3A_1801 : f32 to vector<16xf32>
      %add3A_1803 = arith.addf %mul3A_1800, %add3A_1802 : vector<16xf32>
      %mul3A_1804 = arith.mulf %add3A_1803, %mul3A_1781 : vector<16xf32>
      %add3A_1805 = arith.constant -19.7392082 : f32
      %add3A_1806 = vector.broadcast %add3A_1805 : f32 to vector<16xf32>
      %add3A_1807 = arith.addf %mul3A_1804, %add3A_1806 : vector<16xf32>
      %mul3A_1808 = arith.mulf %add3A_1807, %mul3A_1781 : vector<16xf32>
      %add3A_1809 = arith.constant 1.000000e+00 : f32
      %add3A_1810 = vector.broadcast %add3A_1809 : f32 to vector<16xf32>
      %add3A_1811 = arith.addf %mul3A_1808, %add3A_1810 : vector<16xf32>
      %mul3A_1812 = arith.constant 16 : i32
      %mul3A_1813 = arith.muli %add3A_1779, %mul3A_1812 : i32
      %swap3A_1814 = arith.index_cast %mul3A_1813 : i32 to index
      %swap3A_1815 = tpu.vector_load %arg15[%swap3A_1814] {strides = array<i32>} : memref<8192xf32, #tpu.memory_space<vmem>>, vector<16xf32>,
      tpu.vector_store %arg15[%swap3A_1814], %add3A_1811 {strides = array<i32>} : memref<8192xf32, #tpu.memory_space<vmem>>, vector<16xf32>,
      %slice3A_1816 = vector.extract_strided_slice %get3A_283 {offsets = [10], sizes = [1], strides = [1]} : vector<16xi32> to vector<1xi32>
      %squeeze3A_1817 = vector.extract %slice3A_1816[0] : i32 from vector<1xi32>
      %and3A_1818 = arith.constant 127 : i32
      %and3A_1819 = arith.andi %squeeze3A_1817, %and3A_1818 : i32
      %add3A_1820 = vector.broadcast %and3A_1819 : i32 to vector<16xi32>
      %add3A_1821 = arith.addi %broadcast_in_dim3A_3, %add3A_1820 : vector<16xi32>
      %add3A_1822 = arith.constant 10 : i32
      %add3A_1823 = vector.broadcast %add3A_1822 : i32 to vector<16xi32>
      %add3A_1824 = arith.addi %broadcast_in_dim3A_3, %add3A_1823 : vector<16xi32>
      %gather3A_1825 = tpu.vector_load_idx %arg11[%add3A_1824, %iota3A, %add3A_1821] : memref<16x16x128xf32, #tpu.memory_space<vmem>>[vector<16xi32>, vector<16xi32>, vector<16xi32>], vector<16xf32>,
      %gather3A_1826 = tpu.vector_load_idx %arg12[%add3A_1824, %iota3A, %add3A_1821] : memref<16x16x128xf32, #tpu.memory_space<vmem>>[vector<16xi32>, vector<16xi32>, vector<16xi32>], vector<16xf32>,
      %ge3A_1827 = arith.constant 999936 : i32
      %ge3A_1828 = arith.cmpi sge, %squeeze3A_1817, %ge3A_1827 : i32
      %sub3A_1829 = arith.constant 999936 : i32
      %sub3A_1830 = arith.subi %squeeze3A_1817, %sub3A_1829 : i32
      %max3A_1831 = arith.constant 0 : i32
      %max3A_1832 = arith.maxsi %sub3A_1830, %max3A_1831 : i32
      %get3A_1833 = arith.index_cast %max3A_1832 : i32 to index
      %get3A_1834 = arith.constant 0 : index
      %get3A_1835 = tpu.vector_load %arg13[%get3A_1833, %get3A_1834] {strides = array<i32>} : memref<64x16xf32, #tpu.memory_space<vmem>>, vector<16xf32>,
      %select_n3A_1836 = arith.select %ge3A_1828, %get3A_1835, %gather3A_1825 : vector<16xf32>
      %get3A_1837 = arith.index_cast %max3A_1832 : i32 to index
      %get3A_1838 = arith.constant 0 : index
      %get3A_1839 = tpu.vector_load %arg14[%get3A_1837, %get3A_1838] {strides = array<i32>} : memref<64x16xf32, #tpu.memory_space<vmem>>, vector<16xf32>,
      %select_n3A_1840 = arith.select %ge3A_1828, %get3A_1839, %gather3A_1826 : vector<16xf32>
      %slice3A_1841 = vector.extract_strided_slice %get3A_289 {offsets = [10], sizes = [1], strides = [1]} : vector<16xf32> to vector<1xf32>
      %squeeze3A_1842 = vector.extract %slice3A_1841[0] : f32 from vector<1xf32>
      %mul3A_1843 = vector.broadcast %squeeze3A_1842 : f32 to vector<16xf32>
      %mul3A_1844 = arith.mulf %mul3A_1843, %select_n3A_1836 : vector<16xf32>
      %add3A_1845 = arith.addf %mul3A_1844, %select_n3A_1840 : vector<16xf32>
      %mul3A_1846 = arith.constant 0.159154937 : f32
      %mul3A_1847 = vector.broadcast %mul3A_1846 : f32 to vector<16xf32>
      %mul3A_1848 = arith.mulf %add3A_1845, %mul3A_1847 : vector<16xf32>
      %add3A_1849 = arith.constant 0x4B400000 : f32
      %add3A_1850 = vector.broadcast %add3A_1849 : f32 to vector<16xf32>
      %add3A_1851 = arith.addf %mul3A_1848, %add3A_1850 : vector<16xf32>
      %sub3A_1852 = arith.constant 0x4B400000 : f32
      %sub3A_1853 = vector.broadcast %sub3A_1852 : f32 to vector<16xf32>
      %sub3A_1854 = arith.subf %add3A_1851, %sub3A_1853 : vector<16xf32>
      %mul3A_1855 = arith.constant 2 : i32
      %mul3A_1856 = arith.muli %scan3A_277, %mul3A_1855 : i32
      %mul3A_1857 = arith.constant 8 : i32
      %mul3A_1858 = arith.muli %mul3A_1856, %mul3A_1857 : i32
      %add3A_1859 = arith.constant 10 : i32
      %add3A_1860 = arith.addi %mul3A_1858, %add3A_1859 : i32
      %sub3A_1861 = arith.subf %mul3A_1848, %sub3A_1854 : vector<16xf32>
      %mul3A_1862 = arith.mulf %sub3A_1861, %sub3A_1861 : vector<16xf32>
      %mul3A_1863 = arith.constant -1.45311236 : f32
      %mul3A_1864 = vector.broadcast %mul3A_1863 : f32 to vector<16xf32>
      %mul3A_1865 = arith.mulf %mul3A_1864, %mul3A_1862 : vector<16xf32>
      %add3A_1866 = arith.constant 7.80013132 : f32
      %add3A_1867 = vector.broadcast %add3A_1866 : f32 to vector<16xf32>
      %add3A_1868 = arith.addf %mul3A_1865, %add3A_1867 : vector<16xf32>
      %mul3A_1869 = arith.mulf %add3A_1868, %mul3A_1862 : vector<16xf32>
      %add3A_1870 = arith.constant -26.4046688 : f32
      %add3A_1871 = vector.broadcast %add3A_1870 : f32 to vector<16xf32>
      %add3A_1872 = arith.addf %mul3A_1869, %add3A_1871 : vector<16xf32>
      %mul3A_1873 = arith.mulf %add3A_1872, %mul3A_1862 : vector<16xf32>
      %add3A_1874 = arith.constant 60.2421303 : f32
      %add3A_1875 = vector.broadcast %add3A_1874 : f32 to vector<16xf32>
      %add3A_1876 = arith.addf %mul3A_1873, %add3A_1875 : vector<16xf32>
      %mul3A_1877 = arith.mulf %add3A_1876, %mul3A_1862 : vector<16xf32>
      %add3A_1878 = arith.constant -85.4566574 : f32
      %add3A_1879 = vector.broadcast %add3A_1878 : f32 to vector<16xf32>
      %add3A_1880 = arith.addf %mul3A_1877, %add3A_1879 : vector<16xf32>
      %mul3A_1881 = arith.mulf %add3A_1880, %mul3A_1862 : vector<16xf32>
      %add3A_1882 = arith.constant 64.9393921 : f32
      %add3A_1883 = vector.broadcast %add3A_1882 : f32 to vector<16xf32>
      %add3A_1884 = arith.addf %mul3A_1881, %add3A_1883 : vector<16xf32>
      %mul3A_1885 = arith.mulf %add3A_1884, %mul3A_1862 : vector<16xf32>
      %add3A_1886 = arith.constant -19.7392082 : f32
      %add3A_1887 = vector.broadcast %add3A_1886 : f32 to vector<16xf32>
      %add3A_1888 = arith.addf %mul3A_1885, %add3A_1887 : vector<16xf32>
      %mul3A_1889 = arith.mulf %add3A_1888, %mul3A_1862 : vector<16xf32>
      %add3A_1890 = arith.constant 1.000000e+00 : f32
      %add3A_1891 = vector.broadcast %add3A_1890 : f32 to vector<16xf32>
      %add3A_1892 = arith.addf %mul3A_1889, %add3A_1891 : vector<16xf32>
      %mul3A_1893 = arith.constant 16 : i32
      %mul3A_1894 = arith.muli %add3A_1860, %mul3A_1893 : i32
      %swap3A_1895 = arith.index_cast %mul3A_1894 : i32 to index
      %swap3A_1896 = tpu.vector_load %arg15[%swap3A_1895] {strides = array<i32>} : memref<8192xf32, #tpu.memory_space<vmem>>, vector<16xf32>,
      tpu.vector_store %arg15[%swap3A_1895], %add3A_1892 {strides = array<i32>} : memref<8192xf32, #tpu.memory_space<vmem>>, vector<16xf32>,
      %slice3A_1897 = vector.extract_strided_slice %get3A_283 {offsets = [11], sizes = [1], strides = [1]} : vector<16xi32> to vector<1xi32>
      %squeeze3A_1898 = vector.extract %slice3A_1897[0] : i32 from vector<1xi32>
      %and3A_1899 = arith.constant 127 : i32
      %and3A_1900 = arith.andi %squeeze3A_1898, %and3A_1899 : i32
      %add3A_1901 = vector.broadcast %and3A_1900 : i32 to vector<16xi32>
      %add3A_1902 = arith.addi %broadcast_in_dim3A_3, %add3A_1901 : vector<16xi32>
      %add3A_1903 = arith.constant 11 : i32
      %add3A_1904 = vector.broadcast %add3A_1903 : i32 to vector<16xi32>
      %add3A_1905 = arith.addi %broadcast_in_dim3A_3, %add3A_1904 : vector<16xi32>
      %gather3A_1906 = tpu.vector_load_idx %arg11[%add3A_1905, %iota3A, %add3A_1902] : memref<16x16x128xf32, #tpu.memory_space<vmem>>[vector<16xi32>, vector<16xi32>, vector<16xi32>], vector<16xf32>,
      %gather3A_1907 = tpu.vector_load_idx %arg12[%add3A_1905, %iota3A, %add3A_1902] : memref<16x16x128xf32, #tpu.memory_space<vmem>>[vector<16xi32>, vector<16xi32>, vector<16xi32>], vector<16xf32>,
      %ge3A_1908 = arith.constant 999936 : i32
      %ge3A_1909 = arith.cmpi sge, %squeeze3A_1898, %ge3A_1908 : i32
      %sub3A_1910 = arith.constant 999936 : i32
      %sub3A_1911 = arith.subi %squeeze3A_1898, %sub3A_1910 : i32
      %max3A_1912 = arith.constant 0 : i32
      %max3A_1913 = arith.maxsi %sub3A_1911, %max3A_1912 : i32
      %get3A_1914 = arith.index_cast %max3A_1913 : i32 to index
      %get3A_1915 = arith.constant 0 : index
      %get3A_1916 = tpu.vector_load %arg13[%get3A_1914, %get3A_1915] {strides = array<i32>} : memref<64x16xf32, #tpu.memory_space<vmem>>, vector<16xf32>,
      %select_n3A_1917 = arith.select %ge3A_1909, %get3A_1916, %gather3A_1906 : vector<16xf32>
      %get3A_1918 = arith.index_cast %max3A_1913 : i32 to index
      %get3A_1919 = arith.constant 0 : index
      %get3A_1920 = tpu.vector_load %arg14[%get3A_1918, %get3A_1919] {strides = array<i32>} : memref<64x16xf32, #tpu.memory_space<vmem>>, vector<16xf32>,
      %select_n3A_1921 = arith.select %ge3A_1909, %get3A_1920, %gather3A_1907 : vector<16xf32>
      %slice3A_1922 = vector.extract_strided_slice %get3A_289 {offsets = [11], sizes = [1], strides = [1]} : vector<16xf32> to vector<1xf32>
      %squeeze3A_1923 = vector.extract %slice3A_1922[0] : f32 from vector<1xf32>
      %mul3A_1924 = vector.broadcast %squeeze3A_1923 : f32 to vector<16xf32>
      %mul3A_1925 = arith.mulf %mul3A_1924, %select_n3A_1917 : vector<16xf32>
      %add3A_1926 = arith.addf %mul3A_1925, %select_n3A_1921 : vector<16xf32>
      %mul3A_1927 = arith.constant 0.159154937 : f32
      %mul3A_1928 = vector.broadcast %mul3A_1927 : f32 to vector<16xf32>
      %mul3A_1929 = arith.mulf %add3A_1926, %mul3A_1928 : vector<16xf32>
      %add3A_1930 = arith.constant 0x4B400000 : f32
      %add3A_1931 = vector.broadcast %add3A_1930 : f32 to vector<16xf32>
      %add3A_1932 = arith.addf %mul3A_1929, %add3A_1931 : vector<16xf32>
      %sub3A_1933 = arith.constant 0x4B400000 : f32
      %sub3A_1934 = vector.broadcast %sub3A_1933 : f32 to vector<16xf32>
      %sub3A_1935 = arith.subf %add3A_1932, %sub3A_1934 : vector<16xf32>
      %mul3A_1936 = arith.constant 2 : i32
      %mul3A_1937 = arith.muli %scan3A_277, %mul3A_1936 : i32
      %mul3A_1938 = arith.constant 8 : i32
      %mul3A_1939 = arith.muli %mul3A_1937, %mul3A_1938 : i32
      %add3A_1940 = arith.constant 11 : i32
      %add3A_1941 = arith.addi %mul3A_1939, %add3A_1940 : i32
      %sub3A_1942 = arith.subf %mul3A_1929, %sub3A_1935 : vector<16xf32>
      %mul3A_1943 = arith.mulf %sub3A_1942, %sub3A_1942 : vector<16xf32>
      %mul3A_1944 = arith.constant -1.45311236 : f32
      %mul3A_1945 = vector.broadcast %mul3A_1944 : f32 to vector<16xf32>
      %mul3A_1946 = arith.mulf %mul3A_1945, %mul3A_1943 : vector<16xf32>
      %add3A_1947 = arith.constant 7.80013132 : f32
      %add3A_1948 = vector.broadcast %add3A_1947 : f32 to vector<16xf32>
      %add3A_1949 = arith.addf %mul3A_1946, %add3A_1948 : vector<16xf32>
      %mul3A_1950 = arith.mulf %add3A_1949, %mul3A_1943 : vector<16xf32>
      %add3A_1951 = arith.constant -26.4046688 : f32
      %add3A_1952 = vector.broadcast %add3A_1951 : f32 to vector<16xf32>
      %add3A_1953 = arith.addf %mul3A_1950, %add3A_1952 : vector<16xf32>
      %mul3A_1954 = arith.mulf %add3A_1953, %mul3A_1943 : vector<16xf32>
      %add3A_1955 = arith.constant 60.2421303 : f32
      %add3A_1956 = vector.broadcast %add3A_1955 : f32 to vector<16xf32>
      %add3A_1957 = arith.addf %mul3A_1954, %add3A_1956 : vector<16xf32>
      %mul3A_1958 = arith.mulf %add3A_1957, %mul3A_1943 : vector<16xf32>
      %add3A_1959 = arith.constant -85.4566574 : f32
      %add3A_1960 = vector.broadcast %add3A_1959 : f32 to vector<16xf32>
      %add3A_1961 = arith.addf %mul3A_1958, %add3A_1960 : vector<16xf32>
      %mul3A_1962 = arith.mulf %add3A_1961, %mul3A_1943 : vector<16xf32>
      %add3A_1963 = arith.constant 64.9393921 : f32
      %add3A_1964 = vector.broadcast %add3A_1963 : f32 to vector<16xf32>
      %add3A_1965 = arith.addf %mul3A_1962, %add3A_1964 : vector<16xf32>
      %mul3A_1966 = arith.mulf %add3A_1965, %mul3A_1943 : vector<16xf32>
      %add3A_1967 = arith.constant -19.7392082 : f32
      %add3A_1968 = vector.broadcast %add3A_1967 : f32 to vector<16xf32>
      %add3A_1969 = arith.addf %mul3A_1966, %add3A_1968 : vector<16xf32>
      %mul3A_1970 = arith.mulf %add3A_1969, %mul3A_1943 : vector<16xf32>
      %add3A_1971 = arith.constant 1.000000e+00 : f32
      %add3A_1972 = vector.broadcast %add3A_1971 : f32 to vector<16xf32>
      %add3A_1973 = arith.addf %mul3A_1970, %add3A_1972 : vector<16xf32>
      %mul3A_1974 = arith.constant 16 : i32
      %mul3A_1975 = arith.muli %add3A_1941, %mul3A_1974 : i32
      %swap3A_1976 = arith.index_cast %mul3A_1975 : i32 to index
      %swap3A_1977 = tpu.vector_load %arg15[%swap3A_1976] {strides = array<i32>} : memref<8192xf32, #tpu.memory_space<vmem>>, vector<16xf32>,
      tpu.vector_store %arg15[%swap3A_1976], %add3A_1973 {strides = array<i32>} : memref<8192xf32, #tpu.memory_space<vmem>>, vector<16xf32>,
      %slice3A_1978 = vector.extract_strided_slice %get3A_283 {offsets = [12], sizes = [1], strides = [1]} : vector<16xi32> to vector<1xi32>
      %squeeze3A_1979 = vector.extract %slice3A_1978[0] : i32 from vector<1xi32>
      %and3A_1980 = arith.constant 127 : i32
      %and3A_1981 = arith.andi %squeeze3A_1979, %and3A_1980 : i32
      %add3A_1982 = vector.broadcast %and3A_1981 : i32 to vector<16xi32>
      %add3A_1983 = arith.addi %broadcast_in_dim3A_3, %add3A_1982 : vector<16xi32>
      %add3A_1984 = arith.constant 12 : i32
      %add3A_1985 = vector.broadcast %add3A_1984 : i32 to vector<16xi32>
      %add3A_1986 = arith.addi %broadcast_in_dim3A_3, %add3A_1985 : vector<16xi32>
      %gather3A_1987 = tpu.vector_load_idx %arg11[%add3A_1986, %iota3A, %add3A_1983] : memref<16x16x128xf32, #tpu.memory_space<vmem>>[vector<16xi32>, vector<16xi32>, vector<16xi32>], vector<16xf32>,
      %gather3A_1988 = tpu.vector_load_idx %arg12[%add3A_1986, %iota3A, %add3A_1983] : memref<16x16x128xf32, #tpu.memory_space<vmem>>[vector<16xi32>, vector<16xi32>, vector<16xi32>], vector<16xf32>,
      %ge3A_1989 = arith.constant 999936 : i32
      %ge3A_1990 = arith.cmpi sge, %squeeze3A_1979, %ge3A_1989 : i32
      %sub3A_1991 = arith.constant 999936 : i32
      %sub3A_1992 = arith.subi %squeeze3A_1979, %sub3A_1991 : i32
      %max3A_1993 = arith.constant 0 : i32
      %max3A_1994 = arith.maxsi %sub3A_1992, %max3A_1993 : i32
      %get3A_1995 = arith.index_cast %max3A_1994 : i32 to index
      %get3A_1996 = arith.constant 0 : index
      %get3A_1997 = tpu.vector_load %arg13[%get3A_1995, %get3A_1996] {strides = array<i32>} : memref<64x16xf32, #tpu.memory_space<vmem>>, vector<16xf32>,
      %select_n3A_1998 = arith.select %ge3A_1990, %get3A_1997, %gather3A_1987 : vector<16xf32>
      %get3A_1999 = arith.index_cast %max3A_1994 : i32 to index
      %get3A_2000 = arith.constant 0 : index
      %get3A_2001 = tpu.vector_load %arg14[%get3A_1999, %get3A_2000] {strides = array<i32>} : memref<64x16xf32, #tpu.memory_space<vmem>>, vector<16xf32>,
      %select_n3A_2002 = arith.select %ge3A_1990, %get3A_2001, %gather3A_1988 : vector<16xf32>
      %slice3A_2003 = vector.extract_strided_slice %get3A_289 {offsets = [12], sizes = [1], strides = [1]} : vector<16xf32> to vector<1xf32>
      %squeeze3A_2004 = vector.extract %slice3A_2003[0] : f32 from vector<1xf32>
      %mul3A_2005 = vector.broadcast %squeeze3A_2004 : f32 to vector<16xf32>
      %mul3A_2006 = arith.mulf %mul3A_2005, %select_n3A_1998 : vector<16xf32>
      %add3A_2007 = arith.addf %mul3A_2006, %select_n3A_2002 : vector<16xf32>
      %mul3A_2008 = arith.constant 0.159154937 : f32
      %mul3A_2009 = vector.broadcast %mul3A_2008 : f32 to vector<16xf32>
      %mul3A_2010 = arith.mulf %add3A_2007, %mul3A_2009 : vector<16xf32>
      %add3A_2011 = arith.constant 0x4B400000 : f32
      %add3A_2012 = vector.broadcast %add3A_2011 : f32 to vector<16xf32>
      %add3A_2013 = arith.addf %mul3A_2010, %add3A_2012 : vector<16xf32>
      %sub3A_2014 = arith.constant 0x4B400000 : f32
      %sub3A_2015 = vector.broadcast %sub3A_2014 : f32 to vector<16xf32>
      %sub3A_2016 = arith.subf %add3A_2013, %sub3A_2015 : vector<16xf32>
      %mul3A_2017 = arith.constant 2 : i32
      %mul3A_2018 = arith.muli %scan3A_277, %mul3A_2017 : i32
      %mul3A_2019 = arith.constant 8 : i32
      %mul3A_2020 = arith.muli %mul3A_2018, %mul3A_2019 : i32
      %add3A_2021 = arith.constant 12 : i32
      %add3A_2022 = arith.addi %mul3A_2020, %add3A_2021 : i32
      %sub3A_2023 = arith.subf %mul3A_2010, %sub3A_2016 : vector<16xf32>
      %mul3A_2024 = arith.mulf %sub3A_2023, %sub3A_2023 : vector<16xf32>
      %mul3A_2025 = arith.constant -1.45311236 : f32
      %mul3A_2026 = vector.broadcast %mul3A_2025 : f32 to vector<16xf32>
      %mul3A_2027 = arith.mulf %mul3A_2026, %mul3A_2024 : vector<16xf32>
      %add3A_2028 = arith.constant 7.80013132 : f32
      %add3A_2029 = vector.broadcast %add3A_2028 : f32 to vector<16xf32>
      %add3A_2030 = arith.addf %mul3A_2027, %add3A_2029 : vector<16xf32>
      %mul3A_2031 = arith.mulf %add3A_2030, %mul3A_2024 : vector<16xf32>
      %add3A_2032 = arith.constant -26.4046688 : f32
      %add3A_2033 = vector.broadcast %add3A_2032 : f32 to vector<16xf32>
      %add3A_2034 = arith.addf %mul3A_2031, %add3A_2033 : vector<16xf32>
      %mul3A_2035 = arith.mulf %add3A_2034, %mul3A_2024 : vector<16xf32>
      %add3A_2036 = arith.constant 60.2421303 : f32
      %add3A_2037 = vector.broadcast %add3A_2036 : f32 to vector<16xf32>
      %add3A_2038 = arith.addf %mul3A_2035, %add3A_2037 : vector<16xf32>
      %mul3A_2039 = arith.mulf %add3A_2038, %mul3A_2024 : vector<16xf32>
      %add3A_2040 = arith.constant -85.4566574 : f32
      %add3A_2041 = vector.broadcast %add3A_2040 : f32 to vector<16xf32>
      %add3A_2042 = arith.addf %mul3A_2039, %add3A_2041 : vector<16xf32>
      %mul3A_2043 = arith.mulf %add3A_2042, %mul3A_2024 : vector<16xf32>
      %add3A_2044 = arith.constant 64.9393921 : f32
      %add3A_2045 = vector.broadcast %add3A_2044 : f32 to vector<16xf32>
      %add3A_2046 = arith.addf %mul3A_2043, %add3A_2045 : vector<16xf32>
      %mul3A_2047 = arith.mulf %add3A_2046, %mul3A_2024 : vector<16xf32>
      %add3A_2048 = arith.constant -19.7392082 : f32
      %add3A_2049 = vector.broadcast %add3A_2048 : f32 to vector<16xf32>
      %add3A_2050 = arith.addf %mul3A_2047, %add3A_2049 : vector<16xf32>
      %mul3A_2051 = arith.mulf %add3A_2050, %mul3A_2024 : vector<16xf32>
      %add3A_2052 = arith.constant 1.000000e+00 : f32
      %add3A_2053 = vector.broadcast %add3A_2052 : f32 to vector<16xf32>
      %add3A_2054 = arith.addf %mul3A_2051, %add3A_2053 : vector<16xf32>
      %mul3A_2055 = arith.constant 16 : i32
      %mul3A_2056 = arith.muli %add3A_2022, %mul3A_2055 : i32
      %swap3A_2057 = arith.index_cast %mul3A_2056 : i32 to index
      %swap3A_2058 = tpu.vector_load %arg15[%swap3A_2057] {strides = array<i32>} : memref<8192xf32, #tpu.memory_space<vmem>>, vector<16xf32>,
      tpu.vector_store %arg15[%swap3A_2057], %add3A_2054 {strides = array<i32>} : memref<8192xf32, #tpu.memory_space<vmem>>, vector<16xf32>,
      %slice3A_2059 = vector.extract_strided_slice %get3A_283 {offsets = [13], sizes = [1], strides = [1]} : vector<16xi32> to vector<1xi32>
      %squeeze3A_2060 = vector.extract %slice3A_2059[0] : i32 from vector<1xi32>
      %and3A_2061 = arith.constant 127 : i32
      %and3A_2062 = arith.andi %squeeze3A_2060, %and3A_2061 : i32
      %add3A_2063 = vector.broadcast %and3A_2062 : i32 to vector<16xi32>
      %add3A_2064 = arith.addi %broadcast_in_dim3A_3, %add3A_2063 : vector<16xi32>
      %add3A_2065 = arith.constant 13 : i32
      %add3A_2066 = vector.broadcast %add3A_2065 : i32 to vector<16xi32>
      %add3A_2067 = arith.addi %broadcast_in_dim3A_3, %add3A_2066 : vector<16xi32>
      %gather3A_2068 = tpu.vector_load_idx %arg11[%add3A_2067, %iota3A, %add3A_2064] : memref<16x16x128xf32, #tpu.memory_space<vmem>>[vector<16xi32>, vector<16xi32>, vector<16xi32>], vector<16xf32>,
      %gather3A_2069 = tpu.vector_load_idx %arg12[%add3A_2067, %iota3A, %add3A_2064] : memref<16x16x128xf32, #tpu.memory_space<vmem>>[vector<16xi32>, vector<16xi32>, vector<16xi32>], vector<16xf32>,
      %ge3A_2070 = arith.constant 999936 : i32
      %ge3A_2071 = arith.cmpi sge, %squeeze3A_2060, %ge3A_2070 : i32
      %sub3A_2072 = arith.constant 999936 : i32
      %sub3A_2073 = arith.subi %squeeze3A_2060, %sub3A_2072 : i32
      %max3A_2074 = arith.constant 0 : i32
      %max3A_2075 = arith.maxsi %sub3A_2073, %max3A_2074 : i32
      %get3A_2076 = arith.index_cast %max3A_2075 : i32 to index
      %get3A_2077 = arith.constant 0 : index
      %get3A_2078 = tpu.vector_load %arg13[%get3A_2076, %get3A_2077] {strides = array<i32>} : memref<64x16xf32, #tpu.memory_space<vmem>>, vector<16xf32>,
      %select_n3A_2079 = arith.select %ge3A_2071, %get3A_2078, %gather3A_2068 : vector<16xf32>
      %get3A_2080 = arith.index_cast %max3A_2075 : i32 to index
      %get3A_2081 = arith.constant 0 : index
      %get3A_2082 = tpu.vector_load %arg14[%get3A_2080, %get3A_2081] {strides = array<i32>} : memref<64x16xf32, #tpu.memory_space<vmem>>, vector<16xf32>,
      %select_n3A_2083 = arith.select %ge3A_2071, %get3A_2082, %gather3A_2069 : vector<16xf32>
      %slice3A_2084 = vector.extract_strided_slice %get3A_289 {offsets = [13], sizes = [1], strides = [1]} : vector<16xf32> to vector<1xf32>
      %squeeze3A_2085 = vector.extract %slice3A_2084[0] : f32 from vector<1xf32>
      %mul3A_2086 = vector.broadcast %squeeze3A_2085 : f32 to vector<16xf32>
      %mul3A_2087 = arith.mulf %mul3A_2086, %select_n3A_2079 : vector<16xf32>
      %add3A_2088 = arith.addf %mul3A_2087, %select_n3A_2083 : vector<16xf32>
      %mul3A_2089 = arith.constant 0.159154937 : f32
      %mul3A_2090 = vector.broadcast %mul3A_2089 : f32 to vector<16xf32>
      %mul3A_2091 = arith.mulf %add3A_2088, %mul3A_2090 : vector<16xf32>
      %add3A_2092 = arith.constant 0x4B400000 : f32
      %add3A_2093 = vector.broadcast %add3A_2092 : f32 to vector<16xf32>
      %add3A_2094 = arith.addf %mul3A_2091, %add3A_2093 : vector<16xf32>
      %sub3A_2095 = arith.constant 0x4B400000 : f32
      %sub3A_2096 = vector.broadcast %sub3A_2095 : f32 to vector<16xf32>
      %sub3A_2097 = arith.subf %add3A_2094, %sub3A_2096 : vector<16xf32>
      %mul3A_2098 = arith.constant 2 : i32
      %mul3A_2099 = arith.muli %scan3A_277, %mul3A_2098 : i32
      %mul3A_2100 = arith.constant 8 : i32
      %mul3A_2101 = arith.muli %mul3A_2099, %mul3A_2100 : i32
      %add3A_2102 = arith.constant 13 : i32
      %add3A_2103 = arith.addi %mul3A_2101, %add3A_2102 : i32
      %sub3A_2104 = arith.subf %mul3A_2091, %sub3A_2097 : vector<16xf32>
      %mul3A_2105 = arith.mulf %sub3A_2104, %sub3A_2104 : vector<16xf32>
      %mul3A_2106 = arith.constant -1.45311236 : f32
      %mul3A_2107 = vector.broadcast %mul3A_2106 : f32 to vector<16xf32>
      %mul3A_2108 = arith.mulf %mul3A_2107, %mul3A_2105 : vector<16xf32>
      %add3A_2109 = arith.constant 7.80013132 : f32
      %add3A_2110 = vector.broadcast %add3A_2109 : f32 to vector<16xf32>
      %add3A_2111 = arith.addf %mul3A_2108, %add3A_2110 : vector<16xf32>
      %mul3A_2112 = arith.mulf %add3A_2111, %mul3A_2105 : vector<16xf32>
      %add3A_2113 = arith.constant -26.4046688 : f32
      %add3A_2114 = vector.broadcast %add3A_2113 : f32 to vector<16xf32>
      %add3A_2115 = arith.addf %mul3A_2112, %add3A_2114 : vector<16xf32>
      %mul3A_2116 = arith.mulf %add3A_2115, %mul3A_2105 : vector<16xf32>
      %add3A_2117 = arith.constant 60.2421303 : f32
      %add3A_2118 = vector.broadcast %add3A_2117 : f32 to vector<16xf32>
      %add3A_2119 = arith.addf %mul3A_2116, %add3A_2118 : vector<16xf32>
      %mul3A_2120 = arith.mulf %add3A_2119, %mul3A_2105 : vector<16xf32>
      %add3A_2121 = arith.constant -85.4566574 : f32
      %add3A_2122 = vector.broadcast %add3A_2121 : f32 to vector<16xf32>
      %add3A_2123 = arith.addf %mul3A_2120, %add3A_2122 : vector<16xf32>
      %mul3A_2124 = arith.mulf %add3A_2123, %mul3A_2105 : vector<16xf32>
      %add3A_2125 = arith.constant 64.9393921 : f32
      %add3A_2126 = vector.broadcast %add3A_2125 : f32 to vector<16xf32>
      %add3A_2127 = arith.addf %mul3A_2124, %add3A_2126 : vector<16xf32>
      %mul3A_2128 = arith.mulf %add3A_2127, %mul3A_2105 : vector<16xf32>
      %add3A_2129 = arith.constant -19.7392082 : f32
      %add3A_2130 = vector.broadcast %add3A_2129 : f32 to vector<16xf32>
      %add3A_2131 = arith.addf %mul3A_2128, %add3A_2130 : vector<16xf32>
      %mul3A_2132 = arith.mulf %add3A_2131, %mul3A_2105 : vector<16xf32>
      %add3A_2133 = arith.constant 1.000000e+00 : f32
      %add3A_2134 = vector.broadcast %add3A_2133 : f32 to vector<16xf32>
      %add3A_2135 = arith.addf %mul3A_2132, %add3A_2134 : vector<16xf32>
      %mul3A_2136 = arith.constant 16 : i32
      %mul3A_2137 = arith.muli %add3A_2103, %mul3A_2136 : i32
      %swap3A_2138 = arith.index_cast %mul3A_2137 : i32 to index
      %swap3A_2139 = tpu.vector_load %arg15[%swap3A_2138] {strides = array<i32>} : memref<8192xf32, #tpu.memory_space<vmem>>, vector<16xf32>,
      tpu.vector_store %arg15[%swap3A_2138], %add3A_2135 {strides = array<i32>} : memref<8192xf32, #tpu.memory_space<vmem>>, vector<16xf32>,
      %slice3A_2140 = vector.extract_strided_slice %get3A_283 {offsets = [14], sizes = [1], strides = [1]} : vector<16xi32> to vector<1xi32>
      %squeeze3A_2141 = vector.extract %slice3A_2140[0] : i32 from vector<1xi32>
      %and3A_2142 = arith.constant 127 : i32
      %and3A_2143 = arith.andi %squeeze3A_2141, %and3A_2142 : i32
      %add3A_2144 = vector.broadcast %and3A_2143 : i32 to vector<16xi32>
      %add3A_2145 = arith.addi %broadcast_in_dim3A_3, %add3A_2144 : vector<16xi32>
      %add3A_2146 = arith.constant 14 : i32
      %add3A_2147 = vector.broadcast %add3A_2146 : i32 to vector<16xi32>
      %add3A_2148 = arith.addi %broadcast_in_dim3A_3, %add3A_2147 : vector<16xi32>
      %gather3A_2149 = tpu.vector_load_idx %arg11[%add3A_2148, %iota3A, %add3A_2145] : memref<16x16x128xf32, #tpu.memory_space<vmem>>[vector<16xi32>, vector<16xi32>, vector<16xi32>], vector<16xf32>,
      %gather3A_2150 = tpu.vector_load_idx %arg12[%add3A_2148, %iota3A, %add3A_2145] : memref<16x16x128xf32, #tpu.memory_space<vmem>>[vector<16xi32>, vector<16xi32>, vector<16xi32>], vector<16xf32>,
      %ge3A_2151 = arith.constant 999936 : i32
      %ge3A_2152 = arith.cmpi sge, %squeeze3A_2141, %ge3A_2151 : i32
      %sub3A_2153 = arith.constant 999936 : i32
      %sub3A_2154 = arith.subi %squeeze3A_2141, %sub3A_2153 : i32
      %max3A_2155 = arith.constant 0 : i32
      %max3A_2156 = arith.maxsi %sub3A_2154, %max3A_2155 : i32
      %get3A_2157 = arith.index_cast %max3A_2156 : i32 to index
      %get3A_2158 = arith.constant 0 : index
      %get3A_2159 = tpu.vector_load %arg13[%get3A_2157, %get3A_2158] {strides = array<i32>} : memref<64x16xf32, #tpu.memory_space<vmem>>, vector<16xf32>,
      %select_n3A_2160 = arith.select %ge3A_2152, %get3A_2159, %gather3A_2149 : vector<16xf32>
      %get3A_2161 = arith.index_cast %max3A_2156 : i32 to index
      %get3A_2162 = arith.constant 0 : index
      %get3A_2163 = tpu.vector_load %arg14[%get3A_2161, %get3A_2162] {strides = array<i32>} : memref<64x16xf32, #tpu.memory_space<vmem>>, vector<16xf32>,
      %select_n3A_2164 = arith.select %ge3A_2152, %get3A_2163, %gather3A_2150 : vector<16xf32>
      %slice3A_2165 = vector.extract_strided_slice %get3A_289 {offsets = [14], sizes = [1], strides = [1]} : vector<16xf32> to vector<1xf32>
      %squeeze3A_2166 = vector.extract %slice3A_2165[0] : f32 from vector<1xf32>
      %mul3A_2167 = vector.broadcast %squeeze3A_2166 : f32 to vector<16xf32>
      %mul3A_2168 = arith.mulf %mul3A_2167, %select_n3A_2160 : vector<16xf32>
      %add3A_2169 = arith.addf %mul3A_2168, %select_n3A_2164 : vector<16xf32>
      %mul3A_2170 = arith.constant 0.159154937 : f32
      %mul3A_2171 = vector.broadcast %mul3A_2170 : f32 to vector<16xf32>
      %mul3A_2172 = arith.mulf %add3A_2169, %mul3A_2171 : vector<16xf32>
      %add3A_2173 = arith.constant 0x4B400000 : f32
      %add3A_2174 = vector.broadcast %add3A_2173 : f32 to vector<16xf32>
      %add3A_2175 = arith.addf %mul3A_2172, %add3A_2174 : vector<16xf32>
      %sub3A_2176 = arith.constant 0x4B400000 : f32
      %sub3A_2177 = vector.broadcast %sub3A_2176 : f32 to vector<16xf32>
      %sub3A_2178 = arith.subf %add3A_2175, %sub3A_2177 : vector<16xf32>
      %mul3A_2179 = arith.constant 2 : i32
      %mul3A_2180 = arith.muli %scan3A_277, %mul3A_2179 : i32
      %mul3A_2181 = arith.constant 8 : i32
      %mul3A_2182 = arith.muli %mul3A_2180, %mul3A_2181 : i32
      %add3A_2183 = arith.constant 14 : i32
      %add3A_2184 = arith.addi %mul3A_2182, %add3A_2183 : i32
      %sub3A_2185 = arith.subf %mul3A_2172, %sub3A_2178 : vector<16xf32>
      %mul3A_2186 = arith.mulf %sub3A_2185, %sub3A_2185 : vector<16xf32>
      %mul3A_2187 = arith.constant -1.45311236 : f32
      %mul3A_2188 = vector.broadcast %mul3A_2187 : f32 to vector<16xf32>
      %mul3A_2189 = arith.mulf %mul3A_2188, %mul3A_2186 : vector<16xf32>
      %add3A_2190 = arith.constant 7.80013132 : f32
      %add3A_2191 = vector.broadcast %add3A_2190 : f32 to vector<16xf32>
      %add3A_2192 = arith.addf %mul3A_2189, %add3A_2191 : vector<16xf32>
      %mul3A_2193 = arith.mulf %add3A_2192, %mul3A_2186 : vector<16xf32>
      %add3A_2194 = arith.constant -26.4046688 : f32
      %add3A_2195 = vector.broadcast %add3A_2194 : f32 to vector<16xf32>
      %add3A_2196 = arith.addf %mul3A_2193, %add3A_2195 : vector<16xf32>
      %mul3A_2197 = arith.mulf %add3A_2196, %mul3A_2186 : vector<16xf32>
      %add3A_2198 = arith.constant 60.2421303 : f32
      %add3A_2199 = vector.broadcast %add3A_2198 : f32 to vector<16xf32>
      %add3A_2200 = arith.addf %mul3A_2197, %add3A_2199 : vector<16xf32>
      %mul3A_2201 = arith.mulf %add3A_2200, %mul3A_2186 : vector<16xf32>
      %add3A_2202 = arith.constant -85.4566574 : f32
      %add3A_2203 = vector.broadcast %add3A_2202 : f32 to vector<16xf32>
      %add3A_2204 = arith.addf %mul3A_2201, %add3A_2203 : vector<16xf32>
      %mul3A_2205 = arith.mulf %add3A_2204, %mul3A_2186 : vector<16xf32>
      %add3A_2206 = arith.constant 64.9393921 : f32
      %add3A_2207 = vector.broadcast %add3A_2206 : f32 to vector<16xf32>
      %add3A_2208 = arith.addf %mul3A_2205, %add3A_2207 : vector<16xf32>
      %mul3A_2209 = arith.mulf %add3A_2208, %mul3A_2186 : vector<16xf32>
      %add3A_2210 = arith.constant -19.7392082 : f32
      %add3A_2211 = vector.broadcast %add3A_2210 : f32 to vector<16xf32>
      %add3A_2212 = arith.addf %mul3A_2209, %add3A_2211 : vector<16xf32>
      %mul3A_2213 = arith.mulf %add3A_2212, %mul3A_2186 : vector<16xf32>
      %add3A_2214 = arith.constant 1.000000e+00 : f32
      %add3A_2215 = vector.broadcast %add3A_2214 : f32 to vector<16xf32>
      %add3A_2216 = arith.addf %mul3A_2213, %add3A_2215 : vector<16xf32>
      %mul3A_2217 = arith.constant 16 : i32
      %mul3A_2218 = arith.muli %add3A_2184, %mul3A_2217 : i32
      %swap3A_2219 = arith.index_cast %mul3A_2218 : i32 to index
      %swap3A_2220 = tpu.vector_load %arg15[%swap3A_2219] {strides = array<i32>} : memref<8192xf32, #tpu.memory_space<vmem>>, vector<16xf32>,
      tpu.vector_store %arg15[%swap3A_2219], %add3A_2216 {strides = array<i32>} : memref<8192xf32, #tpu.memory_space<vmem>>, vector<16xf32>,
      %slice3A_2221 = vector.extract_strided_slice %get3A_283 {offsets = [15], sizes = [1], strides = [1]} : vector<16xi32> to vector<1xi32>
      %squeeze3A_2222 = vector.extract %slice3A_2221[0] : i32 from vector<1xi32>
      %and3A_2223 = arith.constant 127 : i32
      %and3A_2224 = arith.andi %squeeze3A_2222, %and3A_2223 : i32
      %add3A_2225 = vector.broadcast %and3A_2224 : i32 to vector<16xi32>
      %add3A_2226 = arith.addi %broadcast_in_dim3A_3, %add3A_2225 : vector<16xi32>
      %add3A_2227 = arith.constant 15 : i32
      %add3A_2228 = vector.broadcast %add3A_2227 : i32 to vector<16xi32>
      %add3A_2229 = arith.addi %broadcast_in_dim3A_3, %add3A_2228 : vector<16xi32>
      %gather3A_2230 = tpu.vector_load_idx %arg11[%add3A_2229, %iota3A, %add3A_2226] : memref<16x16x128xf32, #tpu.memory_space<vmem>>[vector<16xi32>, vector<16xi32>, vector<16xi32>], vector<16xf32>,
      %gather3A_2231 = tpu.vector_load_idx %arg12[%add3A_2229, %iota3A, %add3A_2226] : memref<16x16x128xf32, #tpu.memory_space<vmem>>[vector<16xi32>, vector<16xi32>, vector<16xi32>], vector<16xf32>,
      %ge3A_2232 = arith.constant 999936 : i32
      %ge3A_2233 = arith.cmpi sge, %squeeze3A_2222, %ge3A_2232 : i32
      %sub3A_2234 = arith.constant 999936 : i32
      %sub3A_2235 = arith.subi %squeeze3A_2222, %sub3A_2234 : i32
      %max3A_2236 = arith.constant 0 : i32
      %max3A_2237 = arith.maxsi %sub3A_2235, %max3A_2236 : i32
      %get3A_2238 = arith.index_cast %max3A_2237 : i32 to index
      %get3A_2239 = arith.constant 0 : index
      %get3A_2240 = tpu.vector_load %arg13[%get3A_2238, %get3A_2239] {strides = array<i32>} : memref<64x16xf32, #tpu.memory_space<vmem>>, vector<16xf32>,
      %select_n3A_2241 = arith.select %ge3A_2233, %get3A_2240, %gather3A_2230 : vector<16xf32>
      %get3A_2242 = arith.index_cast %max3A_2237 : i32 to index
      %get3A_2243 = arith.constant 0 : index
      %get3A_2244 = tpu.vector_load %arg14[%get3A_2242, %get3A_2243] {strides = array<i32>} : memref<64x16xf32, #tpu.memory_space<vmem>>, vector<16xf32>,
      %select_n3A_2245 = arith.select %ge3A_2233, %get3A_2244, %gather3A_2231 : vector<16xf32>
      %slice3A_2246 = vector.extract_strided_slice %get3A_289 {offsets = [15], sizes = [1], strides = [1]} : vector<16xf32> to vector<1xf32>
      %squeeze3A_2247 = vector.extract %slice3A_2246[0] : f32 from vector<1xf32>
      %mul3A_2248 = vector.broadcast %squeeze3A_2247 : f32 to vector<16xf32>
      %mul3A_2249 = arith.mulf %mul3A_2248, %select_n3A_2241 : vector<16xf32>
      %add3A_2250 = arith.addf %mul3A_2249, %select_n3A_2245 : vector<16xf32>
      %mul3A_2251 = arith.constant 0.159154937 : f32
      %mul3A_2252 = vector.broadcast %mul3A_2251 : f32 to vector<16xf32>
      %mul3A_2253 = arith.mulf %add3A_2250, %mul3A_2252 : vector<16xf32>
      %add3A_2254 = arith.constant 0x4B400000 : f32
      %add3A_2255 = vector.broadcast %add3A_2254 : f32 to vector<16xf32>
      %add3A_2256 = arith.addf %mul3A_2253, %add3A_2255 : vector<16xf32>
      %sub3A_2257 = arith.constant 0x4B400000 : f32
      %sub3A_2258 = vector.broadcast %sub3A_2257 : f32 to vector<16xf32>
      %sub3A_2259 = arith.subf %add3A_2256, %sub3A_2258 : vector<16xf32>
      %mul3A_2260 = arith.constant 2 : i32
      %mul3A_2261 = arith.muli %scan3A_277, %mul3A_2260 : i32
      %mul3A_2262 = arith.constant 8 : i32
      %mul3A_2263 = arith.muli %mul3A_2261, %mul3A_2262 : i32
      %add3A_2264 = arith.constant 15 : i32
      %add3A_2265 = arith.addi %mul3A_2263, %add3A_2264 : i32
      %sub3A_2266 = arith.subf %mul3A_2253, %sub3A_2259 : vector<16xf32>
      %mul3A_2267 = arith.mulf %sub3A_2266, %sub3A_2266 : vector<16xf32>
      %mul3A_2268 = arith.constant -1.45311236 : f32
      %mul3A_2269 = vector.broadcast %mul3A_2268 : f32 to vector<16xf32>
      %mul3A_2270 = arith.mulf %mul3A_2269, %mul3A_2267 : vector<16xf32>
      %add3A_2271 = arith.constant 7.80013132 : f32
      %add3A_2272 = vector.broadcast %add3A_2271 : f32 to vector<16xf32>
      %add3A_2273 = arith.addf %mul3A_2270, %add3A_2272 : vector<16xf32>
      %mul3A_2274 = arith.mulf %add3A_2273, %mul3A_2267 : vector<16xf32>
      %add3A_2275 = arith.constant -26.4046688 : f32
      %add3A_2276 = vector.broadcast %add3A_2275 : f32 to vector<16xf32>
      %add3A_2277 = arith.addf %mul3A_2274, %add3A_2276 : vector<16xf32>
      %mul3A_2278 = arith.mulf %add3A_2277, %mul3A_2267 : vector<16xf32>
      %add3A_2279 = arith.constant 60.2421303 : f32
      %add3A_2280 = vector.broadcast %add3A_2279 : f32 to vector<16xf32>
      %add3A_2281 = arith.addf %mul3A_2278, %add3A_2280 : vector<16xf32>
      %mul3A_2282 = arith.mulf %add3A_2281, %mul3A_2267 : vector<16xf32>
      %add3A_2283 = arith.constant -85.4566574 : f32
      %add3A_2284 = vector.broadcast %add3A_2283 : f32 to vector<16xf32>
      %add3A_2285 = arith.addf %mul3A_2282, %add3A_2284 : vector<16xf32>
      %mul3A_2286 = arith.mulf %add3A_2285, %mul3A_2267 : vector<16xf32>
      %add3A_2287 = arith.constant 64.9393921 : f32
      %add3A_2288 = vector.broadcast %add3A_2287 : f32 to vector<16xf32>
      %add3A_2289 = arith.addf %mul3A_2286, %add3A_2288 : vector<16xf32>
      %mul3A_2290 = arith.mulf %add3A_2289, %mul3A_2267 : vector<16xf32>
      %add3A_2291 = arith.constant -19.7392082 : f32
      %add3A_2292 = vector.broadcast %add3A_2291 : f32 to vector<16xf32>
      %add3A_2293 = arith.addf %mul3A_2290, %add3A_2292 : vector<16xf32>
      %mul3A_2294 = arith.mulf %add3A_2293, %mul3A_2267 : vector<16xf32>
      %add3A_2295 = arith.constant 1.000000e+00 : f32
      %add3A_2296 = vector.broadcast %add3A_2295 : f32 to vector<16xf32>
      %add3A_2297 = arith.addf %mul3A_2294, %add3A_2296 : vector<16xf32>
      %mul3A_2298 = arith.constant 16 : i32
      %mul3A_2299 = arith.muli %add3A_2265, %mul3A_2298 : i32
      %swap3A_2300 = arith.index_cast %mul3A_2299 : i32 to index
      %swap3A_2301 = tpu.vector_load %arg15[%swap3A_2300] {strides = array<i32>} : memref<8192xf32, #tpu.memory_space<vmem>>, vector<16xf32>,
      tpu.vector_store %arg15[%swap3A_2300], %add3A_2297 {strides = array<i32>} : memref<8192xf32, #tpu.memory_space<vmem>>, vector<16xf32>,
    }
    %scan3A_274 = arith.constant 32 : i32
    %mul3A_275 = arith.constant 8192 : i32
    %mul3A_276 = arith.muli %add3A, %mul3A_275 : i32
    "tpu.region"() ({
      %run_scoped3A = tpu.sem_alloc : memref<!tpu.dma_semaphore, #tpu.memory_space<semaphore_mem>>
      %dma_start3A_277 = tpu.memref_slice %arg8[%mul3A_276] : memref<262144xf32, #tpu.memory_space<hbm>> -> memref<8192xf32, #tpu.memory_space<hbm>>
      %dma_start3A_278 = tpu.memref_slice %arg8[%mul3A_276] : memref<262144xf32, #tpu.memory_space<hbm>> -> memref<8192xf32, #tpu.memory_space<hbm>>
      tpu.enqueue_dma source(%arg15 : memref<8192xf32, #tpu.memory_space<vmem>>) target(%dma_start3A_278 : memref<8192xf32, #tpu.memory_space<hbm>>) target_semaphore(%run_scoped3A : memref<!tpu.dma_semaphore, #tpu.memory_space<semaphore_mem>>)
      %dma_wait3A = tpu.memref_slice %arg8[%mul3A_276] : memref<262144xf32, #tpu.memory_space<hbm>> -> memref<8192xf32, #tpu.memory_space<hbm>>
      %dma_wait3A_279 = tpu.memref_slice %arg8[%mul3A_276] : memref<262144xf32, #tpu.memory_space<hbm>> -> memref<8192xf32, #tpu.memory_space<hbm>>
      tpu.wait_dma2 semaphore(%run_scoped3A : memref<!tpu.dma_semaphore, #tpu.memory_space<semaphore_mem>>) src(%arg15 : memref<8192xf32, #tpu.memory_space<vmem>>) dst(%dma_wait3A_279 : memref<8192xf32, #tpu.memory_space<hbm>>)
      tpu.yield
    }) : () -> ()
    return
  }
}

</mosaic_0001>

<sc_bundles>
// kernel: kernel.3.cloned.1.call-start
scs
__scs_entry_jumppad:
0x0: {  	(pc) =	sbr.rel $0x88, $3  }
0x1: {  	(tag) =	ssettag $0x0;
	lr =	simm.s32 $0x1  }
0x2: {  	[smem:$0x3F9D] =	sst lr;
	_ =	strace $0xD0000000  }
0x3: {  	_ = 	snop  }
0x4: {  	_ = 	snop  }
0x5: {  	_ = 	snop  }
0x6: {  	_ = 	snop  }
0x7: {  	_ = 	snop  }
__scs_overlays_trampoline_lowered:
0x8: {  	[smem:$0x3FAC] =	sst s0  }
0x9: {  	[smem:$0x3FAD] =	sst s1  }
0xa: {  	[smem:$0x3FAE] =	sst s2  }
0xb: {  	[smem:$0x3FAF] =	sst s3  }
0xc: {  	[smem:$0x3FB0] =	sst s4  }
0xd: {  	[smem:$0x3FB1] =	sst s5  }
0xe: {  	[smem:$0x3FB2] =	sst s6  }
0xf: {  	[smem:$0x3FB3] =	sst s7  }
0x10: {  	[smem:$0x3FB4] =	sst s8  }
0x11: {  	[smem:$0x3FB5] =	sst s9;
	s0 =	simm.s32 @!p0 $0x0  }
0x12: {  	s1 =	sld [smem:$0x3F9B];
	s0 =	simm.s32 @p0 $0x1  }
0x13: {  	[smem:$0x3FB6] =	sst s0;
	s0 =	simm.s32 @!p1 $0x0  }
0x14: {  	s2 =	sld [smem:$0x3F9A];
	s0 =	simm.s32 @p1 $0x1  }
0x15: {  	[smem:$0x3FB7] =	sst s0;
	s0 =	simm.s32 @!p2 $0x0  }
0x16: {  	s3 =	sld [smem:$0x3FDB];
	s0 =	simm.s32 @p2 $0x1  }
0x17: {  	s4 =	simm.s32 $0x1BF5;
	[smem:$0x3FB9] =	sst s0  }
0x18: {  	s0 =	sld [smem:$0x3F9C];
	_ =	swait.ge [sflag:s4], $0x0  }
0x19: {  	s7 =	sld [smem:$0x3F9D]  }
0x1a: {  	s8 =	sadd.s32 $0xFFFFE003, lr  }
0x1b: {  	s9 =	sadd.s32 $0xFFFFFEF7, lr;
	s5 =	simm.s32 $0xFFFFFFFF;
	p2 =	slt.u32 s8, $0xFFFFF086  }
0x1c: {  	p1 =	slt.u32 s9, $0xF7A;
	s5 =	simm.s32 @!p2 $0x0  }
0x1d: {  	s5 =	simm.s32 @p1 $0x1;
	p0 =	seq.s32 s7, s2  }
0x1e: {  	s7 =	smul.u32 @!p0 $0xF7A, s2;
	p2 =	seq.s32 @!p0 s5, $0x0  }
0x1f: {  	s9 =	smul.u32 $0xF7A, s1;
	s8 =	simm.s32 @!p0 $0x1BF5;
	p2 =	por !p2, p0  }
0x20: {  	[sflag:s8] =	ssyncset.s32 @!p0 $0xFFFFF086;
	s6 =	sadd.s32 @!p0 s3, s7;
	s7 =	simm.s32 @!p0 $0x108  }
0x21: {  	s3 =	sadd.s32 s3, s9;
	s6 =	sadd.s32 @!p0 $0x88, s6;
	s7 =	simm.s32 @p2 $0x1082  }
0x22: {  	[simem:s7], [sflag:s8] =	dma.local @!p0 [hbm:s6], $0xF7A  }
0x23: {  	s9 =	sor.u32 $0xD0000000, s2;
	s6 =	simm.s32 $0x108;
	_ =	swait.ge @!p0 [sflag:s8], $0x0  }
0x24: {  	s3 =	sadd.s32 $0x88, s3;
	s6 =	simm.s32 @!p1 $0x1082;
	[sflag:s4] =	ssyncset.s32 $0xFFFFF086  }
0x25: {  	[simem:s6], [sflag:s4] =	dma.local [hbm:s3], $0xF7A  }
0x26: {  	[smem:$0x3F9D] =	sst s1;
	(tag) =	ssettag s2;
	_ =	strace s9  }
0x27: {  	s1 =	sld [smem:$0x3FAD]  }
0x28: {  	s2 =	sld [smem:$0x3FAE]  }
0x29: {  	s4 =	sld [smem:$0x3FB0]  }
0x2a: {  	p0 =	seq.s32 s5, $0x0;
	s5 =	sld [smem:$0x3FB1]  }
0x2b: {  	s6 =	sld [smem:$0x3FB2]  }
0x2c: {  	s7 =	sld [smem:$0x3FB3]  }
0x2d: {  	s3 =	simm.s32 $0x108;
	s8 =	sld [smem:$0x3FB4]  }
0x2e: {  	s3 =	simm.s32 @!p0 $0x1082;
	s9 =	sld [smem:$0x3FB5]  }
0x2f: {  	lr =	sadd.s32 s0, s3;
	s0 =	sld [smem:$0x3FAC]  }
0x30: {  	s3 =	sld [smem:$0x3FAF]  }
0x31: {  	[smem:$0x3FB8] =	sst s10  }
0x32: {  	s10 =	sld [smem:$0x3FB6];
	_ =	sdelay $0x3  }
0x33: {  	p0 =	seq.s32 s10, $0x1;
	s10 =	sld [smem:$0x3FB8];
	_ =	sdelay $0x3  }
0x34: {  	[smem:$0x3FB8] =	sst s10  }
0x35: {  	s10 =	sld [smem:$0x3FB7];
	_ =	sdelay $0x3  }
0x36: {  	p1 =	seq.s32 s10, $0x1;
	s10 =	sld [smem:$0x3FB8];
	_ =	sdelay $0x3  }
0x37: {  	[smem:$0x3FB8] =	sst s10  }
0x38: {  	s10 =	sld [smem:$0x3FB9]  }
0x39: {  	_ = 	snop;
	(pc) =	sbr.ind lr, $3  }
0x3a: {  	_ = 	snop  }
0x3b: {  	_ = 	snop  }
0x3c: {  	p2 =	seq.s32 s10, $0x1;
	s10 =	sld [smem:$0x3FB8]  }
0x3d: {  	_ =	shalt  }
0x3e: {  	_ =	shalt  }
0x3f: {  	_ =	shalt  }
0x40: {  	_ =	shalt  }
0x41: {  	_ =	shalt  }
0x42: {  	_ =	shalt  }
0x43: {  	_ =	shalt  }
0x44: {  	_ =	shalt  }
0x45: {  	_ =	shalt  }
0x46: {  	_ =	shalt  }
0x47: {  	_ =	shalt  }
0x48: {  	_ =	shalt  }
0x49: {  	_ =	shalt  }
0x4a: {  	_ =	shalt  }
0x4b: {  	_ =	shalt  }
0x4c: {  	_ =	shalt  }
0x4d: {  	_ =	shalt  }
0x4e: {  	_ =	shalt  }
0x4f: {  	_ =	shalt  }
0x50: {  	_ =	shalt  }
0x51: {  	_ =	shalt  }
0x52: {  	_ =	shalt  }
0x53: {  	_ =	shalt  }
0x54: {  	_ =	shalt  }
0x55: {  	_ =	shalt  }
0x56: {  	_ =	shalt  }
0x57: {  	_ =	shalt  }
0x58: {  	_ =	shalt  }
0x59: {  	_ =	shalt  }
0x5a: {  	_ =	shalt  }
0x5b: {  	_ =	shalt  }
0x5c: {  	_ =	shalt  }
0x5d: {  	_ =	shalt  }
0x5e: {  	_ =	shalt  }
0x5f: {  	_ =	shalt  }
0x60: {  	_ =	shalt  }
0x61: {  	_ =	shalt  }
0x62: {  	_ =	shalt  }
0x63: {  	_ =	shalt  }
0x64: {  	_ =	shalt  }
0x65: {  	_ =	shalt  }
0x66: {  	_ =	shalt  }
0x67: {  	_ =	shalt  }
0x68: {  	_ =	shalt  }
0x69: {  	_ =	shalt  }
0x6a: {  	_ =	shalt  }
0x6b: {  	_ =	shalt  }
0x6c: {  	_ =	shalt  }
0x6d: {  	_ =	shalt  }
0x6e: {  	_ =	shalt  }
0x6f: {  	_ =	shalt  }
0x70: {  	_ =	shalt  }
0x71: {  	_ =	shalt  }
0x72: {  	_ =	shalt  }
0x73: {  	_ =	shalt  }
0x74: {  	_ =	shalt  }
0x75: {  	_ =	shalt  }
0x76: {  	_ =	shalt  }
0x77: {  	_ =	shalt  }
0x78: {  	_ =	shalt  }
0x79: {  	_ =	shalt  }
0x7a: {  	_ =	shalt  }
0x7b: {  	_ =	shalt  }
0x7c: {  	_ =	shalt  }
0x7d: {  	_ =	shalt  }
0x7e: {  	_ =	shalt  }
0x7f: {  	_ =	shalt  }
0x80: {  	_ =	shalt  }
0x81: {  	_ =	shalt  }
0x82: {  	_ =	shalt  }
0x83: {  	_ =	shalt  }
0x84: {  	_ =	shalt  }
0x85: {  	_ =	shalt  }
0x86: {  	_ =	shalt  }
0x87: {  	_ =	shalt  }
.Lfunc_end0:
.L_simem_size_0:
called_computation_lowered:
.L_overlay_start_0:
0x88: {  	s2 =	sld [smem:$0x3FD9]  }
0x89: {  	s3 =	sld [smem:$0x3FFE];
	_ =	sdelay $0x1  }
0x8a: {  	s1 =	srdreg.scid  }
0x8b: {  	s0 =	sand.u32 $0x1, s1  }
0x8c: {  	s17 =	sshll.u32 s0, $0xA;
	s2 =	sadd.s32 s3, s2  }
0x8d: {  	s2 =	sadd.s32 s2, s17  }
0x8e: {  	[smem:$0x3FC4] =	sst s2  }
0x8f: {  	_ = 	snop  }
0x90: {  	s2 =	sld [smem:$0x3FC9]  }
0x91: {  	s18 =	sld [smem:$0x3FC8]  }
0x92: {  	s4 =	sld [smem:$0x3FC7]  }
0x93: {  	s5 =	sld [smem:$0x3FC6]  }
0x94: {  	s6 =	sld [smem:$0x3FD0];
	(tm) =	ssettm $0x1  }
0x95: {  	s7 =	sld [smem:$0x3FFB];
	_ =	sdelay $0x3  }
0x96: {  	_ =	strace s7  }
0x97: {  	s7 =	sld [smem:$0x3FFC];
	_ =	sdelay $0x3  }
0x98: {  	_ =	strace s7  }
0x99: {  	s7 =	sld [smem:$0x3FFD];
	_ =	sdelay $0x3  }
0x9a: {  	_ =	strace s7  }
0x9b: {  	_ =	strace $0x8FFFFFFF  }
0x9c: {  	s19 =	sld [smem:$0x3FDB];
	_ =	sdelay $0x1  }
0x9d: {  	s8 =	simm.s32 $_scs_section_size  }
0x9e: {  	s9 =	simm.s32 $_size__tile_overlayer_lowered;
	s10 =	simm.s32 $_tile_overlayer_lowered  }
0x9f: {  	s22 =	simm.s32 $0x1BFF;
	s21 =	sshll.u32 s10, $0x1;
	s7 =	sadd.s32 s8, s19  }
0xa0: {  	s11 =	simm.s32 $0x0;
	s20 =	sshll.u32 s9, $0x1;
	s9 =	sadd.s32 s21, s7  }
0xa1: {  	[timem:s11], [sflag:s22] =	dma.local [hbm:s9], s20  }
0xa2: {  	_ =	swait.ge [sflag:s22], s20  }
0xa3: {  	s8 =	ssub.s32 $0x0, s20;
	[sflag:s22] =	ssyncset.done $0x0  }
0xa4: {  	[sflag:s22] =	ssyncadd.s32 s8;
	_ =	sdelay $0x1  }
0xa5: {  	s23 =	simm.s32 $0x1B8B  }
0xa6: {  	_ =	swait.ge [sflag:s23], $0x1  }
0xa7: {  	[sflag:s23] =	ssyncset.done $0x0  }
0xa8: {  	s25 =	simm.s32 $0x1B8E;
	s24 =	sld [smem:$0x3FFE];
	[sflag:s23] =	ssyncadd.s32 $0xFFFFFFFF  }
0xa9: {  	s26 =	simm.s32 $execute0_lowered;
	[smem:$0x3FD2] =	sst s25  }
0xaa: {  	s9 =	sshll.u32 s26, $0x1;
	_ =	strace $0x80000046;
	[dreg:$0x1] =	wrdreg $0xFFFFFFFF  }
0xab: {  	s28 =	simm.s32 $_size_execute0_lowered;
	s7 =	sadd.s32 s7, s9;
	[dreg:$0x0] =	wrdreg $0x0  }
0xac: {  	s9 =	sshll.u32 s28, $0x1;
	[dreg:$0x2] =	wrdreg s7  }
0xad: {  	[dreg:$0x3] =	wrdreg s9  }
0xae: {  	[dreg:$0x4] =	wrdreg $0xC0  }
0xaf: {  	_ =	task [dreg:s11], $0x5FFFF  }
0xb0: {  	[dreg:$0x1] =	wrdreg $0xFFFFFFFF  }
0xb1: {  	[dreg:$0x0] =	wrdreg $0x60  }
0xb2: {  	[dreg:$0x2] =	wrdreg s2  }
0xb3: {  	[dreg:$0x3] =	wrdreg s18  }
0xb4: {  	[dreg:$0x4] =	wrdreg s4  }
0xb5: {  	[dreg:$0x5] =	wrdreg s5  }
0xb6: {  	[dreg:$0x6] =	wrdreg s24  }
0xb7: {  	[dreg:$0x7] =	wrdreg s6  }
0xb8: {  	[dreg:$0x8] =	wrdreg $0x9  }
0xb9: {  	_ =	task.clear_ibuf [dreg:s11], $0x9FFFF;
	_ =	strace $0x90000046  }
0xba: {  	s29 =	simm.s32 $0x9;
	_ =	strace $0x80000048  }
0xbb: {  	_ =	swait.ge [sflag:s29], $0x1  }
0xbc: {  	[sflag:s29] =	ssyncadd.s32 $0xFFFFFFFF  }
0xbd: {  	_ =	strace $0x90000048  }
0xbe: {  	_ =	sfence  }
0xbf: {  	s30 =	sld [smem:$0x0];
	_ =	sdelay $0x2  }
0xc0: {  	s31 =	sshll.u32 s1, $0xD;
	s1 =	sshrl.u32 s1, $0x2  }
0xc1: {  	s3 =	sand.u32 $0x4000, s31;
	s1 =	sadd.s32 s1, s30  }
0xc2: {  	s0 =	sor.u32 s3, s0;
	s1 =	sshll.u32 s1, $0x11  }
0xc3: {  	s0 =	sor.u32 s1, s0  }
0xc4: {  	s0 =	sadd.s32 $0x8F2B, s0  }
0xc5: {  	[sflag:s0] =	ssyncadd.remote.s32 $0x1  }
0xc6: {  	_ =	sfence.sel $0xFFFF  }
0xc7: {  	[dreg:$0x0] =	wrdreg $0xFFFFFFFF;
	(pc) =	sbr.abs _section_cstart, $3  }
0xc8: {  	[dreg:$0x1] =	wrdreg $0xFFFFFFFF  }
0xc9: {  	_ =	task.clear_ibuf [dreg:s11], $0x2FFFF;
	_ =	strace $0x9FFFFFFF  }
0xca: {  	(tm) =	ssettm $0x7FFFFFFF  }
0xcb: {  	_ =	shalt  }
tec
execute0_lowered:
.L_overlay_start_1:
0x0: {  	(tag) =	ssettag $0x1  }
0x1: {  	s0 =	rddreg [dreg:$0x0]  }
0x2: {  	s3 =	rddreg [dreg:$0x1]  }
0x3: {  	s1 =	rddreg [dreg:$0x2]  }
0x4: {  	s2 =	rddreg [dreg:$0x3]  }
0x5: {  	s4 =	rddreg [dreg:$0x4]  }
0x6: {  	s5 =	rddreg [dreg:$0x5];
	s12 =	simm.s32 $0x0;
	s6 =	srdreg.scid  }
0x7: {  	s8 =	stileid.u32;
	s15 =	simm.s32 $0x7A1400;
	s16 =	simm.s32 $0x400  }
0x8: {  	s17 =	simm.s32 $0x8400;
	s9 =	simm.s32 $0x6400;
	s10 =	simm.s32 $0xE400  }
0x9: {  	s11 =	simm.s32 $0xEC00;
	s18 =	simm.s32 $0x7400;
	s19 =	simm.s32 $0xF400  }
0xa: {  	s20 =	simm.s32 $0x7C00;
	s21 =	simm.s32 $0xFC00;
	s22 =	simm.s32 $0x1  }
0xb: {  	s23 =	simm.s32 $0x2;
	[smem:$0x7FF] =	sst s12;
	s6 =	sand.u32 $0x1, s6  }
0xc: {  	s7 =	sadd.s32 $0x800, s4;
	s8 =	sshll.u32 s8, $0x1;
	s4 =	sadd.s32 $0x400, s4  }
0xd: {  	v0 =	vlaneseq.u32;
	_ =	strace $0x80000047;
	[dreg:$0x7] =	wrdreg s7;
	s26 =	ssub.s32 $0x2, s6  }
0xe: {  	v0 =	vmul.u32 $0x80, v0;
	[dreg:$0x8] =	wrdreg s4;
	s6 =	sor.u32 s6, s8;
	s7 =	simm.s32 $0x5C00  }
0xf: {  	s8 =	simm.s32 $0xDC00;
	s28 =	sshrl.u32 s26, $0x1;
	s29 =	sshll.u32 s6, $0x6  }
.Ltmp0:
0x10: {  	s6 =	sshll.u32 s6, $0xA;
	v1 =	vor.u32 $0x800, v0;
	v2 =	vor.u32 $0x1000, v0;
	v3 =	vor.u32 $0x1800, v0;
	s3 =	sadd.s32 s3, s29;
	(pc) =	sbr.rel .LBB2_1-.Ltmp0, $4  }
0x11: {  	v4 =	vor.u32 $0x2000, v0;
	v5 =	vor.u32 $0x2800, v0;
	v6 =	vor.u32 $0x3000, v0;
	s4 =	ssub.s32 s26, s28;
	s0 =	sadd.s32 s0, s29;
	[dreg:$0x9] =	wrdreg s3  }
0x12: {  	v7 =	vor.u32 $0x3800, v0;
	v8 =	vor.u32 $0x4000, v0;
	v9 =	vor.u32 $0x4800, v0;
	s30 =	sadd.s32 s5, s6;
	s6 =	simm.s32 $0xD400;
	[dreg:$0xa] =	wrdreg s0  }
0x13: {  	v10 =	vor.u32 $0x5000, v0;
	v11 =	vor.u32 $0x5800, v0;
	v12 =	vor.u32 $0x6000, v0;
	s5 =	simm.s32 $0x0;
	[dreg:$0xb] =	wrdreg s30;
	s31 =	smax.u32 s4, $0x1  }
0x14: {  	v13 =	vor.u32 $0x6800, v0;
	v14 =	vor.u32 $0x7000, v0;
	v15 =	vor.u32 $0x7800, v0;
	s3 =	simm.s32 $0x3;
	s4 =	simm.s32 $0x6C00;
	[dreg:$0xc] =	wrdreg s31  }
.LBB2_5:
0x15: {  	s12 =	simm.s32 $0x0;
	s0 =	rddreg [dreg:$0xb];
	s3 =	simm.s32 $0x14400  }
0x16: {  	[hbm4b:s0+s12] =	stream.linear.scatter [tilespmem:s3], [sflag:$0x3], $0x2000, $0x38;
	[tilespmem:$0x16400] =	vst v63  }
0x17: {  	s3 =	simm.s32 $0x3  }
0x18: {  	_ =	swait.ge [sflag:s3], $0x2000  }
0x19: {  	s5 =	rddreg [dreg:$0xd]  }
0x1a: {  	s31 =	rddreg [dreg:$0xc];
	s5 =	sadd.s32 $0x1, s5  }
0x1b: {  	p0 =	sne.s32 s5, s31  }
.Ltmp1:
0x1c: {  	_ = 	snop;
	(pc) =	sbr.rel @!p0 .LBB2_6-.Ltmp1, $3  }
0x1d: {  	_ =	sdelay $0x1  }
0x1e: {  	[sflag:s3] =	ssyncset.done $0x0  }
0x1f: {  	[sflag:s3] =	ssyncadd.s32 $0xFFFFE000  }
.LBB2_1:
0x20: {  	[dreg:$0xd] =	wrdreg s5  }
0x21: {  	s0 =	rddreg [dreg:$0x9]  }
0x22: {  	[tilespmem:s12], [sflag:$0x3] =	stream.linear.gather [hbm4b:s0+s12], $0x200, $0x38;
	[tilespmem:$0x16400] =	vst v63  }
0x23: {  	_ =	swait.ge [sflag:s3], $0x200  }
0x24: {  	[sflag:s3] =	ssyncset.done $0x0  }
0x25: {  	s29 =	simm.s32 $0x200;
	s28 =	rddreg [dreg:$0xa];
	[sflag:s3] =	ssyncadd.s32 $0xFFFFFE00  }
0x26: {  	[tilespmem:s29], [sflag:$0x3] =	stream.linear.gather [hbm4b:s28+s12], $0x200, $0x38;
	[tilespmem:$0x16400] =	vst v63  }
0x27: {  	_ =	swait.ge [sflag:s3], $0x200  }
0x28: {  	[sflag:s3] =	ssyncset.done $0x0  }
0x29: {  	s31 =	simm.s32 $0x10400;
	s30 =	rddreg [dreg:$0x7];
	[sflag:s3] =	ssyncadd.s32 $0xFFFFFE00  }
0x2a: {  	[tilespmem:s31], [sflag:$0x3] =	stream.linear.gather [hbm4b:s30+s12], $0x2000, $0x38;
	[tilespmem:$0x16400] =	vst v63  }
0x2b: {  	_ =	swait.ge [sflag:s3], $0x2000  }
0x2c: {  	[sflag:s3] =	ssyncset.done $0x0  }
0x2d: {  	s14 =	simm.s32 $0x12400;
	s13 =	rddreg [dreg:$0x8];
	[sflag:s3] =	ssyncadd.s32 $0xFFFFE000  }
0x2e: {  	[tilespmem:s14], [sflag:$0x3] =	stream.linear.gather [hbm4b:s13+s12], $0x2000, $0x38;
	[tilespmem:$0x16400] =	vst v63  }
0x2f: {  	_ =	swait.ge [sflag:s3], $0x2000  }
0x30: {  	[sflag:s3] =	ssyncset.done $0x0  }
0x31: {  	[sflag:s3] =	ssyncadd.s32 $0xFFFFE000  }
0x32: {  	v16 =	vld [tilespmem:$0x0];
	_ =	sdelay $0x4  }
0x33: {  	(v2sf) =	vpush v16, $0x0;
	_ =	sdelay $0x5  }
0x34: {  	(v2sf) =	vpush v16, $0x1;
	_ =	sdelay $0x6  }
0x35: {  	(v2sf) =	vpush v16, $0x2;
	_ =	sdelay $0x1  }
0x36: {  	s24 =	spop (v2sf)  }
0x37: {  	s0 =	sand.u32 $0xFFFFFF80, s24  }
0x38: {  	p0 =	slt.s32 s0, $0xF4180  }
0x39: {  	(v2sf) =	vpush v16, $0x3;
	s0 =	simm.s32 @!p0 $0xF4180  }
0x3a: {  	s25 =	sadd.s32 s1, s0  }
0x3b: {  	[tilespmem:s16], [sflag:$0x1] =	stream.strided.gather [hbm4b:s25+s16], $0x800, s15, s16, $0x38;
	[tilespmem:$0x16400] =	vst v63  }
0x3c: {  	s26 =	spop (v2sf);
	s0 =	sadd.s32 s2, s0  }
0x3d: {  	[tilespmem:s17], [sflag:$0x1] =	stream.strided.gather [hbm4b:s0+s16], $0x800, s15, s16, $0x38;
	[tilespmem:$0x16400] =	vst v63  }
0x3e: {  	s0 =	sand.u32 $0xFFFFFF80, s26  }
0x3f: {  	p0 =	slt.s32 s0, $0xF4180  }
0x40: {  	(v2sf) =	vpush v16, $0x4;
	s0 =	simm.s32 @!p0 $0xF4180  }
0x41: {  	s29 =	simm.s32 $0xC00;
	s28 =	sadd.s32 s1, s0  }
0x42: {  	[tilespmem:s29], [sflag:$0x1] =	stream.strided.gather [hbm4b:s28+s16], $0x800, s15, s16, $0x38;
	[tilespmem:$0x16400] =	vst v63  }
0x43: {  	s31 =	simm.s32 $0x8C00;
	s30 =	spop (v2sf);
	s0 =	sadd.s32 s2, s0  }
0x44: {  	[tilespmem:s31], [sflag:$0x1] =	stream.strided.gather [hbm4b:s0+s16], $0x800, s15, s16, $0x38;
	[tilespmem:$0x16400] =	vst v63  }
0x45: {  	s0 =	sand.u32 $0xFFFFFF80, s30  }
0x46: {  	p0 =	slt.s32 s0, $0xF4180  }
0x47: {  	s0 =	simm.s32 @!p0 $0xF4180  }
0x48: {  	s12 =	simm.s32 $0x1400;
	s14 =	spop (v2sf);
	s5 =	sadd.s32 s1, s0  }
0x49: {  	(v2sf) =	vpush v16, $0x5;
	[tilespmem:s12], [sflag:$0x1] =	stream.strided.gather [hbm4b:s5+s16], $0x800, s15, s16, $0x38;
	[tilespmem:$0x16400] =	vst v63  }
0x4a: {  	s13 =	simm.s32 $0x9400;
	s0 =	sadd.s32 s2, s0  }
0x4b: {  	[tilespmem:s13], [sflag:$0x1] =	stream.strided.gather [hbm4b:s0+s16], $0x800, s15, s16, $0x38;
	[tilespmem:$0x16400] =	vst v63  }
0x4c: {  	s0 =	sand.u32 $0xFFFFFF80, s14  }
0x4d: {  	p0 =	slt.s32 s0, $0xF4180  }
0x4e: {  	s0 =	simm.s32 @!p0 $0xF4180  }
0x4f: {  	s25 =	simm.s32 $0x1C00;
	s26 =	spop (v2sf);
	s24 =	sadd.s32 s1, s0  }
0x50: {  	(v2sf) =	vpush v16, $0x6;
	[tilespmem:s25], [sflag:$0x1] =	stream.strided.gather [hbm4b:s24+s16], $0x800, s15, s16, $0x38;
	[tilespmem:$0x16400] =	vst v63  }
0x51: {  	s28 =	simm.s32 $0x9C00;
	s0 =	sadd.s32 s2, s0  }
0x52: {  	[tilespmem:s28], [sflag:$0x1] =	stream.strided.gather [hbm4b:s0+s16], $0x800, s15, s16, $0x38;
	[tilespmem:$0x16400] =	vst v63  }
0x53: {  	s0 =	sand.u32 $0xFFFFFF80, s26  }
0x54: {  	p0 =	slt.s32 s0, $0xF4180  }
0x55: {  	s0 =	simm.s32 @!p0 $0xF4180  }
0x56: {  	s30 =	simm.s32 $0x2400;
	s29 =	sadd.s32 s1, s0  }
0x57: {  	[tilespmem:s30], [sflag:$0x1] =	stream.strided.gather [hbm4b:s29+s16], $0x800, s15, s16, $0x38;
	[tilespmem:$0x16400] =	vst v63  }
0x58: {  	s31 =	simm.s32 $0xA400;
	s0 =	sadd.s32 s2, s0;
	s3 =	spop (v2sf)  }
0x59: {  	(v2sf) =	vpush v16, $0x7;
	[tilespmem:s31], [sflag:$0x1] =	stream.strided.gather [hbm4b:s0+s16], $0x800, s15, s16, $0x38;
	[tilespmem:$0x16400] =	vst v63  }
0x5a: {  	s0 =	sand.u32 $0xFFFFFF80, s3  }
0x5b: {  	p0 =	slt.s32 s0, $0xF4180  }
0x5c: {  	s0 =	simm.s32 @!p0 $0xF4180  }
0x5d: {  	s12 =	simm.s32 $0x2C00;
	s5 =	sadd.s32 s1, s0  }
0x5e: {  	[tilespmem:s12], [sflag:$0x1] =	stream.strided.gather [hbm4b:s5+s16], $0x800, s15, s16, $0x38;
	[tilespmem:$0x16400] =	vst v63  }
0x5f: {  	s14 =	simm.s32 $0xAC00;
	s13 =	spop (v2sf);
	s0 =	sadd.s32 s2, s0  }
0x60: {  	[tilespmem:s14], [sflag:$0x1] =	stream.strided.gather [hbm4b:s0+s16], $0x800, s15, s16, $0x38;
	[tilespmem:$0x16400] =	vst v63  }
0x61: {  	s0 =	sand.u32 $0xFFFFFF80, s13  }
0x62: {  	p0 =	slt.s32 s0, $0xF4180  }
0x63: {  	s0 =	simm.s32 @!p0 $0xF4180  }
0x64: {  	s25 =	simm.s32 $0x3400;
	s24 =	sadd.s32 s1, s0  }
0x65: {  	[tilespmem:s25], [sflag:$0x1] =	stream.strided.gather [hbm4b:s24+s16], $0x800, s15, s16, $0x38;
	[tilespmem:$0x16400] =	vst v63  }
0x66: {  	s26 =	simm.s32 $0xB400;
	s0 =	sadd.s32 s2, s0  }
0x67: {  	[tilespmem:s26], [sflag:$0x1] =	stream.strided.gather [hbm4b:s0+s16], $0x800, s15, s16, $0x38;
	[tilespmem:$0x16400] =	vst v63  }
0x68: {  	s28 =	spop (v2sf)  }
0x69: {  	s0 =	sand.u32 $0xFFFFFF80, s28  }
0x6a: {  	p0 =	slt.s32 s0, $0xF4180  }
.Ltmp2:
0x6b: {  	s0 =	simm.s32 @!p0 $0xF4180;
	(pc) =	sbr.rel .LBB2_2-.Ltmp2, $4  }
0x6c: {  	s30 =	simm.s32 $0x3C00;
	s31 =	simm.s32 $0xBC00;
	s29 =	sadd.s32 s1, s0  }
0x6d: {  	[tilespmem:s30], [sflag:$0x1] =	stream.strided.gather [hbm4b:s29+s16], $0x800, s15, s16, $0x38;
	[tilespmem:$0x16400] =	vst v63  }
0x6e: {  	s24 =	simm.s32 $0x14480;
	s25 =	simm.s32 $0x0;
	s0 =	sadd.s32 s2, s0  }
0x6f: {  	[tilespmem:s31], [sflag:$0x1] =	stream.strided.gather [hbm4b:s0+s16], $0x800, s15, s16, $0x38;
	[tilespmem:$0x16400] =	vst v63  }
.LBB2_4:
0x70: {  	_ =	swait.ge [sflag:s23], $0x800  }
0x71: {  	[sflag:s23] =	ssyncset.done $0x0  }
0x72: {  	[sflag:s23] =	ssyncadd.s32 $0xFFFFF800  }
0x73: {  	_ =	swait.ge [sflag:s23], $0x800  }
0x74: {  	[sflag:s23] =	ssyncset.done $0x0  }
0x75: {  	[sflag:s23] =	ssyncadd.s32 $0xFFFFF800  }
0x76: {  	_ =	swait.ge [sflag:s23], $0x800  }
0x77: {  	[sflag:s23] =	ssyncset.done $0x0  }
0x78: {  	[sflag:s23] =	ssyncadd.s32 $0xFFFFF800  }
0x79: {  	_ =	swait.ge [sflag:s23], $0x800  }
0x7a: {  	[sflag:s23] =	ssyncset.done $0x0  }
0x7b: {  	[sflag:s23] =	ssyncadd.s32 $0xFFFFF800  }
0x7c: {  	_ =	swait.ge [sflag:s23], $0x800  }
0x7d: {  	[sflag:s23] =	ssyncset.done $0x0  }
0x7e: {  	[sflag:s23] =	ssyncadd.s32 $0xFFFFF800  }
0x7f: {  	_ =	swait.ge [sflag:s23], $0x800  }
0x80: {  	[sflag:s23] =	ssyncset.done $0x0  }
0x81: {  	[sflag:s23] =	ssyncadd.s32 $0xFFFFF800  }
0x82: {  	_ =	swait.ge [sflag:s23], $0x800  }
0x83: {  	[sflag:s23] =	ssyncset.done $0x0  }
0x84: {  	[sflag:s23] =	ssyncadd.s32 $0xFFFFF800  }
0x85: {  	_ =	swait.ge [sflag:s23], $0x800  }
0x86: {  	[sflag:s23] =	ssyncset.done $0x0  }
0x87: {  	[sflag:s23] =	ssyncadd.s32 $0xFFFFF800  }
0x88: {  	_ =	swait.ge [sflag:s23], $0x800  }
0x89: {  	[sflag:s23] =	ssyncset.done $0x0  }
0x8a: {  	[sflag:s23] =	ssyncadd.s32 $0xFFFFF800  }
0x8b: {  	_ =	swait.ge [sflag:s23], $0x800  }
0x8c: {  	[sflag:s23] =	ssyncset.done $0x0  }
0x8d: {  	[sflag:s23] =	ssyncadd.s32 $0xFFFFF800  }
0x8e: {  	_ =	swait.ge [sflag:s23], $0x800  }
0x8f: {  	[sflag:s23] =	ssyncset.done $0x0  }
0x90: {  	[sflag:s23] =	ssyncadd.s32 $0xFFFFF800  }
0x91: {  	_ =	swait.ge [sflag:s23], $0x800  }
0x92: {  	[sflag:s23] =	ssyncset.done $0x0  }
0x93: {  	[sflag:s23] =	ssyncadd.s32 $0xFFFFF800  }
0x94: {  	_ =	swait.ge [sflag:s23], $0x800  }
0x95: {  	[sflag:s23] =	ssyncset.done $0x0  }
0x96: {  	[sflag:s23] =	ssyncadd.s32 $0xFFFFF800  }
0x97: {  	_ =	swait.ge [sflag:s23], $0x800  }
0x98: {  	[sflag:s23] =	ssyncset.done $0x0  }
0x99: {  	[sflag:s23] =	ssyncadd.s32 $0xFFFFF800  }
0x9a: {  	s5 =	sand.u32 $0x7F, s12;
	_ =	swait.ge [sflag:s23], $0x800  }
0x9b: {  	v17 =	vor.u32 s5, v8;
	[sflag:s23] =	ssyncset.done $0x0  }
0x9c: {  	[sflag:s23] =	ssyncadd.s32 $0xFFFFF800  }
0x9d: {  	s5 =	sadd.s32 $0xFFF0BE00, s12;
	_ =	swait.ge [sflag:s23], $0x800  }
0x9e: {  	p0 =	sgt.s32 s5, $0x0;
	[sflag:s23] =	ssyncset.done $0x0  }
0x9f: {  	s5 =	simm.s32 @!p0 $0x0;
	[sflag:s23] =	ssyncadd.s32 $0xFFFFF800  }
0xa0: {  	s5 =	sshll.u32 s5, $0x7;
	v18 =	vld.idx.msk [tilespmem:v17+s16+$0x0], $0xffff  }
0xa1: {  	v19 =	vld [tilespmem:s5+$0x10400]  }
0xa2: {  	v17 =	vld.idx.msk [tilespmem:v17+s17+$0x0], $0xffff  }
0xa3: {  	v20 =	vld [tilespmem:s5+$0x12400];
	_ =	sdelay $0x1  }
0xa4: {  	p5 =	sgt.s32 s12, $0xF41FF;
	v21 =	vbroadcast v16, $0x8  }
0xa5: {  	v18 =	vpsel p5, v19, v18  }
0xa6: {  	v18 =	vmul.f32 v18, v21  }
0xa7: {  	v17 =	vpsel p5, v20, v17  }
0xa8: {  	v17 =	vadd.f32 v17, v18;
	_ =	sdelay $0x1  }
0xa9: {  	v17 =	vmul.f32 $1.591549370e-01, v17;
	_ =	sdelay $0x1  }
0xaa: {  	v23 =	vadd.f32 $1.258291200e+07, v17;
	_ =	sdelay $0x1  }
0xab: {  	v18 =	vadd.f32 $-1.258291200e+07, v23;
	_ =	sdelay $0x1  }
0xac: {  	v17 =	vsub.f32 v17, v18;
	_ =	sdelay $0x1  }
0xad: {  	v17 =	vmul.f32 v17, v17;
	_ =	sdelay $0x1  }
0xae: {  	v24 =	vmul.f32 $1.453112360e+00, v17;
	_ =	sdelay $0x1  }
0xaf: {  	v18 =	vsub.f32 $7.800131320e+00, v24;
	_ =	sdelay $0x1  }
0xb0: {  	v18 =	vmul.f32 v18, v17;
	_ =	sdelay $0x1  }
0xb1: {  	v18 =	vadd.f32 $-2.640466880e+01, v18;
	_ =	sdelay $0x1  }
0xb2: {  	v18 =	vmul.f32 v18, v17;
	_ =	sdelay $0x1  }
0xb3: {  	v18 =	vadd.f32 $6.024213030e+01, v18;
	_ =	sdelay $0x1  }
0xb4: {  	v18 =	vmul.f32 v18, v17;
	_ =	sdelay $0x1  }
0xb5: {  	v18 =	vadd.f32 $-8.545665740e+01, v18;
	_ =	sdelay $0x1  }
0xb6: {  	v18 =	vmul.f32 v18, v17;
	_ =	sdelay $0x1  }
0xb7: {  	v18 =	vadd.f32 $6.493939210e+01, v18;
	_ =	sdelay $0x1  }
0xb8: {  	v18 =	vmul.f32 v18, v17;
	_ =	sdelay $0x1  }
0xb9: {  	v18 =	vadd.f32 $-1.973920820e+01, v18  }
0xba: {  	s14 =	sand.u32 $0x7F, s3  }
0xbb: {  	v25 =	vor.u32 s14, v9;
	v17 =	vmul.f32 v18, v17;
	_ =	sdelay $0x1  }
0xbc: {  	s5 =	sadd.s32 $0xFFF0BE00, s3;
	v17 =	vadd.f32 $1.000000000e+00, v17  }
0xbd: {  	p0 =	sgt.s32 s5, $0x0  }
0xbe: {  	s5 =	simm.s32 @!p0 $0x0;
	[tilespmem:s24+$0x0] =	vst v17  }
0xbf: {  	s5 =	sshll.u32 s5, $0x7;
	v17 =	vld.idx.msk [tilespmem:v25+s16+$0x0], $0xffff  }
0xc0: {  	v26 =	vld [tilespmem:s5+$0x10400]  }
0xc1: {  	v18 =	vld.idx.msk [tilespmem:v25+s17+$0x0], $0xffff  }
0xc2: {  	v27 =	vld [tilespmem:s5+$0x12400];
	_ =	sdelay $0x1  }
0xc3: {  	p6 =	sgt.s32 s3, $0xF41FF;
	v28 =	vbroadcast v16, $0x9  }
0xc4: {  	v17 =	vpsel p6, v26, v17  }
0xc5: {  	v17 =	vmul.f32 v17, v28  }
0xc6: {  	v18 =	vpsel p6, v27, v18  }
0xc7: {  	v17 =	vadd.f32 v18, v17;
	_ =	sdelay $0x1  }
0xc8: {  	v17 =	vmul.f32 $1.591549370e-01, v17;
	_ =	sdelay $0x1  }
0xc9: {  	v29 =	vadd.f32 $1.258291200e+07, v17;
	_ =	sdelay $0x1  }
0xca: {  	v18 =	vadd.f32 $-1.258291200e+07, v29;
	_ =	sdelay $0x1  }
0xcb: {  	v17 =	vsub.f32 v17, v18;
	_ =	sdelay $0x1  }
0xcc: {  	v17 =	vmul.f32 v17, v17;
	_ =	sdelay $0x1  }
0xcd: {  	v30 =	vmul.f32 $1.453112360e+00, v17;
	_ =	sdelay $0x1  }
0xce: {  	v18 =	vsub.f32 $7.800131320e+00, v30;
	_ =	sdelay $0x1  }
0xcf: {  	v18 =	vmul.f32 v18, v17;
	_ =	sdelay $0x1  }
0xd0: {  	v18 =	vadd.f32 $-2.640466880e+01, v18;
	_ =	sdelay $0x1  }
0xd1: {  	v18 =	vmul.f32 v18, v17;
	_ =	sdelay $0x1  }
0xd2: {  	v18 =	vadd.f32 $6.024213030e+01, v18;
	_ =	sdelay $0x1  }
0xd3: {  	v18 =	vmul.f32 v18, v17;
	_ =	sdelay $0x1  }
0xd4: {  	v18 =	vadd.f32 $-8.545665740e+01, v18;
	_ =	sdelay $0x1  }
0xd5: {  	v18 =	vmul.f32 v18, v17;
	_ =	sdelay $0x1  }
0xd6: {  	v18 =	vadd.f32 $6.493939210e+01, v18;
	_ =	sdelay $0x1  }
0xd7: {  	v18 =	vmul.f32 v18, v17;
	_ =	sdelay $0x1  }
0xd8: {  	v18 =	vadd.f32 $-1.973920820e+01, v18  }
0xd9: {  	s5 =	sand.u32 $0x7F, s0  }
0xda: {  	v31 =	vor.u32 s5, v10;
	v17 =	vmul.f32 v18, v17;
	_ =	sdelay $0x1  }
0xdb: {  	s3 =	sadd.s32 $0xFFF0BE00, s0;
	v17 =	vadd.f32 $1.000000000e+00, v17  }
0xdc: {  	p0 =	sgt.s32 s3, $0x0  }
0xdd: {  	s3 =	simm.s32 @!p0 $0x0;
	[tilespmem:s24+$0x10] =	vst v17  }
0xde: {  	s3 =	sshll.u32 s3, $0x7;
	v17 =	vld.idx.msk [tilespmem:v31+s16+$0x0], $0xffff  }
0xdf: {  	v32 =	vld [tilespmem:s3+$0x10400]  }
0xe0: {  	v18 =	vld.idx.msk [tilespmem:v31+s17+$0x0], $0xffff  }
0xe1: {  	v33 =	vld [tilespmem:s3+$0x12400];
	_ =	sdelay $0x1  }
0xe2: {  	p1 =	sgt.s32 s0, $0xF41FF;
	v34 =	vbroadcast v16, $0xA  }
0xe3: {  	v17 =	vpsel p1, v32, v17  }
0xe4: {  	v17 =	vmul.f32 v17, v34  }
0xe5: {  	v18 =	vpsel p1, v33, v18  }
0xe6: {  	v17 =	vadd.f32 v18, v17;
	_ =	sdelay $0x1  }
0xe7: {  	v17 =	vmul.f32 $1.591549370e-01, v17;
	_ =	sdelay $0x1  }
0xe8: {  	v35 =	vadd.f32 $1.258291200e+07, v17;
	_ =	sdelay $0x1  }
0xe9: {  	v18 =	vadd.f32 $-1.258291200e+07, v35;
	_ =	sdelay $0x1  }
0xea: {  	v17 =	vsub.f32 v17, v18;
	_ =	sdelay $0x1  }
0xeb: {  	v17 =	vmul.f32 v17, v17;
	_ =	sdelay $0x1  }
0xec: {  	v36 =	vmul.f32 $1.453112360e+00, v17;
	_ =	sdelay $0x1  }
0xed: {  	v18 =	vsub.f32 $7.800131320e+00, v36;
	_ =	sdelay $0x1  }
0xee: {  	v18 =	vmul.f32 v18, v17;
	_ =	sdelay $0x1  }
0xef: {  	v18 =	vadd.f32 $-2.640466880e+01, v18;
	_ =	sdelay $0x1  }
0xf0: {  	v18 =	vmul.f32 v18, v17;
	_ =	sdelay $0x1  }
0xf1: {  	v18 =	vadd.f32 $6.024213030e+01, v18;
	_ =	sdelay $0x1  }
0xf2: {  	v18 =	vmul.f32 v18, v17;
	_ =	sdelay $0x1  }
0xf3: {  	v18 =	vadd.f32 $-8.545665740e+01, v18;
	_ =	sdelay $0x1  }
0xf4: {  	v18 =	vmul.f32 v18, v17;
	_ =	sdelay $0x1  }
0xf5: {  	v18 =	vadd.f32 $6.493939210e+01, v18;
	_ =	sdelay $0x1  }
0xf6: {  	v18 =	vmul.f32 v18, v17;
	_ =	sdelay $0x1  }
0xf7: {  	v18 =	vadd.f32 $-1.973920820e+01, v18  }
0xf8: {  	s12 =	sand.u32 $0x7F, s31  }
0xf9: {  	v37 =	vor.u32 s12, v11;
	v17 =	vmul.f32 v18, v17;
	_ =	sdelay $0x1  }
0xfa: {  	s0 =	sadd.s32 $0xFFF0BE00, s31;
	v17 =	vadd.f32 $1.000000000e+00, v17  }
0xfb: {  	p0 =	sgt.s32 s0, $0x0  }
0xfc: {  	s0 =	simm.s32 @!p0 $0x0;
	[tilespmem:s24+$0x20] =	vst v17  }
0xfd: {  	s0 =	sshll.u32 s0, $0x7;
	v17 =	vld.idx.msk [tilespmem:v37+s16+$0x0], $0xffff  }
0xfe: {  	v38 =	vld [tilespmem:s0+$0x10400]  }
0xff: {  	v18 =	vld.idx.msk [tilespmem:v37+s17+$0x0], $0xffff  }
0x100: {  	v39 =	vld [tilespmem:s0+$0x12400];
	_ =	sdelay $0x1  }
0x101: {  	p2 =	sgt.s32 s31, $0xF41FF;
	v40 =	vbroadcast v16, $0xB  }
0x102: {  	v17 =	vpsel p2, v38, v17  }
0x103: {  	v17 =	vmul.f32 v17, v40  }
0x104: {  	v18 =	vpsel p2, v39, v18  }
0x105: {  	v17 =	vadd.f32 v18, v17;
	_ =	sdelay $0x1  }
0x106: {  	v17 =	vmul.f32 $1.591549370e-01, v17;
	_ =	sdelay $0x1  }
0x107: {  	v41 =	vadd.f32 $1.258291200e+07, v17;
	_ =	sdelay $0x1  }
0x108: {  	v18 =	vadd.f32 $-1.258291200e+07, v41;
	_ =	sdelay $0x1  }
0x109: {  	v17 =	vsub.f32 v17, v18;
	_ =	sdelay $0x1  }
0x10a: {  	v17 =	vmul.f32 v17, v17;
	_ =	sdelay $0x1  }
0x10b: {  	v42 =	vmul.f32 $1.453112360e+00, v17;
	_ =	sdelay $0x1  }
0x10c: {  	v18 =	vsub.f32 $7.800131320e+00, v42;
	_ =	sdelay $0x1  }
0x10d: {  	v18 =	vmul.f32 v18, v17;
	_ =	sdelay $0x1  }
0x10e: {  	v18 =	vadd.f32 $-2.640466880e+01, v18;
	_ =	sdelay $0x1  }
0x10f: {  	v18 =	vmul.f32 v18, v17;
	_ =	sdelay $0x1  }
0x110: {  	v18 =	vadd.f32 $6.024213030e+01, v18;
	_ =	sdelay $0x1  }
0x111: {  	v18 =	vmul.f32 v18, v17;
	_ =	sdelay $0x1  }
0x112: {  	v18 =	vadd.f32 $-8.545665740e+01, v18;
	_ =	sdelay $0x1  }
0x113: {  	v18 =	vmul.f32 v18, v17;
	_ =	sdelay $0x1  }
0x114: {  	v18 =	vadd.f32 $6.493939210e+01, v18;
	_ =	sdelay $0x1  }
0x115: {  	v18 =	vmul.f32 v18, v17;
	_ =	sdelay $0x1  }
0x116: {  	v18 =	vadd.f32 $-1.973920820e+01, v18  }
0x117: {  	s13 =	sand.u32 $0x7F, s30  }
0x118: {  	v43 =	vor.u32 s13, v12;
	v17 =	vmul.f32 v18, v17;
	_ =	sdelay $0x1  }
0x119: {  	s0 =	sadd.s32 $0xFFF0BE00, s30;
	v17 =	vadd.f32 $1.000000000e+00, v17  }
0x11a: {  	p0 =	sgt.s32 s0, $0x0  }
0x11b: {  	s0 =	simm.s32 @!p0 $0x0;
	[tilespmem:s24+$0x30] =	vst v17  }
0x11c: {  	s0 =	sshll.u32 s0, $0x7;
	v17 =	vld.idx.msk [tilespmem:v43+s16+$0x0], $0xffff  }
0x11d: {  	v44 =	vld [tilespmem:s0+$0x10400]  }
0x11e: {  	v18 =	vld.idx.msk [tilespmem:v43+s17+$0x0], $0xffff  }
0x11f: {  	v45 =	vld [tilespmem:s0+$0x12400];
	_ =	sdelay $0x1  }
0x120: {  	p3 =	sgt.s32 s30, $0xF41FF;
	v46 =	vbroadcast v16, $0xC  }
0x121: {  	v17 =	vpsel p3, v44, v17  }
0x122: {  	v17 =	vmul.f32 v17, v46  }
0x123: {  	v18 =	vpsel p3, v45, v18  }
0x124: {  	v17 =	vadd.f32 v18, v17;
	_ =	sdelay $0x1  }
0x125: {  	v17 =	vmul.f32 $1.591549370e-01, v17;
	_ =	sdelay $0x1  }
0x126: {  	v47 =	vadd.f32 $1.258291200e+07, v17;
	_ =	sdelay $0x1  }
0x127: {  	v18 =	vadd.f32 $-1.258291200e+07, v47;
	_ =	sdelay $0x1  }
0x128: {  	v17 =	vsub.f32 v17, v18;
	_ =	sdelay $0x1  }
0x129: {  	v17 =	vmul.f32 v17, v17;
	_ =	sdelay $0x1  }
0x12a: {  	v48 =	vmul.f32 $1.453112360e+00, v17;
	_ =	sdelay $0x1  }
0x12b: {  	v18 =	vsub.f32 $7.800131320e+00, v48;
	_ =	sdelay $0x1  }
0x12c: {  	v18 =	vmul.f32 v18, v17;
	_ =	sdelay $0x1  }
0x12d: {  	v18 =	vadd.f32 $-2.640466880e+01, v18;
	_ =	sdelay $0x1  }
0x12e: {  	v18 =	vmul.f32 v18, v17;
	_ =	sdelay $0x1  }
0x12f: {  	v18 =	vadd.f32 $6.024213030e+01, v18;
	_ =	sdelay $0x1  }
0x130: {  	v18 =	vmul.f32 v18, v17;
	_ =	sdelay $0x1  }
0x131: {  	v18 =	vadd.f32 $-8.545665740e+01, v18;
	_ =	sdelay $0x1  }
0x132: {  	v18 =	vmul.f32 v18, v17;
	_ =	sdelay $0x1  }
0x133: {  	v18 =	vadd.f32 $6.493939210e+01, v18;
	_ =	sdelay $0x1  }
0x134: {  	v18 =	vmul.f32 v18, v17;
	_ =	sdelay $0x1  }
0x135: {  	v18 =	vadd.f32 $-1.973920820e+01, v18  }
0x136: {  	s14 =	sand.u32 $0x7F, s29  }
0x137: {  	v49 =	vor.u32 s14, v13;
	v17 =	vmul.f32 v18, v17;
	_ =	sdelay $0x1  }
0x138: {  	s0 =	sadd.s32 $0xFFF0BE00, s29;
	v17 =	vadd.f32 $1.000000000e+00, v17  }
0x139: {  	p0 =	sgt.s32 s0, $0x0  }
0x13a: {  	s0 =	simm.s32 @!p0 $0x0;
	[tilespmem:s24+$0x40] =	vst v17  }
0x13b: {  	s0 =	sshll.u32 s0, $0x7;
	v17 =	vld.idx.msk [tilespmem:v49+s16+$0x0], $0xffff  }
0x13c: {  	v50 =	vld [tilespmem:s0+$0x10400]  }
0x13d: {  	v18 =	vld.idx.msk [tilespmem:v49+s17+$0x0], $0xffff  }
0x13e: {  	v51 =	vld [tilespmem:s0+$0x12400];
	_ =	sdelay $0x1  }
0x13f: {  	p4 =	sgt.s32 s29, $0xF41FF;
	v52 =	vbroadcast v16, $0xD  }
0x140: {  	v17 =	vpsel p4, v50, v17  }
0x141: {  	v17 =	vmul.f32 v17, v52  }
0x142: {  	v18 =	vpsel p4, v51, v18  }
0x143: {  	v17 =	vadd.f32 v18, v17;
	_ =	sdelay $0x1  }
0x144: {  	v17 =	vmul.f32 $1.591549370e-01, v17;
	_ =	sdelay $0x1  }
0x145: {  	v53 =	vadd.f32 $1.258291200e+07, v17;
	_ =	sdelay $0x1  }
0x146: {  	v18 =	vadd.f32 $-1.258291200e+07, v53;
	_ =	sdelay $0x1  }
0x147: {  	v17 =	vsub.f32 v17, v18;
	_ =	sdelay $0x1  }
0x148: {  	v17 =	vmul.f32 v17, v17;
	_ =	sdelay $0x1  }
0x149: {  	v54 =	vmul.f32 $1.453112360e+00, v17;
	_ =	sdelay $0x1  }
0x14a: {  	v18 =	vsub.f32 $7.800131320e+00, v54;
	_ =	sdelay $0x1  }
0x14b: {  	v18 =	vmul.f32 v18, v17;
	_ =	sdelay $0x1  }
0x14c: {  	v18 =	vadd.f32 $-2.640466880e+01, v18;
	_ =	sdelay $0x1  }
0x14d: {  	v18 =	vmul.f32 v18, v17;
	_ =	sdelay $0x1  }
0x14e: {  	v18 =	vadd.f32 $6.024213030e+01, v18;
	_ =	sdelay $0x1  }
0x14f: {  	v18 =	vmul.f32 v18, v17;
	_ =	sdelay $0x1  }
0x150: {  	v18 =	vadd.f32 $-8.545665740e+01, v18;
	_ =	sdelay $0x1  }
0x151: {  	v18 =	vmul.f32 v18, v17;
	_ =	sdelay $0x1  }
0x152: {  	v18 =	vadd.f32 $6.493939210e+01, v18;
	_ =	sdelay $0x1  }
0x153: {  	v18 =	vmul.f32 v18, v17;
	_ =	sdelay $0x1  }
0x154: {  	v18 =	vadd.f32 $-1.973920820e+01, v18  }
0x155: {  	s30 =	sand.u32 $0x7F, s28  }
0x156: {  	v55 =	vor.u32 s30, v14;
	v17 =	vmul.f32 v18, v17;
	_ =	sdelay $0x1  }
0x157: {  	s0 =	sadd.s32 $0xFFF0BE00, s28;
	v17 =	vadd.f32 $1.000000000e+00, v17  }
0x158: {  	p0 =	sgt.s32 s0, $0x0  }
0x159: {  	s0 =	simm.s32 @!p0 $0x0;
	[tilespmem:s24+$0x50] =	vst v17  }
0x15a: {  	s0 =	sshll.u32 s0, $0x7;
	v17 =	vld.idx.msk [tilespmem:v55+s16+$0x0], $0xffff  }
0x15b: {  	v56 =	vld [tilespmem:s0+$0x10400]  }
0x15c: {  	v18 =	vld.idx.msk [tilespmem:v55+s17+$0x0], $0xffff  }
0x15d: {  	v57 =	vld [tilespmem:s0+$0x12400];
	_ =	sdelay $0x1  }
0x15e: {  	v58 =	vbroadcast v16, $0xE;
	p5 =	sgt.s32 s28, $0xF41FF  }
0x15f: {  	v17 =	vpsel p5, v56, v17  }
0x160: {  	v17 =	vmul.f32 v17, v58  }
0x161: {  	v18 =	vpsel p5, v57, v18  }
0x162: {  	v17 =	vadd.f32 v18, v17;
	_ =	sdelay $0x1  }
0x163: {  	v17 =	vmul.f32 $1.591549370e-01, v17;
	_ =	sdelay $0x1  }
0x164: {  	v59 =	vadd.f32 $1.258291200e+07, v17;
	_ =	sdelay $0x1  }
0x165: {  	v18 =	vadd.f32 $-1.258291200e+07, v59;
	_ =	sdelay $0x1  }
0x166: {  	v17 =	vsub.f32 v17, v18;
	_ =	sdelay $0x1  }
0x167: {  	v17 =	vmul.f32 v17, v17;
	_ =	sdelay $0x1  }
0x168: {  	v60 =	vmul.f32 $1.453112360e+00, v17;
	_ =	sdelay $0x1  }
0x169: {  	v18 =	vsub.f32 $7.800131320e+00, v60;
	_ =	sdelay $0x1  }
0x16a: {  	v18 =	vmul.f32 v18, v17;
	_ =	sdelay $0x1  }
0x16b: {  	v18 =	vadd.f32 $-2.640466880e+01, v18;
	_ =	sdelay $0x1  }
0x16c: {  	v18 =	vmul.f32 v18, v17;
	_ =	sdelay $0x1  }
0x16d: {  	v18 =	vadd.f32 $6.024213030e+01, v18;
	_ =	sdelay $0x1  }
0x16e: {  	v18 =	vmul.f32 v18, v17;
	_ =	sdelay $0x1  }
0x16f: {  	v18 =	vadd.f32 $-8.545665740e+01, v18;
	_ =	sdelay $0x1  }
0x170: {  	v18 =	vmul.f32 v18, v17;
	_ =	sdelay $0x1  }
0x171: {  	v18 =	vadd.f32 $6.493939210e+01, v18;
	_ =	sdelay $0x1  }
0x172: {  	v18 =	vmul.f32 v18, v17;
	_ =	sdelay $0x1  }
0x173: {  	v18 =	vadd.f32 $-1.973920820e+01, v18  }
0x174: {  	s31 =	sand.u32 $0x7F, s26  }
0x175: {  	v61 =	vor.u32 s31, v15;
	v17 =	vmul.f32 v18, v17;
	_ =	sdelay $0x1  }
0x176: {  	s0 =	sadd.s32 $0xFFF0BE00, s26;
	v17 =	vadd.f32 $1.000000000e+00, v17  }
0x177: {  	p0 =	sgt.s32 s0, $0x0  }
0x178: {  	s0 =	simm.s32 @!p0 $0x0;
	[tilespmem:s24+$0x60] =	vst v17  }
0x179: {  	s0 =	sshll.u32 s0, $0x7;
	v17 =	vld.idx.msk [tilespmem:v61+s16+$0x0], $0xffff  }
0x17a: {  	v62 =	vld [tilespmem:s0+$0x10400]  }
0x17b: {  	v18 =	vld.idx.msk [tilespmem:v61+s17+$0x0], $0xffff  }
0x17c: {  	v63 =	vld [tilespmem:s0+$0x12400];
	_ =	sdelay $0x1  }
0x17d: {  	v16 =	vbroadcast v16, $0xF;
	p6 =	sgt.s32 s26, $0xF41FF  }
0x17e: {  	v17 =	vpsel p6, v62, v17  }
0x17f: {  	v16 =	vmul.f32 v17, v16  }
0x180: {  	v17 =	vpsel p6, v63, v18  }
0x181: {  	v16 =	vadd.f32 v17, v16;
	_ =	sdelay $0x1  }
0x182: {  	v16 =	vmul.f32 $1.591549370e-01, v16;
	_ =	sdelay $0x1  }
0x183: {  	v17 =	vadd.f32 $1.258291200e+07, v16;
	_ =	sdelay $0x1  }
0x184: {  	v17 =	vadd.f32 $-1.258291200e+07, v17;
	_ =	sdelay $0x1  }
0x185: {  	v16 =	vsub.f32 v16, v17;
	_ =	sdelay $0x1  }
0x186: {  	v16 =	vmul.f32 v16, v16;
	_ =	sdelay $0x1  }
0x187: {  	v17 =	vmul.f32 $1.453112360e+00, v16;
	_ =	sdelay $0x1  }
0x188: {  	v17 =	vsub.f32 $7.800131320e+00, v17;
	_ =	sdelay $0x1  }
0x189: {  	v17 =	vmul.f32 v17, v16;
	_ =	sdelay $0x1  }
0x18a: {  	v17 =	vadd.f32 $-2.640466880e+01, v17;
	_ =	sdelay $0x1  }
0x18b: {  	v17 =	vmul.f32 v17, v16;
	_ =	sdelay $0x1  }
0x18c: {  	v17 =	vadd.f32 $6.024213030e+01, v17;
	_ =	sdelay $0x1  }
0x18d: {  	v17 =	vmul.f32 v17, v16;
	_ =	sdelay $0x1  }
0x18e: {  	v17 =	vadd.f32 $-8.545665740e+01, v17;
	_ =	sdelay $0x1  }
0x18f: {  	v17 =	vmul.f32 v17, v16;
	_ =	sdelay $0x1  }
0x190: {  	v17 =	vadd.f32 $6.493939210e+01, v17;
	_ =	sdelay $0x1  }
0x191: {  	v17 =	vmul.f32 v17, v16;
	_ =	sdelay $0x1  }
0x192: {  	s25 =	sadd.s32 $0x40, s25;
	v17 =	vadd.f32 $-1.973920820e+01, v17  }
0x193: {  	p0 =	sne.s32 s25, $0x800  }
.Ltmp3:
0x194: {  	v16 =	vmul.f32 v17, v16;
	(pc) =	sbr.rel @!p0 .LBB2_5-.Ltmp3, $3  }
0x195: {  	_ = 	snop  }
0x196: {  	v16 =	vadd.f32 $1.000000000e+00, v16;
	_ =	sdelay $0x1  }
0x197: {  	[tilespmem:s24+$0x70] =	vst v16;
	s24 =	sadd.s32 $0x100, s24  }
.LBB2_2:
0x198: {  	s13 =	sshra.s32 s25, $0x2  }
0x199: {  	v17 =	vld [tilespmem:s13+$0x0];
	_ =	sdelay $0x4  }
0x19a: {  	(v2sf) =	vpush v17, $0x8;
	_ =	sdelay $0x5  }
0x19b: {  	(v2sf) =	vpush v17, $0x9;
	_ =	sdelay $0x4  }
0x19c: {  	(v2sf) =	vpush v17, $0xA;
	_ =	sdelay $0x3  }
0x19d: {  	s12 =	spop (v2sf)  }
0x19e: {  	s0 =	sand.u32 $0xFFFFFF80, s12  }
0x19f: {  	p0 =	slt.s32 s0, $0xF4180  }
0x1a0: {  	s0 =	simm.s32 @!p0 $0xF4180  }
0x1a1: {  	s5 =	simm.s32 $0x4400;
	(v2sf) =	vpush v17, $0xB;
	s3 =	sadd.s32 s1, s0  }
0x1a2: {  	v16 =	vld [tilespmem:s13+$0x200];
	[tilespmem:s5], [sflag:$0x2] =	stream.strided.gather [hbm4b:s3+s16], $0x800, s15, s16, $0x38  }
0x1a3: {  	s0 =	sadd.s32 s2, s0;
	s5 =	simm.s32 $0xC400;
	s3 =	spop (v2sf)  }
0x1a4: {  	[tilespmem:s5], [sflag:$0x2] =	stream.strided.gather [hbm4b:s0+s16], $0x800, s15, s16, $0x38;
	[tilespmem:$0x16400] =	vst v63  }
0x1a5: {  	s0 =	sand.u32 $0xFFFFFF80, s3  }
0x1a6: {  	p0 =	slt.s32 s0, $0xF4180  }
0x1a7: {  	s14 =	simm.s32 $0x4C00;
	s0 =	simm.s32 @!p0 $0xF4180  }
0x1a8: {  	(v2sf) =	vpush v17, $0xC;
	s26 =	sadd.s32 s1, s0;
	s5 =	sadd.s32 s2, s0;
	s0 =	spop (v2sf)  }
0x1a9: {  	[tilespmem:s14], [sflag:$0x2] =	stream.strided.gather [hbm4b:s26+s16], $0x800, s15, s16, $0x38;
	[tilespmem:$0x16400] =	vst v63  }
0x1aa: {  	s26 =	sand.u32 $0xFFFFFF80, s0  }
0x1ab: {  	s14 =	simm.s32 $0xCC00;
	p0 =	slt.s32 s26, $0xF4180  }
0x1ac: {  	[tilespmem:s14], [sflag:$0x2] =	stream.strided.gather [hbm4b:s5+s16], $0x800, s15, s16, $0x38;
	[tilespmem:$0x16400] =	vst v63  }
0x1ad: {  	s26 =	simm.s32 @!p0 $0xF4180  }
0x1ae: {  	s14 =	simm.s32 $0x5400;
	s28 =	sadd.s32 s1, s26  }
0x1af: {  	[tilespmem:s14], [sflag:$0x2] =	stream.strided.gather [hbm4b:s28+s16], $0x800, s15, s16, $0x38;
	[tilespmem:$0x16400] =	vst v63  }
0x1b0: {  	s26 =	sadd.s32 s2, s26;
	s31 =	spop (v2sf)  }
0x1b1: {  	(v2sf) =	vpush v17, $0xD;
	[tilespmem:s6], [sflag:$0x2] =	stream.strided.gather [hbm4b:s26+s16], $0x800, s15, s16, $0x38;
	[tilespmem:$0x16400] =	vst v63  }
0x1b2: {  	s26 =	sand.u32 $0xFFFFFF80, s31  }
0x1b3: {  	p0 =	slt.s32 s26, $0xF4180  }
0x1b4: {  	s26 =	simm.s32 @!p0 $0xF4180  }
0x1b5: {  	s28 =	sadd.s32 s1, s26  }
0x1b6: {  	[tilespmem:s7], [sflag:$0x2] =	stream.strided.gather [hbm4b:s28+s16], $0x800, s15, s16, $0x38;
	[tilespmem:$0x16400] =	vst v63  }
0x1b7: {  	s26 =	sadd.s32 s2, s26;
	s30 =	spop (v2sf);
	(v2sf) =	vpush v17, $0xE  }
0x1b8: {  	[tilespmem:s8], [sflag:$0x2] =	stream.strided.gather [hbm4b:s26+s16], $0x800, s15, s16, $0x38;
	[tilespmem:$0x16400] =	vst v63  }
0x1b9: {  	s26 =	sand.u32 $0xFFFFFF80, s30  }
0x1ba: {  	p0 =	slt.s32 s26, $0xF4180  }
0x1bb: {  	s26 =	simm.s32 @!p0 $0xF4180  }
0x1bc: {  	s28 =	sadd.s32 s1, s26  }
0x1bd: {  	[tilespmem:s9], [sflag:$0x2] =	stream.strided.gather [hbm4b:s28+s16], $0x800, s15, s16, $0x38;
	[tilespmem:$0x16400] =	vst v63  }
0x1be: {  	s26 =	sadd.s32 s2, s26  }
0x1bf: {  	[tilespmem:s10], [sflag:$0x2] =	stream.strided.gather [hbm4b:s26+s16], $0x800, s15, s16, $0x38;
	[tilespmem:$0x16400] =	vst v63  }
0x1c0: {  	s29 =	spop (v2sf);
	(v2sf) =	vpush v17, $0xF  }
0x1c1: {  	s26 =	sand.u32 $0xFFFFFF80, s29  }
0x1c2: {  	p0 =	slt.s32 s26, $0xF4180  }
0x1c3: {  	s26 =	simm.s32 @!p0 $0xF4180  }
0x1c4: {  	s28 =	sadd.s32 s1, s26  }
0x1c5: {  	[tilespmem:s4], [sflag:$0x2] =	stream.strided.gather [hbm4b:s28+s16], $0x800, s15, s16, $0x38;
	[tilespmem:$0x16400] =	vst v63  }
0x1c6: {  	s26 =	sadd.s32 s2, s26;
	s28 =	spop (v2sf)  }
0x1c7: {  	[tilespmem:s11], [sflag:$0x2] =	stream.strided.gather [hbm4b:s26+s16], $0x800, s15, s16, $0x38;
	[tilespmem:$0x16400] =	vst v63  }
0x1c8: {  	s26 =	sand.u32 $0xFFFFFF80, s28  }
0x1c9: {  	p0 =	slt.s32 s26, $0xF4180  }
0x1ca: {  	s26 =	simm.s32 @!p0 $0xF4180  }
0x1cb: {  	s14 =	sadd.s32 s1, s26  }
0x1cc: {  	[tilespmem:s18], [sflag:$0x2] =	stream.strided.gather [hbm4b:s14+s16], $0x800, s15, s16, $0x38;
	[tilespmem:$0x16400] =	vst v63  }
0x1cd: {  	s5 =	sadd.s32 s2, s26  }
0x1ce: {  	[tilespmem:s19], [sflag:$0x2] =	stream.strided.gather [hbm4b:s5+s16], $0x800, s15, s16, $0x38;
	[tilespmem:$0x16400] =	vst v63  }
0x1cf: {  	s26 =	spop (v2sf)  }
0x1d0: {  	s14 =	sand.u32 $0xFFFFFF80, s26  }
0x1d1: {  	p0 =	slt.s32 s14, $0xF4180  }
0x1d2: {  	s14 =	simm.s32 @!p0 $0xF4180  }
0x1d3: {  	s5 =	sadd.s32 s1, s14  }
0x1d4: {  	[tilespmem:s20], [sflag:$0x2] =	stream.strided.gather [hbm4b:s5+s16], $0x800, s15, s16, $0x38;
	[tilespmem:$0x16400] =	vst v63  }
0x1d5: {  	s14 =	sadd.s32 s2, s14  }
0x1d6: {  	[tilespmem:s21], [sflag:$0x2] =	stream.strided.gather [hbm4b:s14+s16], $0x800, s15, s16, $0x38;
	[tilespmem:$0x16400] =	vst v63  }
0x1d7: {  	_ =	swait.ge [sflag:s22], $0x800  }
0x1d8: {  	[sflag:s22] =	ssyncset.done $0x0  }
0x1d9: {  	[sflag:s22] =	ssyncadd.s32 $0xFFFFF800  }
0x1da: {  	_ =	swait.ge [sflag:s22], $0x800  }
0x1db: {  	[sflag:s22] =	ssyncset.done $0x0  }
0x1dc: {  	[sflag:s22] =	ssyncadd.s32 $0xFFFFF800  }
0x1dd: {  	_ =	swait.ge [sflag:s22], $0x800  }
0x1de: {  	[sflag:s22] =	ssyncset.done $0x0  }
0x1df: {  	[sflag:s22] =	ssyncadd.s32 $0xFFFFF800  }
0x1e0: {  	_ =	swait.ge [sflag:s22], $0x800  }
0x1e1: {  	[sflag:s22] =	ssyncset.done $0x0  }
0x1e2: {  	[sflag:s22] =	ssyncadd.s32 $0xFFFFF800  }
0x1e3: {  	_ =	swait.ge [sflag:s22], $0x800  }
0x1e4: {  	[sflag:s22] =	ssyncset.done $0x0  }
0x1e5: {  	[sflag:s22] =	ssyncadd.s32 $0xFFFFF800  }
0x1e6: {  	_ =	swait.ge [sflag:s22], $0x800  }
0x1e7: {  	[sflag:s22] =	ssyncset.done $0x0  }
0x1e8: {  	[sflag:s22] =	ssyncadd.s32 $0xFFFFF800  }
0x1e9: {  	_ =	swait.ge [sflag:s22], $0x800  }
0x1ea: {  	[sflag:s22] =	ssyncset.done $0x0  }
0x1eb: {  	[sflag:s22] =	ssyncadd.s32 $0xFFFFF800  }
0x1ec: {  	_ =	swait.ge [sflag:s22], $0x800  }
0x1ed: {  	[sflag:s22] =	ssyncset.done $0x0  }
0x1ee: {  	[sflag:s22] =	ssyncadd.s32 $0xFFFFF800  }
0x1ef: {  	_ =	swait.ge [sflag:s22], $0x800  }
0x1f0: {  	[sflag:s22] =	ssyncset.done $0x0  }
0x1f1: {  	[sflag:s22] =	ssyncadd.s32 $0xFFFFF800  }
0x1f2: {  	_ =	swait.ge [sflag:s22], $0x800  }
0x1f3: {  	[sflag:s22] =	ssyncset.done $0x0  }
0x1f4: {  	[sflag:s22] =	ssyncadd.s32 $0xFFFFF800  }
0x1f5: {  	_ =	swait.ge [sflag:s22], $0x800  }
0x1f6: {  	[sflag:s22] =	ssyncset.done $0x0  }
0x1f7: {  	[sflag:s22] =	ssyncadd.s32 $0xFFFFF800  }
0x1f8: {  	_ =	swait.ge [sflag:s22], $0x800  }
0x1f9: {  	[sflag:s22] =	ssyncset.done $0x0  }
0x1fa: {  	[sflag:s22] =	ssyncadd.s32 $0xFFFFF800  }
0x1fb: {  	_ =	swait.ge [sflag:s22], $0x800  }
0x1fc: {  	[sflag:s22] =	ssyncset.done $0x0  }
0x1fd: {  	[sflag:s22] =	ssyncadd.s32 $0xFFFFF800  }
0x1fe: {  	_ =	swait.ge [sflag:s22], $0x800  }
0x1ff: {  	[sflag:s22] =	ssyncset.done $0x0  }
0x200: {  	[sflag:s22] =	ssyncadd.s32 $0xFFFFF800  }
0x201: {  	_ =	swait.ge [sflag:s22], $0x800  }
0x202: {  	[sflag:s22] =	ssyncset.done $0x0  }
0x203: {  	[sflag:s22] =	ssyncadd.s32 $0xFFFFF800  }
0x204: {  	_ =	swait.ge [sflag:s22], $0x800  }
0x205: {  	(v2sf) =	vpush v17, $0x0;
	_ =	sdelay $0xe  }
0x206: {  	s5 =	spop (v2sf)  }
0x207: {  	s14 =	sand.u32 $0x7F, s5  }
0x208: {  	v18 =	vor.u32 s14, v0;
	s14 =	sadd.s32 $0xFFF0BE00, s5  }
0x209: {  	p0 =	sgt.s32 s14, $0x0  }
0x20a: {  	[sflag:s22] =	ssyncset.done $0x0;
	s14 =	simm.s32 @!p0 $0x0  }
0x20b: {  	[sflag:s22] =	ssyncadd.s32 $0xFFFFF800;
	s14 =	sshll.u32 s14, $0x7  }
0x20c: {  	v20 =	vld [tilespmem:s14+$0x10400]  }
0x20d: {  	v19 =	vld.idx.msk [tilespmem:v18+s16+$0x0], $0xffff  }
0x20e: {  	v21 =	vld [tilespmem:s14+$0x12400]  }
0x20f: {  	v18 =	vld.idx.msk [tilespmem:v18+s17+$0x0], $0xffff;
	_ =	sdelay $0x1  }
0x210: {  	v22 =	vbroadcast v16, $0x0;
	p5 =	sgt.s32 s5, $0xF41FF  }
0x211: {  	v19 =	vpsel p5, v20, v19  }
0x212: {  	v19 =	vmul.f32 v19, v22  }
0x213: {  	v18 =	vpsel p5, v21, v18  }
0x214: {  	v18 =	vadd.f32 v18, v19;
	_ =	sdelay $0x1  }
0x215: {  	v18 =	vmul.f32 $1.591549370e-01, v18;
	_ =	sdelay $0x1  }
0x216: {  	v19 =	vadd.f32 $1.258291200e+07, v18;
	_ =	sdelay $0x1  }
0x217: {  	v19 =	vadd.f32 $-1.258291200e+07, v19;
	_ =	sdelay $0x1  }
0x218: {  	v18 =	vsub.f32 v18, v19;
	_ =	sdelay $0x1  }
0x219: {  	v18 =	vmul.f32 v18, v18;
	_ =	sdelay $0x1  }
0x21a: {  	v19 =	vmul.f32 $1.453112360e+00, v18;
	_ =	sdelay $0x1  }
0x21b: {  	v19 =	vsub.f32 $7.800131320e+00, v19;
	_ =	sdelay $0x1  }
0x21c: {  	v19 =	vmul.f32 v19, v18;
	_ =	sdelay $0x1  }
0x21d: {  	v19 =	vadd.f32 $-2.640466880e+01, v19  }
0x21e: {  	(v2sf) =	vpush v17, $0x1  }
0x21f: {  	v19 =	vmul.f32 v19, v18;
	_ =	sdelay $0x1  }
0x220: {  	v19 =	vadd.f32 $6.024213030e+01, v19;
	_ =	sdelay $0x1  }
0x221: {  	v19 =	vmul.f32 v19, v18;
	_ =	sdelay $0x1  }
0x222: {  	v19 =	vadd.f32 $-8.545665740e+01, v19;
	_ =	sdelay $0x1  }
0x223: {  	v19 =	vmul.f32 v19, v18;
	_ =	sdelay $0x1  }
0x224: {  	v19 =	vadd.f32 $6.493939210e+01, v19;
	_ =	sdelay $0x1  }
0x225: {  	v19 =	vmul.f32 v19, v18;
	_ =	sdelay $0x1  }
0x226: {  	s5 =	spop (v2sf);
	v19 =	vadd.f32 $-1.973920820e+01, v19  }
0x227: {  	s14 =	sand.u32 $0x7F, s5  }
0x228: {  	v18 =	vmul.f32 v19, v18;
	v19 =	vor.u32 s14, v1;
	_ =	sdelay $0x1  }
0x229: {  	s14 =	sadd.s32 $0xFFF0BE00, s5;
	v18 =	vadd.f32 $1.000000000e+00, v18  }
0x22a: {  	p0 =	sgt.s32 s14, $0x0  }
0x22b: {  	s14 =	simm.s32 @!p0 $0x0;
	[tilespmem:s24+$0xFFFFFF80] =	vst v18  }
0x22c: {  	s14 =	sshll.u32 s14, $0x7;
	v18 =	vld.idx.msk [tilespmem:v19+s16+$0x0], $0xffff  }
0x22d: {  	v44 =	vld [tilespmem:s14+$0x10400]  }
0x22e: {  	v19 =	vld.idx.msk [tilespmem:v19+s17+$0x0], $0xffff  }
0x22f: {  	v45 =	vld [tilespmem:s14+$0x12400];
	_ =	sdelay $0x1  }
0x230: {  	v46 =	vbroadcast v16, $0x1;
	p6 =	sgt.s32 s5, $0xF41FF  }
0x231: {  	v18 =	vpsel p6, v44, v18  }
0x232: {  	v18 =	vmul.f32 v18, v46  }
0x233: {  	v19 =	vpsel p6, v45, v19  }
0x234: {  	v18 =	vadd.f32 v19, v18;
	_ =	sdelay $0x1  }
0x235: {  	v18 =	vmul.f32 $1.591549370e-01, v18;
	_ =	sdelay $0x1  }
0x236: {  	v19 =	vadd.f32 $1.258291200e+07, v18;
	_ =	sdelay $0x1  }
0x237: {  	v19 =	vadd.f32 $-1.258291200e+07, v19;
	_ =	sdelay $0x1  }
0x238: {  	v18 =	vsub.f32 v18, v19;
	_ =	sdelay $0x1  }
0x239: {  	v18 =	vmul.f32 v18, v18;
	_ =	sdelay $0x1  }
0x23a: {  	v19 =	vmul.f32 $1.453112360e+00, v18;
	_ =	sdelay $0x1  }
0x23b: {  	v19 =	vsub.f32 $7.800131320e+00, v19;
	_ =	sdelay $0x1  }
0x23c: {  	v19 =	vmul.f32 v19, v18;
	_ =	sdelay $0x1  }
0x23d: {  	v19 =	vadd.f32 $-2.640466880e+01, v19  }
0x23e: {  	(v2sf) =	vpush v17, $0x2  }
0x23f: {  	v19 =	vmul.f32 v19, v18;
	_ =	sdelay $0x1  }
0x240: {  	v19 =	vadd.f32 $6.024213030e+01, v19;
	_ =	sdelay $0x1  }
0x241: {  	v19 =	vmul.f32 v19, v18;
	_ =	sdelay $0x1  }
0x242: {  	v19 =	vadd.f32 $-8.545665740e+01, v19;
	_ =	sdelay $0x1  }
0x243: {  	v19 =	vmul.f32 v19, v18;
	_ =	sdelay $0x1  }
0x244: {  	v19 =	vadd.f32 $6.493939210e+01, v19;
	_ =	sdelay $0x1  }
0x245: {  	v19 =	vmul.f32 v19, v18;
	_ =	sdelay $0x1  }
0x246: {  	s5 =	spop (v2sf);
	v19 =	vadd.f32 $-1.973920820e+01, v19  }
0x247: {  	s14 =	sand.u32 $0x7F, s5  }
0x248: {  	v18 =	vmul.f32 v19, v18;
	v19 =	vor.u32 s14, v2;
	_ =	sdelay $0x1  }
0x249: {  	s14 =	sadd.s32 $0xFFF0BE00, s5;
	v18 =	vadd.f32 $1.000000000e+00, v18  }
0x24a: {  	p0 =	sgt.s32 s14, $0x0  }
0x24b: {  	s14 =	simm.s32 @!p0 $0x0;
	[tilespmem:s24+$0xFFFFFF90] =	vst v18  }
0x24c: {  	s14 =	sshll.u32 s14, $0x7;
	v18 =	vld.idx.msk [tilespmem:v19+s16+$0x0], $0xffff  }
0x24d: {  	v47 =	vld [tilespmem:s14+$0x10400]  }
0x24e: {  	v19 =	vld.idx.msk [tilespmem:v19+s17+$0x0], $0xffff  }
0x24f: {  	v48 =	vld [tilespmem:s14+$0x12400];
	_ =	sdelay $0x1  }
0x250: {  	v49 =	vbroadcast v16, $0x2;
	p1 =	sgt.s32 s5, $0xF41FF  }
0x251: {  	v18 =	vpsel p1, v47, v18  }
0x252: {  	v18 =	vmul.f32 v18, v49  }
0x253: {  	v19 =	vpsel p1, v48, v19  }
0x254: {  	v18 =	vadd.f32 v19, v18;
	_ =	sdelay $0x1  }
0x255: {  	v18 =	vmul.f32 $1.591549370e-01, v18;
	_ =	sdelay $0x1  }
0x256: {  	v19 =	vadd.f32 $1.258291200e+07, v18;
	_ =	sdelay $0x1  }
0x257: {  	v19 =	vadd.f32 $-1.258291200e+07, v19;
	_ =	sdelay $0x1  }
0x258: {  	v18 =	vsub.f32 v18, v19;
	_ =	sdelay $0x1  }
0x259: {  	v18 =	vmul.f32 v18, v18;
	_ =	sdelay $0x1  }
0x25a: {  	v19 =	vmul.f32 $1.453112360e+00, v18;
	_ =	sdelay $0x1  }
0x25b: {  	v19 =	vsub.f32 $7.800131320e+00, v19;
	_ =	sdelay $0x1  }
0x25c: {  	v19 =	vmul.f32 v19, v18;
	_ =	sdelay $0x1  }
0x25d: {  	v19 =	vadd.f32 $-2.640466880e+01, v19  }
0x25e: {  	(v2sf) =	vpush v17, $0x3  }
0x25f: {  	v19 =	vmul.f32 v19, v18;
	_ =	sdelay $0x1  }
0x260: {  	v19 =	vadd.f32 $6.024213030e+01, v19;
	_ =	sdelay $0x1  }
0x261: {  	v19 =	vmul.f32 v19, v18;
	_ =	sdelay $0x1  }
0x262: {  	v19 =	vadd.f32 $-8.545665740e+01, v19;
	_ =	sdelay $0x1  }
0x263: {  	v19 =	vmul.f32 v19, v18;
	_ =	sdelay $0x1  }
0x264: {  	v19 =	vadd.f32 $6.493939210e+01, v19;
	_ =	sdelay $0x1  }
0x265: {  	v19 =	vmul.f32 v19, v18;
	_ =	sdelay $0x1  }
0x266: {  	s5 =	spop (v2sf);
	v19 =	vadd.f32 $-1.973920820e+01, v19  }
0x267: {  	s14 =	sand.u32 $0x7F, s5  }
0x268: {  	v18 =	vmul.f32 v19, v18;
	v19 =	vor.u32 s14, v3;
	_ =	sdelay $0x1  }
0x269: {  	s14 =	sadd.s32 $0xFFF0BE00, s5;
	v18 =	vadd.f32 $1.000000000e+00, v18  }
0x26a: {  	p0 =	sgt.s32 s14, $0x0  }
0x26b: {  	s14 =	simm.s32 @!p0 $0x0;
	[tilespmem:s24+$0xFFFFFFA0] =	vst v18  }
0x26c: {  	s14 =	sshll.u32 s14, $0x7;
	v18 =	vld.idx.msk [tilespmem:v19+s16+$0x0], $0xffff  }
0x26d: {  	v50 =	vld [tilespmem:s14+$0x10400]  }
0x26e: {  	v19 =	vld.idx.msk [tilespmem:v19+s17+$0x0], $0xffff  }
0x26f: {  	v51 =	vld [tilespmem:s14+$0x12400];
	_ =	sdelay $0x1  }
0x270: {  	v52 =	vbroadcast v16, $0x3;
	p2 =	sgt.s32 s5, $0xF41FF  }
0x271: {  	v18 =	vpsel p2, v50, v18  }
0x272: {  	v18 =	vmul.f32 v18, v52  }
0x273: {  	v19 =	vpsel p2, v51, v19  }
0x274: {  	v18 =	vadd.f32 v19, v18;
	_ =	sdelay $0x1  }
0x275: {  	v18 =	vmul.f32 $1.591549370e-01, v18;
	_ =	sdelay $0x1  }
0x276: {  	v19 =	vadd.f32 $1.258291200e+07, v18;
	_ =	sdelay $0x1  }
0x277: {  	v19 =	vadd.f32 $-1.258291200e+07, v19;
	_ =	sdelay $0x1  }
0x278: {  	v18 =	vsub.f32 v18, v19;
	_ =	sdelay $0x1  }
0x279: {  	v18 =	vmul.f32 v18, v18;
	_ =	sdelay $0x1  }
0x27a: {  	v19 =	vmul.f32 $1.453112360e+00, v18;
	_ =	sdelay $0x1  }
0x27b: {  	v19 =	vsub.f32 $7.800131320e+00, v19;
	_ =	sdelay $0x1  }
0x27c: {  	v19 =	vmul.f32 v19, v18;
	_ =	sdelay $0x1  }
0x27d: {  	v19 =	vadd.f32 $-2.640466880e+01, v19  }
0x27e: {  	(v2sf) =	vpush v17, $0x4  }
0x27f: {  	v19 =	vmul.f32 v19, v18;
	_ =	sdelay $0x1  }
0x280: {  	v19 =	vadd.f32 $6.024213030e+01, v19;
	_ =	sdelay $0x1  }
0x281: {  	v19 =	vmul.f32 v19, v18;
	_ =	sdelay $0x1  }
0x282: {  	v19 =	vadd.f32 $-8.545665740e+01, v19;
	_ =	sdelay $0x1  }
0x283: {  	v19 =	vmul.f32 v19, v18;
	_ =	sdelay $0x1  }
0x284: {  	v19 =	vadd.f32 $6.493939210e+01, v19;
	_ =	sdelay $0x1  }
0x285: {  	v19 =	vmul.f32 v19, v18;
	_ =	sdelay $0x1  }
0x286: {  	s5 =	spop (v2sf);
	v19 =	vadd.f32 $-1.973920820e+01, v19  }
0x287: {  	s14 =	sand.u32 $0x7F, s5  }
0x288: {  	v18 =	vmul.f32 v19, v18;
	v19 =	vor.u32 s14, v4;
	_ =	sdelay $0x1  }
0x289: {  	s14 =	sadd.s32 $0xFFF0BE00, s5;
	v18 =	vadd.f32 $1.000000000e+00, v18  }
0x28a: {  	p0 =	sgt.s32 s14, $0x0  }
0x28b: {  	s14 =	simm.s32 @!p0 $0x0;
	[tilespmem:s24+$0xFFFFFFB0] =	vst v18  }
0x28c: {  	s14 =	sshll.u32 s14, $0x7;
	v18 =	vld.idx.msk [tilespmem:v19+s16+$0x0], $0xffff  }
0x28d: {  	v53 =	vld [tilespmem:s14+$0x10400]  }
0x28e: {  	v19 =	vld.idx.msk [tilespmem:v19+s17+$0x0], $0xffff  }
0x28f: {  	v54 =	vld [tilespmem:s14+$0x12400];
	_ =	sdelay $0x1  }
0x290: {  	v55 =	vbroadcast v16, $0x4;
	p3 =	sgt.s32 s5, $0xF41FF  }
0x291: {  	v18 =	vpsel p3, v53, v18  }
0x292: {  	v18 =	vmul.f32 v18, v55  }
0x293: {  	v19 =	vpsel p3, v54, v19  }
0x294: {  	v18 =	vadd.f32 v19, v18;
	_ =	sdelay $0x1  }
0x295: {  	v18 =	vmul.f32 $1.591549370e-01, v18;
	_ =	sdelay $0x1  }
0x296: {  	v19 =	vadd.f32 $1.258291200e+07, v18;
	_ =	sdelay $0x1  }
0x297: {  	v19 =	vadd.f32 $-1.258291200e+07, v19;
	_ =	sdelay $0x1  }
0x298: {  	v18 =	vsub.f32 v18, v19;
	_ =	sdelay $0x1  }
0x299: {  	v18 =	vmul.f32 v18, v18;
	_ =	sdelay $0x1  }
0x29a: {  	v19 =	vmul.f32 $1.453112360e+00, v18;
	_ =	sdelay $0x1  }
0x29b: {  	v19 =	vsub.f32 $7.800131320e+00, v19;
	_ =	sdelay $0x1  }
0x29c: {  	v19 =	vmul.f32 v19, v18;
	_ =	sdelay $0x1  }
0x29d: {  	v19 =	vadd.f32 $-2.640466880e+01, v19  }
0x29e: {  	(v2sf) =	vpush v17, $0x5  }
0x29f: {  	v19 =	vmul.f32 v19, v18;
	_ =	sdelay $0x1  }
0x2a0: {  	v19 =	vadd.f32 $6.024213030e+01, v19;
	_ =	sdelay $0x1  }
0x2a1: {  	v19 =	vmul.f32 v19, v18;
	_ =	sdelay $0x1  }
0x2a2: {  	v19 =	vadd.f32 $-8.545665740e+01, v19;
	_ =	sdelay $0x1  }
0x2a3: {  	v19 =	vmul.f32 v19, v18;
	_ =	sdelay $0x1  }
0x2a4: {  	v19 =	vadd.f32 $6.493939210e+01, v19;
	_ =	sdelay $0x1  }
0x2a5: {  	v19 =	vmul.f32 v19, v18;
	_ =	sdelay $0x1  }
0x2a6: {  	s5 =	spop (v2sf);
	v19 =	vadd.f32 $-1.973920820e+01, v19  }
0x2a7: {  	s14 =	sand.u32 $0x7F, s5  }
0x2a8: {  	v18 =	vmul.f32 v19, v18;
	v19 =	vor.u32 s14, v5;
	_ =	sdelay $0x1  }
0x2a9: {  	s14 =	sadd.s32 $0xFFF0BE00, s5;
	v18 =	vadd.f32 $1.000000000e+00, v18  }
0x2aa: {  	p0 =	sgt.s32 s14, $0x0  }
0x2ab: {  	s14 =	simm.s32 @!p0 $0x0;
	[tilespmem:s24+$0xFFFFFFC0] =	vst v18  }
0x2ac: {  	s14 =	sshll.u32 s14, $0x7;
	v18 =	vld.idx.msk [tilespmem:v19+s16+$0x0], $0xffff  }
0x2ad: {  	v56 =	vld [tilespmem:s14+$0x10400]  }
0x2ae: {  	v19 =	vld.idx.msk [tilespmem:v19+s17+$0x0], $0xffff  }
0x2af: {  	v57 =	vld [tilespmem:s14+$0x12400];
	_ =	sdelay $0x1  }
0x2b0: {  	v58 =	vbroadcast v16, $0x5;
	p4 =	sgt.s32 s5, $0xF41FF  }
0x2b1: {  	v18 =	vpsel p4, v56, v18  }
0x2b2: {  	v18 =	vmul.f32 v18, v58  }
0x2b3: {  	v19 =	vpsel p4, v57, v19  }
0x2b4: {  	v18 =	vadd.f32 v19, v18;
	_ =	sdelay $0x1  }
0x2b5: {  	v18 =	vmul.f32 $1.591549370e-01, v18;
	_ =	sdelay $0x1  }
0x2b6: {  	v19 =	vadd.f32 $1.258291200e+07, v18;
	_ =	sdelay $0x1  }
0x2b7: {  	v19 =	vadd.f32 $-1.258291200e+07, v19;
	_ =	sdelay $0x1  }
0x2b8: {  	v18 =	vsub.f32 v18, v19;
	_ =	sdelay $0x1  }
0x2b9: {  	v18 =	vmul.f32 v18, v18;
	_ =	sdelay $0x1  }
0x2ba: {  	v19 =	vmul.f32 $1.453112360e+00, v18;
	_ =	sdelay $0x1  }
0x2bb: {  	v19 =	vsub.f32 $7.800131320e+00, v19;
	_ =	sdelay $0x1  }
0x2bc: {  	v19 =	vmul.f32 v19, v18;
	_ =	sdelay $0x1  }
0x2bd: {  	v19 =	vadd.f32 $-2.640466880e+01, v19  }
0x2be: {  	(v2sf) =	vpush v17, $0x6  }
0x2bf: {  	v19 =	vmul.f32 v19, v18;
	_ =	sdelay $0x1  }
0x2c0: {  	v19 =	vadd.f32 $6.024213030e+01, v19;
	_ =	sdelay $0x1  }
0x2c1: {  	v19 =	vmul.f32 v19, v18;
	_ =	sdelay $0x1  }
0x2c2: {  	v19 =	vadd.f32 $-8.545665740e+01, v19;
	_ =	sdelay $0x1  }
0x2c3: {  	v19 =	vmul.f32 v19, v18;
	_ =	sdelay $0x1  }
0x2c4: {  	v19 =	vadd.f32 $6.493939210e+01, v19;
	_ =	sdelay $0x1  }
0x2c5: {  	v19 =	vmul.f32 v19, v18;
	_ =	sdelay $0x1  }
0x2c6: {  	s5 =	spop (v2sf);
	v19 =	vadd.f32 $-1.973920820e+01, v19  }
0x2c7: {  	s14 =	sand.u32 $0x7F, s5  }
0x2c8: {  	v18 =	vmul.f32 v19, v18;
	v19 =	vor.u32 s14, v6;
	_ =	sdelay $0x1  }
0x2c9: {  	s14 =	sadd.s32 $0xFFF0BE00, s5;
	v18 =	vadd.f32 $1.000000000e+00, v18  }
0x2ca: {  	p0 =	sgt.s32 s14, $0x0  }
0x2cb: {  	s14 =	simm.s32 @!p0 $0x0;
	[tilespmem:s24+$0xFFFFFFD0] =	vst v18  }
0x2cc: {  	s14 =	sshll.u32 s14, $0x7;
	v18 =	vld.idx.msk [tilespmem:v19+s16+$0x0], $0xffff  }
0x2cd: {  	v59 =	vld [tilespmem:s14+$0x10400]  }
0x2ce: {  	v19 =	vld.idx.msk [tilespmem:v19+s17+$0x0], $0xffff  }
0x2cf: {  	v60 =	vld [tilespmem:s14+$0x12400];
	_ =	sdelay $0x1  }
0x2d0: {  	v61 =	vbroadcast v16, $0x6;
	p5 =	sgt.s32 s5, $0xF41FF  }
0x2d1: {  	v18 =	vpsel p5, v59, v18  }
0x2d2: {  	v18 =	vmul.f32 v18, v61  }
0x2d3: {  	v19 =	vpsel p5, v60, v19  }
0x2d4: {  	v18 =	vadd.f32 v19, v18;
	_ =	sdelay $0x1  }
0x2d5: {  	v18 =	vmul.f32 $1.591549370e-01, v18;
	_ =	sdelay $0x1  }
0x2d6: {  	v19 =	vadd.f32 $1.258291200e+07, v18;
	_ =	sdelay $0x1  }
0x2d7: {  	v19 =	vadd.f32 $-1.258291200e+07, v19;
	_ =	sdelay $0x1  }
0x2d8: {  	v18 =	vsub.f32 v18, v19;
	_ =	sdelay $0x1  }
0x2d9: {  	v18 =	vmul.f32 v18, v18;
	_ =	sdelay $0x1  }
0x2da: {  	v19 =	vmul.f32 $1.453112360e+00, v18;
	_ =	sdelay $0x1  }
0x2db: {  	v19 =	vsub.f32 $7.800131320e+00, v19;
	_ =	sdelay $0x1  }
0x2dc: {  	v19 =	vmul.f32 v19, v18;
	_ =	sdelay $0x1  }
0x2dd: {  	v19 =	vadd.f32 $-2.640466880e+01, v19  }
0x2de: {  	(v2sf) =	vpush v17, $0x7  }
0x2df: {  	v17 =	vmul.f32 v19, v18;
	_ =	sdelay $0x1  }
0x2e0: {  	v17 =	vadd.f32 $6.024213030e+01, v17;
	_ =	sdelay $0x1  }
0x2e1: {  	v17 =	vmul.f32 v17, v18;
	_ =	sdelay $0x1  }
0x2e2: {  	v17 =	vadd.f32 $-8.545665740e+01, v17;
	_ =	sdelay $0x1  }
0x2e3: {  	v17 =	vmul.f32 v17, v18;
	_ =	sdelay $0x1  }
0x2e4: {  	v17 =	vadd.f32 $6.493939210e+01, v17;
	_ =	sdelay $0x1  }
0x2e5: {  	v17 =	vmul.f32 v17, v18;
	_ =	sdelay $0x1  }
0x2e6: {  	s5 =	spop (v2sf);
	v17 =	vadd.f32 $-1.973920820e+01, v17  }
0x2e7: {  	s14 =	sand.u32 $0x7F, s5  }
0x2e8: {  	v17 =	vmul.f32 v17, v18;
	v18 =	vor.u32 s14, v7;
	_ =	sdelay $0x1  }
0x2e9: {  	s14 =	sadd.s32 $0xFFF0BE00, s5;
	v17 =	vadd.f32 $1.000000000e+00, v17  }
0x2ea: {  	p0 =	sgt.s32 s14, $0x0  }
0x2eb: {  	s14 =	simm.s32 @!p0 $0x0;
	[tilespmem:s24+$0xFFFFFFE0] =	vst v17  }
0x2ec: {  	s14 =	sshll.u32 s14, $0x7;
	v17 =	vld.idx.msk [tilespmem:v18+s16+$0x0], $0xffff  }
0x2ed: {  	v19 =	vld [tilespmem:s14+$0x10400]  }
0x2ee: {  	v62 =	vld [tilespmem:s14+$0x12400]  }
0x2ef: {  	v18 =	vld.idx.msk [tilespmem:v18+s17+$0x0], $0xffff;
	_ =	sdelay $0x1  }
0x2f0: {  	v63 =	vbroadcast v16, $0x7;
	p6 =	sgt.s32 s5, $0xF41FF  }
0x2f1: {  	v17 =	vpsel p6, v19, v17  }
0x2f2: {  	v17 =	vmul.f32 v17, v63  }
0x2f3: {  	v18 =	vpsel p6, v62, v18  }
0x2f4: {  	v17 =	vadd.f32 v18, v17;
	_ =	sdelay $0x1  }
0x2f5: {  	v17 =	vmul.f32 $1.591549370e-01, v17;
	_ =	sdelay $0x1  }
0x2f6: {  	v18 =	vadd.f32 $1.258291200e+07, v17;
	_ =	sdelay $0x1  }
0x2f7: {  	v18 =	vadd.f32 $-1.258291200e+07, v18;
	_ =	sdelay $0x1  }
0x2f8: {  	v17 =	vsub.f32 v17, v18;
	_ =	sdelay $0x1  }
0x2f9: {  	v17 =	vmul.f32 v17, v17;
	_ =	sdelay $0x1  }
0x2fa: {  	v18 =	vmul.f32 $1.453112360e+00, v17;
	_ =	sdelay $0x1  }
0x2fb: {  	v18 =	vsub.f32 $7.800131320e+00, v18;
	_ =	sdelay $0x1  }
0x2fc: {  	v18 =	vmul.f32 v18, v17;
	_ =	sdelay $0x1  }
0x2fd: {  	v18 =	vadd.f32 $-2.640466880e+01, v18;
	_ =	sdelay $0x1  }
0x2fe: {  	v18 =	vmul.f32 v18, v17;
	_ =	sdelay $0x1  }
0x2ff: {  	v18 =	vadd.f32 $6.024213030e+01, v18;
	_ =	sdelay $0x1  }
0x300: {  	v18 =	vmul.f32 v18, v17;
	_ =	sdelay $0x1  }
0x301: {  	v18 =	vadd.f32 $-8.545665740e+01, v18;
	_ =	sdelay $0x1  }
0x302: {  	v18 =	vmul.f32 v18, v17;
	_ =	sdelay $0x1  }
0x303: {  	v18 =	vadd.f32 $6.493939210e+01, v18;
	_ =	sdelay $0x1  }
0x304: {  	v18 =	vmul.f32 v18, v17;
	_ =	sdelay $0x1  }
0x305: {  	v18 =	vadd.f32 $-1.973920820e+01, v18  }
0x306: {  	p0 =	seq.s32 s25, $0x7C0  }
.Ltmp4:
0x307: {  	v17 =	vmul.f32 v18, v17;
	(pc) =	sbr.rel @p0 .LBB2_4-.Ltmp4, $3  }
0x308: {  	_ = 	snop  }
0x309: {  	v17 =	vadd.f32 $1.000000000e+00, v17;
	_ =	sdelay $0x1  }
0x30a: {  	[tilespmem:s24+$0xFFFFFFF0] =	vst v17  }
0x30b: {  	v17 =	vld [tilespmem:s13+$0x10];
	_ =	sdelay $0x4  }
0x30c: {  	(v2sf) =	vpush v17, $0x0;
	_ =	sdelay $0x5  }
0x30d: {  	(v2sf) =	vpush v17, $0x1;
	_ =	sdelay $0x6  }
0x30e: {  	(v2sf) =	vpush v17, $0x2;
	_ =	sdelay $0x1  }
0x30f: {  	s5 =	spop (v2sf)  }
0x310: {  	s5 =	sand.u32 $0xFFFFFF80, s5  }
0x311: {  	p0 =	slt.s32 s5, $0xF4180  }
0x312: {  	s5 =	simm.s32 @!p0 $0xF4180  }
0x313: {  	s14 =	sadd.s32 s1, s5  }
0x314: {  	(v2sf) =	vpush v17, $0x3;
	[tilespmem:s16], [sflag:$0x1] =	stream.strided.gather [hbm4b:s14+s16], $0x800, s15, s16, $0x38;
	[tilespmem:$0x16400] =	vst v63  }
0x315: {  	s13 =	spop (v2sf);
	s5 =	sadd.s32 s2, s5  }
0x316: {  	[tilespmem:s17], [sflag:$0x1] =	stream.strided.gather [hbm4b:s5+s16], $0x800, s15, s16, $0x38;
	[tilespmem:$0x16400] =	vst v63  }
0x317: {  	s5 =	sand.u32 $0xFFFFFF80, s13  }
0x318: {  	p0 =	slt.s32 s5, $0xF4180  }
0x319: {  	s5 =	simm.s32 @!p0 $0xF4180  }
0x31a: {  	s14 =	simm.s32 $0xC00;
	s13 =	sadd.s32 s1, s5  }
0x31b: {  	(v2sf) =	vpush v17, $0x4;
	[tilespmem:s14], [sflag:$0x1] =	stream.strided.gather [hbm4b:s13+s16], $0x800, s15, s16, $0x38;
	[tilespmem:$0x16400] =	vst v63  }
0x31c: {  	s5 =	sadd.s32 s2, s5;
	s13 =	spop (v2sf);
	s14 =	simm.s32 $0x8C00  }
0x31d: {  	[tilespmem:s14], [sflag:$0x1] =	stream.strided.gather [hbm4b:s5+s16], $0x800, s15, s16, $0x38;
	[tilespmem:$0x16400] =	vst v63  }
0x31e: {  	s5 =	sand.u32 $0xFFFFFF80, s13  }
0x31f: {  	p0 =	slt.s32 s5, $0xF4180  }
0x320: {  	s5 =	simm.s32 @!p0 $0xF4180  }
0x321: {  	s14 =	simm.s32 $0x1400;
	s13 =	sadd.s32 s1, s5  }
0x322: {  	[tilespmem:s14], [sflag:$0x1] =	stream.strided.gather [hbm4b:s13+s16], $0x800, s15, s16, $0x38;
	[tilespmem:$0x16400] =	vst v63  }
0x323: {  	s5 =	sadd.s32 s2, s5;
	s14 =	simm.s32 $0x9400;
	s13 =	spop (v2sf)  }
0x324: {  	(v2sf) =	vpush v17, $0x5;
	[tilespmem:s14], [sflag:$0x1] =	stream.strided.gather [hbm4b:s5+s16], $0x800, s15, s16, $0x38;
	[tilespmem:$0x16400] =	vst v63  }
0x325: {  	s5 =	sand.u32 $0xFFFFFF80, s13  }
0x326: {  	p0 =	slt.s32 s5, $0xF4180  }
0x327: {  	s5 =	simm.s32 @!p0 $0xF4180  }
0x328: {  	s14 =	simm.s32 $0x1C00;
	s13 =	sadd.s32 s1, s5  }
0x329: {  	[tilespmem:s14], [sflag:$0x1] =	stream.strided.gather [hbm4b:s13+s16], $0x800, s15, s16, $0x38;
	[tilespmem:$0x16400] =	vst v63  }
0x32a: {  	s5 =	sadd.s32 s2, s5;
	s13 =	spop (v2sf);
	(v2sf) =	vpush v17, $0x6;
	s14 =	simm.s32 $0x9C00  }
0x32b: {  	[tilespmem:s14], [sflag:$0x1] =	stream.strided.gather [hbm4b:s5+s16], $0x800, s15, s16, $0x38;
	[tilespmem:$0x16400] =	vst v63  }
0x32c: {  	s5 =	sand.u32 $0xFFFFFF80, s13  }
0x32d: {  	p0 =	slt.s32 s5, $0xF4180  }
0x32e: {  	s5 =	simm.s32 @!p0 $0xF4180  }
0x32f: {  	s14 =	simm.s32 $0x2400;
	s13 =	sadd.s32 s1, s5  }
0x330: {  	[tilespmem:s14], [sflag:$0x1] =	stream.strided.gather [hbm4b:s13+s16], $0x800, s15, s16, $0x38;
	[tilespmem:$0x16400] =	vst v63  }
0x331: {  	s5 =	sadd.s32 s2, s5;
	s14 =	simm.s32 $0xA400  }
0x332: {  	[tilespmem:s14], [sflag:$0x1] =	stream.strided.gather [hbm4b:s5+s16], $0x800, s15, s16, $0x38;
	[tilespmem:$0x16400] =	vst v63  }
0x333: {  	s13 =	spop (v2sf);
	(v2sf) =	vpush v17, $0x7  }
0x334: {  	s5 =	sand.u32 $0xFFFFFF80, s13  }
0x335: {  	p0 =	slt.s32 s5, $0xF4180  }
0x336: {  	s5 =	simm.s32 @!p0 $0xF4180  }
0x337: {  	s14 =	simm.s32 $0x2C00;
	s13 =	sadd.s32 s1, s5  }
0x338: {  	[tilespmem:s14], [sflag:$0x1] =	stream.strided.gather [hbm4b:s13+s16], $0x800, s15, s16, $0x38;
	[tilespmem:$0x16400] =	vst v63  }
0x339: {  	s5 =	sadd.s32 s2, s5;
	s14 =	simm.s32 $0xAC00;
	s13 =	spop (v2sf)  }
0x33a: {  	[tilespmem:s14], [sflag:$0x1] =	stream.strided.gather [hbm4b:s5+s16], $0x800, s15, s16, $0x38;
	[tilespmem:$0x16400] =	vst v63  }
0x33b: {  	s5 =	sand.u32 $0xFFFFFF80, s13  }
0x33c: {  	p0 =	slt.s32 s5, $0xF4180  }
0x33d: {  	s5 =	simm.s32 @!p0 $0xF4180  }
0x33e: {  	s14 =	simm.s32 $0x3400;
	s13 =	sadd.s32 s1, s5  }
0x33f: {  	[tilespmem:s14], [sflag:$0x1] =	stream.strided.gather [hbm4b:s13+s16], $0x800, s15, s16, $0x38;
	[tilespmem:$0x16400] =	vst v63  }
0x340: {  	s5 =	sadd.s32 s2, s5;
	s14 =	simm.s32 $0xB400  }
0x341: {  	[tilespmem:s14], [sflag:$0x1] =	stream.strided.gather [hbm4b:s5+s16], $0x800, s15, s16, $0x38;
	[tilespmem:$0x16400] =	vst v63  }
0x342: {  	s13 =	spop (v2sf)  }
0x343: {  	s5 =	sand.u32 $0xFFFFFF80, s13  }
0x344: {  	p0 =	slt.s32 s5, $0xF4180  }
.Ltmp5:
0x345: {  	s5 =	simm.s32 @!p0 $0xF4180;
	(pc) =	sbr.rel .LBB2_4-.Ltmp5, $4  }
0x346: {  	s14 =	simm.s32 $0x3C00;
	s13 =	sadd.s32 s1, s5  }
0x347: {  	[tilespmem:s14], [sflag:$0x1] =	stream.strided.gather [hbm4b:s13+s16], $0x800, s15, s16, $0x38;
	[tilespmem:$0x16400] =	vst v63  }
0x348: {  	s5 =	sadd.s32 s2, s5;
	s14 =	simm.s32 $0xBC00  }
0x349: {  	[tilespmem:s14], [sflag:$0x1] =	stream.strided.gather [hbm4b:s5+s16], $0x800, s15, s16, $0x38;
	[tilespmem:$0x16400] =	vst v63  }
.LBB2_6:
0x34a: {  	_ =	sfence.sel $0x180000  }
0x34b: {  	[bflag:$0x0] =	sbarrier.arrive $0xFFFF  }
0x34c: {  	_ =	strace $0x90000047  }
0x34d: {  	s0 =	stileid.u32;
	[bflag:$0x2] =	sbarrier.arrive $0xFFFF  }
0x34e: {  	p0 =	sne.s32 s0, $0x0;
	s0 =	rddreg [dreg:$0x6]  }
0x34f: {  	s0 =	sadd.s32 @!p0 $0x100000, s0  }
0x350: {  	[sflag:s0] =	ssyncadd.tile.s32 @!p0 $0x1;
	_ =	shalt  }
.Lfunc_end2:
_tile_overlayer_lowered:
.L_overlay_start_2:
0x351: {  	(tag) =	ssettag $0x2  }
0x352: {  	s0 =	rddreg [dreg:$0x0];
	s2 =	stileid.u32  }
0x353: {  	s1 =	rddreg [dreg:$0x1];
	p0 =	sne.s32 s2, $0x0  }
0x354: {  	s3 =	rddreg [dreg:$0x2];
	[bflag:$0x3] =	sbarrier.arrive $0xFFFF;
	s2 =	simm.s32 @!p0 $0x1C03  }
0x355: {  	[timem:s3], [sflag:s2] =	dma.local @!p0 [hbm:s0], s1  }
0x356: {  	s0 =	simm.s32 @!p0 $0x3  }
0x357: {  	_ =	swait.ge @!p0 [sflag:s0], s1  }
0x358: {  	s1 =	ssub.s32 @!p0 $0x0, s1;
	[sflag:s0] =	ssyncset.done @!p0 $0x0  }
0x359: {  	[sflag:s0] =	ssyncadd.s32 @!p0 s1  }
0x35a: {  	[bflag:$0x3] =	sbarrier.arrive $0xFFFF  }
0x35b: {  	_ =	shalt  }

</sc_bundles>
